<compile_context>
chip_gen: v7x
topology: tpu7x:2x2x1
jax: 0.10.2.dev20260603
libtpu: 0.0.44.dev20260713+nightly
codegen_flags: <defaults>
</compile_context>

<pallas_src>
import functools

import jax
import jax.numpy as jnp
from jax import lax
from jax.experimental import pallas as pl
from jax.experimental.pallas import tpu as pltpu
from jax.experimental.pallas import tpu_sc as plsc

N = 10000
E = 320000
DIN = 128
DLAT = 256
NC = 2
NS = 16
NPT = 640
NPT_LAST = N - (NS - 1) * NPT
CH = 128
BN = 1000


def _per_tile_rows(s, do_copy):
    @pl.when(s < NS - 1)
    def _():
        do_copy(pl.multiple_of(s * NPT, 8), NPT)

    @pl.when(s == NS - 1)
    def _():
        do_copy((NS - 1) * NPT, NPT_LAST)


def _core_branch(c, fn):
    for cc in range(NC):
        @pl.when(c == cc)
        def _(cc=cc):
            fn(cc)

_MESH = plsc.VectorSubcoreMesh(
    core_axis_name="c", subcore_axis_name="s", num_cores=NC, num_subcores=NS)



ROWS_E = E // CH
ROW1, ROW1_LAST = 160, ROWS_E - 15 * 160
CORE_ROWS = 1248
ROW2 = 80


def _row1_slice(s, fn):
    @pl.when(s < NS - 1)
    def _():
        fn(pl.multiple_of(s * ROW1, 8), ROW1)

    @pl.when(s == NS - 1)
    def _():
        fn((NS - 1) * ROW1, ROW1_LAST)


def _row2_slice(s, cc, fn):
    base = cc * CORE_ROWS

    @pl.when(s < NS - 1)
    def _():
        fn(base + pl.multiple_of(s * ROW2, 8), ROW2)

    @pl.when(s == NS - 1)
    def _():
        fn(base + (NS - 1) * ROW2, _row2_last(cc))


def _row2_last(cc):
    hi = CORE_ROWS if cc == 0 else ROWS_E
    return hi - cc * CORE_ROWS - (NS - 1) * ROW2


def _deg_body(dst_hbm, zeros_hbm, ones_hbm, degp_hbm, dbuf, ones_v, acc_sh,
              ss0, ss1):
    c = lax.axis_index("c")
    s = lax.axis_index("s")
    _per_tile_rows(s, lambda off, nr: pltpu.sync_copy(
        zeros_hbm.at[pl.ds(off, nr)], acc_sh.at[pl.ds(off, nr)]))
    pltpu.sync_copy(ones_hbm, ones_v)
    _core_branch(c, lambda cc: _row2_slice(s, cc, lambda off, nr: pltpu.sync_copy(
        dst_hbm.at[pl.ds(off, nr)], dbuf.at[pl.ds(0, nr)])))
    nfull = lax.select(s < NS - 1, ROW2,
                       lax.select(c == 0, _row2_last(0), _row2_last(1)))
    plsc.subcore_barrier()

    def scatter(k, sem):
        pltpu.async_copy(ones_v, acc_sh.at[dbuf.at[k]], sem, add=True)

    def wait_scatter(sem):
        pltpu.make_async_copy(ones_v, acc_sh.at[dbuf.at[0]], sem).wait()

    def pair(k2, carry):
        ka = 2 * k2
        scatter(ka, ss0)

        @pl.when(k2 > 0)
        def _():
            wait_scatter(ss1)
        scatter(ka + 1, ss1)
        wait_scatter(ss0)
        return carry

    lax.fori_loop(0, nfull // 2, pair, 0)
    wait_scatter(ss1)
    plsc.subcore_barrier()
    _core_branch(c, lambda cc: _per_tile_rows(s, lambda off, nr: pltpu.sync_copy(
        acc_sh.at[pl.ds(off, nr)], degp_hbm.at[cc, pl.ds(off, nr)])))


_deg_call = functools.partial(
    pl.kernel,
    out_type=jax.ShapeDtypeStruct((NC, N, 128), jnp.float32),
    mesh=_MESH,
    scratch_types=[
        pltpu.VMEM((ROW2, CH), jnp.int32),
        pltpu.VMEM((CH, 128), jnp.float32),
        pltpu.VMEM_SHARED((N, 128), jnp.float32),
        pltpu.SemaphoreType.DMA,
        pltpu.SemaphoreType.DMA,
    ],
)(_deg_body)


def _seg_chunks(ebase, nfull, tab, src_hbm, dst_hbm,
                i0, d0, r0, i1, d1, r1, acc_sh, sg0, sg1, ss0, ss1):
    def load_idx(k, ib, db):
        pltpu.sync_copy(src_hbm.at[pl.ds(ebase + k * CH, CH)], ib.at[0])
        pltpu.sync_copy(dst_hbm.at[pl.ds(ebase + k * CH, CH)], db.at[0])

    def gather(ib, rb, sem):
        pltpu.async_copy(tab.at[ib.at[0]], rb, sem)

    def wait_gather(ib, rb, sem):
        pltpu.make_async_copy(tab.at[ib.at[0]], rb, sem).wait()

    def scatter(rb, db, sem):
        pltpu.async_copy(rb, acc_sh.at[db.at[0]], sem, add=True)

    def wait_scatter(rb, db, sem):
        pltpu.make_async_copy(rb, acc_sh.at[db.at[0]], sem).wait()

    load_idx(0, i0, d0)
    gather(i0, r0, sg0)

    def pair(k2, carry):
        ka = 2 * k2

        @pl.when(k2 > 0)
        def _():
            wait_scatter(r1, d1, ss1)
        load_idx(ka + 1, i1, d1)
        wait_gather(i0, r0, sg0)
        scatter(r0, d0, ss0)
        gather(i1, r1, sg1)
        wait_gather(i1, r1, sg1)
        scatter(r1, d1, ss1)
        wait_scatter(r0, d0, ss0)

        @pl.when(ka + 2 < nfull)
        def _():
            load_idx(ka + 2, i0, d0)
            gather(i0, r0, sg0)
        return carry

    lax.fori_loop(0, nfull // 2, pair, 0)
    wait_scatter(r1, d1, ss1)


def _seg1_body(src_hbm, dst_hbm, y1b_hbm, zeros_hbm, raw1_hbm,
               i0, d0, i1, d1, r0, r1, i2, d2, r2, acc_sh,
               sg0, sg1, ss0, ss1):
    c = lax.axis_index("c")
    s = lax.axis_index("s")
    _per_tile_rows(s, lambda off, nr: pltpu.sync_copy(
        zeros_hbm.at[pl.ds(off, nr)], acc_sh.at[pl.ds(off, nr)]))
    plsc.subcore_barrier()
    epp = E // NS
    _core_branch(c, lambda cc: _seg_chunks(
        s * epp, (epp // CH // 2) * 2, y1b_hbm.at[cc], src_hbm, dst_hbm,
        i0, d0, r0, i1, d1, r1, acc_sh, sg0, sg1, ss0, ss1))
    _core_branch(c, lambda cc: _seg_tail(
        s * epp, epp, y1b_hbm.at[cc], src_hbm, dst_hbm,
        i2, d2, r2, acc_sh, sg0))
    plsc.subcore_barrier()
    _core_branch(c, lambda cc: _per_tile_rows(s, lambda off, nr: pltpu.sync_copy(
        acc_sh.at[pl.ds(off, nr)], raw1_hbm.at[cc, pl.ds(off, nr)])))


def _seg2_body(src_hbm, dst_hbm, y2_hbm, zeros_hbm, raw2_hbm,
               i0, d0, i1, d1, r0, r1, i2, d2, r2, acc_sh,
               sg0, sg1, ss0, ss1):
    c = lax.axis_index("c")
    s = lax.axis_index("s")
    _per_tile_rows(s, lambda off, nr: pltpu.sync_copy(
        zeros_hbm.at[pl.ds(off, nr)], acc_sh.at[pl.ds(off, nr)]))
    plsc.subcore_barrier()
    epp = E // (NC * NS)
    _core_branch(c, lambda cc: _seg_chunks(
        (cc * NS + s) * epp, (epp // CH // 2) * 2, y2_hbm, src_hbm, dst_hbm,
        i0, d0, r0, i1, d1, r1, acc_sh, sg0, sg1, ss0, ss1))
    _core_branch(c, lambda cc: _seg_tail(
        (cc * NS + s) * epp, epp, y2_hbm, src_hbm, dst_hbm,
        i2, d2, r2, acc_sh, sg0))
    plsc.subcore_barrier()
    _core_branch(c, lambda cc: _per_tile_rows(s, lambda off, nr: pltpu.sync_copy(
        acc_sh.at[pl.ds(off, nr)], raw2_hbm.at[cc, pl.ds(off, nr)])))


def _seg_tail(ebase, epp, tab, src_hbm, dst_hbm, i2, d2, r2, acc_sh, sg0):
    nfull = (epp // CH // 2) * 2
    rem = epp - nfull * CH
    b = ebase + nfull * CH
    pltpu.sync_copy(src_hbm.at[pl.ds(b, rem)], i2.at[0])
    pltpu.sync_copy(dst_hbm.at[pl.ds(b, rem)], d2.at[0])
    pltpu.async_copy(tab.at[i2.at[0]], r2, sg0).wait()
    pltpu.sync_copy(r2, acc_sh.at[d2.at[0]], add=True)


def _seg_scratch(rem):
    return [
        pltpu.VMEM((1, CH), jnp.int32),
        pltpu.VMEM((1, CH), jnp.int32),
        pltpu.VMEM((1, CH), jnp.int32),
        pltpu.VMEM((1, CH), jnp.int32),
        pltpu.VMEM((CH, 128), jnp.float32),
        pltpu.VMEM((CH, 128), jnp.float32),
        pltpu.VMEM((1, rem), jnp.int32),
        pltpu.VMEM((1, rem), jnp.int32),
        pltpu.VMEM((rem, 128), jnp.float32),
        pltpu.VMEM_SHARED((N, 128), jnp.float32),
        pltpu.SemaphoreType.DMA,
        pltpu.SemaphoreType.DMA,
        pltpu.SemaphoreType.DMA,
        pltpu.SemaphoreType.DMA,
    ]


_seg1_call = functools.partial(
    pl.kernel,
    out_type=jax.ShapeDtypeStruct((NC, N, 128), jnp.float32),
    mesh=_MESH,
    scratch_types=_seg_scratch(E // NS - (E // NS // (2 * CH)) * 2 * CH),
)(_seg1_body)

_seg2_call = functools.partial(
    pl.kernel,
    out_type=jax.ShapeDtypeStruct((NC, N, 128), jnp.float32),
    mesh=_MESH,
    scratch_types=_seg_scratch(E // (NC * NS) - (E // (NC * NS) // (2 * CH)) * 2 * CH),
)(_seg2_body)



def _dinv_of(degp_ref):
    d = degp_ref[0][:, :1] + degp_ref[1][:, :1] + 1.0
    return jax.lax.rsqrt(d)


def _gates_body(ctx_ref, wg1_ref, bg1_ref, wb1_ref, wg2_ref, bg2_ref, wb2_ref,
                g1_ref, be1_ref, g2_ref, be2_ref):
    ctx = ctx_ref[...]
    g1_ref[...] = jax.nn.sigmoid(
        jnp.dot(ctx, wg1_ref[...], preferred_element_type=jnp.float32)
        + bg1_ref[...])
    be1_ref[...] = jnp.dot(ctx, wb1_ref[...], preferred_element_type=jnp.float32)
    g2_ref[...] = jax.nn.sigmoid(
        jnp.dot(ctx, wg2_ref[...], preferred_element_type=jnp.float32)
        + bg2_ref[...])
    be2_ref[...] = jnp.dot(ctx, wb2_ref[...], preferred_element_type=jnp.float32)


def _gates_call(ctx, Wg1, bg1, Wb1, Wg2, bg2, Wb2):
    return pl.pallas_call(
        _gates_body,
        out_shape=(
            jax.ShapeDtypeStruct((1, DLAT), jnp.float32),
            jax.ShapeDtypeStruct((1, DLAT), jnp.float32),
            jax.ShapeDtypeStruct((1, DIN), jnp.float32),
            jax.ShapeDtypeStruct((1, DIN), jnp.float32),
        ),
    )(ctx, Wg1, bg1.reshape(1, DLAT), Wb1, Wg2, bg2.reshape(1, DIN), Wb2)


def _mm1_body(x_ref, degp_ref, w1_ref, o_ref):
    dinv = _dinv_of(degp_ref)
    t = x_ref[...] * dinv
    o_ref[0] = jnp.dot(t, w1_ref[...], preferred_element_type=jnp.float32)


def _mm1_call(x, degp, W1):
    nb = N // BN
    return pl.pallas_call(
        _mm1_body,
        grid=(nb, 2),
        in_specs=[
            pl.BlockSpec((BN, DIN), lambda i, c: (i, 0)),
            pl.BlockSpec((NC, BN, 128), lambda i, c: (0, i, 0)),
            pl.BlockSpec((DIN, 128), lambda i, c: (0, c)),
        ],
        out_specs=pl.BlockSpec((1, BN, 128), lambda i, c: (c, i, 0)),
        out_shape=jax.ShapeDtypeStruct((2, N, 128), jnp.float32),
    )(x, degp, W1)


def _mm2_body(raw1_ref, y1b_ref, degp_ref, b1_ref, g1_ref, be1_ref, w2_ref,
              o_ref):
    c = pl.program_id(1)
    dinv = _dinv_of(degp_ref)
    t = dinv * (raw1_ref[0] + y1b_ref[0]) + b1_ref[0]
    h = t * g1_ref[0] + be1_ref[0]
    h = jnp.where(h > 0, h, 0.01 * h)
    contrib = jnp.dot(h * dinv, w2_ref[...], preferred_element_type=jnp.float32)

    @pl.when(c == 0)
    def _():
        o_ref[...] = contrib

    @pl.when(c == 1)
    def _():
        o_ref[...] += contrib


def _mm2_call(raw1, y1b, degp, b1r, g1r, be1r, W2):
    nb = N // BN
    return pl.pallas_call(
        _mm2_body,
        grid=(nb, 2),
        in_specs=[
            pl.BlockSpec((1, BN, 128), lambda i, c: (c, i, 0)),
            pl.BlockSpec((1, BN, 128), lambda i, c: (c, i, 0)),
            pl.BlockSpec((NC, BN, 128), lambda i, c: (0, i, 0)),
            pl.BlockSpec((1, 1, 128), lambda i, c: (c, 0, 0)),
            pl.BlockSpec((1, 1, 128), lambda i, c: (c, 0, 0)),
            pl.BlockSpec((1, 1, 128), lambda i, c: (c, 0, 0)),
            pl.BlockSpec((128, DIN), lambda i, c: (c, 0)),
        ],
        out_specs=pl.BlockSpec((BN, DIN), lambda i, c: (i, 0)),
        out_shape=jax.ShapeDtypeStruct((N, DIN), jnp.float32),
    )(raw1, y1b, degp, b1r, g1r, be1r, W2)


def _final_body(raw2_ref, y2_ref, x_ref, degp_ref, b2_ref, g2_ref, be2_ref,
                o_ref):
    dinv = _dinv_of(degp_ref)
    t = dinv * (raw2_ref[0] + raw2_ref[1] + y2_ref[...]) + b2_ref[...]
    o_ref[...] = x_ref[...] + t * g2_ref[...] + be2_ref[...]


def _final_call(raw2, y2, x, degp, b2r, g2r, be2r):
    nb = N // BN
    return pl.pallas_call(
        _final_body,
        grid=(nb,),
        in_specs=[
            pl.BlockSpec((NC, BN, 128), lambda i: (0, i, 0)),
            pl.BlockSpec((BN, DIN), lambda i: (i, 0)),
            pl.BlockSpec((BN, DIN), lambda i: (i, 0)),
            pl.BlockSpec((NC, BN, 128), lambda i: (0, i, 0)),
            pl.BlockSpec((1, DIN), lambda i: (0, 0)),
            pl.BlockSpec((1, DIN), lambda i: (0, 0)),
            pl.BlockSpec((1, DIN), lambda i: (0, 0)),
        ],
        out_specs=pl.BlockSpec((BN, DIN), lambda i: (i, 0)),
        out_shape=jax.ShapeDtypeStruct((N, DIN), jnp.float32),
    )(raw2, y2, x, degp, b2r, g2r, be2r)



def kernel(x, edge_index, ctx, W1, b1, Wg1, bg1, Wb1, W2, b2, Wg2, bg2, Wb2):
    src = edge_index[0]
    dst = edge_index[1]
    dst2d = dst.reshape(E // CH, CH)
    zerosN = jnp.zeros((N, 128), jnp.float32)
    onesC = jnp.ones((CH, 128), jnp.float32)

    degp = _deg_call(dst2d, zerosN, onesC)
    g1, be1, g2, be2 = _gates_call(ctx, Wg1, bg1, Wb1, Wg2, bg2, Wb2)
    y1b = _mm1_call(x, degp, W1)
    raw1 = _seg1_call(src, dst, y1b, zerosN)
    y2 = _mm2_call(raw1, y1b, degp,
                   b1.reshape(2, 1, 128), g1.reshape(2, 1, 128),
                   be1.reshape(2, 1, 128), W2)
    raw2 = _seg2_call(src, dst, y2, zerosN)
    return _final_call(raw2, y2, x, degp,
                       b2.reshape(1, 128), g2.reshape(1, 128),
                       be2.reshape(1, 128))

# --- scband reference (transcript-rebuilt; emitter-appended) ---
"""Pipeline reference for scband-gnndenoise-net-42752104464519 (READ-ONLY COPY).

The authoritative reference and input builder live on the scoring server;
editing this copy changes nothing except your own understanding.
"""

import jax, jax.numpy as jnp
import numpy as np

N = 10000
E = 320000
DIN = 128
DLAT = 256
DCTX = 128 + 3  # context_dim + 3


def setup_inputs(seed: int = 0) -> dict:
    key = jax.random.key(seed)
    ks = jax.random.split(key, 16)
    x = jax.random.normal(ks[0], (N, DIN), dtype=jnp.float32)
    edge_index = jax.random.randint(ks[1], (2, E), 0, N, dtype=jnp.int32)
    ctx = jax.random.normal(ks[2], (1, DCTX), dtype=jnp.float32)
    # layer 1: ConcatSquashGNN(DIN -> DLAT, ctx=DCTX)
    W1 = jax.random.normal(ks[3], (DIN, DLAT), jnp.float32) / np.sqrt(DIN)
    b1 = jnp.zeros((DLAT,), jnp.float32)
    Wg1 = jax.random.normal(ks[4], (DCTX, DLAT), jnp.float32) / np.sqrt(DCTX)
    bg1 = jnp.zeros((DLAT,), jnp.float32)
    Wb1 = jax.random.normal(ks[5], (DCTX, DLAT), jnp.float32) / np.sqrt(DCTX)
    # layer 2: ConcatSquashGNN(DLAT -> DIN, ctx=DCTX)
    W2 = jax.random.normal(ks[6], (DLAT, DIN), jnp.float32) / np.sqrt(DLAT)
    b2 = jnp.zeros((DIN,), jnp.float32)
    Wg2 = jax.random.normal(ks[7], (DCTX, DIN), jnp.float32) / np.sqrt(DCTX)
    bg2 = jnp.zeros((DIN,), jnp.float32)
    Wb2 = jax.random.normal(ks[8], (DCTX, DIN), jnp.float32) / np.sqrt(DCTX)
    return {"x": x, "edge_index": edge_index, "ctx": ctx,
            "W1": W1, "b1": b1, "Wg1": Wg1, "bg1": bg1, "Wb1": Wb1,
            "W2": W2, "b2": b2, "Wg2": Wg2, "bg2": bg2, "Wb2": Wb2}


def _gcn_conv(x, edge_index, W, b):
    # GCNConv with self-loops and symmetric normalization
    n = x.shape[0]
    xl = x @ W
    loop = jnp.arange(n, dtype=edge_index.dtype)
    src = jnp.concatenate([edge_index[0], loop])
    dst = jnp.concatenate([edge_index[1], loop])
    deg = jax.ops.segment_sum(jnp.ones(src.shape[0], jnp.float32), dst, num_segments=n)
    dinv = jnp.where(deg > 0, 1.0 / jnp.sqrt(deg), 0.0)
    norm = dinv[src] * dinv[dst]
    msg = xl[src] * norm[:, None]
    out = jax.ops.segment_sum(msg, dst, num_segments=n)
    return out + b


def _concat_squash_gnn(x, edge_index, ctx, W, b, Wg, bg, Wb):
    gate = jax.nn.sigmoid(ctx @ Wg + bg)   # [1, dout], broadcasts over nodes
    bias = ctx @ Wb                        # [1, dout]
    return _gcn_conv(x, edge_index, W, b) * gate + bias


def reference(x, edge_index, ctx, W1, b1, Wg1, bg1, Wb1, W2, b2, Wg2, bg2, Wb2):
    out = _concat_squash_gnn(x, edge_index, ctx, W1, b1, Wg1, bg1, Wb1)
    out = jax.nn.leaky_relu(out, negative_slope=0.01)
    out = _concat_squash_gnn(out, edge_index, ctx, W2, b2, Wg2, bg2, Wb2)
    return x + out  # residual=True

if __name__ == "__main__":
    import jax
    _d = setup_inputs()
    print(jax.jit(kernel)(*tuple(_d.values())))

</pallas_src>

<mosaic_0001>
#map = affine_map<(d0, d1) -> (0)>
#map1 = affine_map<(d0, d1) -> (0, 0)>
#map2 = affine_map<(d0, d1) -> (0, 0, 0)>
module attributes {stable_mosaic.version = 14 : i64} {
  func.func @_seg2_body(%arg0: i32, %arg1: i32, %arg2: memref<320000xi32, #tpu.memory_space<hbm>>, %arg3: memref<320000xi32, #tpu.memory_space<hbm>>, %arg4: memref<10000x128xf32, #tpu.memory_space<hbm>>, %arg5: memref<10000x128xf32, #tpu.memory_space<hbm>>, %arg6: memref<2x10000x128xf32, #tpu.memory_space<hbm>>, %arg7: memref<1x128xi32, #tpu.memory_space<vmem>>, %arg8: memref<1x128xi32, #tpu.memory_space<vmem>>, %arg9: memref<1x128xi32, #tpu.memory_space<vmem>>, %arg10: memref<1x128xi32, #tpu.memory_space<vmem>>, %arg11: memref<128x128xf32, #tpu.memory_space<vmem>>, %arg12: memref<128x128xf32, #tpu.memory_space<vmem>>, %arg13: memref<1x16xi32, #tpu.memory_space<vmem>>, %arg14: memref<1x16xi32, #tpu.memory_space<vmem>>, %arg15: memref<16x128xf32, #tpu.memory_space<vmem>>, %arg16: memref<10000x128xf32, #tpu.memory_space<vmem_shared>>, %arg17: memref<!tpu.dma_semaphore, #tpu.memory_space<semaphore_mem>>, %arg18: memref<!tpu.dma_semaphore, #tpu.memory_space<semaphore_mem>>, %arg19: memref<!tpu.dma_semaphore, #tpu.memory_space<semaphore_mem>>, %arg20: memref<!tpu.dma_semaphore, #tpu.memory_space<semaphore_mem>>) attributes {dimension_semantics = [#tpu.dimension_semantics<core_parallel>, #tpu.dimension_semantics<subcore_parallel>], iteration_bounds = array<i64: 2, 16>, scalar_prefetch = 0 : i64, scratch_operands = 14 : i64, tpu.core_type = #tpu.core_type<sc_vector_subcore>, window_params = [{transform_indices = #map}, {transform_indices = #map}, {transform_indices = #map1}, {transform_indices = #map1}, {transform_indices = #map2}]} {
    %lt3A = arith.constant 15 : i32
    %lt3A_0 = arith.cmpi slt, %arg1, %lt3A : i32
    %convert_element_type3A = arith.extui %lt3A_0 : i1 to i32
    %cond3A = arith.constant 0 : i32
    %cond3A_1 = arith.cmpi ne, %convert_element_type3A, %cond3A : i32
    scf.if %cond3A_1 {
      %mul3A = arith.constant 640 : i32
      %mul3A_37 = arith.muli %arg1, %mul3A : i32
      %multiple_of3A = tpu.assume_multiple %mul3A_37, 8 : i32
      "tpu.region"() ({
        %run_scoped3A = tpu.sem_alloc : memref<!tpu.dma_semaphore, #tpu.memory_space<semaphore_mem>>
        %dma_start3A = arith.constant 0 : i32
        %dma_start3A_38 = tpu.memref_slice %arg16[%multiple_of3A, %dma_start3A] : memref<10000x128xf32, #tpu.memory_space<vmem_shared>> -> memref<640x128xf32, #tpu.memory_space<vmem_shared>>
        %dma_start3A_39 = arith.constant 0 : i32
        %dma_start3A_40 = tpu.memref_slice %arg5[%multiple_of3A, %dma_start3A_39] : memref<10000x128xf32, #tpu.memory_space<hbm>> -> memref<640x128xf32, #tpu.memory_space<hbm>>
        tpu.enqueue_dma source(%dma_start3A_40 : memref<640x128xf32, #tpu.memory_space<hbm>>) target(%dma_start3A_38 : memref<640x128xf32, #tpu.memory_space<vmem_shared>>) target_semaphore(%run_scoped3A : memref<!tpu.dma_semaphore, #tpu.memory_space<semaphore_mem>>)
        %dma_wait3A = arith.constant 0 : i32
        %dma_wait3A_41 = tpu.memref_slice %arg16[%multiple_of3A, %dma_wait3A] : memref<10000x128xf32, #tpu.memory_space<vmem_shared>> -> memref<640x128xf32, #tpu.memory_space<vmem_shared>>
        %dma_wait3A_42 = arith.constant 0 : i32
        %dma_wait3A_43 = tpu.memref_slice %arg5[%multiple_of3A, %dma_wait3A_42] : memref<10000x128xf32, #tpu.memory_space<hbm>> -> memref<640x128xf32, #tpu.memory_space<hbm>>
        tpu.wait_dma2 semaphore(%run_scoped3A : memref<!tpu.dma_semaphore, #tpu.memory_space<semaphore_mem>>) src(%dma_wait3A_43 : memref<640x128xf32, #tpu.memory_space<hbm>>) dst(%dma_wait3A_41 : memref<640x128xf32, #tpu.memory_space<vmem_shared>>)
        tpu.yield
      }) : () -> ()
    } else {
    }
    %eq3A = arith.constant 15 : i32
    %eq3A_2 = arith.cmpi eq, %arg1, %eq3A : i32
    %convert_element_type3A_3 = arith.extui %eq3A_2 : i1 to i32
    %cond3A_4 = arith.constant 0 : i32
    %cond3A_5 = arith.cmpi ne, %convert_element_type3A_3, %cond3A_4 : i32
    scf.if %cond3A_5 {
      "tpu.region"() ({
        %run_scoped3A = tpu.sem_alloc : memref<!tpu.dma_semaphore, #tpu.memory_space<semaphore_mem>>
        %dma_start3A = arith.constant 9600 : i32
        %dma_start3A_37 = arith.constant 0 : i32
        %dma_start3A_38 = tpu.memref_slice %arg16[%dma_start3A, %dma_start3A_37] : memref<10000x128xf32, #tpu.memory_space<vmem_shared>> -> memref<400x128xf32, #tpu.memory_space<vmem_shared>>
        %dma_start3A_39 = arith.constant 9600 : i32
        %dma_start3A_40 = arith.constant 0 : i32
        %dma_start3A_41 = tpu.memref_slice %arg5[%dma_start3A_39, %dma_start3A_40] : memref<10000x128xf32, #tpu.memory_space<hbm>> -> memref<400x128xf32, #tpu.memory_space<hbm>>
        tpu.enqueue_dma source(%dma_start3A_41 : memref<400x128xf32, #tpu.memory_space<hbm>>) target(%dma_start3A_38 : memref<400x128xf32, #tpu.memory_space<vmem_shared>>) target_semaphore(%run_scoped3A : memref<!tpu.dma_semaphore, #tpu.memory_space<semaphore_mem>>)
        %dma_wait3A = arith.constant 9600 : i32
        %dma_wait3A_42 = arith.constant 0 : i32
        %dma_wait3A_43 = tpu.memref_slice %arg16[%dma_wait3A, %dma_wait3A_42] : memref<10000x128xf32, #tpu.memory_space<vmem_shared>> -> memref<400x128xf32, #tpu.memory_space<vmem_shared>>
        %dma_wait3A_44 = arith.constant 9600 : i32
        %dma_wait3A_45 = arith.constant 0 : i32
        %dma_wait3A_46 = tpu.memref_slice %arg5[%dma_wait3A_44, %dma_wait3A_45] : memref<10000x128xf32, #tpu.memory_space<hbm>> -> memref<400x128xf32, #tpu.memory_space<hbm>>
        tpu.wait_dma2 semaphore(%run_scoped3A : memref<!tpu.dma_semaphore, #tpu.memory_space<semaphore_mem>>) src(%dma_wait3A_46 : memref<400x128xf32, #tpu.memory_space<hbm>>) dst(%dma_wait3A_43 : memref<400x128xf32, #tpu.memory_space<vmem_shared>>)
        tpu.yield
      }) : () -> ()
    } else {
    }
    %barrier3A = arith.constant 0 : index
    tpu.barrier barrier_id(%barrier3A)
    %eq3A_6 = arith.constant 0 : i32
    %eq3A_7 = arith.cmpi eq, %arg0, %eq3A_6 : i32
    %convert_element_type3A_8 = arith.extui %eq3A_7 : i1 to i32
    %cond3A_9 = arith.constant 0 : i32
    %cond3A_10 = arith.cmpi ne, %convert_element_type3A_8, %cond3A_9 : i32
    scf.if %cond3A_10 {
      %add3A = arith.constant 0 : i32
      %add3A_37 = arith.addi %add3A, %arg1 : i32
      %mul3A = arith.constant 10000 : i32
      %mul3A_38 = arith.muli %add3A_37, %mul3A : i32
      %add3A_39 = arith.constant 0 : i32
      %add3A_40 = arith.addi %mul3A_38, %add3A_39 : i32
      %run_scoped3A = arith.constant 0 : i32
      "tpu.region"() ({
        %run_scoped3A_61 = tpu.sem_alloc : memref<!tpu.dma_semaphore, #tpu.memory_space<semaphore_mem>>
        %dma_start3A_62 = arith.constant 0 : i32
        %dma_start3A_63 = tpu.memref_slice %arg7[%run_scoped3A, %dma_start3A_62] : memref<1x128xi32, #tpu.memory_space<vmem>> -> memref<1x128xi32, #tpu.memory_space<vmem>>
        %dma_start3A_64 = tpu.memref_squeeze %dma_start3A_63 : memref<1x128xi32, #tpu.memory_space<vmem>> -> memref<128xi32, #tpu.memory_space<vmem>>
        %dma_start3A_65 = tpu.memref_slice %arg2[%add3A_40] : memref<320000xi32, #tpu.memory_space<hbm>> -> memref<128xi32, #tpu.memory_space<hbm>>
        %dma_start3A_66 = arith.constant 0 : i32
        %dma_start3A_67 = tpu.memref_slice %arg7[%run_scoped3A, %dma_start3A_66] : memref<1x128xi32, #tpu.memory_space<vmem>> -> memref<1x128xi32, #tpu.memory_space<vmem>>
        %dma_start3A_68 = tpu.memref_squeeze %dma_start3A_67 : memref<1x128xi32, #tpu.memory_space<vmem>> -> memref<128xi32, #tpu.memory_space<vmem>>
        %dma_start3A_69 = tpu.memref_slice %arg2[%add3A_40] : memref<320000xi32, #tpu.memory_space<hbm>> -> memref<128xi32, #tpu.memory_space<hbm>>
        tpu.enqueue_dma source(%dma_start3A_69 : memref<128xi32, #tpu.memory_space<hbm>>) target(%dma_start3A_68 : memref<128xi32, #tpu.memory_space<vmem>>) target_semaphore(%run_scoped3A_61 : memref<!tpu.dma_semaphore, #tpu.memory_space<semaphore_mem>>)
        %dma_wait3A_70 = arith.constant 0 : i32
        %dma_wait3A_71 = tpu.memref_slice %arg7[%run_scoped3A, %dma_wait3A_70] : memref<1x128xi32, #tpu.memory_space<vmem>> -> memref<1x128xi32, #tpu.memory_space<vmem>>
        %dma_wait3A_72 = tpu.memref_squeeze %dma_wait3A_71 : memref<1x128xi32, #tpu.memory_space<vmem>> -> memref<128xi32, #tpu.memory_space<vmem>>
        %dma_wait3A_73 = tpu.memref_slice %arg2[%add3A_40] : memref<320000xi32, #tpu.memory_space<hbm>> -> memref<128xi32, #tpu.memory_space<hbm>>
        %dma_wait3A_74 = arith.constant 0 : i32
        %dma_wait3A_75 = tpu.memref_slice %arg7[%run_scoped3A, %dma_wait3A_74] : memref<1x128xi32, #tpu.memory_space<vmem>> -> memref<1x128xi32, #tpu.memory_space<vmem>>
        %dma_wait3A_76 = tpu.memref_squeeze %dma_wait3A_75 : memref<1x128xi32, #tpu.memory_space<vmem>> -> memref<128xi32, #tpu.memory_space<vmem>>
        %dma_wait3A_77 = tpu.memref_slice %arg2[%add3A_40] : memref<320000xi32, #tpu.memory_space<hbm>> -> memref<128xi32, #tpu.memory_space<hbm>>
        tpu.wait_dma2 semaphore(%run_scoped3A_61 : memref<!tpu.dma_semaphore, #tpu.memory_space<semaphore_mem>>) src(%dma_wait3A_77 : memref<128xi32, #tpu.memory_space<hbm>>) dst(%dma_wait3A_76 : memref<128xi32, #tpu.memory_space<vmem>>)
        tpu.yield
      }) : () -> ()
      %add3A_41 = arith.constant 0 : i32
      %add3A_42 = arith.addi %mul3A_38, %add3A_41 : i32
      %run_scoped3A_43 = arith.constant 0 : i32
      "tpu.region"() ({
        %run_scoped3A_61 = tpu.sem_alloc : memref<!tpu.dma_semaphore, #tpu.memory_space<semaphore_mem>>
        %dma_start3A_62 = arith.constant 0 : i32
        %dma_start3A_63 = tpu.memref_slice %arg8[%run_scoped3A_43, %dma_start3A_62] : memref<1x128xi32, #tpu.memory_space<vmem>> -> memref<1x128xi32, #tpu.memory_space<vmem>>
        %dma_start3A_64 = tpu.memref_squeeze %dma_start3A_63 : memref<1x128xi32, #tpu.memory_space<vmem>> -> memref<128xi32, #tpu.memory_space<vmem>>
        %dma_start3A_65 = tpu.memref_slice %arg3[%add3A_42] : memref<320000xi32, #tpu.memory_space<hbm>> -> memref<128xi32, #tpu.memory_space<hbm>>
        %dma_start3A_66 = arith.constant 0 : i32
        %dma_start3A_67 = tpu.memref_slice %arg8[%run_scoped3A_43, %dma_start3A_66] : memref<1x128xi32, #tpu.memory_space<vmem>> -> memref<1x128xi32, #tpu.memory_space<vmem>>
        %dma_start3A_68 = tpu.memref_squeeze %dma_start3A_67 : memref<1x128xi32, #tpu.memory_space<vmem>> -> memref<128xi32, #tpu.memory_space<vmem>>
        %dma_start3A_69 = tpu.memref_slice %arg3[%add3A_42] : memref<320000xi32, #tpu.memory_space<hbm>> -> memref<128xi32, #tpu.memory_space<hbm>>
        tpu.enqueue_dma source(%dma_start3A_69 : memref<128xi32, #tpu.memory_space<hbm>>) target(%dma_start3A_68 : memref<128xi32, #tpu.memory_space<vmem>>) target_semaphore(%run_scoped3A_61 : memref<!tpu.dma_semaphore, #tpu.memory_space<semaphore_mem>>)
        %dma_wait3A_70 = arith.constant 0 : i32
        %dma_wait3A_71 = tpu.memref_slice %arg8[%run_scoped3A_43, %dma_wait3A_70] : memref<1x128xi32, #tpu.memory_space<vmem>> -> memref<1x128xi32, #tpu.memory_space<vmem>>
        %dma_wait3A_72 = tpu.memref_squeeze %dma_wait3A_71 : memref<1x128xi32, #tpu.memory_space<vmem>> -> memref<128xi32, #tpu.memory_space<vmem>>
        %dma_wait3A_73 = tpu.memref_slice %arg3[%add3A_42] : memref<320000xi32, #tpu.memory_space<hbm>> -> memref<128xi32, #tpu.memory_space<hbm>>
        %dma_wait3A_74 = arith.constant 0 : i32
        %dma_wait3A_75 = tpu.memref_slice %arg8[%run_scoped3A_43, %dma_wait3A_74] : memref<1x128xi32, #tpu.memory_space<vmem>> -> memref<1x128xi32, #tpu.memory_space<vmem>>
        %dma_wait3A_76 = tpu.memref_squeeze %dma_wait3A_75 : memref<1x128xi32, #tpu.memory_space<vmem>> -> memref<128xi32, #tpu.memory_space<vmem>>
        %dma_wait3A_77 = tpu.memref_slice %arg3[%add3A_42] : memref<320000xi32, #tpu.memory_space<hbm>> -> memref<128xi32, #tpu.memory_space<hbm>>
        tpu.wait_dma2 semaphore(%run_scoped3A_61 : memref<!tpu.dma_semaphore, #tpu.memory_space<semaphore_mem>>) src(%dma_wait3A_77 : memref<128xi32, #tpu.memory_space<hbm>>) dst(%dma_wait3A_76 : memref<128xi32, #tpu.memory_space<vmem>>)
        tpu.yield
      }) : () -> ()
      %dma_start3A = arith.constant 0 : i32
      %dma_start3A_44 = arith.constant 0 : i32
      %dma_start3A_45 = tpu.memref_slice %arg7[%dma_start3A, %dma_start3A_44] : memref<1x128xi32, #tpu.memory_space<vmem>> -> memref<1x128xi32, #tpu.memory_space<vmem>>
      %dma_start3A_46 = tpu.memref_squeeze %dma_start3A_45 : memref<1x128xi32, #tpu.memory_space<vmem>> -> memref<128xi32, #tpu.memory_space<vmem>>
      %dma_start3A_47 = arith.constant 0 : i32
      %dma_start3A_48 = arith.constant 0 : i32
      %dma_start3A_49 = tpu.memref_slice %arg4[%dma_start3A_47, %dma_start3A_48] : memref<10000x128xf32, #tpu.memory_space<hbm>> -> memref<10000x128xf32, #tpu.memory_space<hbm>>
      tpu.enqueue_indirect_dma source(%dma_start3A_49 : memref<10000x128xf32, #tpu.memory_space<hbm>>) target(%arg11 : memref<128x128xf32, #tpu.memory_space<vmem>>) offsets(%dma_start3A_46 : memref<128xi32, #tpu.memory_space<vmem>>) semaphore(%arg17 : memref<!tpu.dma_semaphore, #tpu.memory_space<semaphore_mem>>)
      %scan3A = arith.constant 0 : i32
      %scan3A_50 = arith.constant 0 : i32
      %scan3A_51 = arith.constant 39 : i32
      %scan3A_52 = arith.addi %scan3A_50, %scan3A_51 : i32
      %scan3A_53 = arith.constant 1 : i32
      scf.for %scan3A_61 = %scan3A_50 to %scan3A_52 step %scan3A_53  : i32 {
        %mul3A_62 = arith.constant 2 : i32
        %mul3A_63 = arith.muli %mul3A_62, %scan3A_61 : i32
        %gt3A = arith.constant 0 : i32
        %gt3A_64 = arith.cmpi sgt, %scan3A_61, %gt3A : i32
        %convert_element_type3A_65 = arith.extui %gt3A_64 : i1 to i32
        %cond3A_66 = arith.constant 0 : i32
        %cond3A_67 = arith.cmpi ne, %convert_element_type3A_65, %cond3A_66 : i32
        scf.if %cond3A_67 {
          %dma_wait3A_127 = arith.constant 0 : i32
          %dma_wait3A_128 = arith.constant 0 : i32
          %dma_wait3A_129 = tpu.memref_slice %arg10[%dma_wait3A_127, %dma_wait3A_128] : memref<1x128xi32, #tpu.memory_space<vmem>> -> memref<1x128xi32, #tpu.memory_space<vmem>>
          %dma_wait3A_130 = tpu.memref_squeeze %dma_wait3A_129 : memref<1x128xi32, #tpu.memory_space<vmem>> -> memref<128xi32, #tpu.memory_space<vmem>>
          %dma_wait3A_131 = arith.constant 0 : i32
          %dma_wait3A_132 = arith.constant 0 : i32
          %dma_wait3A_133 = tpu.memref_slice %arg16[%dma_wait3A_131, %dma_wait3A_132] : memref<10000x128xf32, #tpu.memory_space<vmem_shared>> -> memref<10000x128xf32, #tpu.memory_space<vmem_shared>>
          tpu.wait_indirect_dma semaphore(%arg20 : memref<!tpu.dma_semaphore, #tpu.memory_space<semaphore_mem>>) src(%arg12 : memref<128x128xf32, #tpu.memory_space<vmem>>) dst(%dma_wait3A_133 : memref<10000x128xf32, #tpu.memory_space<vmem_shared>>)
        } else {
        }
        %add3A_68 = arith.constant 1 : i32
        %add3A_69 = arith.addi %mul3A_63, %add3A_68 : i32
        %mul3A_70 = arith.constant 128 : i32
        %mul3A_71 = arith.muli %add3A_69, %mul3A_70 : i32
        %add3A_72 = arith.addi %mul3A_38, %mul3A_71 : i32
        %run_scoped3A_73 = arith.constant 0 : i32
        "tpu.region"() ({
          %run_scoped3A_127 = tpu.sem_alloc : memref<!tpu.dma_semaphore, #tpu.memory_space<semaphore_mem>>
          %dma_start3A_128 = arith.constant 0 : i32
          %dma_start3A_129 = tpu.memref_slice %arg9[%run_scoped3A_73, %dma_start3A_128] : memref<1x128xi32, #tpu.memory_space<vmem>> -> memref<1x128xi32, #tpu.memory_space<vmem>>
          %dma_start3A_130 = tpu.memref_squeeze %dma_start3A_129 : memref<1x128xi32, #tpu.memory_space<vmem>> -> memref<128xi32, #tpu.memory_space<vmem>>
          %dma_start3A_131 = tpu.memref_slice %arg2[%add3A_72] : memref<320000xi32, #tpu.memory_space<hbm>> -> memref<128xi32, #tpu.memory_space<hbm>>
          %dma_start3A_132 = arith.constant 0 : i32
          %dma_start3A_133 = tpu.memref_slice %arg9[%run_scoped3A_73, %dma_start3A_132] : memref<1x128xi32, #tpu.memory_space<vmem>> -> memref<1x128xi32, #tpu.memory_space<vmem>>
          %dma_start3A_134 = tpu.memref_squeeze %dma_start3A_133 : memref<1x128xi32, #tpu.memory_space<vmem>> -> memref<128xi32, #tpu.memory_space<vmem>>
          %dma_start3A_135 = tpu.memref_slice %arg2[%add3A_72] : memref<320000xi32, #tpu.memory_space<hbm>> -> memref<128xi32, #tpu.memory_space<hbm>>
          tpu.enqueue_dma source(%dma_start3A_135 : memref<128xi32, #tpu.memory_space<hbm>>) target(%dma_start3A_134 : memref<128xi32, #tpu.memory_space<vmem>>) target_semaphore(%run_scoped3A_127 : memref<!tpu.dma_semaphore, #tpu.memory_space<semaphore_mem>>)
          %dma_wait3A_136 = arith.constant 0 : i32
          %dma_wait3A_137 = tpu.memref_slice %arg9[%run_scoped3A_73, %dma_wait3A_136] : memref<1x128xi32, #tpu.memory_space<vmem>> -> memref<1x128xi32, #tpu.memory_space<vmem>>
          %dma_wait3A_138 = tpu.memref_squeeze %dma_wait3A_137 : memref<1x128xi32, #tpu.memory_space<vmem>> -> memref<128xi32, #tpu.memory_space<vmem>>
          %dma_wait3A_139 = tpu.memref_slice %arg2[%add3A_72] : memref<320000xi32, #tpu.memory_space<hbm>> -> memref<128xi32, #tpu.memory_space<hbm>>
          %dma_wait3A_140 = arith.constant 0 : i32
          %dma_wait3A_141 = tpu.memref_slice %arg9[%run_scoped3A_73, %dma_wait3A_140] : memref<1x128xi32, #tpu.memory_space<vmem>> -> memref<1x128xi32, #tpu.memory_space<vmem>>
          %dma_wait3A_142 = tpu.memref_squeeze %dma_wait3A_141 : memref<1x128xi32, #tpu.memory_space<vmem>> -> memref<128xi32, #tpu.memory_space<vmem>>
          %dma_wait3A_143 = tpu.memref_slice %arg2[%add3A_72] : memref<320000xi32, #tpu.memory_space<hbm>> -> memref<128xi32, #tpu.memory_space<hbm>>
          tpu.wait_dma2 semaphore(%run_scoped3A_127 : memref<!tpu.dma_semaphore, #tpu.memory_space<semaphore_mem>>) src(%dma_wait3A_143 : memref<128xi32, #tpu.memory_space<hbm>>) dst(%dma_wait3A_142 : memref<128xi32, #tpu.memory_space<vmem>>)
          tpu.yield
        }) : () -> ()
        %mul3A_74 = arith.constant 128 : i32
        %mul3A_75 = arith.muli %add3A_69, %mul3A_74 : i32
        %add3A_76 = arith.addi %mul3A_38, %mul3A_75 : i32
        %run_scoped3A_77 = arith.constant 0 : i32
        "tpu.region"() ({
          %run_scoped3A_127 = tpu.sem_alloc : memref<!tpu.dma_semaphore, #tpu.memory_space<semaphore_mem>>
          %dma_start3A_128 = arith.constant 0 : i32
          %dma_start3A_129 = tpu.memref_slice %arg10[%run_scoped3A_77, %dma_start3A_128] : memref<1x128xi32, #tpu.memory_space<vmem>> -> memref<1x128xi32, #tpu.memory_space<vmem>>
          %dma_start3A_130 = tpu.memref_squeeze %dma_start3A_129 : memref<1x128xi32, #tpu.memory_space<vmem>> -> memref<128xi32, #tpu.memory_space<vmem>>
          %dma_start3A_131 = tpu.memref_slice %arg3[%add3A_76] : memref<320000xi32, #tpu.memory_space<hbm>> -> memref<128xi32, #tpu.memory_space<hbm>>
          %dma_start3A_132 = arith.constant 0 : i32
          %dma_start3A_133 = tpu.memref_slice %arg10[%run_scoped3A_77, %dma_start3A_132] : memref<1x128xi32, #tpu.memory_space<vmem>> -> memref<1x128xi32, #tpu.memory_space<vmem>>
          %dma_start3A_134 = tpu.memref_squeeze %dma_start3A_133 : memref<1x128xi32, #tpu.memory_space<vmem>> -> memref<128xi32, #tpu.memory_space<vmem>>
          %dma_start3A_135 = tpu.memref_slice %arg3[%add3A_76] : memref<320000xi32, #tpu.memory_space<hbm>> -> memref<128xi32, #tpu.memory_space<hbm>>
          tpu.enqueue_dma source(%dma_start3A_135 : memref<128xi32, #tpu.memory_space<hbm>>) target(%dma_start3A_134 : memref<128xi32, #tpu.memory_space<vmem>>) target_semaphore(%run_scoped3A_127 : memref<!tpu.dma_semaphore, #tpu.memory_space<semaphore_mem>>)
          %dma_wait3A_136 = arith.constant 0 : i32
          %dma_wait3A_137 = tpu.memref_slice %arg10[%run_scoped3A_77, %dma_wait3A_136] : memref<1x128xi32, #tpu.memory_space<vmem>> -> memref<1x128xi32, #tpu.memory_space<vmem>>
          %dma_wait3A_138 = tpu.memref_squeeze %dma_wait3A_137 : memref<1x128xi32, #tpu.memory_space<vmem>> -> memref<128xi32, #tpu.memory_space<vmem>>
          %dma_wait3A_139 = tpu.memref_slice %arg3[%add3A_76] : memref<320000xi32, #tpu.memory_space<hbm>> -> memref<128xi32, #tpu.memory_space<hbm>>
          %dma_wait3A_140 = arith.constant 0 : i32
          %dma_wait3A_141 = tpu.memref_slice %arg10[%run_scoped3A_77, %dma_wait3A_140] : memref<1x128xi32, #tpu.memory_space<vmem>> -> memref<1x128xi32, #tpu.memory_space<vmem>>
          %dma_wait3A_142 = tpu.memref_squeeze %dma_wait3A_141 : memref<1x128xi32, #tpu.memory_space<vmem>> -> memref<128xi32, #tpu.memory_space<vmem>>
          %dma_wait3A_143 = tpu.memref_slice %arg3[%add3A_76] : memref<320000xi32, #tpu.memory_space<hbm>> -> memref<128xi32, #tpu.memory_space<hbm>>
          tpu.wait_dma2 semaphore(%run_scoped3A_127 : memref<!tpu.dma_semaphore, #tpu.memory_space<semaphore_mem>>) src(%dma_wait3A_143 : memref<128xi32, #tpu.memory_space<hbm>>) dst(%dma_wait3A_142 : memref<128xi32, #tpu.memory_space<vmem>>)
          tpu.yield
        }) : () -> ()
        %dma_wait3A_78 = arith.constant 0 : i32
        %dma_wait3A_79 = arith.constant 0 : i32
        %dma_wait3A_80 = tpu.memref_slice %arg7[%dma_wait3A_78, %dma_wait3A_79] : memref<1x128xi32, #tpu.memory_space<vmem>> -> memref<1x128xi32, #tpu.memory_space<vmem>>
        %dma_wait3A_81 = tpu.memref_squeeze %dma_wait3A_80 : memref<1x128xi32, #tpu.memory_space<vmem>> -> memref<128xi32, #tpu.memory_space<vmem>>
        %dma_wait3A_82 = arith.constant 0 : i32
        %dma_wait3A_83 = arith.constant 0 : i32
        %dma_wait3A_84 = tpu.memref_slice %arg4[%dma_wait3A_82, %dma_wait3A_83] : memref<10000x128xf32, #tpu.memory_space<hbm>> -> memref<10000x128xf32, #tpu.memory_space<hbm>>
        tpu.wait_indirect_dma semaphore(%arg17 : memref<!tpu.dma_semaphore, #tpu.memory_space<semaphore_mem>>) src(%dma_wait3A_84 : memref<10000x128xf32, #tpu.memory_space<hbm>>) dst(%arg11 : memref<128x128xf32, #tpu.memory_space<vmem>>)
        %dma_start3A_85 = arith.constant 0 : i32
        %dma_start3A_86 = arith.constant 0 : i32
        %dma_start3A_87 = tpu.memref_slice %arg8[%dma_start3A_85, %dma_start3A_86] : memref<1x128xi32, #tpu.memory_space<vmem>> -> memref<1x128xi32, #tpu.memory_space<vmem>>
        %dma_start3A_88 = tpu.memref_squeeze %dma_start3A_87 : memref<1x128xi32, #tpu.memory_space<vmem>> -> memref<128xi32, #tpu.memory_space<vmem>>
        %dma_start3A_89 = arith.constant 0 : i32
        %dma_start3A_90 = arith.constant 0 : i32
        %dma_start3A_91 = tpu.memref_slice %arg16[%dma_start3A_89, %dma_start3A_90] : memref<10000x128xf32, #tpu.memory_space<vmem_shared>> -> memref<10000x128xf32, #tpu.memory_space<vmem_shared>>
        tpu.enqueue_indirect_dma source(%arg11 : memref<128x128xf32, #tpu.memory_space<vmem>>) target(%dma_start3A_91 : memref<10000x128xf32, #tpu.memory_space<vmem_shared>>) offsets(%dma_start3A_88 : memref<128xi32, #tpu.memory_space<vmem>>) semaphore(%arg19 : memref<!tpu.dma_semaphore, #tpu.memory_space<semaphore_mem>>) {add = true}
        %dma_start3A_92 = arith.constant 0 : i32
        %dma_start3A_93 = arith.constant 0 : i32
        %dma_start3A_94 = tpu.memref_slice %arg9[%dma_start3A_92, %dma_start3A_93] : memref<1x128xi32, #tpu.memory_space<vmem>> -> memref<1x128xi32, #tpu.memory_space<vmem>>
        %dma_start3A_95 = tpu.memref_squeeze %dma_start3A_94 : memref<1x128xi32, #tpu.memory_space<vmem>> -> memref<128xi32, #tpu.memory_space<vmem>>
        %dma_start3A_96 = arith.constant 0 : i32
        %dma_start3A_97 = arith.constant 0 : i32
        %dma_start3A_98 = tpu.memref_slice %arg4[%dma_start3A_96, %dma_start3A_97] : memref<10000x128xf32, #tpu.memory_space<hbm>> -> memref<10000x128xf32, #tpu.memory_space<hbm>>
        tpu.enqueue_indirect_dma source(%dma_start3A_98 : memref<10000x128xf32, #tpu.memory_space<hbm>>) target(%arg12 : memref<128x128xf32, #tpu.memory_space<vmem>>) offsets(%dma_start3A_95 : memref<128xi32, #tpu.memory_space<vmem>>) semaphore(%arg18 : memref<!tpu.dma_semaphore, #tpu.memory_space<semaphore_mem>>)
        %dma_wait3A_99 = arith.constant 0 : i32
        %dma_wait3A_100 = arith.constant 0 : i32
        %dma_wait3A_101 = tpu.memref_slice %arg9[%dma_wait3A_99, %dma_wait3A_100] : memref<1x128xi32, #tpu.memory_space<vmem>> -> memref<1x128xi32, #tpu.memory_space<vmem>>
        %dma_wait3A_102 = tpu.memref_squeeze %dma_wait3A_101 : memref<1x128xi32, #tpu.memory_space<vmem>> -> memref<128xi32, #tpu.memory_space<vmem>>
        %dma_wait3A_103 = arith.constant 0 : i32
        %dma_wait3A_104 = arith.constant 0 : i32
        %dma_wait3A_105 = tpu.memref_slice %arg4[%dma_wait3A_103, %dma_wait3A_104] : memref<10000x128xf32, #tpu.memory_space<hbm>> -> memref<10000x128xf32, #tpu.memory_space<hbm>>
        tpu.wait_indirect_dma semaphore(%arg18 : memref<!tpu.dma_semaphore, #tpu.memory_space<semaphore_mem>>) src(%dma_wait3A_105 : memref<10000x128xf32, #tpu.memory_space<hbm>>) dst(%arg12 : memref<128x128xf32, #tpu.memory_space<vmem>>)
        %dma_start3A_106 = arith.constant 0 : i32
        %dma_start3A_107 = arith.constant 0 : i32
        %dma_start3A_108 = tpu.memref_slice %arg10[%dma_start3A_106, %dma_start3A_107] : memref<1x128xi32, #tpu.memory_space<vmem>> -> memref<1x128xi32, #tpu.memory_space<vmem>>
        %dma_start3A_109 = tpu.memref_squeeze %dma_start3A_108 : memref<1x128xi32, #tpu.memory_space<vmem>> -> memref<128xi32, #tpu.memory_space<vmem>>
        %dma_start3A_110 = arith.constant 0 : i32
        %dma_start3A_111 = arith.constant 0 : i32
        %dma_start3A_112 = tpu.memref_slice %arg16[%dma_start3A_110, %dma_start3A_111] : memref<10000x128xf32, #tpu.memory_space<vmem_shared>> -> memref<10000x128xf32, #tpu.memory_space<vmem_shared>>
        tpu.enqueue_indirect_dma source(%arg12 : memref<128x128xf32, #tpu.memory_space<vmem>>) target(%dma_start3A_112 : memref<10000x128xf32, #tpu.memory_space<vmem_shared>>) offsets(%dma_start3A_109 : memref<128xi32, #tpu.memory_space<vmem>>) semaphore(%arg20 : memref<!tpu.dma_semaphore, #tpu.memory_space<semaphore_mem>>) {add = true}
        %dma_wait3A_113 = arith.constant 0 : i32
        %dma_wait3A_114 = arith.constant 0 : i32
        %dma_wait3A_115 = tpu.memref_slice %arg8[%dma_wait3A_113, %dma_wait3A_114] : memref<1x128xi32, #tpu.memory_space<vmem>> -> memref<1x128xi32, #tpu.memory_space<vmem>>
        %dma_wait3A_116 = tpu.memref_squeeze %dma_wait3A_115 : memref<1x128xi32, #tpu.memory_space<vmem>> -> memref<128xi32, #tpu.memory_space<vmem>>
        %dma_wait3A_117 = arith.constant 0 : i32
        %dma_wait3A_118 = arith.constant 0 : i32
        %dma_wait3A_119 = tpu.memref_slice %arg16[%dma_wait3A_117, %dma_wait3A_118] : memref<10000x128xf32, #tpu.memory_space<vmem_shared>> -> memref<10000x128xf32, #tpu.memory_space<vmem_shared>>
        tpu.wait_indirect_dma semaphore(%arg19 : memref<!tpu.dma_semaphore, #tpu.memory_space<semaphore_mem>>) src(%arg11 : memref<128x128xf32, #tpu.memory_space<vmem>>) dst(%dma_wait3A_119 : memref<10000x128xf32, #tpu.memory_space<vmem_shared>>)
        %add3A_120 = arith.constant 2 : i32
        %add3A_121 = arith.addi %mul3A_63, %add3A_120 : i32
        %lt3A_122 = arith.constant 78 : i32
        %lt3A_123 = arith.cmpi slt, %add3A_121, %lt3A_122 : i32
        %convert_element_type3A_124 = arith.extui %lt3A_123 : i1 to i32
        %cond3A_125 = arith.constant 0 : i32
        %cond3A_126 = arith.cmpi ne, %convert_element_type3A_124, %cond3A_125 : i32
        scf.if %cond3A_126 {
          %add3A_127 = arith.constant 2 : i32
          %add3A_128 = arith.addi %mul3A_63, %add3A_127 : i32
          %mul3A_129 = arith.constant 128 : i32
          %mul3A_130 = arith.muli %add3A_128, %mul3A_129 : i32
          %add3A_131 = arith.addi %mul3A_38, %mul3A_130 : i32
          %run_scoped3A_132 = arith.constant 0 : i32
          "tpu.region"() ({
            %run_scoped3A_144 = tpu.sem_alloc : memref<!tpu.dma_semaphore, #tpu.memory_space<semaphore_mem>>
            %dma_start3A_145 = arith.constant 0 : i32
            %dma_start3A_146 = tpu.memref_slice %arg7[%run_scoped3A_132, %dma_start3A_145] : memref<1x128xi32, #tpu.memory_space<vmem>> -> memref<1x128xi32, #tpu.memory_space<vmem>>
            %dma_start3A_147 = tpu.memref_squeeze %dma_start3A_146 : memref<1x128xi32, #tpu.memory_space<vmem>> -> memref<128xi32, #tpu.memory_space<vmem>>
            %dma_start3A_148 = tpu.memref_slice %arg2[%add3A_131] : memref<320000xi32, #tpu.memory_space<hbm>> -> memref<128xi32, #tpu.memory_space<hbm>>
            %dma_start3A_149 = arith.constant 0 : i32
            %dma_start3A_150 = tpu.memref_slice %arg7[%run_scoped3A_132, %dma_start3A_149] : memref<1x128xi32, #tpu.memory_space<vmem>> -> memref<1x128xi32, #tpu.memory_space<vmem>>
            %dma_start3A_151 = tpu.memref_squeeze %dma_start3A_150 : memref<1x128xi32, #tpu.memory_space<vmem>> -> memref<128xi32, #tpu.memory_space<vmem>>
            %dma_start3A_152 = tpu.memref_slice %arg2[%add3A_131] : memref<320000xi32, #tpu.memory_space<hbm>> -> memref<128xi32, #tpu.memory_space<hbm>>
            tpu.enqueue_dma source(%dma_start3A_152 : memref<128xi32, #tpu.memory_space<hbm>>) target(%dma_start3A_151 : memref<128xi32, #tpu.memory_space<vmem>>) target_semaphore(%run_scoped3A_144 : memref<!tpu.dma_semaphore, #tpu.memory_space<semaphore_mem>>)
            %dma_wait3A_153 = arith.constant 0 : i32
            %dma_wait3A_154 = tpu.memref_slice %arg7[%run_scoped3A_132, %dma_wait3A_153] : memref<1x128xi32, #tpu.memory_space<vmem>> -> memref<1x128xi32, #tpu.memory_space<vmem>>
            %dma_wait3A_155 = tpu.memref_squeeze %dma_wait3A_154 : memref<1x128xi32, #tpu.memory_space<vmem>> -> memref<128xi32, #tpu.memory_space<vmem>>
            %dma_wait3A_156 = tpu.memref_slice %arg2[%add3A_131] : memref<320000xi32, #tpu.memory_space<hbm>> -> memref<128xi32, #tpu.memory_space<hbm>>
            %dma_wait3A_157 = arith.constant 0 : i32
            %dma_wait3A_158 = tpu.memref_slice %arg7[%run_scoped3A_132, %dma_wait3A_157] : memref<1x128xi32, #tpu.memory_space<vmem>> -> memref<1x128xi32, #tpu.memory_space<vmem>>
            %dma_wait3A_159 = tpu.memref_squeeze %dma_wait3A_158 : memref<1x128xi32, #tpu.memory_space<vmem>> -> memref<128xi32, #tpu.memory_space<vmem>>
            %dma_wait3A_160 = tpu.memref_slice %arg2[%add3A_131] : memref<320000xi32, #tpu.memory_space<hbm>> -> memref<128xi32, #tpu.memory_space<hbm>>
            tpu.wait_dma2 semaphore(%run_scoped3A_144 : memref<!tpu.dma_semaphore, #tpu.memory_space<semaphore_mem>>) src(%dma_wait3A_160 : memref<128xi32, #tpu.memory_space<hbm>>) dst(%dma_wait3A_159 : memref<128xi32, #tpu.memory_space<vmem>>)
            tpu.yield
          }) : () -> ()
          %mul3A_133 = arith.constant 128 : i32
          %mul3A_134 = arith.muli %add3A_128, %mul3A_133 : i32
          %add3A_135 = arith.addi %mul3A_38, %mul3A_134 : i32
          %run_scoped3A_136 = arith.constant 0 : i32
          "tpu.region"() ({
            %run_scoped3A_144 = tpu.sem_alloc : memref<!tpu.dma_semaphore, #tpu.memory_space<semaphore_mem>>
            %dma_start3A_145 = arith.constant 0 : i32
            %dma_start3A_146 = tpu.memref_slice %arg8[%run_scoped3A_136, %dma_start3A_145] : memref<1x128xi32, #tpu.memory_space<vmem>> -> memref<1x128xi32, #tpu.memory_space<vmem>>
            %dma_start3A_147 = tpu.memref_squeeze %dma_start3A_146 : memref<1x128xi32, #tpu.memory_space<vmem>> -> memref<128xi32, #tpu.memory_space<vmem>>
            %dma_start3A_148 = tpu.memref_slice %arg3[%add3A_135] : memref<320000xi32, #tpu.memory_space<hbm>> -> memref<128xi32, #tpu.memory_space<hbm>>
            %dma_start3A_149 = arith.constant 0 : i32
            %dma_start3A_150 = tpu.memref_slice %arg8[%run_scoped3A_136, %dma_start3A_149] : memref<1x128xi32, #tpu.memory_space<vmem>> -> memref<1x128xi32, #tpu.memory_space<vmem>>
            %dma_start3A_151 = tpu.memref_squeeze %dma_start3A_150 : memref<1x128xi32, #tpu.memory_space<vmem>> -> memref<128xi32, #tpu.memory_space<vmem>>
            %dma_start3A_152 = tpu.memref_slice %arg3[%add3A_135] : memref<320000xi32, #tpu.memory_space<hbm>> -> memref<128xi32, #tpu.memory_space<hbm>>
            tpu.enqueue_dma source(%dma_start3A_152 : memref<128xi32, #tpu.memory_space<hbm>>) target(%dma_start3A_151 : memref<128xi32, #tpu.memory_space<vmem>>) target_semaphore(%run_scoped3A_144 : memref<!tpu.dma_semaphore, #tpu.memory_space<semaphore_mem>>)
            %dma_wait3A_153 = arith.constant 0 : i32
            %dma_wait3A_154 = tpu.memref_slice %arg8[%run_scoped3A_136, %dma_wait3A_153] : memref<1x128xi32, #tpu.memory_space<vmem>> -> memref<1x128xi32, #tpu.memory_space<vmem>>
            %dma_wait3A_155 = tpu.memref_squeeze %dma_wait3A_154 : memref<1x128xi32, #tpu.memory_space<vmem>> -> memref<128xi32, #tpu.memory_space<vmem>>
            %dma_wait3A_156 = tpu.memref_slice %arg3[%add3A_135] : memref<320000xi32, #tpu.memory_space<hbm>> -> memref<128xi32, #tpu.memory_space<hbm>>
            %dma_wait3A_157 = arith.constant 0 : i32
            %dma_wait3A_158 = tpu.memref_slice %arg8[%run_scoped3A_136, %dma_wait3A_157] : memref<1x128xi32, #tpu.memory_space<vmem>> -> memref<1x128xi32, #tpu.memory_space<vmem>>
            %dma_wait3A_159 = tpu.memref_squeeze %dma_wait3A_158 : memref<1x128xi32, #tpu.memory_space<vmem>> -> memref<128xi32, #tpu.memory_space<vmem>>
            %dma_wait3A_160 = tpu.memref_slice %arg3[%add3A_135] : memref<320000xi32, #tpu.memory_space<hbm>> -> memref<128xi32, #tpu.memory_space<hbm>>
            tpu.wait_dma2 semaphore(%run_scoped3A_144 : memref<!tpu.dma_semaphore, #tpu.memory_space<semaphore_mem>>) src(%dma_wait3A_160 : memref<128xi32, #tpu.memory_space<hbm>>) dst(%dma_wait3A_159 : memref<128xi32, #tpu.memory_space<vmem>>)
            tpu.yield
          }) : () -> ()
          %dma_start3A_137 = arith.constant 0 : i32
          %dma_start3A_138 = arith.constant 0 : i32
          %dma_start3A_139 = tpu.memref_slice %arg7[%dma_start3A_137, %dma_start3A_138] : memref<1x128xi32, #tpu.memory_space<vmem>> -> memref<1x128xi32, #tpu.memory_space<vmem>>
          %dma_start3A_140 = tpu.memref_squeeze %dma_start3A_139 : memref<1x128xi32, #tpu.memory_space<vmem>> -> memref<128xi32, #tpu.memory_space<vmem>>
          %dma_start3A_141 = arith.constant 0 : i32
          %dma_start3A_142 = arith.constant 0 : i32
          %dma_start3A_143 = tpu.memref_slice %arg4[%dma_start3A_141, %dma_start3A_142] : memref<10000x128xf32, #tpu.memory_space<hbm>> -> memref<10000x128xf32, #tpu.memory_space<hbm>>
          tpu.enqueue_indirect_dma source(%dma_start3A_143 : memref<10000x128xf32, #tpu.memory_space<hbm>>) target(%arg11 : memref<128x128xf32, #tpu.memory_space<vmem>>) offsets(%dma_start3A_140 : memref<128xi32, #tpu.memory_space<vmem>>) semaphore(%arg17 : memref<!tpu.dma_semaphore, #tpu.memory_space<semaphore_mem>>)
        } else {
        }
      }
      %scan3A_54 = arith.constant 39 : i32
      %dma_wait3A = arith.constant 0 : i32
      %dma_wait3A_55 = arith.constant 0 : i32
      %dma_wait3A_56 = tpu.memref_slice %arg10[%dma_wait3A, %dma_wait3A_55] : memref<1x128xi32, #tpu.memory_space<vmem>> -> memref<1x128xi32, #tpu.memory_space<vmem>>
      %dma_wait3A_57 = tpu.memref_squeeze %dma_wait3A_56 : memref<1x128xi32, #tpu.memory_space<vmem>> -> memref<128xi32, #tpu.memory_space<vmem>>
      %dma_wait3A_58 = arith.constant 0 : i32
      %dma_wait3A_59 = arith.constant 0 : i32
      %dma_wait3A_60 = tpu.memref_slice %arg16[%dma_wait3A_58, %dma_wait3A_59] : memref<10000x128xf32, #tpu.memory_space<vmem_shared>> -> memref<10000x128xf32, #tpu.memory_space<vmem_shared>>
      tpu.wait_indirect_dma semaphore(%arg20 : memref<!tpu.dma_semaphore, #tpu.memory_space<semaphore_mem>>) src(%arg12 : memref<128x128xf32, #tpu.memory_space<vmem>>) dst(%dma_wait3A_60 : memref<10000x128xf32, #tpu.memory_space<vmem_shared>>)
    } else {
    }
    %eq3A_11 = arith.constant 1 : i32
    %eq3A_12 = arith.cmpi eq, %arg0, %eq3A_11 : i32
    %convert_element_type3A_13 = arith.extui %eq3A_12 : i1 to i32
    %cond3A_14 = arith.constant 0 : i32
    %cond3A_15 = arith.cmpi ne, %convert_element_type3A_13, %cond3A_14 : i32
    scf.if %cond3A_15 {
      %add3A = arith.constant 16 : i32
      %add3A_37 = arith.addi %add3A, %arg1 : i32
      %mul3A = arith.constant 10000 : i32
      %mul3A_38 = arith.muli %add3A_37, %mul3A : i32
      %add3A_39 = arith.constant 0 : i32
      %add3A_40 = arith.addi %mul3A_38, %add3A_39 : i32
      %run_scoped3A = arith.constant 0 : i32
      "tpu.region"() ({
        %run_scoped3A_61 = tpu.sem_alloc : memref<!tpu.dma_semaphore, #tpu.memory_space<semaphore_mem>>
        %dma_start3A_62 = arith.constant 0 : i32
        %dma_start3A_63 = tpu.memref_slice %arg7[%run_scoped3A, %dma_start3A_62] : memref<1x128xi32, #tpu.memory_space<vmem>> -> memref<1x128xi32, #tpu.memory_space<vmem>>
        %dma_start3A_64 = tpu.memref_squeeze %dma_start3A_63 : memref<1x128xi32, #tpu.memory_space<vmem>> -> memref<128xi32, #tpu.memory_space<vmem>>
        %dma_start3A_65 = tpu.memref_slice %arg2[%add3A_40] : memref<320000xi32, #tpu.memory_space<hbm>> -> memref<128xi32, #tpu.memory_space<hbm>>
        %dma_start3A_66 = arith.constant 0 : i32
        %dma_start3A_67 = tpu.memref_slice %arg7[%run_scoped3A, %dma_start3A_66] : memref<1x128xi32, #tpu.memory_space<vmem>> -> memref<1x128xi32, #tpu.memory_space<vmem>>
        %dma_start3A_68 = tpu.memref_squeeze %dma_start3A_67 : memref<1x128xi32, #tpu.memory_space<vmem>> -> memref<128xi32, #tpu.memory_space<vmem>>
        %dma_start3A_69 = tpu.memref_slice %arg2[%add3A_40] : memref<320000xi32, #tpu.memory_space<hbm>> -> memref<128xi32, #tpu.memory_space<hbm>>
        tpu.enqueue_dma source(%dma_start3A_69 : memref<128xi32, #tpu.memory_space<hbm>>) target(%dma_start3A_68 : memref<128xi32, #tpu.memory_space<vmem>>) target_semaphore(%run_scoped3A_61 : memref<!tpu.dma_semaphore, #tpu.memory_space<semaphore_mem>>)
        %dma_wait3A_70 = arith.constant 0 : i32
        %dma_wait3A_71 = tpu.memref_slice %arg7[%run_scoped3A, %dma_wait3A_70] : memref<1x128xi32, #tpu.memory_space<vmem>> -> memref<1x128xi32, #tpu.memory_space<vmem>>
        %dma_wait3A_72 = tpu.memref_squeeze %dma_wait3A_71 : memref<1x128xi32, #tpu.memory_space<vmem>> -> memref<128xi32, #tpu.memory_space<vmem>>
        %dma_wait3A_73 = tpu.memref_slice %arg2[%add3A_40] : memref<320000xi32, #tpu.memory_space<hbm>> -> memref<128xi32, #tpu.memory_space<hbm>>
        %dma_wait3A_74 = arith.constant 0 : i32
        %dma_wait3A_75 = tpu.memref_slice %arg7[%run_scoped3A, %dma_wait3A_74] : memref<1x128xi32, #tpu.memory_space<vmem>> -> memref<1x128xi32, #tpu.memory_space<vmem>>
        %dma_wait3A_76 = tpu.memref_squeeze %dma_wait3A_75 : memref<1x128xi32, #tpu.memory_space<vmem>> -> memref<128xi32, #tpu.memory_space<vmem>>
        %dma_wait3A_77 = tpu.memref_slice %arg2[%add3A_40] : memref<320000xi32, #tpu.memory_space<hbm>> -> memref<128xi32, #tpu.memory_space<hbm>>
        tpu.wait_dma2 semaphore(%run_scoped3A_61 : memref<!tpu.dma_semaphore, #tpu.memory_space<semaphore_mem>>) src(%dma_wait3A_77 : memref<128xi32, #tpu.memory_space<hbm>>) dst(%dma_wait3A_76 : memref<128xi32, #tpu.memory_space<vmem>>)
        tpu.yield
      }) : () -> ()
      %add3A_41 = arith.constant 0 : i32
      %add3A_42 = arith.addi %mul3A_38, %add3A_41 : i32
      %run_scoped3A_43 = arith.constant 0 : i32
      "tpu.region"() ({
        %run_scoped3A_61 = tpu.sem_alloc : memref<!tpu.dma_semaphore, #tpu.memory_space<semaphore_mem>>
        %dma_start3A_62 = arith.constant 0 : i32
        %dma_start3A_63 = tpu.memref_slice %arg8[%run_scoped3A_43, %dma_start3A_62] : memref<1x128xi32, #tpu.memory_space<vmem>> -> memref<1x128xi32, #tpu.memory_space<vmem>>
        %dma_start3A_64 = tpu.memref_squeeze %dma_start3A_63 : memref<1x128xi32, #tpu.memory_space<vmem>> -> memref<128xi32, #tpu.memory_space<vmem>>
        %dma_start3A_65 = tpu.memref_slice %arg3[%add3A_42] : memref<320000xi32, #tpu.memory_space<hbm>> -> memref<128xi32, #tpu.memory_space<hbm>>
        %dma_start3A_66 = arith.constant 0 : i32
        %dma_start3A_67 = tpu.memref_slice %arg8[%run_scoped3A_43, %dma_start3A_66] : memref<1x128xi32, #tpu.memory_space<vmem>> -> memref<1x128xi32, #tpu.memory_space<vmem>>
        %dma_start3A_68 = tpu.memref_squeeze %dma_start3A_67 : memref<1x128xi32, #tpu.memory_space<vmem>> -> memref<128xi32, #tpu.memory_space<vmem>>
        %dma_start3A_69 = tpu.memref_slice %arg3[%add3A_42] : memref<320000xi32, #tpu.memory_space<hbm>> -> memref<128xi32, #tpu.memory_space<hbm>>
        tpu.enqueue_dma source(%dma_start3A_69 : memref<128xi32, #tpu.memory_space<hbm>>) target(%dma_start3A_68 : memref<128xi32, #tpu.memory_space<vmem>>) target_semaphore(%run_scoped3A_61 : memref<!tpu.dma_semaphore, #tpu.memory_space<semaphore_mem>>)
        %dma_wait3A_70 = arith.constant 0 : i32
        %dma_wait3A_71 = tpu.memref_slice %arg8[%run_scoped3A_43, %dma_wait3A_70] : memref<1x128xi32, #tpu.memory_space<vmem>> -> memref<1x128xi32, #tpu.memory_space<vmem>>
        %dma_wait3A_72 = tpu.memref_squeeze %dma_wait3A_71 : memref<1x128xi32, #tpu.memory_space<vmem>> -> memref<128xi32, #tpu.memory_space<vmem>>
        %dma_wait3A_73 = tpu.memref_slice %arg3[%add3A_42] : memref<320000xi32, #tpu.memory_space<hbm>> -> memref<128xi32, #tpu.memory_space<hbm>>
        %dma_wait3A_74 = arith.constant 0 : i32
        %dma_wait3A_75 = tpu.memref_slice %arg8[%run_scoped3A_43, %dma_wait3A_74] : memref<1x128xi32, #tpu.memory_space<vmem>> -> memref<1x128xi32, #tpu.memory_space<vmem>>
        %dma_wait3A_76 = tpu.memref_squeeze %dma_wait3A_75 : memref<1x128xi32, #tpu.memory_space<vmem>> -> memref<128xi32, #tpu.memory_space<vmem>>
        %dma_wait3A_77 = tpu.memref_slice %arg3[%add3A_42] : memref<320000xi32, #tpu.memory_space<hbm>> -> memref<128xi32, #tpu.memory_space<hbm>>
        tpu.wait_dma2 semaphore(%run_scoped3A_61 : memref<!tpu.dma_semaphore, #tpu.memory_space<semaphore_mem>>) src(%dma_wait3A_77 : memref<128xi32, #tpu.memory_space<hbm>>) dst(%dma_wait3A_76 : memref<128xi32, #tpu.memory_space<vmem>>)
        tpu.yield
      }) : () -> ()
      %dma_start3A = arith.constant 0 : i32
      %dma_start3A_44 = arith.constant 0 : i32
      %dma_start3A_45 = tpu.memref_slice %arg7[%dma_start3A, %dma_start3A_44] : memref<1x128xi32, #tpu.memory_space<vmem>> -> memref<1x128xi32, #tpu.memory_space<vmem>>
      %dma_start3A_46 = tpu.memref_squeeze %dma_start3A_45 : memref<1x128xi32, #tpu.memory_space<vmem>> -> memref<128xi32, #tpu.memory_space<vmem>>
      %dma_start3A_47 = arith.constant 0 : i32
      %dma_start3A_48 = arith.constant 0 : i32
      %dma_start3A_49 = tpu.memref_slice %arg4[%dma_start3A_47, %dma_start3A_48] : memref<10000x128xf32, #tpu.memory_space<hbm>> -> memref<10000x128xf32, #tpu.memory_space<hbm>>
      tpu.enqueue_indirect_dma source(%dma_start3A_49 : memref<10000x128xf32, #tpu.memory_space<hbm>>) target(%arg11 : memref<128x128xf32, #tpu.memory_space<vmem>>) offsets(%dma_start3A_46 : memref<128xi32, #tpu.memory_space<vmem>>) semaphore(%arg17 : memref<!tpu.dma_semaphore, #tpu.memory_space<semaphore_mem>>)
      %scan3A = arith.constant 0 : i32
      %scan3A_50 = arith.constant 0 : i32
      %scan3A_51 = arith.constant 39 : i32
      %scan3A_52 = arith.addi %scan3A_50, %scan3A_51 : i32
      %scan3A_53 = arith.constant 1 : i32
      scf.for %scan3A_61 = %scan3A_50 to %scan3A_52 step %scan3A_53  : i32 {
        %mul3A_62 = arith.constant 2 : i32
        %mul3A_63 = arith.muli %mul3A_62, %scan3A_61 : i32
        %gt3A = arith.constant 0 : i32
        %gt3A_64 = arith.cmpi sgt, %scan3A_61, %gt3A : i32
        %convert_element_type3A_65 = arith.extui %gt3A_64 : i1 to i32
        %cond3A_66 = arith.constant 0 : i32
        %cond3A_67 = arith.cmpi ne, %convert_element_type3A_65, %cond3A_66 : i32
        scf.if %cond3A_67 {
          %dma_wait3A_127 = arith.constant 0 : i32
          %dma_wait3A_128 = arith.constant 0 : i32
          %dma_wait3A_129 = tpu.memref_slice %arg10[%dma_wait3A_127, %dma_wait3A_128] : memref<1x128xi32, #tpu.memory_space<vmem>> -> memref<1x128xi32, #tpu.memory_space<vmem>>
          %dma_wait3A_130 = tpu.memref_squeeze %dma_wait3A_129 : memref<1x128xi32, #tpu.memory_space<vmem>> -> memref<128xi32, #tpu.memory_space<vmem>>
          %dma_wait3A_131 = arith.constant 0 : i32
          %dma_wait3A_132 = arith.constant 0 : i32
          %dma_wait3A_133 = tpu.memref_slice %arg16[%dma_wait3A_131, %dma_wait3A_132] : memref<10000x128xf32, #tpu.memory_space<vmem_shared>> -> memref<10000x128xf32, #tpu.memory_space<vmem_shared>>
          tpu.wait_indirect_dma semaphore(%arg20 : memref<!tpu.dma_semaphore, #tpu.memory_space<semaphore_mem>>) src(%arg12 : memref<128x128xf32, #tpu.memory_space<vmem>>) dst(%dma_wait3A_133 : memref<10000x128xf32, #tpu.memory_space<vmem_shared>>)
        } else {
        }
        %add3A_68 = arith.constant 1 : i32
        %add3A_69 = arith.addi %mul3A_63, %add3A_68 : i32
        %mul3A_70 = arith.constant 128 : i32
        %mul3A_71 = arith.muli %add3A_69, %mul3A_70 : i32
        %add3A_72 = arith.addi %mul3A_38, %mul3A_71 : i32
        %run_scoped3A_73 = arith.constant 0 : i32
        "tpu.region"() ({
          %run_scoped3A_127 = tpu.sem_alloc : memref<!tpu.dma_semaphore, #tpu.memory_space<semaphore_mem>>
          %dma_start3A_128 = arith.constant 0 : i32
          %dma_start3A_129 = tpu.memref_slice %arg9[%run_scoped3A_73, %dma_start3A_128] : memref<1x128xi32, #tpu.memory_space<vmem>> -> memref<1x128xi32, #tpu.memory_space<vmem>>
          %dma_start3A_130 = tpu.memref_squeeze %dma_start3A_129 : memref<1x128xi32, #tpu.memory_space<vmem>> -> memref<128xi32, #tpu.memory_space<vmem>>
          %dma_start3A_131 = tpu.memref_slice %arg2[%add3A_72] : memref<320000xi32, #tpu.memory_space<hbm>> -> memref<128xi32, #tpu.memory_space<hbm>>
          %dma_start3A_132 = arith.constant 0 : i32
          %dma_start3A_133 = tpu.memref_slice %arg9[%run_scoped3A_73, %dma_start3A_132] : memref<1x128xi32, #tpu.memory_space<vmem>> -> memref<1x128xi32, #tpu.memory_space<vmem>>
          %dma_start3A_134 = tpu.memref_squeeze %dma_start3A_133 : memref<1x128xi32, #tpu.memory_space<vmem>> -> memref<128xi32, #tpu.memory_space<vmem>>
          %dma_start3A_135 = tpu.memref_slice %arg2[%add3A_72] : memref<320000xi32, #tpu.memory_space<hbm>> -> memref<128xi32, #tpu.memory_space<hbm>>
          tpu.enqueue_dma source(%dma_start3A_135 : memref<128xi32, #tpu.memory_space<hbm>>) target(%dma_start3A_134 : memref<128xi32, #tpu.memory_space<vmem>>) target_semaphore(%run_scoped3A_127 : memref<!tpu.dma_semaphore, #tpu.memory_space<semaphore_mem>>)
          %dma_wait3A_136 = arith.constant 0 : i32
          %dma_wait3A_137 = tpu.memref_slice %arg9[%run_scoped3A_73, %dma_wait3A_136] : memref<1x128xi32, #tpu.memory_space<vmem>> -> memref<1x128xi32, #tpu.memory_space<vmem>>
          %dma_wait3A_138 = tpu.memref_squeeze %dma_wait3A_137 : memref<1x128xi32, #tpu.memory_space<vmem>> -> memref<128xi32, #tpu.memory_space<vmem>>
          %dma_wait3A_139 = tpu.memref_slice %arg2[%add3A_72] : memref<320000xi32, #tpu.memory_space<hbm>> -> memref<128xi32, #tpu.memory_space<hbm>>
          %dma_wait3A_140 = arith.constant 0 : i32
          %dma_wait3A_141 = tpu.memref_slice %arg9[%run_scoped3A_73, %dma_wait3A_140] : memref<1x128xi32, #tpu.memory_space<vmem>> -> memref<1x128xi32, #tpu.memory_space<vmem>>
          %dma_wait3A_142 = tpu.memref_squeeze %dma_wait3A_141 : memref<1x128xi32, #tpu.memory_space<vmem>> -> memref<128xi32, #tpu.memory_space<vmem>>
          %dma_wait3A_143 = tpu.memref_slice %arg2[%add3A_72] : memref<320000xi32, #tpu.memory_space<hbm>> -> memref<128xi32, #tpu.memory_space<hbm>>
          tpu.wait_dma2 semaphore(%run_scoped3A_127 : memref<!tpu.dma_semaphore, #tpu.memory_space<semaphore_mem>>) src(%dma_wait3A_143 : memref<128xi32, #tpu.memory_space<hbm>>) dst(%dma_wait3A_142 : memref<128xi32, #tpu.memory_space<vmem>>)
          tpu.yield
        }) : () -> ()
        %mul3A_74 = arith.constant 128 : i32
        %mul3A_75 = arith.muli %add3A_69, %mul3A_74 : i32
        %add3A_76 = arith.addi %mul3A_38, %mul3A_75 : i32
        %run_scoped3A_77 = arith.constant 0 : i32
        "tpu.region"() ({
          %run_scoped3A_127 = tpu.sem_alloc : memref<!tpu.dma_semaphore, #tpu.memory_space<semaphore_mem>>
          %dma_start3A_128 = arith.constant 0 : i32
          %dma_start3A_129 = tpu.memref_slice %arg10[%run_scoped3A_77, %dma_start3A_128] : memref<1x128xi32, #tpu.memory_space<vmem>> -> memref<1x128xi32, #tpu.memory_space<vmem>>
          %dma_start3A_130 = tpu.memref_squeeze %dma_start3A_129 : memref<1x128xi32, #tpu.memory_space<vmem>> -> memref<128xi32, #tpu.memory_space<vmem>>
          %dma_start3A_131 = tpu.memref_slice %arg3[%add3A_76] : memref<320000xi32, #tpu.memory_space<hbm>> -> memref<128xi32, #tpu.memory_space<hbm>>
          %dma_start3A_132 = arith.constant 0 : i32
          %dma_start3A_133 = tpu.memref_slice %arg10[%run_scoped3A_77, %dma_start3A_132] : memref<1x128xi32, #tpu.memory_space<vmem>> -> memref<1x128xi32, #tpu.memory_space<vmem>>
          %dma_start3A_134 = tpu.memref_squeeze %dma_start3A_133 : memref<1x128xi32, #tpu.memory_space<vmem>> -> memref<128xi32, #tpu.memory_space<vmem>>
          %dma_start3A_135 = tpu.memref_slice %arg3[%add3A_76] : memref<320000xi32, #tpu.memory_space<hbm>> -> memref<128xi32, #tpu.memory_space<hbm>>
          tpu.enqueue_dma source(%dma_start3A_135 : memref<128xi32, #tpu.memory_space<hbm>>) target(%dma_start3A_134 : memref<128xi32, #tpu.memory_space<vmem>>) target_semaphore(%run_scoped3A_127 : memref<!tpu.dma_semaphore, #tpu.memory_space<semaphore_mem>>)
          %dma_wait3A_136 = arith.constant 0 : i32
          %dma_wait3A_137 = tpu.memref_slice %arg10[%run_scoped3A_77, %dma_wait3A_136] : memref<1x128xi32, #tpu.memory_space<vmem>> -> memref<1x128xi32, #tpu.memory_space<vmem>>
          %dma_wait3A_138 = tpu.memref_squeeze %dma_wait3A_137 : memref<1x128xi32, #tpu.memory_space<vmem>> -> memref<128xi32, #tpu.memory_space<vmem>>
          %dma_wait3A_139 = tpu.memref_slice %arg3[%add3A_76] : memref<320000xi32, #tpu.memory_space<hbm>> -> memref<128xi32, #tpu.memory_space<hbm>>
          %dma_wait3A_140 = arith.constant 0 : i32
          %dma_wait3A_141 = tpu.memref_slice %arg10[%run_scoped3A_77, %dma_wait3A_140] : memref<1x128xi32, #tpu.memory_space<vmem>> -> memref<1x128xi32, #tpu.memory_space<vmem>>
          %dma_wait3A_142 = tpu.memref_squeeze %dma_wait3A_141 : memref<1x128xi32, #tpu.memory_space<vmem>> -> memref<128xi32, #tpu.memory_space<vmem>>
          %dma_wait3A_143 = tpu.memref_slice %arg3[%add3A_76] : memref<320000xi32, #tpu.memory_space<hbm>> -> memref<128xi32, #tpu.memory_space<hbm>>
          tpu.wait_dma2 semaphore(%run_scoped3A_127 : memref<!tpu.dma_semaphore, #tpu.memory_space<semaphore_mem>>) src(%dma_wait3A_143 : memref<128xi32, #tpu.memory_space<hbm>>) dst(%dma_wait3A_142 : memref<128xi32, #tpu.memory_space<vmem>>)
          tpu.yield
        }) : () -> ()
        %dma_wait3A_78 = arith.constant 0 : i32
        %dma_wait3A_79 = arith.constant 0 : i32
        %dma_wait3A_80 = tpu.memref_slice %arg7[%dma_wait3A_78, %dma_wait3A_79] : memref<1x128xi32, #tpu.memory_space<vmem>> -> memref<1x128xi32, #tpu.memory_space<vmem>>
        %dma_wait3A_81 = tpu.memref_squeeze %dma_wait3A_80 : memref<1x128xi32, #tpu.memory_space<vmem>> -> memref<128xi32, #tpu.memory_space<vmem>>
        %dma_wait3A_82 = arith.constant 0 : i32
        %dma_wait3A_83 = arith.constant 0 : i32
        %dma_wait3A_84 = tpu.memref_slice %arg4[%dma_wait3A_82, %dma_wait3A_83] : memref<10000x128xf32, #tpu.memory_space<hbm>> -> memref<10000x128xf32, #tpu.memory_space<hbm>>
        tpu.wait_indirect_dma semaphore(%arg17 : memref<!tpu.dma_semaphore, #tpu.memory_space<semaphore_mem>>) src(%dma_wait3A_84 : memref<10000x128xf32, #tpu.memory_space<hbm>>) dst(%arg11 : memref<128x128xf32, #tpu.memory_space<vmem>>)
        %dma_start3A_85 = arith.constant 0 : i32
        %dma_start3A_86 = arith.constant 0 : i32
        %dma_start3A_87 = tpu.memref_slice %arg8[%dma_start3A_85, %dma_start3A_86] : memref<1x128xi32, #tpu.memory_space<vmem>> -> memref<1x128xi32, #tpu.memory_space<vmem>>
        %dma_start3A_88 = tpu.memref_squeeze %dma_start3A_87 : memref<1x128xi32, #tpu.memory_space<vmem>> -> memref<128xi32, #tpu.memory_space<vmem>>
        %dma_start3A_89 = arith.constant 0 : i32
        %dma_start3A_90 = arith.constant 0 : i32
        %dma_start3A_91 = tpu.memref_slice %arg16[%dma_start3A_89, %dma_start3A_90] : memref<10000x128xf32, #tpu.memory_space<vmem_shared>> -> memref<10000x128xf32, #tpu.memory_space<vmem_shared>>
        tpu.enqueue_indirect_dma source(%arg11 : memref<128x128xf32, #tpu.memory_space<vmem>>) target(%dma_start3A_91 : memref<10000x128xf32, #tpu.memory_space<vmem_shared>>) offsets(%dma_start3A_88 : memref<128xi32, #tpu.memory_space<vmem>>) semaphore(%arg19 : memref<!tpu.dma_semaphore, #tpu.memory_space<semaphore_mem>>) {add = true}
        %dma_start3A_92 = arith.constant 0 : i32
        %dma_start3A_93 = arith.constant 0 : i32
        %dma_start3A_94 = tpu.memref_slice %arg9[%dma_start3A_92, %dma_start3A_93] : memref<1x128xi32, #tpu.memory_space<vmem>> -> memref<1x128xi32, #tpu.memory_space<vmem>>
        %dma_start3A_95 = tpu.memref_squeeze %dma_start3A_94 : memref<1x128xi32, #tpu.memory_space<vmem>> -> memref<128xi32, #tpu.memory_space<vmem>>
        %dma_start3A_96 = arith.constant 0 : i32
        %dma_start3A_97 = arith.constant 0 : i32
        %dma_start3A_98 = tpu.memref_slice %arg4[%dma_start3A_96, %dma_start3A_97] : memref<10000x128xf32, #tpu.memory_space<hbm>> -> memref<10000x128xf32, #tpu.memory_space<hbm>>
        tpu.enqueue_indirect_dma source(%dma_start3A_98 : memref<10000x128xf32, #tpu.memory_space<hbm>>) target(%arg12 : memref<128x128xf32, #tpu.memory_space<vmem>>) offsets(%dma_start3A_95 : memref<128xi32, #tpu.memory_space<vmem>>) semaphore(%arg18 : memref<!tpu.dma_semaphore, #tpu.memory_space<semaphore_mem>>)
        %dma_wait3A_99 = arith.constant 0 : i32
        %dma_wait3A_100 = arith.constant 0 : i32
        %dma_wait3A_101 = tpu.memref_slice %arg9[%dma_wait3A_99, %dma_wait3A_100] : memref<1x128xi32, #tpu.memory_space<vmem>> -> memref<1x128xi32, #tpu.memory_space<vmem>>
        %dma_wait3A_102 = tpu.memref_squeeze %dma_wait3A_101 : memref<1x128xi32, #tpu.memory_space<vmem>> -> memref<128xi32, #tpu.memory_space<vmem>>
        %dma_wait3A_103 = arith.constant 0 : i32
        %dma_wait3A_104 = arith.constant 0 : i32
        %dma_wait3A_105 = tpu.memref_slice %arg4[%dma_wait3A_103, %dma_wait3A_104] : memref<10000x128xf32, #tpu.memory_space<hbm>> -> memref<10000x128xf32, #tpu.memory_space<hbm>>
        tpu.wait_indirect_dma semaphore(%arg18 : memref<!tpu.dma_semaphore, #tpu.memory_space<semaphore_mem>>) src(%dma_wait3A_105 : memref<10000x128xf32, #tpu.memory_space<hbm>>) dst(%arg12 : memref<128x128xf32, #tpu.memory_space<vmem>>)
        %dma_start3A_106 = arith.constant 0 : i32
        %dma_start3A_107 = arith.constant 0 : i32
        %dma_start3A_108 = tpu.memref_slice %arg10[%dma_start3A_106, %dma_start3A_107] : memref<1x128xi32, #tpu.memory_space<vmem>> -> memref<1x128xi32, #tpu.memory_space<vmem>>
        %dma_start3A_109 = tpu.memref_squeeze %dma_start3A_108 : memref<1x128xi32, #tpu.memory_space<vmem>> -> memref<128xi32, #tpu.memory_space<vmem>>
        %dma_start3A_110 = arith.constant 0 : i32
        %dma_start3A_111 = arith.constant 0 : i32
        %dma_start3A_112 = tpu.memref_slice %arg16[%dma_start3A_110, %dma_start3A_111] : memref<10000x128xf32, #tpu.memory_space<vmem_shared>> -> memref<10000x128xf32, #tpu.memory_space<vmem_shared>>
        tpu.enqueue_indirect_dma source(%arg12 : memref<128x128xf32, #tpu.memory_space<vmem>>) target(%dma_start3A_112 : memref<10000x128xf32, #tpu.memory_space<vmem_shared>>) offsets(%dma_start3A_109 : memref<128xi32, #tpu.memory_space<vmem>>) semaphore(%arg20 : memref<!tpu.dma_semaphore, #tpu.memory_space<semaphore_mem>>) {add = true}
        %dma_wait3A_113 = arith.constant 0 : i32
        %dma_wait3A_114 = arith.constant 0 : i32
        %dma_wait3A_115 = tpu.memref_slice %arg8[%dma_wait3A_113, %dma_wait3A_114] : memref<1x128xi32, #tpu.memory_space<vmem>> -> memref<1x128xi32, #tpu.memory_space<vmem>>
        %dma_wait3A_116 = tpu.memref_squeeze %dma_wait3A_115 : memref<1x128xi32, #tpu.memory_space<vmem>> -> memref<128xi32, #tpu.memory_space<vmem>>
        %dma_wait3A_117 = arith.constant 0 : i32
        %dma_wait3A_118 = arith.constant 0 : i32
        %dma_wait3A_119 = tpu.memref_slice %arg16[%dma_wait3A_117, %dma_wait3A_118] : memref<10000x128xf32, #tpu.memory_space<vmem_shared>> -> memref<10000x128xf32, #tpu.memory_space<vmem_shared>>
        tpu.wait_indirect_dma semaphore(%arg19 : memref<!tpu.dma_semaphore, #tpu.memory_space<semaphore_mem>>) src(%arg11 : memref<128x128xf32, #tpu.memory_space<vmem>>) dst(%dma_wait3A_119 : memref<10000x128xf32, #tpu.memory_space<vmem_shared>>)
        %add3A_120 = arith.constant 2 : i32
        %add3A_121 = arith.addi %mul3A_63, %add3A_120 : i32
        %lt3A_122 = arith.constant 78 : i32
        %lt3A_123 = arith.cmpi slt, %add3A_121, %lt3A_122 : i32
        %convert_element_type3A_124 = arith.extui %lt3A_123 : i1 to i32
        %cond3A_125 = arith.constant 0 : i32
        %cond3A_126 = arith.cmpi ne, %convert_element_type3A_124, %cond3A_125 : i32
        scf.if %cond3A_126 {
          %add3A_127 = arith.constant 2 : i32
          %add3A_128 = arith.addi %mul3A_63, %add3A_127 : i32
          %mul3A_129 = arith.constant 128 : i32
          %mul3A_130 = arith.muli %add3A_128, %mul3A_129 : i32
          %add3A_131 = arith.addi %mul3A_38, %mul3A_130 : i32
          %run_scoped3A_132 = arith.constant 0 : i32
          "tpu.region"() ({
            %run_scoped3A_144 = tpu.sem_alloc : memref<!tpu.dma_semaphore, #tpu.memory_space<semaphore_mem>>
            %dma_start3A_145 = arith.constant 0 : i32
            %dma_start3A_146 = tpu.memref_slice %arg7[%run_scoped3A_132, %dma_start3A_145] : memref<1x128xi32, #tpu.memory_space<vmem>> -> memref<1x128xi32, #tpu.memory_space<vmem>>
            %dma_start3A_147 = tpu.memref_squeeze %dma_start3A_146 : memref<1x128xi32, #tpu.memory_space<vmem>> -> memref<128xi32, #tpu.memory_space<vmem>>
            %dma_start3A_148 = tpu.memref_slice %arg2[%add3A_131] : memref<320000xi32, #tpu.memory_space<hbm>> -> memref<128xi32, #tpu.memory_space<hbm>>
            %dma_start3A_149 = arith.constant 0 : i32
            %dma_start3A_150 = tpu.memref_slice %arg7[%run_scoped3A_132, %dma_start3A_149] : memref<1x128xi32, #tpu.memory_space<vmem>> -> memref<1x128xi32, #tpu.memory_space<vmem>>
            %dma_start3A_151 = tpu.memref_squeeze %dma_start3A_150 : memref<1x128xi32, #tpu.memory_space<vmem>> -> memref<128xi32, #tpu.memory_space<vmem>>
            %dma_start3A_152 = tpu.memref_slice %arg2[%add3A_131] : memref<320000xi32, #tpu.memory_space<hbm>> -> memref<128xi32, #tpu.memory_space<hbm>>
            tpu.enqueue_dma source(%dma_start3A_152 : memref<128xi32, #tpu.memory_space<hbm>>) target(%dma_start3A_151 : memref<128xi32, #tpu.memory_space<vmem>>) target_semaphore(%run_scoped3A_144 : memref<!tpu.dma_semaphore, #tpu.memory_space<semaphore_mem>>)
            %dma_wait3A_153 = arith.constant 0 : i32
            %dma_wait3A_154 = tpu.memref_slice %arg7[%run_scoped3A_132, %dma_wait3A_153] : memref<1x128xi32, #tpu.memory_space<vmem>> -> memref<1x128xi32, #tpu.memory_space<vmem>>
            %dma_wait3A_155 = tpu.memref_squeeze %dma_wait3A_154 : memref<1x128xi32, #tpu.memory_space<vmem>> -> memref<128xi32, #tpu.memory_space<vmem>>
            %dma_wait3A_156 = tpu.memref_slice %arg2[%add3A_131] : memref<320000xi32, #tpu.memory_space<hbm>> -> memref<128xi32, #tpu.memory_space<hbm>>
            %dma_wait3A_157 = arith.constant 0 : i32
            %dma_wait3A_158 = tpu.memref_slice %arg7[%run_scoped3A_132, %dma_wait3A_157] : memref<1x128xi32, #tpu.memory_space<vmem>> -> memref<1x128xi32, #tpu.memory_space<vmem>>
            %dma_wait3A_159 = tpu.memref_squeeze %dma_wait3A_158 : memref<1x128xi32, #tpu.memory_space<vmem>> -> memref<128xi32, #tpu.memory_space<vmem>>
            %dma_wait3A_160 = tpu.memref_slice %arg2[%add3A_131] : memref<320000xi32, #tpu.memory_space<hbm>> -> memref<128xi32, #tpu.memory_space<hbm>>
            tpu.wait_dma2 semaphore(%run_scoped3A_144 : memref<!tpu.dma_semaphore, #tpu.memory_space<semaphore_mem>>) src(%dma_wait3A_160 : memref<128xi32, #tpu.memory_space<hbm>>) dst(%dma_wait3A_159 : memref<128xi32, #tpu.memory_space<vmem>>)
            tpu.yield
          }) : () -> ()
          %mul3A_133 = arith.constant 128 : i32
          %mul3A_134 = arith.muli %add3A_128, %mul3A_133 : i32
          %add3A_135 = arith.addi %mul3A_38, %mul3A_134 : i32
          %run_scoped3A_136 = arith.constant 0 : i32
          "tpu.region"() ({
            %run_scoped3A_144 = tpu.sem_alloc : memref<!tpu.dma_semaphore, #tpu.memory_space<semaphore_mem>>
            %dma_start3A_145 = arith.constant 0 : i32
            %dma_start3A_146 = tpu.memref_slice %arg8[%run_scoped3A_136, %dma_start3A_145] : memref<1x128xi32, #tpu.memory_space<vmem>> -> memref<1x128xi32, #tpu.memory_space<vmem>>
            %dma_start3A_147 = tpu.memref_squeeze %dma_start3A_146 : memref<1x128xi32, #tpu.memory_space<vmem>> -> memref<128xi32, #tpu.memory_space<vmem>>
            %dma_start3A_148 = tpu.memref_slice %arg3[%add3A_135] : memref<320000xi32, #tpu.memory_space<hbm>> -> memref<128xi32, #tpu.memory_space<hbm>>
            %dma_start3A_149 = arith.constant 0 : i32
            %dma_start3A_150 = tpu.memref_slice %arg8[%run_scoped3A_136, %dma_start3A_149] : memref<1x128xi32, #tpu.memory_space<vmem>> -> memref<1x128xi32, #tpu.memory_space<vmem>>
            %dma_start3A_151 = tpu.memref_squeeze %dma_start3A_150 : memref<1x128xi32, #tpu.memory_space<vmem>> -> memref<128xi32, #tpu.memory_space<vmem>>
            %dma_start3A_152 = tpu.memref_slice %arg3[%add3A_135] : memref<320000xi32, #tpu.memory_space<hbm>> -> memref<128xi32, #tpu.memory_space<hbm>>
            tpu.enqueue_dma source(%dma_start3A_152 : memref<128xi32, #tpu.memory_space<hbm>>) target(%dma_start3A_151 : memref<128xi32, #tpu.memory_space<vmem>>) target_semaphore(%run_scoped3A_144 : memref<!tpu.dma_semaphore, #tpu.memory_space<semaphore_mem>>)
            %dma_wait3A_153 = arith.constant 0 : i32
            %dma_wait3A_154 = tpu.memref_slice %arg8[%run_scoped3A_136, %dma_wait3A_153] : memref<1x128xi32, #tpu.memory_space<vmem>> -> memref<1x128xi32, #tpu.memory_space<vmem>>
            %dma_wait3A_155 = tpu.memref_squeeze %dma_wait3A_154 : memref<1x128xi32, #tpu.memory_space<vmem>> -> memref<128xi32, #tpu.memory_space<vmem>>
            %dma_wait3A_156 = tpu.memref_slice %arg3[%add3A_135] : memref<320000xi32, #tpu.memory_space<hbm>> -> memref<128xi32, #tpu.memory_space<hbm>>
            %dma_wait3A_157 = arith.constant 0 : i32
            %dma_wait3A_158 = tpu.memref_slice %arg8[%run_scoped3A_136, %dma_wait3A_157] : memref<1x128xi32, #tpu.memory_space<vmem>> -> memref<1x128xi32, #tpu.memory_space<vmem>>
            %dma_wait3A_159 = tpu.memref_squeeze %dma_wait3A_158 : memref<1x128xi32, #tpu.memory_space<vmem>> -> memref<128xi32, #tpu.memory_space<vmem>>
            %dma_wait3A_160 = tpu.memref_slice %arg3[%add3A_135] : memref<320000xi32, #tpu.memory_space<hbm>> -> memref<128xi32, #tpu.memory_space<hbm>>
            tpu.wait_dma2 semaphore(%run_scoped3A_144 : memref<!tpu.dma_semaphore, #tpu.memory_space<semaphore_mem>>) src(%dma_wait3A_160 : memref<128xi32, #tpu.memory_space<hbm>>) dst(%dma_wait3A_159 : memref<128xi32, #tpu.memory_space<vmem>>)
            tpu.yield
          }) : () -> ()
          %dma_start3A_137 = arith.constant 0 : i32
          %dma_start3A_138 = arith.constant 0 : i32
          %dma_start3A_139 = tpu.memref_slice %arg7[%dma_start3A_137, %dma_start3A_138] : memref<1x128xi32, #tpu.memory_space<vmem>> -> memref<1x128xi32, #tpu.memory_space<vmem>>
          %dma_start3A_140 = tpu.memref_squeeze %dma_start3A_139 : memref<1x128xi32, #tpu.memory_space<vmem>> -> memref<128xi32, #tpu.memory_space<vmem>>
          %dma_start3A_141 = arith.constant 0 : i32
          %dma_start3A_142 = arith.constant 0 : i32
          %dma_start3A_143 = tpu.memref_slice %arg4[%dma_start3A_141, %dma_start3A_142] : memref<10000x128xf32, #tpu.memory_space<hbm>> -> memref<10000x128xf32, #tpu.memory_space<hbm>>
          tpu.enqueue_indirect_dma source(%dma_start3A_143 : memref<10000x128xf32, #tpu.memory_space<hbm>>) target(%arg11 : memref<128x128xf32, #tpu.memory_space<vmem>>) offsets(%dma_start3A_140 : memref<128xi32, #tpu.memory_space<vmem>>) semaphore(%arg17 : memref<!tpu.dma_semaphore, #tpu.memory_space<semaphore_mem>>)
        } else {
        }
      }
      %scan3A_54 = arith.constant 39 : i32
      %dma_wait3A = arith.constant 0 : i32
      %dma_wait3A_55 = arith.constant 0 : i32
      %dma_wait3A_56 = tpu.memref_slice %arg10[%dma_wait3A, %dma_wait3A_55] : memref<1x128xi32, #tpu.memory_space<vmem>> -> memref<1x128xi32, #tpu.memory_space<vmem>>
      %dma_wait3A_57 = tpu.memref_squeeze %dma_wait3A_56 : memref<1x128xi32, #tpu.memory_space<vmem>> -> memref<128xi32, #tpu.memory_space<vmem>>
      %dma_wait3A_58 = arith.constant 0 : i32
      %dma_wait3A_59 = arith.constant 0 : i32
      %dma_wait3A_60 = tpu.memref_slice %arg16[%dma_wait3A_58, %dma_wait3A_59] : memref<10000x128xf32, #tpu.memory_space<vmem_shared>> -> memref<10000x128xf32, #tpu.memory_space<vmem_shared>>
      tpu.wait_indirect_dma semaphore(%arg20 : memref<!tpu.dma_semaphore, #tpu.memory_space<semaphore_mem>>) src(%arg12 : memref<128x128xf32, #tpu.memory_space<vmem>>) dst(%dma_wait3A_60 : memref<10000x128xf32, #tpu.memory_space<vmem_shared>>)
    } else {
    }
    %eq3A_16 = arith.constant 0 : i32
    %eq3A_17 = arith.cmpi eq, %arg0, %eq3A_16 : i32
    %convert_element_type3A_18 = arith.extui %eq3A_17 : i1 to i32
    %cond3A_19 = arith.constant 0 : i32
    %cond3A_20 = arith.cmpi ne, %convert_element_type3A_18, %cond3A_19 : i32
    scf.if %cond3A_20 {
      %add3A = arith.constant 0 : i32
      %add3A_37 = arith.addi %add3A, %arg1 : i32
      %mul3A = arith.constant 10000 : i32
      %mul3A_38 = arith.muli %add3A_37, %mul3A : i32
      %add3A_39 = arith.constant 9984 : i32
      %add3A_40 = arith.addi %mul3A_38, %add3A_39 : i32
      %run_scoped3A = arith.constant 0 : i32
      "tpu.region"() ({
        %run_scoped3A_55 = tpu.sem_alloc : memref<!tpu.dma_semaphore, #tpu.memory_space<semaphore_mem>>
        %dma_start3A_56 = arith.constant 0 : i32
        %dma_start3A_57 = tpu.memref_slice %arg13[%run_scoped3A, %dma_start3A_56] : memref<1x16xi32, #tpu.memory_space<vmem>> -> memref<1x16xi32, #tpu.memory_space<vmem>>
        %dma_start3A_58 = tpu.memref_squeeze %dma_start3A_57 : memref<1x16xi32, #tpu.memory_space<vmem>> -> memref<16xi32, #tpu.memory_space<vmem>>
        %dma_start3A_59 = tpu.memref_slice %arg2[%add3A_40] : memref<320000xi32, #tpu.memory_space<hbm>> -> memref<16xi32, #tpu.memory_space<hbm>>
        %dma_start3A_60 = arith.constant 0 : i32
        %dma_start3A_61 = tpu.memref_slice %arg13[%run_scoped3A, %dma_start3A_60] : memref<1x16xi32, #tpu.memory_space<vmem>> -> memref<1x16xi32, #tpu.memory_space<vmem>>
        %dma_start3A_62 = tpu.memref_squeeze %dma_start3A_61 : memref<1x16xi32, #tpu.memory_space<vmem>> -> memref<16xi32, #tpu.memory_space<vmem>>
        %dma_start3A_63 = tpu.memref_slice %arg2[%add3A_40] : memref<320000xi32, #tpu.memory_space<hbm>> -> memref<16xi32, #tpu.memory_space<hbm>>
        tpu.enqueue_dma source(%dma_start3A_63 : memref<16xi32, #tpu.memory_space<hbm>>) target(%dma_start3A_62 : memref<16xi32, #tpu.memory_space<vmem>>) target_semaphore(%run_scoped3A_55 : memref<!tpu.dma_semaphore, #tpu.memory_space<semaphore_mem>>)
        %dma_wait3A_64 = arith.constant 0 : i32
        %dma_wait3A_65 = tpu.memref_slice %arg13[%run_scoped3A, %dma_wait3A_64] : memref<1x16xi32, #tpu.memory_space<vmem>> -> memref<1x16xi32, #tpu.memory_space<vmem>>
        %dma_wait3A_66 = tpu.memref_squeeze %dma_wait3A_65 : memref<1x16xi32, #tpu.memory_space<vmem>> -> memref<16xi32, #tpu.memory_space<vmem>>
        %dma_wait3A_67 = tpu.memref_slice %arg2[%add3A_40] : memref<320000xi32, #tpu.memory_space<hbm>> -> memref<16xi32, #tpu.memory_space<hbm>>
        %dma_wait3A_68 = arith.constant 0 : i32
        %dma_wait3A_69 = tpu.memref_slice %arg13[%run_scoped3A, %dma_wait3A_68] : memref<1x16xi32, #tpu.memory_space<vmem>> -> memref<1x16xi32, #tpu.memory_space<vmem>>
        %dma_wait3A_70 = tpu.memref_squeeze %dma_wait3A_69 : memref<1x16xi32, #tpu.memory_space<vmem>> -> memref<16xi32, #tpu.memory_space<vmem>>
        %dma_wait3A_71 = tpu.memref_slice %arg2[%add3A_40] : memref<320000xi32, #tpu.memory_space<hbm>> -> memref<16xi32, #tpu.memory_space<hbm>>
        tpu.wait_dma2 semaphore(%run_scoped3A_55 : memref<!tpu.dma_semaphore, #tpu.memory_space<semaphore_mem>>) src(%dma_wait3A_71 : memref<16xi32, #tpu.memory_space<hbm>>) dst(%dma_wait3A_70 : memref<16xi32, #tpu.memory_space<vmem>>)
        tpu.yield
      }) : () -> ()
      %run_scoped3A_41 = arith.constant 0 : i32
      "tpu.region"() ({
        %run_scoped3A_55 = tpu.sem_alloc : memref<!tpu.dma_semaphore, #tpu.memory_space<semaphore_mem>>
        %dma_start3A_56 = arith.constant 0 : i32
        %dma_start3A_57 = tpu.memref_slice %arg14[%run_scoped3A_41, %dma_start3A_56] : memref<1x16xi32, #tpu.memory_space<vmem>> -> memref<1x16xi32, #tpu.memory_space<vmem>>
        %dma_start3A_58 = tpu.memref_squeeze %dma_start3A_57 : memref<1x16xi32, #tpu.memory_space<vmem>> -> memref<16xi32, #tpu.memory_space<vmem>>
        %dma_start3A_59 = tpu.memref_slice %arg3[%add3A_40] : memref<320000xi32, #tpu.memory_space<hbm>> -> memref<16xi32, #tpu.memory_space<hbm>>
        %dma_start3A_60 = arith.constant 0 : i32
        %dma_start3A_61 = tpu.memref_slice %arg14[%run_scoped3A_41, %dma_start3A_60] : memref<1x16xi32, #tpu.memory_space<vmem>> -> memref<1x16xi32, #tpu.memory_space<vmem>>
        %dma_start3A_62 = tpu.memref_squeeze %dma_start3A_61 : memref<1x16xi32, #tpu.memory_space<vmem>> -> memref<16xi32, #tpu.memory_space<vmem>>
        %dma_start3A_63 = tpu.memref_slice %arg3[%add3A_40] : memref<320000xi32, #tpu.memory_space<hbm>> -> memref<16xi32, #tpu.memory_space<hbm>>
        tpu.enqueue_dma source(%dma_start3A_63 : memref<16xi32, #tpu.memory_space<hbm>>) target(%dma_start3A_62 : memref<16xi32, #tpu.memory_space<vmem>>) target_semaphore(%run_scoped3A_55 : memref<!tpu.dma_semaphore, #tpu.memory_space<semaphore_mem>>)
        %dma_wait3A_64 = arith.constant 0 : i32
        %dma_wait3A_65 = tpu.memref_slice %arg14[%run_scoped3A_41, %dma_wait3A_64] : memref<1x16xi32, #tpu.memory_space<vmem>> -> memref<1x16xi32, #tpu.memory_space<vmem>>
        %dma_wait3A_66 = tpu.memref_squeeze %dma_wait3A_65 : memref<1x16xi32, #tpu.memory_space<vmem>> -> memref<16xi32, #tpu.memory_space<vmem>>
        %dma_wait3A_67 = tpu.memref_slice %arg3[%add3A_40] : memref<320000xi32, #tpu.memory_space<hbm>> -> memref<16xi32, #tpu.memory_space<hbm>>
        %dma_wait3A_68 = arith.constant 0 : i32
        %dma_wait3A_69 = tpu.memref_slice %arg14[%run_scoped3A_41, %dma_wait3A_68] : memref<1x16xi32, #tpu.memory_space<vmem>> -> memref<1x16xi32, #tpu.memory_space<vmem>>
        %dma_wait3A_70 = tpu.memref_squeeze %dma_wait3A_69 : memref<1x16xi32, #tpu.memory_space<vmem>> -> memref<16xi32, #tpu.memory_space<vmem>>
        %dma_wait3A_71 = tpu.memref_slice %arg3[%add3A_40] : memref<320000xi32, #tpu.memory_space<hbm>> -> memref<16xi32, #tpu.memory_space<hbm>>
        tpu.wait_dma2 semaphore(%run_scoped3A_55 : memref<!tpu.dma_semaphore, #tpu.memory_space<semaphore_mem>>) src(%dma_wait3A_71 : memref<16xi32, #tpu.memory_space<hbm>>) dst(%dma_wait3A_70 : memref<16xi32, #tpu.memory_space<vmem>>)
        tpu.yield
      }) : () -> ()
      %dma_start3A = arith.constant 0 : i32
      %dma_start3A_42 = arith.constant 0 : i32
      %dma_start3A_43 = tpu.memref_slice %arg13[%dma_start3A, %dma_start3A_42] : memref<1x16xi32, #tpu.memory_space<vmem>> -> memref<1x16xi32, #tpu.memory_space<vmem>>
      %dma_start3A_44 = tpu.memref_squeeze %dma_start3A_43 : memref<1x16xi32, #tpu.memory_space<vmem>> -> memref<16xi32, #tpu.memory_space<vmem>>
      %dma_start3A_45 = arith.constant 0 : i32
      %dma_start3A_46 = arith.constant 0 : i32
      %dma_start3A_47 = tpu.memref_slice %arg4[%dma_start3A_45, %dma_start3A_46] : memref<10000x128xf32, #tpu.memory_space<hbm>> -> memref<10000x128xf32, #tpu.memory_space<hbm>>
      tpu.enqueue_indirect_dma source(%dma_start3A_47 : memref<10000x128xf32, #tpu.memory_space<hbm>>) target(%arg15 : memref<16x128xf32, #tpu.memory_space<vmem>>) offsets(%dma_start3A_44 : memref<16xi32, #tpu.memory_space<vmem>>) semaphore(%arg17 : memref<!tpu.dma_semaphore, #tpu.memory_space<semaphore_mem>>)
      %dma_wait3A = arith.constant 0 : i32
      %dma_wait3A_48 = arith.constant 0 : i32
      %dma_wait3A_49 = tpu.memref_slice %arg13[%dma_wait3A, %dma_wait3A_48] : memref<1x16xi32, #tpu.memory_space<vmem>> -> memref<1x16xi32, #tpu.memory_space<vmem>>
      %dma_wait3A_50 = tpu.memref_squeeze %dma_wait3A_49 : memref<1x16xi32, #tpu.memory_space<vmem>> -> memref<16xi32, #tpu.memory_space<vmem>>
      %dma_wait3A_51 = arith.constant 0 : i32
      %dma_wait3A_52 = arith.constant 0 : i32
      %dma_wait3A_53 = tpu.memref_slice %arg4[%dma_wait3A_51, %dma_wait3A_52] : memref<10000x128xf32, #tpu.memory_space<hbm>> -> memref<10000x128xf32, #tpu.memory_space<hbm>>
      tpu.wait_indirect_dma semaphore(%arg17 : memref<!tpu.dma_semaphore, #tpu.memory_space<semaphore_mem>>) src(%dma_wait3A_53 : memref<10000x128xf32, #tpu.memory_space<hbm>>) dst(%arg15 : memref<16x128xf32, #tpu.memory_space<vmem>>)
      %run_scoped3A_54 = arith.constant 0 : i32
      "tpu.region"() ({
        %run_scoped3A_55 = tpu.sem_alloc : memref<!tpu.dma_semaphore, #tpu.memory_space<semaphore_mem>>
        %dma_start3A_56 = arith.constant 0 : i32
        %dma_start3A_57 = tpu.memref_slice %arg14[%run_scoped3A_54, %dma_start3A_56] : memref<1x16xi32, #tpu.memory_space<vmem>> -> memref<1x16xi32, #tpu.memory_space<vmem>>
        %dma_start3A_58 = tpu.memref_squeeze %dma_start3A_57 : memref<1x16xi32, #tpu.memory_space<vmem>> -> memref<16xi32, #tpu.memory_space<vmem>>
        %dma_start3A_59 = arith.constant 0 : i32
        %dma_start3A_60 = arith.constant 0 : i32
        %dma_start3A_61 = tpu.memref_slice %arg16[%dma_start3A_59, %dma_start3A_60] : memref<10000x128xf32, #tpu.memory_space<vmem_shared>> -> memref<10000x128xf32, #tpu.memory_space<vmem_shared>>
        tpu.enqueue_indirect_dma source(%arg15 : memref<16x128xf32, #tpu.memory_space<vmem>>) target(%dma_start3A_61 : memref<10000x128xf32, #tpu.memory_space<vmem_shared>>) offsets(%dma_start3A_58 : memref<16xi32, #tpu.memory_space<vmem>>) semaphore(%run_scoped3A_55 : memref<!tpu.dma_semaphore, #tpu.memory_space<semaphore_mem>>) {add = true}
        %dma_wait3A_62 = arith.constant 0 : i32
        %dma_wait3A_63 = tpu.memref_slice %arg14[%run_scoped3A_54, %dma_wait3A_62] : memref<1x16xi32, #tpu.memory_space<vmem>> -> memref<1x16xi32, #tpu.memory_space<vmem>>
        %dma_wait3A_64 = tpu.memref_squeeze %dma_wait3A_63 : memref<1x16xi32, #tpu.memory_space<vmem>> -> memref<16xi32, #tpu.memory_space<vmem>>
        %dma_wait3A_65 = arith.constant 0 : i32
        %dma_wait3A_66 = arith.constant 0 : i32
        %dma_wait3A_67 = tpu.memref_slice %arg16[%dma_wait3A_65, %dma_wait3A_66] : memref<10000x128xf32, #tpu.memory_space<vmem_shared>> -> memref<10000x128xf32, #tpu.memory_space<vmem_shared>>
        tpu.wait_indirect_dma semaphore(%run_scoped3A_55 : memref<!tpu.dma_semaphore, #tpu.memory_space<semaphore_mem>>) src(%arg15 : memref<16x128xf32, #tpu.memory_space<vmem>>) dst(%dma_wait3A_67 : memref<10000x128xf32, #tpu.memory_space<vmem_shared>>)
        tpu.yield
      }) : () -> ()
    } else {
    }
    %eq3A_21 = arith.constant 1 : i32
    %eq3A_22 = arith.cmpi eq, %arg0, %eq3A_21 : i32
    %convert_element_type3A_23 = arith.extui %eq3A_22 : i1 to i32
    %cond3A_24 = arith.constant 0 : i32
    %cond3A_25 = arith.cmpi ne, %convert_element_type3A_23, %cond3A_24 : i32
    scf.if %cond3A_25 {
      %add3A = arith.constant 16 : i32
      %add3A_37 = arith.addi %add3A, %arg1 : i32
      %mul3A = arith.constant 10000 : i32
      %mul3A_38 = arith.muli %add3A_37, %mul3A : i32
      %add3A_39 = arith.constant 9984 : i32
      %add3A_40 = arith.addi %mul3A_38, %add3A_39 : i32
      %run_scoped3A = arith.constant 0 : i32
      "tpu.region"() ({
        %run_scoped3A_55 = tpu.sem_alloc : memref<!tpu.dma_semaphore, #tpu.memory_space<semaphore_mem>>
        %dma_start3A_56 = arith.constant 0 : i32
        %dma_start3A_57 = tpu.memref_slice %arg13[%run_scoped3A, %dma_start3A_56] : memref<1x16xi32, #tpu.memory_space<vmem>> -> memref<1x16xi32, #tpu.memory_space<vmem>>
        %dma_start3A_58 = tpu.memref_squeeze %dma_start3A_57 : memref<1x16xi32, #tpu.memory_space<vmem>> -> memref<16xi32, #tpu.memory_space<vmem>>
        %dma_start3A_59 = tpu.memref_slice %arg2[%add3A_40] : memref<320000xi32, #tpu.memory_space<hbm>> -> memref<16xi32, #tpu.memory_space<hbm>>
        %dma_start3A_60 = arith.constant 0 : i32
        %dma_start3A_61 = tpu.memref_slice %arg13[%run_scoped3A, %dma_start3A_60] : memref<1x16xi32, #tpu.memory_space<vmem>> -> memref<1x16xi32, #tpu.memory_space<vmem>>
        %dma_start3A_62 = tpu.memref_squeeze %dma_start3A_61 : memref<1x16xi32, #tpu.memory_space<vmem>> -> memref<16xi32, #tpu.memory_space<vmem>>
        %dma_start3A_63 = tpu.memref_slice %arg2[%add3A_40] : memref<320000xi32, #tpu.memory_space<hbm>> -> memref<16xi32, #tpu.memory_space<hbm>>
        tpu.enqueue_dma source(%dma_start3A_63 : memref<16xi32, #tpu.memory_space<hbm>>) target(%dma_start3A_62 : memref<16xi32, #tpu.memory_space<vmem>>) target_semaphore(%run_scoped3A_55 : memref<!tpu.dma_semaphore, #tpu.memory_space<semaphore_mem>>)
        %dma_wait3A_64 = arith.constant 0 : i32
        %dma_wait3A_65 = tpu.memref_slice %arg13[%run_scoped3A, %dma_wait3A_64] : memref<1x16xi32, #tpu.memory_space<vmem>> -> memref<1x16xi32, #tpu.memory_space<vmem>>
        %dma_wait3A_66 = tpu.memref_squeeze %dma_wait3A_65 : memref<1x16xi32, #tpu.memory_space<vmem>> -> memref<16xi32, #tpu.memory_space<vmem>>
        %dma_wait3A_67 = tpu.memref_slice %arg2[%add3A_40] : memref<320000xi32, #tpu.memory_space<hbm>> -> memref<16xi32, #tpu.memory_space<hbm>>
        %dma_wait3A_68 = arith.constant 0 : i32
        %dma_wait3A_69 = tpu.memref_slice %arg13[%run_scoped3A, %dma_wait3A_68] : memref<1x16xi32, #tpu.memory_space<vmem>> -> memref<1x16xi32, #tpu.memory_space<vmem>>
        %dma_wait3A_70 = tpu.memref_squeeze %dma_wait3A_69 : memref<1x16xi32, #tpu.memory_space<vmem>> -> memref<16xi32, #tpu.memory_space<vmem>>
        %dma_wait3A_71 = tpu.memref_slice %arg2[%add3A_40] : memref<320000xi32, #tpu.memory_space<hbm>> -> memref<16xi32, #tpu.memory_space<hbm>>
        tpu.wait_dma2 semaphore(%run_scoped3A_55 : memref<!tpu.dma_semaphore, #tpu.memory_space<semaphore_mem>>) src(%dma_wait3A_71 : memref<16xi32, #tpu.memory_space<hbm>>) dst(%dma_wait3A_70 : memref<16xi32, #tpu.memory_space<vmem>>)
        tpu.yield
      }) : () -> ()
      %run_scoped3A_41 = arith.constant 0 : i32
      "tpu.region"() ({
        %run_scoped3A_55 = tpu.sem_alloc : memref<!tpu.dma_semaphore, #tpu.memory_space<semaphore_mem>>
        %dma_start3A_56 = arith.constant 0 : i32
        %dma_start3A_57 = tpu.memref_slice %arg14[%run_scoped3A_41, %dma_start3A_56] : memref<1x16xi32, #tpu.memory_space<vmem>> -> memref<1x16xi32, #tpu.memory_space<vmem>>
        %dma_start3A_58 = tpu.memref_squeeze %dma_start3A_57 : memref<1x16xi32, #tpu.memory_space<vmem>> -> memref<16xi32, #tpu.memory_space<vmem>>
        %dma_start3A_59 = tpu.memref_slice %arg3[%add3A_40] : memref<320000xi32, #tpu.memory_space<hbm>> -> memref<16xi32, #tpu.memory_space<hbm>>
        %dma_start3A_60 = arith.constant 0 : i32
        %dma_start3A_61 = tpu.memref_slice %arg14[%run_scoped3A_41, %dma_start3A_60] : memref<1x16xi32, #tpu.memory_space<vmem>> -> memref<1x16xi32, #tpu.memory_space<vmem>>
        %dma_start3A_62 = tpu.memref_squeeze %dma_start3A_61 : memref<1x16xi32, #tpu.memory_space<vmem>> -> memref<16xi32, #tpu.memory_space<vmem>>
        %dma_start3A_63 = tpu.memref_slice %arg3[%add3A_40] : memref<320000xi32, #tpu.memory_space<hbm>> -> memref<16xi32, #tpu.memory_space<hbm>>
        tpu.enqueue_dma source(%dma_start3A_63 : memref<16xi32, #tpu.memory_space<hbm>>) target(%dma_start3A_62 : memref<16xi32, #tpu.memory_space<vmem>>) target_semaphore(%run_scoped3A_55 : memref<!tpu.dma_semaphore, #tpu.memory_space<semaphore_mem>>)
        %dma_wait3A_64 = arith.constant 0 : i32
        %dma_wait3A_65 = tpu.memref_slice %arg14[%run_scoped3A_41, %dma_wait3A_64] : memref<1x16xi32, #tpu.memory_space<vmem>> -> memref<1x16xi32, #tpu.memory_space<vmem>>
        %dma_wait3A_66 = tpu.memref_squeeze %dma_wait3A_65 : memref<1x16xi32, #tpu.memory_space<vmem>> -> memref<16xi32, #tpu.memory_space<vmem>>
        %dma_wait3A_67 = tpu.memref_slice %arg3[%add3A_40] : memref<320000xi32, #tpu.memory_space<hbm>> -> memref<16xi32, #tpu.memory_space<hbm>>
        %dma_wait3A_68 = arith.constant 0 : i32
        %dma_wait3A_69 = tpu.memref_slice %arg14[%run_scoped3A_41, %dma_wait3A_68] : memref<1x16xi32, #tpu.memory_space<vmem>> -> memref<1x16xi32, #tpu.memory_space<vmem>>
        %dma_wait3A_70 = tpu.memref_squeeze %dma_wait3A_69 : memref<1x16xi32, #tpu.memory_space<vmem>> -> memref<16xi32, #tpu.memory_space<vmem>>
        %dma_wait3A_71 = tpu.memref_slice %arg3[%add3A_40] : memref<320000xi32, #tpu.memory_space<hbm>> -> memref<16xi32, #tpu.memory_space<hbm>>
        tpu.wait_dma2 semaphore(%run_scoped3A_55 : memref<!tpu.dma_semaphore, #tpu.memory_space<semaphore_mem>>) src(%dma_wait3A_71 : memref<16xi32, #tpu.memory_space<hbm>>) dst(%dma_wait3A_70 : memref<16xi32, #tpu.memory_space<vmem>>)
        tpu.yield
      }) : () -> ()
      %dma_start3A = arith.constant 0 : i32
      %dma_start3A_42 = arith.constant 0 : i32
      %dma_start3A_43 = tpu.memref_slice %arg13[%dma_start3A, %dma_start3A_42] : memref<1x16xi32, #tpu.memory_space<vmem>> -> memref<1x16xi32, #tpu.memory_space<vmem>>
      %dma_start3A_44 = tpu.memref_squeeze %dma_start3A_43 : memref<1x16xi32, #tpu.memory_space<vmem>> -> memref<16xi32, #tpu.memory_space<vmem>>
      %dma_start3A_45 = arith.constant 0 : i32
      %dma_start3A_46 = arith.constant 0 : i32
      %dma_start3A_47 = tpu.memref_slice %arg4[%dma_start3A_45, %dma_start3A_46] : memref<10000x128xf32, #tpu.memory_space<hbm>> -> memref<10000x128xf32, #tpu.memory_space<hbm>>
      tpu.enqueue_indirect_dma source(%dma_start3A_47 : memref<10000x128xf32, #tpu.memory_space<hbm>>) target(%arg15 : memref<16x128xf32, #tpu.memory_space<vmem>>) offsets(%dma_start3A_44 : memref<16xi32, #tpu.memory_space<vmem>>) semaphore(%arg17 : memref<!tpu.dma_semaphore, #tpu.memory_space<semaphore_mem>>)
      %dma_wait3A = arith.constant 0 : i32
      %dma_wait3A_48 = arith.constant 0 : i32
      %dma_wait3A_49 = tpu.memref_slice %arg13[%dma_wait3A, %dma_wait3A_48] : memref<1x16xi32, #tpu.memory_space<vmem>> -> memref<1x16xi32, #tpu.memory_space<vmem>>
      %dma_wait3A_50 = tpu.memref_squeeze %dma_wait3A_49 : memref<1x16xi32, #tpu.memory_space<vmem>> -> memref<16xi32, #tpu.memory_space<vmem>>
      %dma_wait3A_51 = arith.constant 0 : i32
      %dma_wait3A_52 = arith.constant 0 : i32
      %dma_wait3A_53 = tpu.memref_slice %arg4[%dma_wait3A_51, %dma_wait3A_52] : memref<10000x128xf32, #tpu.memory_space<hbm>> -> memref<10000x128xf32, #tpu.memory_space<hbm>>
      tpu.wait_indirect_dma semaphore(%arg17 : memref<!tpu.dma_semaphore, #tpu.memory_space<semaphore_mem>>) src(%dma_wait3A_53 : memref<10000x128xf32, #tpu.memory_space<hbm>>) dst(%arg15 : memref<16x128xf32, #tpu.memory_space<vmem>>)
      %run_scoped3A_54 = arith.constant 0 : i32
      "tpu.region"() ({
        %run_scoped3A_55 = tpu.sem_alloc : memref<!tpu.dma_semaphore, #tpu.memory_space<semaphore_mem>>
        %dma_start3A_56 = arith.constant 0 : i32
        %dma_start3A_57 = tpu.memref_slice %arg14[%run_scoped3A_54, %dma_start3A_56] : memref<1x16xi32, #tpu.memory_space<vmem>> -> memref<1x16xi32, #tpu.memory_space<vmem>>
        %dma_start3A_58 = tpu.memref_squeeze %dma_start3A_57 : memref<1x16xi32, #tpu.memory_space<vmem>> -> memref<16xi32, #tpu.memory_space<vmem>>
        %dma_start3A_59 = arith.constant 0 : i32
        %dma_start3A_60 = arith.constant 0 : i32
        %dma_start3A_61 = tpu.memref_slice %arg16[%dma_start3A_59, %dma_start3A_60] : memref<10000x128xf32, #tpu.memory_space<vmem_shared>> -> memref<10000x128xf32, #tpu.memory_space<vmem_shared>>
        tpu.enqueue_indirect_dma source(%arg15 : memref<16x128xf32, #tpu.memory_space<vmem>>) target(%dma_start3A_61 : memref<10000x128xf32, #tpu.memory_space<vmem_shared>>) offsets(%dma_start3A_58 : memref<16xi32, #tpu.memory_space<vmem>>) semaphore(%run_scoped3A_55 : memref<!tpu.dma_semaphore, #tpu.memory_space<semaphore_mem>>) {add = true}
        %dma_wait3A_62 = arith.constant 0 : i32
        %dma_wait3A_63 = tpu.memref_slice %arg14[%run_scoped3A_54, %dma_wait3A_62] : memref<1x16xi32, #tpu.memory_space<vmem>> -> memref<1x16xi32, #tpu.memory_space<vmem>>
        %dma_wait3A_64 = tpu.memref_squeeze %dma_wait3A_63 : memref<1x16xi32, #tpu.memory_space<vmem>> -> memref<16xi32, #tpu.memory_space<vmem>>
        %dma_wait3A_65 = arith.constant 0 : i32
        %dma_wait3A_66 = arith.constant 0 : i32
        %dma_wait3A_67 = tpu.memref_slice %arg16[%dma_wait3A_65, %dma_wait3A_66] : memref<10000x128xf32, #tpu.memory_space<vmem_shared>> -> memref<10000x128xf32, #tpu.memory_space<vmem_shared>>
        tpu.wait_indirect_dma semaphore(%run_scoped3A_55 : memref<!tpu.dma_semaphore, #tpu.memory_space<semaphore_mem>>) src(%arg15 : memref<16x128xf32, #tpu.memory_space<vmem>>) dst(%dma_wait3A_67 : memref<10000x128xf32, #tpu.memory_space<vmem_shared>>)
        tpu.yield
      }) : () -> ()
    } else {
    }
    %barrier3A_26 = arith.constant 0 : index
    tpu.barrier barrier_id(%barrier3A_26)
    %eq3A_27 = arith.constant 0 : i32
    %eq3A_28 = arith.cmpi eq, %arg0, %eq3A_27 : i32
    %convert_element_type3A_29 = arith.extui %eq3A_28 : i1 to i32
    %cond3A_30 = arith.constant 0 : i32
    %cond3A_31 = arith.cmpi ne, %convert_element_type3A_29, %cond3A_30 : i32
    scf.if %cond3A_31 {
      %lt3A_37 = arith.constant 15 : i32
      %lt3A_38 = arith.cmpi slt, %arg1, %lt3A_37 : i32
      %convert_element_type3A_39 = arith.extui %lt3A_38 : i1 to i32
      %cond3A_40 = arith.constant 0 : i32
      %cond3A_41 = arith.cmpi ne, %convert_element_type3A_39, %cond3A_40 : i32
      scf.if %cond3A_41 {
        %mul3A = arith.constant 640 : i32
        %mul3A_47 = arith.muli %arg1, %mul3A : i32
        %multiple_of3A = tpu.assume_multiple %mul3A_47, 8 : i32
        %run_scoped3A = arith.constant 0 : i32
        "tpu.region"() ({
          %run_scoped3A_48 = tpu.sem_alloc : memref<!tpu.dma_semaphore, #tpu.memory_space<semaphore_mem>>
          %dma_start3A = arith.constant 0 : i32
          %dma_start3A_49 = tpu.memref_slice %arg6[%run_scoped3A, %multiple_of3A, %dma_start3A] : memref<2x10000x128xf32, #tpu.memory_space<hbm>> -> memref<1x640x128xf32, #tpu.memory_space<hbm>>
          %dma_start3A_50 = tpu.memref_squeeze %dma_start3A_49 : memref<1x640x128xf32, #tpu.memory_space<hbm>> -> memref<640x128xf32, #tpu.memory_space<hbm>>
          %dma_start3A_51 = arith.constant 0 : i32
          %dma_start3A_52 = tpu.memref_slice %arg16[%multiple_of3A, %dma_start3A_51] : memref<10000x128xf32, #tpu.memory_space<vmem_shared>> -> memref<640x128xf32, #tpu.memory_space<vmem_shared>>
          tpu.enqueue_dma source(%dma_start3A_52 : memref<640x128xf32, #tpu.memory_space<vmem_shared>>) target(%dma_start3A_50 : memref<640x128xf32, #tpu.memory_space<hbm>>) target_semaphore(%run_scoped3A_48 : memref<!tpu.dma_semaphore, #tpu.memory_space<semaphore_mem>>)
          %dma_wait3A = arith.constant 0 : i32
          %dma_wait3A_53 = tpu.memref_slice %arg6[%run_scoped3A, %multiple_of3A, %dma_wait3A] : memref<2x10000x128xf32, #tpu.memory_space<hbm>> -> memref<1x640x128xf32, #tpu.memory_space<hbm>>
          %dma_wait3A_54 = tpu.memref_squeeze %dma_wait3A_53 : memref<1x640x128xf32, #tpu.memory_space<hbm>> -> memref<640x128xf32, #tpu.memory_space<hbm>>
          %dma_wait3A_55 = arith.constant 0 : i32
          %dma_wait3A_56 = tpu.memref_slice %arg16[%multiple_of3A, %dma_wait3A_55] : memref<10000x128xf32, #tpu.memory_space<vmem_shared>> -> memref<640x128xf32, #tpu.memory_space<vmem_shared>>
          tpu.wait_dma2 semaphore(%run_scoped3A_48 : memref<!tpu.dma_semaphore, #tpu.memory_space<semaphore_mem>>) src(%dma_wait3A_56 : memref<640x128xf32, #tpu.memory_space<vmem_shared>>) dst(%dma_wait3A_54 : memref<640x128xf32, #tpu.memory_space<hbm>>)
          tpu.yield
        }) : () -> ()
      } else {
      }
      %eq3A_42 = arith.constant 15 : i32
      %eq3A_43 = arith.cmpi eq, %arg1, %eq3A_42 : i32
      %convert_element_type3A_44 = arith.extui %eq3A_43 : i1 to i32
      %cond3A_45 = arith.constant 0 : i32
      %cond3A_46 = arith.cmpi ne, %convert_element_type3A_44, %cond3A_45 : i32
      scf.if %cond3A_46 {
        %run_scoped3A = arith.constant 0 : i32
        "tpu.region"() ({
          %run_scoped3A_47 = tpu.sem_alloc : memref<!tpu.dma_semaphore, #tpu.memory_space<semaphore_mem>>
          %dma_start3A = arith.constant 9600 : i32
          %dma_start3A_48 = arith.constant 0 : i32
          %dma_start3A_49 = tpu.memref_slice %arg6[%run_scoped3A, %dma_start3A, %dma_start3A_48] : memref<2x10000x128xf32, #tpu.memory_space<hbm>> -> memref<1x400x128xf32, #tpu.memory_space<hbm>>
          %dma_start3A_50 = tpu.memref_squeeze %dma_start3A_49 : memref<1x400x128xf32, #tpu.memory_space<hbm>> -> memref<400x128xf32, #tpu.memory_space<hbm>>
          %dma_start3A_51 = arith.constant 9600 : i32
          %dma_start3A_52 = arith.constant 0 : i32
          %dma_start3A_53 = tpu.memref_slice %arg16[%dma_start3A_51, %dma_start3A_52] : memref<10000x128xf32, #tpu.memory_space<vmem_shared>> -> memref<400x128xf32, #tpu.memory_space<vmem_shared>>
          tpu.enqueue_dma source(%dma_start3A_53 : memref<400x128xf32, #tpu.memory_space<vmem_shared>>) target(%dma_start3A_50 : memref<400x128xf32, #tpu.memory_space<hbm>>) target_semaphore(%run_scoped3A_47 : memref<!tpu.dma_semaphore, #tpu.memory_space<semaphore_mem>>)
          %dma_wait3A = arith.constant 9600 : i32
          %dma_wait3A_54 = arith.constant 0 : i32
          %dma_wait3A_55 = tpu.memref_slice %arg6[%run_scoped3A, %dma_wait3A, %dma_wait3A_54] : memref<2x10000x128xf32, #tpu.memory_space<hbm>> -> memref<1x400x128xf32, #tpu.memory_space<hbm>>
          %dma_wait3A_56 = tpu.memref_squeeze %dma_wait3A_55 : memref<1x400x128xf32, #tpu.memory_space<hbm>> -> memref<400x128xf32, #tpu.memory_space<hbm>>
          %dma_wait3A_57 = arith.constant 9600 : i32
          %dma_wait3A_58 = arith.constant 0 : i32
          %dma_wait3A_59 = tpu.memref_slice %arg16[%dma_wait3A_57, %dma_wait3A_58] : memref<10000x128xf32, #tpu.memory_space<vmem_shared>> -> memref<400x128xf32, #tpu.memory_space<vmem_shared>>
          tpu.wait_dma2 semaphore(%run_scoped3A_47 : memref<!tpu.dma_semaphore, #tpu.memory_space<semaphore_mem>>) src(%dma_wait3A_59 : memref<400x128xf32, #tpu.memory_space<vmem_shared>>) dst(%dma_wait3A_56 : memref<400x128xf32, #tpu.memory_space<hbm>>)
          tpu.yield
        }) : () -> ()
      } else {
      }
    } else {
    }
    %eq3A_32 = arith.constant 1 : i32
    %eq3A_33 = arith.cmpi eq, %arg0, %eq3A_32 : i32
    %convert_element_type3A_34 = arith.extui %eq3A_33 : i1 to i32
    %cond3A_35 = arith.constant 0 : i32
    %cond3A_36 = arith.cmpi ne, %convert_element_type3A_34, %cond3A_35 : i32
    scf.if %cond3A_36 {
      %lt3A_37 = arith.constant 15 : i32
      %lt3A_38 = arith.cmpi slt, %arg1, %lt3A_37 : i32
      %convert_element_type3A_39 = arith.extui %lt3A_38 : i1 to i32
      %cond3A_40 = arith.constant 0 : i32
      %cond3A_41 = arith.cmpi ne, %convert_element_type3A_39, %cond3A_40 : i32
      scf.if %cond3A_41 {
        %mul3A = arith.constant 640 : i32
        %mul3A_47 = arith.muli %arg1, %mul3A : i32
        %multiple_of3A = tpu.assume_multiple %mul3A_47, 8 : i32
        %run_scoped3A = arith.constant 1 : i32
        "tpu.region"() ({
          %run_scoped3A_48 = tpu.sem_alloc : memref<!tpu.dma_semaphore, #tpu.memory_space<semaphore_mem>>
          %dma_start3A = arith.constant 0 : i32
          %dma_start3A_49 = tpu.memref_slice %arg6[%run_scoped3A, %multiple_of3A, %dma_start3A] : memref<2x10000x128xf32, #tpu.memory_space<hbm>> -> memref<1x640x128xf32, #tpu.memory_space<hbm>>
          %dma_start3A_50 = tpu.memref_squeeze %dma_start3A_49 : memref<1x640x128xf32, #tpu.memory_space<hbm>> -> memref<640x128xf32, #tpu.memory_space<hbm>>
          %dma_start3A_51 = arith.constant 0 : i32
          %dma_start3A_52 = tpu.memref_slice %arg16[%multiple_of3A, %dma_start3A_51] : memref<10000x128xf32, #tpu.memory_space<vmem_shared>> -> memref<640x128xf32, #tpu.memory_space<vmem_shared>>
          tpu.enqueue_dma source(%dma_start3A_52 : memref<640x128xf32, #tpu.memory_space<vmem_shared>>) target(%dma_start3A_50 : memref<640x128xf32, #tpu.memory_space<hbm>>) target_semaphore(%run_scoped3A_48 : memref<!tpu.dma_semaphore, #tpu.memory_space<semaphore_mem>>)
          %dma_wait3A = arith.constant 0 : i32
          %dma_wait3A_53 = tpu.memref_slice %arg6[%run_scoped3A, %multiple_of3A, %dma_wait3A] : memref<2x10000x128xf32, #tpu.memory_space<hbm>> -> memref<1x640x128xf32, #tpu.memory_space<hbm>>
          %dma_wait3A_54 = tpu.memref_squeeze %dma_wait3A_53 : memref<1x640x128xf32, #tpu.memory_space<hbm>> -> memref<640x128xf32, #tpu.memory_space<hbm>>
          %dma_wait3A_55 = arith.constant 0 : i32
          %dma_wait3A_56 = tpu.memref_slice %arg16[%multiple_of3A, %dma_wait3A_55] : memref<10000x128xf32, #tpu.memory_space<vmem_shared>> -> memref<640x128xf32, #tpu.memory_space<vmem_shared>>
          tpu.wait_dma2 semaphore(%run_scoped3A_48 : memref<!tpu.dma_semaphore, #tpu.memory_space<semaphore_mem>>) src(%dma_wait3A_56 : memref<640x128xf32, #tpu.memory_space<vmem_shared>>) dst(%dma_wait3A_54 : memref<640x128xf32, #tpu.memory_space<hbm>>)
          tpu.yield
        }) : () -> ()
      } else {
      }
      %eq3A_42 = arith.constant 15 : i32
      %eq3A_43 = arith.cmpi eq, %arg1, %eq3A_42 : i32
      %convert_element_type3A_44 = arith.extui %eq3A_43 : i1 to i32
      %cond3A_45 = arith.constant 0 : i32
      %cond3A_46 = arith.cmpi ne, %convert_element_type3A_44, %cond3A_45 : i32
      scf.if %cond3A_46 {
        %run_scoped3A = arith.constant 1 : i32
        "tpu.region"() ({
          %run_scoped3A_47 = tpu.sem_alloc : memref<!tpu.dma_semaphore, #tpu.memory_space<semaphore_mem>>
          %dma_start3A = arith.constant 9600 : i32
          %dma_start3A_48 = arith.constant 0 : i32
          %dma_start3A_49 = tpu.memref_slice %arg6[%run_scoped3A, %dma_start3A, %dma_start3A_48] : memref<2x10000x128xf32, #tpu.memory_space<hbm>> -> memref<1x400x128xf32, #tpu.memory_space<hbm>>
          %dma_start3A_50 = tpu.memref_squeeze %dma_start3A_49 : memref<1x400x128xf32, #tpu.memory_space<hbm>> -> memref<400x128xf32, #tpu.memory_space<hbm>>
          %dma_start3A_51 = arith.constant 9600 : i32
          %dma_start3A_52 = arith.constant 0 : i32
          %dma_start3A_53 = tpu.memref_slice %arg16[%dma_start3A_51, %dma_start3A_52] : memref<10000x128xf32, #tpu.memory_space<vmem_shared>> -> memref<400x128xf32, #tpu.memory_space<vmem_shared>>
          tpu.enqueue_dma source(%dma_start3A_53 : memref<400x128xf32, #tpu.memory_space<vmem_shared>>) target(%dma_start3A_50 : memref<400x128xf32, #tpu.memory_space<hbm>>) target_semaphore(%run_scoped3A_47 : memref<!tpu.dma_semaphore, #tpu.memory_space<semaphore_mem>>)
          %dma_wait3A = arith.constant 9600 : i32
          %dma_wait3A_54 = arith.constant 0 : i32
          %dma_wait3A_55 = tpu.memref_slice %arg6[%run_scoped3A, %dma_wait3A, %dma_wait3A_54] : memref<2x10000x128xf32, #tpu.memory_space<hbm>> -> memref<1x400x128xf32, #tpu.memory_space<hbm>>
          %dma_wait3A_56 = tpu.memref_squeeze %dma_wait3A_55 : memref<1x400x128xf32, #tpu.memory_space<hbm>> -> memref<400x128xf32, #tpu.memory_space<hbm>>
          %dma_wait3A_57 = arith.constant 9600 : i32
          %dma_wait3A_58 = arith.constant 0 : i32
          %dma_wait3A_59 = tpu.memref_slice %arg16[%dma_wait3A_57, %dma_wait3A_58] : memref<10000x128xf32, #tpu.memory_space<vmem_shared>> -> memref<400x128xf32, #tpu.memory_space<vmem_shared>>
          tpu.wait_dma2 semaphore(%run_scoped3A_47 : memref<!tpu.dma_semaphore, #tpu.memory_space<semaphore_mem>>) src(%dma_wait3A_59 : memref<400x128xf32, #tpu.memory_space<vmem_shared>>) dst(%dma_wait3A_56 : memref<400x128xf32, #tpu.memory_space<hbm>>)
          tpu.yield
        }) : () -> ()
      } else {
      }
    } else {
    }
    return
  }
}

#map = affine_map<(d0, d1) -> (0, 0)>
#map1 = affine_map<(d0, d1) -> (0, 0, 0)>
module attributes {stable_mosaic.version = 14 : i64} {
  func.func @_deg_body(%arg0: i32, %arg1: i32, %arg2: memref<2500x128xi32, #tpu.memory_space<hbm>>, %arg3: memref<10000x128xf32, #tpu.memory_space<hbm>>, %arg4: memref<128x128xf32, #tpu.memory_space<hbm>>, %arg5: memref<2x10000x128xf32, #tpu.memory_space<hbm>>, %arg6: memref<80x128xi32, #tpu.memory_space<vmem>>, %arg7: memref<128x128xf32, #tpu.memory_space<vmem>>, %arg8: memref<10000x128xf32, #tpu.memory_space<vmem_shared>>, %arg9: memref<!tpu.dma_semaphore, #tpu.memory_space<semaphore_mem>>, %arg10: memref<!tpu.dma_semaphore, #tpu.memory_space<semaphore_mem>>) attributes {dimension_semantics = [#tpu.dimension_semantics<core_parallel>, #tpu.dimension_semantics<subcore_parallel>], iteration_bounds = array<i64: 2, 16>, scalar_prefetch = 0 : i64, scratch_operands = 5 : i64, tpu.core_type = #tpu.core_type<sc_vector_subcore>, window_params = [{transform_indices = #map}, {transform_indices = #map}, {transform_indices = #map}, {transform_indices = #map1}]} {
    %lt3A = arith.constant 15 : i32
    %lt3A_0 = arith.cmpi slt, %arg1, %lt3A : i32
    %convert_element_type3A = arith.extui %lt3A_0 : i1 to i32
    %cond3A = arith.constant 0 : i32
    %cond3A_1 = arith.cmpi ne, %convert_element_type3A, %cond3A : i32
    scf.if %cond3A_1 {
      %mul3A = arith.constant 640 : i32
      %mul3A_67 = arith.muli %arg1, %mul3A : i32
      %multiple_of3A = tpu.assume_multiple %mul3A_67, 8 : i32
      "tpu.region"() ({
        %run_scoped3A = tpu.sem_alloc : memref<!tpu.dma_semaphore, #tpu.memory_space<semaphore_mem>>
        %dma_start3A = arith.constant 0 : i32
        %dma_start3A_68 = tpu.memref_slice %arg8[%multiple_of3A, %dma_start3A] : memref<10000x128xf32, #tpu.memory_space<vmem_shared>> -> memref<640x128xf32, #tpu.memory_space<vmem_shared>>
        %dma_start3A_69 = arith.constant 0 : i32
        %dma_start3A_70 = tpu.memref_slice %arg3[%multiple_of3A, %dma_start3A_69] : memref<10000x128xf32, #tpu.memory_space<hbm>> -> memref<640x128xf32, #tpu.memory_space<hbm>>
        tpu.enqueue_dma source(%dma_start3A_70 : memref<640x128xf32, #tpu.memory_space<hbm>>) target(%dma_start3A_68 : memref<640x128xf32, #tpu.memory_space<vmem_shared>>) target_semaphore(%run_scoped3A : memref<!tpu.dma_semaphore, #tpu.memory_space<semaphore_mem>>)
        %dma_wait3A_71 = arith.constant 0 : i32
        %dma_wait3A_72 = tpu.memref_slice %arg8[%multiple_of3A, %dma_wait3A_71] : memref<10000x128xf32, #tpu.memory_space<vmem_shared>> -> memref<640x128xf32, #tpu.memory_space<vmem_shared>>
        %dma_wait3A_73 = arith.constant 0 : i32
        %dma_wait3A_74 = tpu.memref_slice %arg3[%multiple_of3A, %dma_wait3A_73] : memref<10000x128xf32, #tpu.memory_space<hbm>> -> memref<640x128xf32, #tpu.memory_space<hbm>>
        tpu.wait_dma2 semaphore(%run_scoped3A : memref<!tpu.dma_semaphore, #tpu.memory_space<semaphore_mem>>) src(%dma_wait3A_74 : memref<640x128xf32, #tpu.memory_space<hbm>>) dst(%dma_wait3A_72 : memref<640x128xf32, #tpu.memory_space<vmem_shared>>)
        tpu.yield
      }) : () -> ()
    } else {
    }
    %eq3A = arith.constant 15 : i32
    %eq3A_2 = arith.cmpi eq, %arg1, %eq3A : i32
    %convert_element_type3A_3 = arith.extui %eq3A_2 : i1 to i32
    %cond3A_4 = arith.constant 0 : i32
    %cond3A_5 = arith.cmpi ne, %convert_element_type3A_3, %cond3A_4 : i32
    scf.if %cond3A_5 {
      "tpu.region"() ({
        %run_scoped3A = tpu.sem_alloc : memref<!tpu.dma_semaphore, #tpu.memory_space<semaphore_mem>>
        %dma_start3A = arith.constant 9600 : i32
        %dma_start3A_67 = arith.constant 0 : i32
        %dma_start3A_68 = tpu.memref_slice %arg8[%dma_start3A, %dma_start3A_67] : memref<10000x128xf32, #tpu.memory_space<vmem_shared>> -> memref<400x128xf32, #tpu.memory_space<vmem_shared>>
        %dma_start3A_69 = arith.constant 9600 : i32
        %dma_start3A_70 = arith.constant 0 : i32
        %dma_start3A_71 = tpu.memref_slice %arg3[%dma_start3A_69, %dma_start3A_70] : memref<10000x128xf32, #tpu.memory_space<hbm>> -> memref<400x128xf32, #tpu.memory_space<hbm>>
        tpu.enqueue_dma source(%dma_start3A_71 : memref<400x128xf32, #tpu.memory_space<hbm>>) target(%dma_start3A_68 : memref<400x128xf32, #tpu.memory_space<vmem_shared>>) target_semaphore(%run_scoped3A : memref<!tpu.dma_semaphore, #tpu.memory_space<semaphore_mem>>)
        %dma_wait3A_72 = arith.constant 9600 : i32
        %dma_wait3A_73 = arith.constant 0 : i32
        %dma_wait3A_74 = tpu.memref_slice %arg8[%dma_wait3A_72, %dma_wait3A_73] : memref<10000x128xf32, #tpu.memory_space<vmem_shared>> -> memref<400x128xf32, #tpu.memory_space<vmem_shared>>
        %dma_wait3A_75 = arith.constant 9600 : i32
        %dma_wait3A_76 = arith.constant 0 : i32
        %dma_wait3A_77 = tpu.memref_slice %arg3[%dma_wait3A_75, %dma_wait3A_76] : memref<10000x128xf32, #tpu.memory_space<hbm>> -> memref<400x128xf32, #tpu.memory_space<hbm>>
        tpu.wait_dma2 semaphore(%run_scoped3A : memref<!tpu.dma_semaphore, #tpu.memory_space<semaphore_mem>>) src(%dma_wait3A_77 : memref<400x128xf32, #tpu.memory_space<hbm>>) dst(%dma_wait3A_74 : memref<400x128xf32, #tpu.memory_space<vmem_shared>>)
        tpu.yield
      }) : () -> ()
    } else {
    }
    "tpu.region"() ({
      %run_scoped3A = tpu.sem_alloc : memref<!tpu.dma_semaphore, #tpu.memory_space<semaphore_mem>>
      tpu.enqueue_dma source(%arg4 : memref<128x128xf32, #tpu.memory_space<hbm>>) target(%arg7 : memref<128x128xf32, #tpu.memory_space<vmem>>) target_semaphore(%run_scoped3A : memref<!tpu.dma_semaphore, #tpu.memory_space<semaphore_mem>>)
      tpu.wait_dma2 semaphore(%run_scoped3A : memref<!tpu.dma_semaphore, #tpu.memory_space<semaphore_mem>>) src(%arg4 : memref<128x128xf32, #tpu.memory_space<hbm>>) dst(%arg7 : memref<128x128xf32, #tpu.memory_space<vmem>>)
      tpu.yield
    }) : () -> ()
    %eq3A_6 = arith.constant 0 : i32
    %eq3A_7 = arith.cmpi eq, %arg0, %eq3A_6 : i32
    %convert_element_type3A_8 = arith.extui %eq3A_7 : i1 to i32
    %cond3A_9 = arith.constant 0 : i32
    %cond3A_10 = arith.cmpi ne, %convert_element_type3A_8, %cond3A_9 : i32
    scf.if %cond3A_10 {
      %lt3A_67 = arith.constant 15 : i32
      %lt3A_68 = arith.cmpi slt, %arg1, %lt3A_67 : i32
      %convert_element_type3A_69 = arith.extui %lt3A_68 : i1 to i32
      %cond3A_70 = arith.constant 0 : i32
      %cond3A_71 = arith.cmpi ne, %convert_element_type3A_69, %cond3A_70 : i32
      scf.if %cond3A_71 {
        %mul3A = arith.constant 80 : i32
        %mul3A_77 = arith.muli %arg1, %mul3A : i32
        %multiple_of3A = tpu.assume_multiple %mul3A_77, 8 : i32
        %add3A = arith.constant 0 : i32
        %add3A_78 = arith.addi %add3A, %multiple_of3A : i32
        "tpu.region"() ({
          %run_scoped3A = tpu.sem_alloc : memref<!tpu.dma_semaphore, #tpu.memory_space<semaphore_mem>>
          %dma_start3A = arith.constant 0 : i32
          %dma_start3A_79 = arith.constant 0 : i32
          %dma_start3A_80 = tpu.memref_slice %arg6[%dma_start3A, %dma_start3A_79] : memref<80x128xi32, #tpu.memory_space<vmem>> -> memref<80x128xi32, #tpu.memory_space<vmem>>
          %dma_start3A_81 = arith.constant 0 : i32
          %dma_start3A_82 = tpu.memref_slice %arg2[%add3A_78, %dma_start3A_81] : memref<2500x128xi32, #tpu.memory_space<hbm>> -> memref<80x128xi32, #tpu.memory_space<hbm>>
          %dma_start3A_83 = arith.constant 0 : i32
          %dma_start3A_84 = arith.constant 0 : i32
          %dma_start3A_85 = tpu.memref_slice %arg6[%dma_start3A_83, %dma_start3A_84] : memref<80x128xi32, #tpu.memory_space<vmem>> -> memref<80x128xi32, #tpu.memory_space<vmem>>
          %dma_start3A_86 = arith.constant 0 : i32
          %dma_start3A_87 = tpu.memref_slice %arg2[%add3A_78, %dma_start3A_86] : memref<2500x128xi32, #tpu.memory_space<hbm>> -> memref<80x128xi32, #tpu.memory_space<hbm>>
          tpu.enqueue_dma source(%dma_start3A_87 : memref<80x128xi32, #tpu.memory_space<hbm>>) target(%dma_start3A_85 : memref<80x128xi32, #tpu.memory_space<vmem>>) target_semaphore(%run_scoped3A : memref<!tpu.dma_semaphore, #tpu.memory_space<semaphore_mem>>)
          %dma_wait3A_88 = arith.constant 0 : i32
          %dma_wait3A_89 = arith.constant 0 : i32
          %dma_wait3A_90 = tpu.memref_slice %arg6[%dma_wait3A_88, %dma_wait3A_89] : memref<80x128xi32, #tpu.memory_space<vmem>> -> memref<80x128xi32, #tpu.memory_space<vmem>>
          %dma_wait3A_91 = arith.constant 0 : i32
          %dma_wait3A_92 = tpu.memref_slice %arg2[%add3A_78, %dma_wait3A_91] : memref<2500x128xi32, #tpu.memory_space<hbm>> -> memref<80x128xi32, #tpu.memory_space<hbm>>
          %dma_wait3A_93 = arith.constant 0 : i32
          %dma_wait3A_94 = arith.constant 0 : i32
          %dma_wait3A_95 = tpu.memref_slice %arg6[%dma_wait3A_93, %dma_wait3A_94] : memref<80x128xi32, #tpu.memory_space<vmem>> -> memref<80x128xi32, #tpu.memory_space<vmem>>
          %dma_wait3A_96 = arith.constant 0 : i32
          %dma_wait3A_97 = tpu.memref_slice %arg2[%add3A_78, %dma_wait3A_96] : memref<2500x128xi32, #tpu.memory_space<hbm>> -> memref<80x128xi32, #tpu.memory_space<hbm>>
          tpu.wait_dma2 semaphore(%run_scoped3A : memref<!tpu.dma_semaphore, #tpu.memory_space<semaphore_mem>>) src(%dma_wait3A_97 : memref<80x128xi32, #tpu.memory_space<hbm>>) dst(%dma_wait3A_95 : memref<80x128xi32, #tpu.memory_space<vmem>>)
          tpu.yield
        }) : () -> ()
      } else {
      }
      %eq3A_72 = arith.constant 15 : i32
      %eq3A_73 = arith.cmpi eq, %arg1, %eq3A_72 : i32
      %convert_element_type3A_74 = arith.extui %eq3A_73 : i1 to i32
      %cond3A_75 = arith.constant 0 : i32
      %cond3A_76 = arith.cmpi ne, %convert_element_type3A_74, %cond3A_75 : i32
      scf.if %cond3A_76 {
        "tpu.region"() ({
          %run_scoped3A = tpu.sem_alloc : memref<!tpu.dma_semaphore, #tpu.memory_space<semaphore_mem>>
          %dma_start3A = arith.constant 0 : i32
          %dma_start3A_77 = arith.constant 0 : i32
          %dma_start3A_78 = tpu.memref_slice %arg6[%dma_start3A, %dma_start3A_77] : memref<80x128xi32, #tpu.memory_space<vmem>> -> memref<48x128xi32, #tpu.memory_space<vmem>>
          %dma_start3A_79 = arith.constant 1200 : i32
          %dma_start3A_80 = arith.constant 0 : i32
          %dma_start3A_81 = tpu.memref_slice %arg2[%dma_start3A_79, %dma_start3A_80] : memref<2500x128xi32, #tpu.memory_space<hbm>> -> memref<48x128xi32, #tpu.memory_space<hbm>>
          %dma_start3A_82 = arith.constant 0 : i32
          %dma_start3A_83 = arith.constant 0 : i32
          %dma_start3A_84 = tpu.memref_slice %arg6[%dma_start3A_82, %dma_start3A_83] : memref<80x128xi32, #tpu.memory_space<vmem>> -> memref<48x128xi32, #tpu.memory_space<vmem>>
          %dma_start3A_85 = arith.constant 1200 : i32
          %dma_start3A_86 = arith.constant 0 : i32
          %dma_start3A_87 = tpu.memref_slice %arg2[%dma_start3A_85, %dma_start3A_86] : memref<2500x128xi32, #tpu.memory_space<hbm>> -> memref<48x128xi32, #tpu.memory_space<hbm>>
          tpu.enqueue_dma source(%dma_start3A_87 : memref<48x128xi32, #tpu.memory_space<hbm>>) target(%dma_start3A_84 : memref<48x128xi32, #tpu.memory_space<vmem>>) target_semaphore(%run_scoped3A : memref<!tpu.dma_semaphore, #tpu.memory_space<semaphore_mem>>)
          %dma_wait3A_88 = arith.constant 0 : i32
          %dma_wait3A_89 = arith.constant 0 : i32
          %dma_wait3A_90 = tpu.memref_slice %arg6[%dma_wait3A_88, %dma_wait3A_89] : memref<80x128xi32, #tpu.memory_space<vmem>> -> memref<48x128xi32, #tpu.memory_space<vmem>>
          %dma_wait3A_91 = arith.constant 1200 : i32
          %dma_wait3A_92 = arith.constant 0 : i32
          %dma_wait3A_93 = tpu.memref_slice %arg2[%dma_wait3A_91, %dma_wait3A_92] : memref<2500x128xi32, #tpu.memory_space<hbm>> -> memref<48x128xi32, #tpu.memory_space<hbm>>
          %dma_wait3A_94 = arith.constant 0 : i32
          %dma_wait3A_95 = arith.constant 0 : i32
          %dma_wait3A_96 = tpu.memref_slice %arg6[%dma_wait3A_94, %dma_wait3A_95] : memref<80x128xi32, #tpu.memory_space<vmem>> -> memref<48x128xi32, #tpu.memory_space<vmem>>
          %dma_wait3A_97 = arith.constant 1200 : i32
          %dma_wait3A_98 = arith.constant 0 : i32
          %dma_wait3A_99 = tpu.memref_slice %arg2[%dma_wait3A_97, %dma_wait3A_98] : memref<2500x128xi32, #tpu.memory_space<hbm>> -> memref<48x128xi32, #tpu.memory_space<hbm>>
          tpu.wait_dma2 semaphore(%run_scoped3A : memref<!tpu.dma_semaphore, #tpu.memory_space<semaphore_mem>>) src(%dma_wait3A_99 : memref<48x128xi32, #tpu.memory_space<hbm>>) dst(%dma_wait3A_96 : memref<48x128xi32, #tpu.memory_space<vmem>>)
          tpu.yield
        }) : () -> ()
      } else {
      }
    } else {
    }
    %eq3A_11 = arith.constant 1 : i32
    %eq3A_12 = arith.cmpi eq, %arg0, %eq3A_11 : i32
    %convert_element_type3A_13 = arith.extui %eq3A_12 : i1 to i32
    %cond3A_14 = arith.constant 0 : i32
    %cond3A_15 = arith.cmpi ne, %convert_element_type3A_13, %cond3A_14 : i32
    scf.if %cond3A_15 {
      %lt3A_67 = arith.constant 15 : i32
      %lt3A_68 = arith.cmpi slt, %arg1, %lt3A_67 : i32
      %convert_element_type3A_69 = arith.extui %lt3A_68 : i1 to i32
      %cond3A_70 = arith.constant 0 : i32
      %cond3A_71 = arith.cmpi ne, %convert_element_type3A_69, %cond3A_70 : i32
      scf.if %cond3A_71 {
        %mul3A = arith.constant 80 : i32
        %mul3A_77 = arith.muli %arg1, %mul3A : i32
        %multiple_of3A = tpu.assume_multiple %mul3A_77, 8 : i32
        %add3A = arith.constant 1248 : i32
        %add3A_78 = arith.addi %add3A, %multiple_of3A : i32
        "tpu.region"() ({
          %run_scoped3A = tpu.sem_alloc : memref<!tpu.dma_semaphore, #tpu.memory_space<semaphore_mem>>
          %dma_start3A = arith.constant 0 : i32
          %dma_start3A_79 = arith.constant 0 : i32
          %dma_start3A_80 = tpu.memref_slice %arg6[%dma_start3A, %dma_start3A_79] : memref<80x128xi32, #tpu.memory_space<vmem>> -> memref<80x128xi32, #tpu.memory_space<vmem>>
          %dma_start3A_81 = arith.constant 0 : i32
          %dma_start3A_82 = tpu.memref_slice %arg2[%add3A_78, %dma_start3A_81] : memref<2500x128xi32, #tpu.memory_space<hbm>> -> memref<80x128xi32, #tpu.memory_space<hbm>>
          %dma_start3A_83 = arith.constant 0 : i32
          %dma_start3A_84 = arith.constant 0 : i32
          %dma_start3A_85 = tpu.memref_slice %arg6[%dma_start3A_83, %dma_start3A_84] : memref<80x128xi32, #tpu.memory_space<vmem>> -> memref<80x128xi32, #tpu.memory_space<vmem>>
          %dma_start3A_86 = arith.constant 0 : i32
          %dma_start3A_87 = tpu.memref_slice %arg2[%add3A_78, %dma_start3A_86] : memref<2500x128xi32, #tpu.memory_space<hbm>> -> memref<80x128xi32, #tpu.memory_space<hbm>>
          tpu.enqueue_dma source(%dma_start3A_87 : memref<80x128xi32, #tpu.memory_space<hbm>>) target(%dma_start3A_85 : memref<80x128xi32, #tpu.memory_space<vmem>>) target_semaphore(%run_scoped3A : memref<!tpu.dma_semaphore, #tpu.memory_space<semaphore_mem>>)
          %dma_wait3A_88 = arith.constant 0 : i32
          %dma_wait3A_89 = arith.constant 0 : i32
          %dma_wait3A_90 = tpu.memref_slice %arg6[%dma_wait3A_88, %dma_wait3A_89] : memref<80x128xi32, #tpu.memory_space<vmem>> -> memref<80x128xi32, #tpu.memory_space<vmem>>
          %dma_wait3A_91 = arith.constant 0 : i32
          %dma_wait3A_92 = tpu.memref_slice %arg2[%add3A_78, %dma_wait3A_91] : memref<2500x128xi32, #tpu.memory_space<hbm>> -> memref<80x128xi32, #tpu.memory_space<hbm>>
          %dma_wait3A_93 = arith.constant 0 : i32
          %dma_wait3A_94 = arith.constant 0 : i32
          %dma_wait3A_95 = tpu.memref_slice %arg6[%dma_wait3A_93, %dma_wait3A_94] : memref<80x128xi32, #tpu.memory_space<vmem>> -> memref<80x128xi32, #tpu.memory_space<vmem>>
          %dma_wait3A_96 = arith.constant 0 : i32
          %dma_wait3A_97 = tpu.memref_slice %arg2[%add3A_78, %dma_wait3A_96] : memref<2500x128xi32, #tpu.memory_space<hbm>> -> memref<80x128xi32, #tpu.memory_space<hbm>>
          tpu.wait_dma2 semaphore(%run_scoped3A : memref<!tpu.dma_semaphore, #tpu.memory_space<semaphore_mem>>) src(%dma_wait3A_97 : memref<80x128xi32, #tpu.memory_space<hbm>>) dst(%dma_wait3A_95 : memref<80x128xi32, #tpu.memory_space<vmem>>)
          tpu.yield
        }) : () -> ()
      } else {
      }
      %eq3A_72 = arith.constant 15 : i32
      %eq3A_73 = arith.cmpi eq, %arg1, %eq3A_72 : i32
      %convert_element_type3A_74 = arith.extui %eq3A_73 : i1 to i32
      %cond3A_75 = arith.constant 0 : i32
      %cond3A_76 = arith.cmpi ne, %convert_element_type3A_74, %cond3A_75 : i32
      scf.if %cond3A_76 {
        "tpu.region"() ({
          %run_scoped3A = tpu.sem_alloc : memref<!tpu.dma_semaphore, #tpu.memory_space<semaphore_mem>>
          %dma_start3A = arith.constant 0 : i32
          %dma_start3A_77 = arith.constant 0 : i32
          %dma_start3A_78 = tpu.memref_slice %arg6[%dma_start3A, %dma_start3A_77] : memref<80x128xi32, #tpu.memory_space<vmem>> -> memref<52x128xi32, #tpu.memory_space<vmem>>
          %dma_start3A_79 = arith.constant 2448 : i32
          %dma_start3A_80 = arith.constant 0 : i32
          %dma_start3A_81 = tpu.memref_slice %arg2[%dma_start3A_79, %dma_start3A_80] : memref<2500x128xi32, #tpu.memory_space<hbm>> -> memref<52x128xi32, #tpu.memory_space<hbm>>
          %dma_start3A_82 = arith.constant 0 : i32
          %dma_start3A_83 = arith.constant 0 : i32
          %dma_start3A_84 = tpu.memref_slice %arg6[%dma_start3A_82, %dma_start3A_83] : memref<80x128xi32, #tpu.memory_space<vmem>> -> memref<52x128xi32, #tpu.memory_space<vmem>>
          %dma_start3A_85 = arith.constant 2448 : i32
          %dma_start3A_86 = arith.constant 0 : i32
          %dma_start3A_87 = tpu.memref_slice %arg2[%dma_start3A_85, %dma_start3A_86] : memref<2500x128xi32, #tpu.memory_space<hbm>> -> memref<52x128xi32, #tpu.memory_space<hbm>>
          tpu.enqueue_dma source(%dma_start3A_87 : memref<52x128xi32, #tpu.memory_space<hbm>>) target(%dma_start3A_84 : memref<52x128xi32, #tpu.memory_space<vmem>>) target_semaphore(%run_scoped3A : memref<!tpu.dma_semaphore, #tpu.memory_space<semaphore_mem>>)
          %dma_wait3A_88 = arith.constant 0 : i32
          %dma_wait3A_89 = arith.constant 0 : i32
          %dma_wait3A_90 = tpu.memref_slice %arg6[%dma_wait3A_88, %dma_wait3A_89] : memref<80x128xi32, #tpu.memory_space<vmem>> -> memref<52x128xi32, #tpu.memory_space<vmem>>
          %dma_wait3A_91 = arith.constant 2448 : i32
          %dma_wait3A_92 = arith.constant 0 : i32
          %dma_wait3A_93 = tpu.memref_slice %arg2[%dma_wait3A_91, %dma_wait3A_92] : memref<2500x128xi32, #tpu.memory_space<hbm>> -> memref<52x128xi32, #tpu.memory_space<hbm>>
          %dma_wait3A_94 = arith.constant 0 : i32
          %dma_wait3A_95 = arith.constant 0 : i32
          %dma_wait3A_96 = tpu.memref_slice %arg6[%dma_wait3A_94, %dma_wait3A_95] : memref<80x128xi32, #tpu.memory_space<vmem>> -> memref<52x128xi32, #tpu.memory_space<vmem>>
          %dma_wait3A_97 = arith.constant 2448 : i32
          %dma_wait3A_98 = arith.constant 0 : i32
          %dma_wait3A_99 = tpu.memref_slice %arg2[%dma_wait3A_97, %dma_wait3A_98] : memref<2500x128xi32, #tpu.memory_space<hbm>> -> memref<52x128xi32, #tpu.memory_space<hbm>>
          tpu.wait_dma2 semaphore(%run_scoped3A : memref<!tpu.dma_semaphore, #tpu.memory_space<semaphore_mem>>) src(%dma_wait3A_99 : memref<52x128xi32, #tpu.memory_space<hbm>>) dst(%dma_wait3A_96 : memref<52x128xi32, #tpu.memory_space<vmem>>)
          tpu.yield
        }) : () -> ()
      } else {
      }
    } else {
    }
    %lt3A_16 = arith.constant 15 : i32
    %lt3A_17 = arith.cmpi slt, %arg1, %lt3A_16 : i32
    %eq3A_18 = arith.constant 0 : i32
    %eq3A_19 = arith.cmpi eq, %arg0, %eq3A_18 : i32
    %select_n3A = arith.constant 52 : i32
    %select_n3A_20 = arith.constant 48 : i32
    %select_n3A_21 = arith.select %eq3A_19, %select_n3A_20, %select_n3A : i32
    %select_n3A_22 = arith.constant 80 : i32
    %select_n3A_23 = arith.select %lt3A_17, %select_n3A_22, %select_n3A_21 : i32
    %barrier3A = arith.constant 0 : index
    tpu.barrier barrier_id(%barrier3A)
    %jit3A = arith.constant 2 : i32
    %div3A = arith.divsi %select_n3A_23, %jit3A : i32
    %sign3A = arith.constant 0 : i32
    %sign3A_24 = arith.cmpi sgt, %select_n3A_23, %sign3A : i32
    %sign3A_25 = arith.extui %sign3A_24 : i1 to i32
    %sign3A_26 = arith.constant 0 : i32
    %sign3A_27 = arith.cmpi slt, %select_n3A_23, %sign3A_26 : i32
    %sign3A_28 = arith.extui %sign3A_27 : i1 to i32
    %sign3A_29 = arith.subi %sign3A_25, %sign3A_28 : i32
    %sign3A_30 = arith.constant 0 : i32
    %sign3A_31 = arith.cmpi sgt, %jit3A, %sign3A_30 : i32
    %sign3A_32 = arith.extui %sign3A_31 : i1 to i32
    %sign3A_33 = arith.constant 0 : i32
    %sign3A_34 = arith.cmpi slt, %jit3A, %sign3A_33 : i32
    %sign3A_35 = arith.extui %sign3A_34 : i1 to i32
    %sign3A_36 = arith.subi %sign3A_32, %sign3A_35 : i32
    %ne3A = arith.cmpi ne, %sign3A_29, %sign3A_36 : i32
    %rem3A = arith.remsi %select_n3A_23, %jit3A : i32
    %ne3A_37 = arith.constant 0 : i32
    %ne3A_38 = arith.cmpi ne, %rem3A, %ne3A_37 : i32
    %and3A = arith.andi %ne3A, %ne3A_38 : i1
    %sub3A = arith.constant 1 : i32
    %sub3A_39 = arith.subi %div3A, %sub3A : i32
    %select_n3A_40 = arith.select %and3A, %sub3A_39, %div3A : i32
    %while3A = arith.constant 0 : i32
    %while3A_41 = arith.constant 0 : i32
    %while3A_42 = arith.subi %select_n3A_40, %while3A_41 : i32
    %while3A_43 = arith.addi %while3A_41, %while3A_42 : i32
    %while3A_44 = arith.constant 1 : i32
    %while3A_45 = arith.divsi %while3A_42, %while3A_44 : i32
    %while3A_46 = arith.muli %while3A_45, %while3A_44 : i32
    %while3A_47 = arith.addi %while3A_41, %while3A_46 : i32
    %while3A_48 = arith.constant 1 : i32
    scf.for %while3A_67 = %while3A_41 to %while3A_47 step %while3A_48  : i32 {
      %mul3A = arith.constant 2 : i32
      %mul3A_68 = arith.muli %mul3A, %while3A_67 : i32
      %dma_start3A = arith.constant 0 : i32
      %dma_start3A_69 = tpu.memref_slice %arg6[%mul3A_68, %dma_start3A] : memref<80x128xi32, #tpu.memory_space<vmem>> -> memref<1x128xi32, #tpu.memory_space<vmem>>
      %dma_start3A_70 = tpu.memref_squeeze %dma_start3A_69 : memref<1x128xi32, #tpu.memory_space<vmem>> -> memref<128xi32, #tpu.memory_space<vmem>>
      %dma_start3A_71 = arith.constant 0 : i32
      %dma_start3A_72 = arith.constant 0 : i32
      %dma_start3A_73 = tpu.memref_slice %arg8[%dma_start3A_71, %dma_start3A_72] : memref<10000x128xf32, #tpu.memory_space<vmem_shared>> -> memref<10000x128xf32, #tpu.memory_space<vmem_shared>>
      tpu.enqueue_indirect_dma source(%arg7 : memref<128x128xf32, #tpu.memory_space<vmem>>) target(%dma_start3A_73 : memref<10000x128xf32, #tpu.memory_space<vmem_shared>>) offsets(%dma_start3A_70 : memref<128xi32, #tpu.memory_space<vmem>>) semaphore(%arg9 : memref<!tpu.dma_semaphore, #tpu.memory_space<semaphore_mem>>) {add = true}
      %gt3A = arith.constant 0 : i32
      %gt3A_74 = arith.cmpi sgt, %while3A_67, %gt3A : i32
      %convert_element_type3A_75 = arith.extui %gt3A_74 : i1 to i32
      %cond3A_76 = arith.constant 0 : i32
      %cond3A_77 = arith.cmpi ne, %convert_element_type3A_75, %cond3A_76 : i32
      scf.if %cond3A_77 {
        %dma_wait3A_92 = arith.constant 0 : i32
        %dma_wait3A_93 = arith.constant 0 : i32
        %dma_wait3A_94 = tpu.memref_slice %arg6[%dma_wait3A_92, %dma_wait3A_93] : memref<80x128xi32, #tpu.memory_space<vmem>> -> memref<1x128xi32, #tpu.memory_space<vmem>>
        %dma_wait3A_95 = tpu.memref_squeeze %dma_wait3A_94 : memref<1x128xi32, #tpu.memory_space<vmem>> -> memref<128xi32, #tpu.memory_space<vmem>>
        %dma_wait3A_96 = arith.constant 0 : i32
        %dma_wait3A_97 = arith.constant 0 : i32
        %dma_wait3A_98 = tpu.memref_slice %arg8[%dma_wait3A_96, %dma_wait3A_97] : memref<10000x128xf32, #tpu.memory_space<vmem_shared>> -> memref<10000x128xf32, #tpu.memory_space<vmem_shared>>
        tpu.wait_indirect_dma semaphore(%arg10 : memref<!tpu.dma_semaphore, #tpu.memory_space<semaphore_mem>>) src(%arg7 : memref<128x128xf32, #tpu.memory_space<vmem>>) dst(%dma_wait3A_98 : memref<10000x128xf32, #tpu.memory_space<vmem_shared>>)
      } else {
      }
      %add3A = arith.constant 1 : i32
      %add3A_78 = arith.addi %mul3A_68, %add3A : i32
      %dma_start3A_79 = arith.constant 0 : i32
      %dma_start3A_80 = tpu.memref_slice %arg6[%add3A_78, %dma_start3A_79] : memref<80x128xi32, #tpu.memory_space<vmem>> -> memref<1x128xi32, #tpu.memory_space<vmem>>
      %dma_start3A_81 = tpu.memref_squeeze %dma_start3A_80 : memref<1x128xi32, #tpu.memory_space<vmem>> -> memref<128xi32, #tpu.memory_space<vmem>>
      %dma_start3A_82 = arith.constant 0 : i32
      %dma_start3A_83 = arith.constant 0 : i32
      %dma_start3A_84 = tpu.memref_slice %arg8[%dma_start3A_82, %dma_start3A_83] : memref<10000x128xf32, #tpu.memory_space<vmem_shared>> -> memref<10000x128xf32, #tpu.memory_space<vmem_shared>>
      tpu.enqueue_indirect_dma source(%arg7 : memref<128x128xf32, #tpu.memory_space<vmem>>) target(%dma_start3A_84 : memref<10000x128xf32, #tpu.memory_space<vmem_shared>>) offsets(%dma_start3A_81 : memref<128xi32, #tpu.memory_space<vmem>>) semaphore(%arg10 : memref<!tpu.dma_semaphore, #tpu.memory_space<semaphore_mem>>) {add = true}
      %dma_wait3A_85 = arith.constant 0 : i32
      %dma_wait3A_86 = arith.constant 0 : i32
      %dma_wait3A_87 = tpu.memref_slice %arg6[%dma_wait3A_85, %dma_wait3A_86] : memref<80x128xi32, #tpu.memory_space<vmem>> -> memref<1x128xi32, #tpu.memory_space<vmem>>
      %dma_wait3A_88 = tpu.memref_squeeze %dma_wait3A_87 : memref<1x128xi32, #tpu.memory_space<vmem>> -> memref<128xi32, #tpu.memory_space<vmem>>
      %dma_wait3A_89 = arith.constant 0 : i32
      %dma_wait3A_90 = arith.constant 0 : i32
      %dma_wait3A_91 = tpu.memref_slice %arg8[%dma_wait3A_89, %dma_wait3A_90] : memref<10000x128xf32, #tpu.memory_space<vmem_shared>> -> memref<10000x128xf32, #tpu.memory_space<vmem_shared>>
      tpu.wait_indirect_dma semaphore(%arg9 : memref<!tpu.dma_semaphore, #tpu.memory_space<semaphore_mem>>) src(%arg7 : memref<128x128xf32, #tpu.memory_space<vmem>>) dst(%dma_wait3A_91 : memref<10000x128xf32, #tpu.memory_space<vmem_shared>>)
    }
    %while3A_49 = arith.constant 1 : i32
    scf.for %while3A_67 = %while3A_47 to %while3A_43 step %while3A_49  : i32 {
      %mul3A = arith.constant 2 : i32
      %mul3A_68 = arith.muli %mul3A, %while3A_67 : i32
      %dma_start3A = arith.constant 0 : i32
      %dma_start3A_69 = tpu.memref_slice %arg6[%mul3A_68, %dma_start3A] : memref<80x128xi32, #tpu.memory_space<vmem>> -> memref<1x128xi32, #tpu.memory_space<vmem>>
      %dma_start3A_70 = tpu.memref_squeeze %dma_start3A_69 : memref<1x128xi32, #tpu.memory_space<vmem>> -> memref<128xi32, #tpu.memory_space<vmem>>
      %dma_start3A_71 = arith.constant 0 : i32
      %dma_start3A_72 = arith.constant 0 : i32
      %dma_start3A_73 = tpu.memref_slice %arg8[%dma_start3A_71, %dma_start3A_72] : memref<10000x128xf32, #tpu.memory_space<vmem_shared>> -> memref<10000x128xf32, #tpu.memory_space<vmem_shared>>
      tpu.enqueue_indirect_dma source(%arg7 : memref<128x128xf32, #tpu.memory_space<vmem>>) target(%dma_start3A_73 : memref<10000x128xf32, #tpu.memory_space<vmem_shared>>) offsets(%dma_start3A_70 : memref<128xi32, #tpu.memory_space<vmem>>) semaphore(%arg9 : memref<!tpu.dma_semaphore, #tpu.memory_space<semaphore_mem>>) {add = true}
      %gt3A = arith.constant 0 : i32
      %gt3A_74 = arith.cmpi sgt, %while3A_67, %gt3A : i32
      %convert_element_type3A_75 = arith.extui %gt3A_74 : i1 to i32
      %cond3A_76 = arith.constant 0 : i32
      %cond3A_77 = arith.cmpi ne, %convert_element_type3A_75, %cond3A_76 : i32
      scf.if %cond3A_77 {
        %dma_wait3A_92 = arith.constant 0 : i32
        %dma_wait3A_93 = arith.constant 0 : i32
        %dma_wait3A_94 = tpu.memref_slice %arg6[%dma_wait3A_92, %dma_wait3A_93] : memref<80x128xi32, #tpu.memory_space<vmem>> -> memref<1x128xi32, #tpu.memory_space<vmem>>
        %dma_wait3A_95 = tpu.memref_squeeze %dma_wait3A_94 : memref<1x128xi32, #tpu.memory_space<vmem>> -> memref<128xi32, #tpu.memory_space<vmem>>
        %dma_wait3A_96 = arith.constant 0 : i32
        %dma_wait3A_97 = arith.constant 0 : i32
        %dma_wait3A_98 = tpu.memref_slice %arg8[%dma_wait3A_96, %dma_wait3A_97] : memref<10000x128xf32, #tpu.memory_space<vmem_shared>> -> memref<10000x128xf32, #tpu.memory_space<vmem_shared>>
        tpu.wait_indirect_dma semaphore(%arg10 : memref<!tpu.dma_semaphore, #tpu.memory_space<semaphore_mem>>) src(%arg7 : memref<128x128xf32, #tpu.memory_space<vmem>>) dst(%dma_wait3A_98 : memref<10000x128xf32, #tpu.memory_space<vmem_shared>>)
      } else {
      }
      %add3A = arith.constant 1 : i32
      %add3A_78 = arith.addi %mul3A_68, %add3A : i32
      %dma_start3A_79 = arith.constant 0 : i32
      %dma_start3A_80 = tpu.memref_slice %arg6[%add3A_78, %dma_start3A_79] : memref<80x128xi32, #tpu.memory_space<vmem>> -> memref<1x128xi32, #tpu.memory_space<vmem>>
      %dma_start3A_81 = tpu.memref_squeeze %dma_start3A_80 : memref<1x128xi32, #tpu.memory_space<vmem>> -> memref<128xi32, #tpu.memory_space<vmem>>
      %dma_start3A_82 = arith.constant 0 : i32
      %dma_start3A_83 = arith.constant 0 : i32
      %dma_start3A_84 = tpu.memref_slice %arg8[%dma_start3A_82, %dma_start3A_83] : memref<10000x128xf32, #tpu.memory_space<vmem_shared>> -> memref<10000x128xf32, #tpu.memory_space<vmem_shared>>
      tpu.enqueue_indirect_dma source(%arg7 : memref<128x128xf32, #tpu.memory_space<vmem>>) target(%dma_start3A_84 : memref<10000x128xf32, #tpu.memory_space<vmem_shared>>) offsets(%dma_start3A_81 : memref<128xi32, #tpu.memory_space<vmem>>) semaphore(%arg10 : memref<!tpu.dma_semaphore, #tpu.memory_space<semaphore_mem>>) {add = true}
      %dma_wait3A_85 = arith.constant 0 : i32
      %dma_wait3A_86 = arith.constant 0 : i32
      %dma_wait3A_87 = tpu.memref_slice %arg6[%dma_wait3A_85, %dma_wait3A_86] : memref<80x128xi32, #tpu.memory_space<vmem>> -> memref<1x128xi32, #tpu.memory_space<vmem>>
      %dma_wait3A_88 = tpu.memref_squeeze %dma_wait3A_87 : memref<1x128xi32, #tpu.memory_space<vmem>> -> memref<128xi32, #tpu.memory_space<vmem>>
      %dma_wait3A_89 = arith.constant 0 : i32
      %dma_wait3A_90 = arith.constant 0 : i32
      %dma_wait3A_91 = tpu.memref_slice %arg8[%dma_wait3A_89, %dma_wait3A_90] : memref<10000x128xf32, #tpu.memory_space<vmem_shared>> -> memref<10000x128xf32, #tpu.memory_space<vmem_shared>>
      tpu.wait_indirect_dma semaphore(%arg9 : memref<!tpu.dma_semaphore, #tpu.memory_space<semaphore_mem>>) src(%arg7 : memref<128x128xf32, #tpu.memory_space<vmem>>) dst(%dma_wait3A_91 : memref<10000x128xf32, #tpu.memory_space<vmem_shared>>)
    }
    %dma_wait3A = arith.constant 0 : i32
    %dma_wait3A_50 = arith.constant 0 : i32
    %dma_wait3A_51 = tpu.memref_slice %arg6[%dma_wait3A, %dma_wait3A_50] : memref<80x128xi32, #tpu.memory_space<vmem>> -> memref<1x128xi32, #tpu.memory_space<vmem>>
    %dma_wait3A_52 = tpu.memref_squeeze %dma_wait3A_51 : memref<1x128xi32, #tpu.memory_space<vmem>> -> memref<128xi32, #tpu.memory_space<vmem>>
    %dma_wait3A_53 = arith.constant 0 : i32
    %dma_wait3A_54 = arith.constant 0 : i32
    %dma_wait3A_55 = tpu.memref_slice %arg8[%dma_wait3A_53, %dma_wait3A_54] : memref<10000x128xf32, #tpu.memory_space<vmem_shared>> -> memref<10000x128xf32, #tpu.memory_space<vmem_shared>>
    tpu.wait_indirect_dma semaphore(%arg10 : memref<!tpu.dma_semaphore, #tpu.memory_space<semaphore_mem>>) src(%arg7 : memref<128x128xf32, #tpu.memory_space<vmem>>) dst(%dma_wait3A_55 : memref<10000x128xf32, #tpu.memory_space<vmem_shared>>)
    %barrier3A_56 = arith.constant 0 : index
    tpu.barrier barrier_id(%barrier3A_56)
    %eq3A_57 = arith.constant 0 : i32
    %eq3A_58 = arith.cmpi eq, %arg0, %eq3A_57 : i32
    %convert_element_type3A_59 = arith.extui %eq3A_58 : i1 to i32
    %cond3A_60 = arith.constant 0 : i32
    %cond3A_61 = arith.cmpi ne, %convert_element_type3A_59, %cond3A_60 : i32
    scf.if %cond3A_61 {
      %lt3A_67 = arith.constant 15 : i32
      %lt3A_68 = arith.cmpi slt, %arg1, %lt3A_67 : i32
      %convert_element_type3A_69 = arith.extui %lt3A_68 : i1 to i32
      %cond3A_70 = arith.constant 0 : i32
      %cond3A_71 = arith.cmpi ne, %convert_element_type3A_69, %cond3A_70 : i32
      scf.if %cond3A_71 {
        %mul3A = arith.constant 640 : i32
        %mul3A_77 = arith.muli %arg1, %mul3A : i32
        %multiple_of3A = tpu.assume_multiple %mul3A_77, 8 : i32
        %run_scoped3A = arith.constant 0 : i32
        "tpu.region"() ({
          %run_scoped3A_78 = tpu.sem_alloc : memref<!tpu.dma_semaphore, #tpu.memory_space<semaphore_mem>>
          %dma_start3A = arith.constant 0 : i32
          %dma_start3A_79 = tpu.memref_slice %arg5[%run_scoped3A, %multiple_of3A, %dma_start3A] : memref<2x10000x128xf32, #tpu.memory_space<hbm>> -> memref<1x640x128xf32, #tpu.memory_space<hbm>>
          %dma_start3A_80 = tpu.memref_squeeze %dma_start3A_79 : memref<1x640x128xf32, #tpu.memory_space<hbm>> -> memref<640x128xf32, #tpu.memory_space<hbm>>
          %dma_start3A_81 = arith.constant 0 : i32
          %dma_start3A_82 = tpu.memref_slice %arg8[%multiple_of3A, %dma_start3A_81] : memref<10000x128xf32, #tpu.memory_space<vmem_shared>> -> memref<640x128xf32, #tpu.memory_space<vmem_shared>>
          tpu.enqueue_dma source(%dma_start3A_82 : memref<640x128xf32, #tpu.memory_space<vmem_shared>>) target(%dma_start3A_80 : memref<640x128xf32, #tpu.memory_space<hbm>>) target_semaphore(%run_scoped3A_78 : memref<!tpu.dma_semaphore, #tpu.memory_space<semaphore_mem>>)
          %dma_wait3A_83 = arith.constant 0 : i32
          %dma_wait3A_84 = tpu.memref_slice %arg5[%run_scoped3A, %multiple_of3A, %dma_wait3A_83] : memref<2x10000x128xf32, #tpu.memory_space<hbm>> -> memref<1x640x128xf32, #tpu.memory_space<hbm>>
          %dma_wait3A_85 = tpu.memref_squeeze %dma_wait3A_84 : memref<1x640x128xf32, #tpu.memory_space<hbm>> -> memref<640x128xf32, #tpu.memory_space<hbm>>
          %dma_wait3A_86 = arith.constant 0 : i32
          %dma_wait3A_87 = tpu.memref_slice %arg8[%multiple_of3A, %dma_wait3A_86] : memref<10000x128xf32, #tpu.memory_space<vmem_shared>> -> memref<640x128xf32, #tpu.memory_space<vmem_shared>>
          tpu.wait_dma2 semaphore(%run_scoped3A_78 : memref<!tpu.dma_semaphore, #tpu.memory_space<semaphore_mem>>) src(%dma_wait3A_87 : memref<640x128xf32, #tpu.memory_space<vmem_shared>>) dst(%dma_wait3A_85 : memref<640x128xf32, #tpu.memory_space<hbm>>)
          tpu.yield
        }) : () -> ()
      } else {
      }
      %eq3A_72 = arith.constant 15 : i32
      %eq3A_73 = arith.cmpi eq, %arg1, %eq3A_72 : i32
      %convert_element_type3A_74 = arith.extui %eq3A_73 : i1 to i32
      %cond3A_75 = arith.constant 0 : i32
      %cond3A_76 = arith.cmpi ne, %convert_element_type3A_74, %cond3A_75 : i32
      scf.if %cond3A_76 {
        %run_scoped3A = arith.constant 0 : i32
        "tpu.region"() ({
          %run_scoped3A_77 = tpu.sem_alloc : memref<!tpu.dma_semaphore, #tpu.memory_space<semaphore_mem>>
          %dma_start3A = arith.constant 9600 : i32
          %dma_start3A_78 = arith.constant 0 : i32
          %dma_start3A_79 = tpu.memref_slice %arg5[%run_scoped3A, %dma_start3A, %dma_start3A_78] : memref<2x10000x128xf32, #tpu.memory_space<hbm>> -> memref<1x400x128xf32, #tpu.memory_space<hbm>>
          %dma_start3A_80 = tpu.memref_squeeze %dma_start3A_79 : memref<1x400x128xf32, #tpu.memory_space<hbm>> -> memref<400x128xf32, #tpu.memory_space<hbm>>
          %dma_start3A_81 = arith.constant 9600 : i32
          %dma_start3A_82 = arith.constant 0 : i32
          %dma_start3A_83 = tpu.memref_slice %arg8[%dma_start3A_81, %dma_start3A_82] : memref<10000x128xf32, #tpu.memory_space<vmem_shared>> -> memref<400x128xf32, #tpu.memory_space<vmem_shared>>
          tpu.enqueue_dma source(%dma_start3A_83 : memref<400x128xf32, #tpu.memory_space<vmem_shared>>) target(%dma_start3A_80 : memref<400x128xf32, #tpu.memory_space<hbm>>) target_semaphore(%run_scoped3A_77 : memref<!tpu.dma_semaphore, #tpu.memory_space<semaphore_mem>>)
          %dma_wait3A_84 = arith.constant 9600 : i32
          %dma_wait3A_85 = arith.constant 0 : i32
          %dma_wait3A_86 = tpu.memref_slice %arg5[%run_scoped3A, %dma_wait3A_84, %dma_wait3A_85] : memref<2x10000x128xf32, #tpu.memory_space<hbm>> -> memref<1x400x128xf32, #tpu.memory_space<hbm>>
          %dma_wait3A_87 = tpu.memref_squeeze %dma_wait3A_86 : memref<1x400x128xf32, #tpu.memory_space<hbm>> -> memref<400x128xf32, #tpu.memory_space<hbm>>
          %dma_wait3A_88 = arith.constant 9600 : i32
          %dma_wait3A_89 = arith.constant 0 : i32
          %dma_wait3A_90 = tpu.memref_slice %arg8[%dma_wait3A_88, %dma_wait3A_89] : memref<10000x128xf32, #tpu.memory_space<vmem_shared>> -> memref<400x128xf32, #tpu.memory_space<vmem_shared>>
          tpu.wait_dma2 semaphore(%run_scoped3A_77 : memref<!tpu.dma_semaphore, #tpu.memory_space<semaphore_mem>>) src(%dma_wait3A_90 : memref<400x128xf32, #tpu.memory_space<vmem_shared>>) dst(%dma_wait3A_87 : memref<400x128xf32, #tpu.memory_space<hbm>>)
          tpu.yield
        }) : () -> ()
      } else {
      }
    } else {
    }
    %eq3A_62 = arith.constant 1 : i32
    %eq3A_63 = arith.cmpi eq, %arg0, %eq3A_62 : i32
    %convert_element_type3A_64 = arith.extui %eq3A_63 : i1 to i32
    %cond3A_65 = arith.constant 0 : i32
    %cond3A_66 = arith.cmpi ne, %convert_element_type3A_64, %cond3A_65 : i32
    scf.if %cond3A_66 {
      %lt3A_67 = arith.constant 15 : i32
      %lt3A_68 = arith.cmpi slt, %arg1, %lt3A_67 : i32
      %convert_element_type3A_69 = arith.extui %lt3A_68 : i1 to i32
      %cond3A_70 = arith.constant 0 : i32
      %cond3A_71 = arith.cmpi ne, %convert_element_type3A_69, %cond3A_70 : i32
      scf.if %cond3A_71 {
        %mul3A = arith.constant 640 : i32
        %mul3A_77 = arith.muli %arg1, %mul3A : i32
        %multiple_of3A = tpu.assume_multiple %mul3A_77, 8 : i32
        %run_scoped3A = arith.constant 1 : i32
        "tpu.region"() ({
          %run_scoped3A_78 = tpu.sem_alloc : memref<!tpu.dma_semaphore, #tpu.memory_space<semaphore_mem>>
          %dma_start3A = arith.constant 0 : i32
          %dma_start3A_79 = tpu.memref_slice %arg5[%run_scoped3A, %multiple_of3A, %dma_start3A] : memref<2x10000x128xf32, #tpu.memory_space<hbm>> -> memref<1x640x128xf32, #tpu.memory_space<hbm>>
          %dma_start3A_80 = tpu.memref_squeeze %dma_start3A_79 : memref<1x640x128xf32, #tpu.memory_space<hbm>> -> memref<640x128xf32, #tpu.memory_space<hbm>>
          %dma_start3A_81 = arith.constant 0 : i32
          %dma_start3A_82 = tpu.memref_slice %arg8[%multiple_of3A, %dma_start3A_81] : memref<10000x128xf32, #tpu.memory_space<vmem_shared>> -> memref<640x128xf32, #tpu.memory_space<vmem_shared>>
          tpu.enqueue_dma source(%dma_start3A_82 : memref<640x128xf32, #tpu.memory_space<vmem_shared>>) target(%dma_start3A_80 : memref<640x128xf32, #tpu.memory_space<hbm>>) target_semaphore(%run_scoped3A_78 : memref<!tpu.dma_semaphore, #tpu.memory_space<semaphore_mem>>)
          %dma_wait3A_83 = arith.constant 0 : i32
          %dma_wait3A_84 = tpu.memref_slice %arg5[%run_scoped3A, %multiple_of3A, %dma_wait3A_83] : memref<2x10000x128xf32, #tpu.memory_space<hbm>> -> memref<1x640x128xf32, #tpu.memory_space<hbm>>
          %dma_wait3A_85 = tpu.memref_squeeze %dma_wait3A_84 : memref<1x640x128xf32, #tpu.memory_space<hbm>> -> memref<640x128xf32, #tpu.memory_space<hbm>>
          %dma_wait3A_86 = arith.constant 0 : i32
          %dma_wait3A_87 = tpu.memref_slice %arg8[%multiple_of3A, %dma_wait3A_86] : memref<10000x128xf32, #tpu.memory_space<vmem_shared>> -> memref<640x128xf32, #tpu.memory_space<vmem_shared>>
          tpu.wait_dma2 semaphore(%run_scoped3A_78 : memref<!tpu.dma_semaphore, #tpu.memory_space<semaphore_mem>>) src(%dma_wait3A_87 : memref<640x128xf32, #tpu.memory_space<vmem_shared>>) dst(%dma_wait3A_85 : memref<640x128xf32, #tpu.memory_space<hbm>>)
          tpu.yield
        }) : () -> ()
      } else {
      }
      %eq3A_72 = arith.constant 15 : i32
      %eq3A_73 = arith.cmpi eq, %arg1, %eq3A_72 : i32
      %convert_element_type3A_74 = arith.extui %eq3A_73 : i1 to i32
      %cond3A_75 = arith.constant 0 : i32
      %cond3A_76 = arith.cmpi ne, %convert_element_type3A_74, %cond3A_75 : i32
      scf.if %cond3A_76 {
        %run_scoped3A = arith.constant 1 : i32
        "tpu.region"() ({
          %run_scoped3A_77 = tpu.sem_alloc : memref<!tpu.dma_semaphore, #tpu.memory_space<semaphore_mem>>
          %dma_start3A = arith.constant 9600 : i32
          %dma_start3A_78 = arith.constant 0 : i32
          %dma_start3A_79 = tpu.memref_slice %arg5[%run_scoped3A, %dma_start3A, %dma_start3A_78] : memref<2x10000x128xf32, #tpu.memory_space<hbm>> -> memref<1x400x128xf32, #tpu.memory_space<hbm>>
          %dma_start3A_80 = tpu.memref_squeeze %dma_start3A_79 : memref<1x400x128xf32, #tpu.memory_space<hbm>> -> memref<400x128xf32, #tpu.memory_space<hbm>>
          %dma_start3A_81 = arith.constant 9600 : i32
          %dma_start3A_82 = arith.constant 0 : i32
          %dma_start3A_83 = tpu.memref_slice %arg8[%dma_start3A_81, %dma_start3A_82] : memref<10000x128xf32, #tpu.memory_space<vmem_shared>> -> memref<400x128xf32, #tpu.memory_space<vmem_shared>>
          tpu.enqueue_dma source(%dma_start3A_83 : memref<400x128xf32, #tpu.memory_space<vmem_shared>>) target(%dma_start3A_80 : memref<400x128xf32, #tpu.memory_space<hbm>>) target_semaphore(%run_scoped3A_77 : memref<!tpu.dma_semaphore, #tpu.memory_space<semaphore_mem>>)
          %dma_wait3A_84 = arith.constant 9600 : i32
          %dma_wait3A_85 = arith.constant 0 : i32
          %dma_wait3A_86 = tpu.memref_slice %arg5[%run_scoped3A, %dma_wait3A_84, %dma_wait3A_85] : memref<2x10000x128xf32, #tpu.memory_space<hbm>> -> memref<1x400x128xf32, #tpu.memory_space<hbm>>
          %dma_wait3A_87 = tpu.memref_squeeze %dma_wait3A_86 : memref<1x400x128xf32, #tpu.memory_space<hbm>> -> memref<400x128xf32, #tpu.memory_space<hbm>>
          %dma_wait3A_88 = arith.constant 9600 : i32
          %dma_wait3A_89 = arith.constant 0 : i32
          %dma_wait3A_90 = tpu.memref_slice %arg8[%dma_wait3A_88, %dma_wait3A_89] : memref<10000x128xf32, #tpu.memory_space<vmem_shared>> -> memref<400x128xf32, #tpu.memory_space<vmem_shared>>
          tpu.wait_dma2 semaphore(%run_scoped3A_77 : memref<!tpu.dma_semaphore, #tpu.memory_space<semaphore_mem>>) src(%dma_wait3A_90 : memref<400x128xf32, #tpu.memory_space<vmem_shared>>) dst(%dma_wait3A_87 : memref<400x128xf32, #tpu.memory_space<hbm>>)
          tpu.yield
        }) : () -> ()
      } else {
      }
    } else {
    }
    return
  }
}

#map = affine_map<(d0, d1) -> (0)>
#map1 = affine_map<(d0, d1) -> (0, 0, 0)>
#map2 = affine_map<(d0, d1) -> (0, 0)>
module attributes {stable_mosaic.version = 14 : i64} {
  func.func @_seg1_body(%arg0: i32, %arg1: i32, %arg2: memref<320000xi32, #tpu.memory_space<hbm>>, %arg3: memref<320000xi32, #tpu.memory_space<hbm>>, %arg4: memref<2x10000x128xf32, #tpu.memory_space<hbm>>, %arg5: memref<10000x128xf32, #tpu.memory_space<hbm>>, %arg6: memref<2x10000x128xf32, #tpu.memory_space<hbm>>, %arg7: memref<1x128xi32, #tpu.memory_space<vmem>>, %arg8: memref<1x128xi32, #tpu.memory_space<vmem>>, %arg9: memref<1x128xi32, #tpu.memory_space<vmem>>, %arg10: memref<1x128xi32, #tpu.memory_space<vmem>>, %arg11: memref<128x128xf32, #tpu.memory_space<vmem>>, %arg12: memref<128x128xf32, #tpu.memory_space<vmem>>, %arg13: memref<1x32xi32, #tpu.memory_space<vmem>>, %arg14: memref<1x32xi32, #tpu.memory_space<vmem>>, %arg15: memref<32x128xf32, #tpu.memory_space<vmem>>, %arg16: memref<10000x128xf32, #tpu.memory_space<vmem_shared>>, %arg17: memref<!tpu.dma_semaphore, #tpu.memory_space<semaphore_mem>>, %arg18: memref<!tpu.dma_semaphore, #tpu.memory_space<semaphore_mem>>, %arg19: memref<!tpu.dma_semaphore, #tpu.memory_space<semaphore_mem>>, %arg20: memref<!tpu.dma_semaphore, #tpu.memory_space<semaphore_mem>>) attributes {dimension_semantics = [#tpu.dimension_semantics<core_parallel>, #tpu.dimension_semantics<subcore_parallel>], iteration_bounds = array<i64: 2, 16>, scalar_prefetch = 0 : i64, scratch_operands = 14 : i64, tpu.core_type = #tpu.core_type<sc_vector_subcore>, window_params = [{transform_indices = #map}, {transform_indices = #map}, {transform_indices = #map1}, {transform_indices = #map2}, {transform_indices = #map1}]} {
    %lt3A = arith.constant 15 : i32
    %lt3A_0 = arith.cmpi slt, %arg1, %lt3A : i32
    %convert_element_type3A = arith.extui %lt3A_0 : i1 to i32
    %cond3A = arith.constant 0 : i32
    %cond3A_1 = arith.cmpi ne, %convert_element_type3A, %cond3A : i32
    scf.if %cond3A_1 {
      %mul3A = arith.constant 640 : i32
      %mul3A_37 = arith.muli %arg1, %mul3A : i32
      %multiple_of3A = tpu.assume_multiple %mul3A_37, 8 : i32
      "tpu.region"() ({
        %run_scoped3A = tpu.sem_alloc : memref<!tpu.dma_semaphore, #tpu.memory_space<semaphore_mem>>
        %dma_start3A = arith.constant 0 : i32
        %dma_start3A_38 = tpu.memref_slice %arg16[%multiple_of3A, %dma_start3A] : memref<10000x128xf32, #tpu.memory_space<vmem_shared>> -> memref<640x128xf32, #tpu.memory_space<vmem_shared>>
        %dma_start3A_39 = arith.constant 0 : i32
        %dma_start3A_40 = tpu.memref_slice %arg5[%multiple_of3A, %dma_start3A_39] : memref<10000x128xf32, #tpu.memory_space<hbm>> -> memref<640x128xf32, #tpu.memory_space<hbm>>
        tpu.enqueue_dma source(%dma_start3A_40 : memref<640x128xf32, #tpu.memory_space<hbm>>) target(%dma_start3A_38 : memref<640x128xf32, #tpu.memory_space<vmem_shared>>) target_semaphore(%run_scoped3A : memref<!tpu.dma_semaphore, #tpu.memory_space<semaphore_mem>>)
        %dma_wait3A = arith.constant 0 : i32
        %dma_wait3A_41 = tpu.memref_slice %arg16[%multiple_of3A, %dma_wait3A] : memref<10000x128xf32, #tpu.memory_space<vmem_shared>> -> memref<640x128xf32, #tpu.memory_space<vmem_shared>>
        %dma_wait3A_42 = arith.constant 0 : i32
        %dma_wait3A_43 = tpu.memref_slice %arg5[%multiple_of3A, %dma_wait3A_42] : memref<10000x128xf32, #tpu.memory_space<hbm>> -> memref<640x128xf32, #tpu.memory_space<hbm>>
        tpu.wait_dma2 semaphore(%run_scoped3A : memref<!tpu.dma_semaphore, #tpu.memory_space<semaphore_mem>>) src(%dma_wait3A_43 : memref<640x128xf32, #tpu.memory_space<hbm>>) dst(%dma_wait3A_41 : memref<640x128xf32, #tpu.memory_space<vmem_shared>>)
        tpu.yield
      }) : () -> ()
    } else {
    }
    %eq3A = arith.constant 15 : i32
    %eq3A_2 = arith.cmpi eq, %arg1, %eq3A : i32
    %convert_element_type3A_3 = arith.extui %eq3A_2 : i1 to i32
    %cond3A_4 = arith.constant 0 : i32
    %cond3A_5 = arith.cmpi ne, %convert_element_type3A_3, %cond3A_4 : i32
    scf.if %cond3A_5 {
      "tpu.region"() ({
        %run_scoped3A = tpu.sem_alloc : memref<!tpu.dma_semaphore, #tpu.memory_space<semaphore_mem>>
        %dma_start3A = arith.constant 9600 : i32
        %dma_start3A_37 = arith.constant 0 : i32
        %dma_start3A_38 = tpu.memref_slice %arg16[%dma_start3A, %dma_start3A_37] : memref<10000x128xf32, #tpu.memory_space<vmem_shared>> -> memref<400x128xf32, #tpu.memory_space<vmem_shared>>
        %dma_start3A_39 = arith.constant 9600 : i32
        %dma_start3A_40 = arith.constant 0 : i32
        %dma_start3A_41 = tpu.memref_slice %arg5[%dma_start3A_39, %dma_start3A_40] : memref<10000x128xf32, #tpu.memory_space<hbm>> -> memref<400x128xf32, #tpu.memory_space<hbm>>
        tpu.enqueue_dma source(%dma_start3A_41 : memref<400x128xf32, #tpu.memory_space<hbm>>) target(%dma_start3A_38 : memref<400x128xf32, #tpu.memory_space<vmem_shared>>) target_semaphore(%run_scoped3A : memref<!tpu.dma_semaphore, #tpu.memory_space<semaphore_mem>>)
        %dma_wait3A = arith.constant 9600 : i32
        %dma_wait3A_42 = arith.constant 0 : i32
        %dma_wait3A_43 = tpu.memref_slice %arg16[%dma_wait3A, %dma_wait3A_42] : memref<10000x128xf32, #tpu.memory_space<vmem_shared>> -> memref<400x128xf32, #tpu.memory_space<vmem_shared>>
        %dma_wait3A_44 = arith.constant 9600 : i32
        %dma_wait3A_45 = arith.constant 0 : i32
        %dma_wait3A_46 = tpu.memref_slice %arg5[%dma_wait3A_44, %dma_wait3A_45] : memref<10000x128xf32, #tpu.memory_space<hbm>> -> memref<400x128xf32, #tpu.memory_space<hbm>>
        tpu.wait_dma2 semaphore(%run_scoped3A : memref<!tpu.dma_semaphore, #tpu.memory_space<semaphore_mem>>) src(%dma_wait3A_46 : memref<400x128xf32, #tpu.memory_space<hbm>>) dst(%dma_wait3A_43 : memref<400x128xf32, #tpu.memory_space<vmem_shared>>)
        tpu.yield
      }) : () -> ()
    } else {
    }
    %barrier3A = arith.constant 0 : index
    tpu.barrier barrier_id(%barrier3A)
    %eq3A_6 = arith.constant 0 : i32
    %eq3A_7 = arith.cmpi eq, %arg0, %eq3A_6 : i32
    %convert_element_type3A_8 = arith.extui %eq3A_7 : i1 to i32
    %cond3A_9 = arith.constant 0 : i32
    %cond3A_10 = arith.cmpi ne, %convert_element_type3A_8, %cond3A_9 : i32
    scf.if %cond3A_10 {
      %mul3A = arith.constant 20000 : i32
      %mul3A_37 = arith.muli %arg1, %mul3A : i32
      %add3A = arith.constant 0 : i32
      %add3A_38 = arith.addi %mul3A_37, %add3A : i32
      %run_scoped3A = arith.constant 0 : i32
      "tpu.region"() ({
        %run_scoped3A_65 = tpu.sem_alloc : memref<!tpu.dma_semaphore, #tpu.memory_space<semaphore_mem>>
        %dma_start3A_66 = arith.constant 0 : i32
        %dma_start3A_67 = tpu.memref_slice %arg7[%run_scoped3A, %dma_start3A_66] : memref<1x128xi32, #tpu.memory_space<vmem>> -> memref<1x128xi32, #tpu.memory_space<vmem>>
        %dma_start3A_68 = tpu.memref_squeeze %dma_start3A_67 : memref<1x128xi32, #tpu.memory_space<vmem>> -> memref<128xi32, #tpu.memory_space<vmem>>
        %dma_start3A_69 = tpu.memref_slice %arg2[%add3A_38] : memref<320000xi32, #tpu.memory_space<hbm>> -> memref<128xi32, #tpu.memory_space<hbm>>
        %dma_start3A_70 = arith.constant 0 : i32
        %dma_start3A_71 = tpu.memref_slice %arg7[%run_scoped3A, %dma_start3A_70] : memref<1x128xi32, #tpu.memory_space<vmem>> -> memref<1x128xi32, #tpu.memory_space<vmem>>
        %dma_start3A_72 = tpu.memref_squeeze %dma_start3A_71 : memref<1x128xi32, #tpu.memory_space<vmem>> -> memref<128xi32, #tpu.memory_space<vmem>>
        %dma_start3A_73 = tpu.memref_slice %arg2[%add3A_38] : memref<320000xi32, #tpu.memory_space<hbm>> -> memref<128xi32, #tpu.memory_space<hbm>>
        tpu.enqueue_dma source(%dma_start3A_73 : memref<128xi32, #tpu.memory_space<hbm>>) target(%dma_start3A_72 : memref<128xi32, #tpu.memory_space<vmem>>) target_semaphore(%run_scoped3A_65 : memref<!tpu.dma_semaphore, #tpu.memory_space<semaphore_mem>>)
        %dma_wait3A_74 = arith.constant 0 : i32
        %dma_wait3A_75 = tpu.memref_slice %arg7[%run_scoped3A, %dma_wait3A_74] : memref<1x128xi32, #tpu.memory_space<vmem>> -> memref<1x128xi32, #tpu.memory_space<vmem>>
        %dma_wait3A_76 = tpu.memref_squeeze %dma_wait3A_75 : memref<1x128xi32, #tpu.memory_space<vmem>> -> memref<128xi32, #tpu.memory_space<vmem>>
        %dma_wait3A_77 = tpu.memref_slice %arg2[%add3A_38] : memref<320000xi32, #tpu.memory_space<hbm>> -> memref<128xi32, #tpu.memory_space<hbm>>
        %dma_wait3A_78 = arith.constant 0 : i32
        %dma_wait3A_79 = tpu.memref_slice %arg7[%run_scoped3A, %dma_wait3A_78] : memref<1x128xi32, #tpu.memory_space<vmem>> -> memref<1x128xi32, #tpu.memory_space<vmem>>
        %dma_wait3A_80 = tpu.memref_squeeze %dma_wait3A_79 : memref<1x128xi32, #tpu.memory_space<vmem>> -> memref<128xi32, #tpu.memory_space<vmem>>
        %dma_wait3A_81 = tpu.memref_slice %arg2[%add3A_38] : memref<320000xi32, #tpu.memory_space<hbm>> -> memref<128xi32, #tpu.memory_space<hbm>>
        tpu.wait_dma2 semaphore(%run_scoped3A_65 : memref<!tpu.dma_semaphore, #tpu.memory_space<semaphore_mem>>) src(%dma_wait3A_81 : memref<128xi32, #tpu.memory_space<hbm>>) dst(%dma_wait3A_80 : memref<128xi32, #tpu.memory_space<vmem>>)
        tpu.yield
      }) : () -> ()
      %add3A_39 = arith.constant 0 : i32
      %add3A_40 = arith.addi %mul3A_37, %add3A_39 : i32
      %run_scoped3A_41 = arith.constant 0 : i32
      "tpu.region"() ({
        %run_scoped3A_65 = tpu.sem_alloc : memref<!tpu.dma_semaphore, #tpu.memory_space<semaphore_mem>>
        %dma_start3A_66 = arith.constant 0 : i32
        %dma_start3A_67 = tpu.memref_slice %arg8[%run_scoped3A_41, %dma_start3A_66] : memref<1x128xi32, #tpu.memory_space<vmem>> -> memref<1x128xi32, #tpu.memory_space<vmem>>
        %dma_start3A_68 = tpu.memref_squeeze %dma_start3A_67 : memref<1x128xi32, #tpu.memory_space<vmem>> -> memref<128xi32, #tpu.memory_space<vmem>>
        %dma_start3A_69 = tpu.memref_slice %arg3[%add3A_40] : memref<320000xi32, #tpu.memory_space<hbm>> -> memref<128xi32, #tpu.memory_space<hbm>>
        %dma_start3A_70 = arith.constant 0 : i32
        %dma_start3A_71 = tpu.memref_slice %arg8[%run_scoped3A_41, %dma_start3A_70] : memref<1x128xi32, #tpu.memory_space<vmem>> -> memref<1x128xi32, #tpu.memory_space<vmem>>
        %dma_start3A_72 = tpu.memref_squeeze %dma_start3A_71 : memref<1x128xi32, #tpu.memory_space<vmem>> -> memref<128xi32, #tpu.memory_space<vmem>>
        %dma_start3A_73 = tpu.memref_slice %arg3[%add3A_40] : memref<320000xi32, #tpu.memory_space<hbm>> -> memref<128xi32, #tpu.memory_space<hbm>>
        tpu.enqueue_dma source(%dma_start3A_73 : memref<128xi32, #tpu.memory_space<hbm>>) target(%dma_start3A_72 : memref<128xi32, #tpu.memory_space<vmem>>) target_semaphore(%run_scoped3A_65 : memref<!tpu.dma_semaphore, #tpu.memory_space<semaphore_mem>>)
        %dma_wait3A_74 = arith.constant 0 : i32
        %dma_wait3A_75 = tpu.memref_slice %arg8[%run_scoped3A_41, %dma_wait3A_74] : memref<1x128xi32, #tpu.memory_space<vmem>> -> memref<1x128xi32, #tpu.memory_space<vmem>>
        %dma_wait3A_76 = tpu.memref_squeeze %dma_wait3A_75 : memref<1x128xi32, #tpu.memory_space<vmem>> -> memref<128xi32, #tpu.memory_space<vmem>>
        %dma_wait3A_77 = tpu.memref_slice %arg3[%add3A_40] : memref<320000xi32, #tpu.memory_space<hbm>> -> memref<128xi32, #tpu.memory_space<hbm>>
        %dma_wait3A_78 = arith.constant 0 : i32
        %dma_wait3A_79 = tpu.memref_slice %arg8[%run_scoped3A_41, %dma_wait3A_78] : memref<1x128xi32, #tpu.memory_space<vmem>> -> memref<1x128xi32, #tpu.memory_space<vmem>>
        %dma_wait3A_80 = tpu.memref_squeeze %dma_wait3A_79 : memref<1x128xi32, #tpu.memory_space<vmem>> -> memref<128xi32, #tpu.memory_space<vmem>>
        %dma_wait3A_81 = tpu.memref_slice %arg3[%add3A_40] : memref<320000xi32, #tpu.memory_space<hbm>> -> memref<128xi32, #tpu.memory_space<hbm>>
        tpu.wait_dma2 semaphore(%run_scoped3A_65 : memref<!tpu.dma_semaphore, #tpu.memory_space<semaphore_mem>>) src(%dma_wait3A_81 : memref<128xi32, #tpu.memory_space<hbm>>) dst(%dma_wait3A_80 : memref<128xi32, #tpu.memory_space<vmem>>)
        tpu.yield
      }) : () -> ()
      %dma_start3A = arith.constant 0 : i32
      %dma_start3A_42 = arith.constant 0 : i32
      %dma_start3A_43 = arith.constant 0 : i32
      %dma_start3A_44 = tpu.memref_slice %arg7[%dma_start3A_42, %dma_start3A_43] : memref<1x128xi32, #tpu.memory_space<vmem>> -> memref<1x128xi32, #tpu.memory_space<vmem>>
      %dma_start3A_45 = tpu.memref_squeeze %dma_start3A_44 : memref<1x128xi32, #tpu.memory_space<vmem>> -> memref<128xi32, #tpu.memory_space<vmem>>
      %dma_start3A_46 = arith.constant 0 : i32
      %dma_start3A_47 = arith.constant 0 : i32
      %dma_start3A_48 = tpu.memref_slice %arg4[%dma_start3A, %dma_start3A_46, %dma_start3A_47] : memref<2x10000x128xf32, #tpu.memory_space<hbm>> -> memref<1x10000x128xf32, #tpu.memory_space<hbm>>
      %dma_start3A_49 = tpu.memref_squeeze %dma_start3A_48 : memref<1x10000x128xf32, #tpu.memory_space<hbm>> -> memref<10000x128xf32, #tpu.memory_space<hbm>>
      %dma_start3A_50 = arith.constant 0 : i32
      %dma_start3A_51 = arith.constant 0 : i32
      %dma_start3A_52 = tpu.memref_slice %dma_start3A_49[%dma_start3A_50, %dma_start3A_51] : memref<10000x128xf32, #tpu.memory_space<hbm>> -> memref<10000x128xf32, #tpu.memory_space<hbm>>
      tpu.enqueue_indirect_dma source(%dma_start3A_52 : memref<10000x128xf32, #tpu.memory_space<hbm>>) target(%arg11 : memref<128x128xf32, #tpu.memory_space<vmem>>) offsets(%dma_start3A_45 : memref<128xi32, #tpu.memory_space<vmem>>) semaphore(%arg17 : memref<!tpu.dma_semaphore, #tpu.memory_space<semaphore_mem>>)
      %scan3A = arith.constant 0 : i32
      %scan3A_53 = arith.constant 0 : i32
      %scan3A_54 = arith.constant 0 : i32
      %scan3A_55 = arith.constant 78 : i32
      %scan3A_56 = arith.addi %scan3A_54, %scan3A_55 : i32
      %scan3A_57 = arith.constant 1 : i32
      scf.for %scan3A_65 = %scan3A_54 to %scan3A_56 step %scan3A_57  : i32 {
        %mul3A_66 = arith.constant 2 : i32
        %mul3A_67 = arith.muli %mul3A_66, %scan3A_65 : i32
        %gt3A = arith.constant 0 : i32
        %gt3A_68 = arith.cmpi sgt, %scan3A_65, %gt3A : i32
        %convert_element_type3A_69 = arith.extui %gt3A_68 : i1 to i32
        %cond3A_70 = arith.constant 0 : i32
        %cond3A_71 = arith.cmpi ne, %convert_element_type3A_69, %cond3A_70 : i32
        scf.if %cond3A_71 {
          %dma_wait3A_143 = arith.constant 0 : i32
          %dma_wait3A_144 = arith.constant 0 : i32
          %dma_wait3A_145 = tpu.memref_slice %arg10[%dma_wait3A_143, %dma_wait3A_144] : memref<1x128xi32, #tpu.memory_space<vmem>> -> memref<1x128xi32, #tpu.memory_space<vmem>>
          %dma_wait3A_146 = tpu.memref_squeeze %dma_wait3A_145 : memref<1x128xi32, #tpu.memory_space<vmem>> -> memref<128xi32, #tpu.memory_space<vmem>>
          %dma_wait3A_147 = arith.constant 0 : i32
          %dma_wait3A_148 = arith.constant 0 : i32
          %dma_wait3A_149 = tpu.memref_slice %arg16[%dma_wait3A_147, %dma_wait3A_148] : memref<10000x128xf32, #tpu.memory_space<vmem_shared>> -> memref<10000x128xf32, #tpu.memory_space<vmem_shared>>
          tpu.wait_indirect_dma semaphore(%arg20 : memref<!tpu.dma_semaphore, #tpu.memory_space<semaphore_mem>>) src(%arg12 : memref<128x128xf32, #tpu.memory_space<vmem>>) dst(%dma_wait3A_149 : memref<10000x128xf32, #tpu.memory_space<vmem_shared>>)
        } else {
        }
        %add3A_72 = arith.constant 1 : i32
        %add3A_73 = arith.addi %mul3A_67, %add3A_72 : i32
        %mul3A_74 = arith.constant 128 : i32
        %mul3A_75 = arith.muli %add3A_73, %mul3A_74 : i32
        %add3A_76 = arith.addi %mul3A_37, %mul3A_75 : i32
        %run_scoped3A_77 = arith.constant 0 : i32
        "tpu.region"() ({
          %run_scoped3A_143 = tpu.sem_alloc : memref<!tpu.dma_semaphore, #tpu.memory_space<semaphore_mem>>
          %dma_start3A_144 = arith.constant 0 : i32
          %dma_start3A_145 = tpu.memref_slice %arg9[%run_scoped3A_77, %dma_start3A_144] : memref<1x128xi32, #tpu.memory_space<vmem>> -> memref<1x128xi32, #tpu.memory_space<vmem>>
          %dma_start3A_146 = tpu.memref_squeeze %dma_start3A_145 : memref<1x128xi32, #tpu.memory_space<vmem>> -> memref<128xi32, #tpu.memory_space<vmem>>
          %dma_start3A_147 = tpu.memref_slice %arg2[%add3A_76] : memref<320000xi32, #tpu.memory_space<hbm>> -> memref<128xi32, #tpu.memory_space<hbm>>
          %dma_start3A_148 = arith.constant 0 : i32
          %dma_start3A_149 = tpu.memref_slice %arg9[%run_scoped3A_77, %dma_start3A_148] : memref<1x128xi32, #tpu.memory_space<vmem>> -> memref<1x128xi32, #tpu.memory_space<vmem>>
          %dma_start3A_150 = tpu.memref_squeeze %dma_start3A_149 : memref<1x128xi32, #tpu.memory_space<vmem>> -> memref<128xi32, #tpu.memory_space<vmem>>
          %dma_start3A_151 = tpu.memref_slice %arg2[%add3A_76] : memref<320000xi32, #tpu.memory_space<hbm>> -> memref<128xi32, #tpu.memory_space<hbm>>
          tpu.enqueue_dma source(%dma_start3A_151 : memref<128xi32, #tpu.memory_space<hbm>>) target(%dma_start3A_150 : memref<128xi32, #tpu.memory_space<vmem>>) target_semaphore(%run_scoped3A_143 : memref<!tpu.dma_semaphore, #tpu.memory_space<semaphore_mem>>)
          %dma_wait3A_152 = arith.constant 0 : i32
          %dma_wait3A_153 = tpu.memref_slice %arg9[%run_scoped3A_77, %dma_wait3A_152] : memref<1x128xi32, #tpu.memory_space<vmem>> -> memref<1x128xi32, #tpu.memory_space<vmem>>
          %dma_wait3A_154 = tpu.memref_squeeze %dma_wait3A_153 : memref<1x128xi32, #tpu.memory_space<vmem>> -> memref<128xi32, #tpu.memory_space<vmem>>
          %dma_wait3A_155 = tpu.memref_slice %arg2[%add3A_76] : memref<320000xi32, #tpu.memory_space<hbm>> -> memref<128xi32, #tpu.memory_space<hbm>>
          %dma_wait3A_156 = arith.constant 0 : i32
          %dma_wait3A_157 = tpu.memref_slice %arg9[%run_scoped3A_77, %dma_wait3A_156] : memref<1x128xi32, #tpu.memory_space<vmem>> -> memref<1x128xi32, #tpu.memory_space<vmem>>
          %dma_wait3A_158 = tpu.memref_squeeze %dma_wait3A_157 : memref<1x128xi32, #tpu.memory_space<vmem>> -> memref<128xi32, #tpu.memory_space<vmem>>
          %dma_wait3A_159 = tpu.memref_slice %arg2[%add3A_76] : memref<320000xi32, #tpu.memory_space<hbm>> -> memref<128xi32, #tpu.memory_space<hbm>>
          tpu.wait_dma2 semaphore(%run_scoped3A_143 : memref<!tpu.dma_semaphore, #tpu.memory_space<semaphore_mem>>) src(%dma_wait3A_159 : memref<128xi32, #tpu.memory_space<hbm>>) dst(%dma_wait3A_158 : memref<128xi32, #tpu.memory_space<vmem>>)
          tpu.yield
        }) : () -> ()
        %mul3A_78 = arith.constant 128 : i32
        %mul3A_79 = arith.muli %add3A_73, %mul3A_78 : i32
        %add3A_80 = arith.addi %mul3A_37, %mul3A_79 : i32
        %run_scoped3A_81 = arith.constant 0 : i32
        "tpu.region"() ({
          %run_scoped3A_143 = tpu.sem_alloc : memref<!tpu.dma_semaphore, #tpu.memory_space<semaphore_mem>>
          %dma_start3A_144 = arith.constant 0 : i32
          %dma_start3A_145 = tpu.memref_slice %arg10[%run_scoped3A_81, %dma_start3A_144] : memref<1x128xi32, #tpu.memory_space<vmem>> -> memref<1x128xi32, #tpu.memory_space<vmem>>
          %dma_start3A_146 = tpu.memref_squeeze %dma_start3A_145 : memref<1x128xi32, #tpu.memory_space<vmem>> -> memref<128xi32, #tpu.memory_space<vmem>>
          %dma_start3A_147 = tpu.memref_slice %arg3[%add3A_80] : memref<320000xi32, #tpu.memory_space<hbm>> -> memref<128xi32, #tpu.memory_space<hbm>>
          %dma_start3A_148 = arith.constant 0 : i32
          %dma_start3A_149 = tpu.memref_slice %arg10[%run_scoped3A_81, %dma_start3A_148] : memref<1x128xi32, #tpu.memory_space<vmem>> -> memref<1x128xi32, #tpu.memory_space<vmem>>
          %dma_start3A_150 = tpu.memref_squeeze %dma_start3A_149 : memref<1x128xi32, #tpu.memory_space<vmem>> -> memref<128xi32, #tpu.memory_space<vmem>>
          %dma_start3A_151 = tpu.memref_slice %arg3[%add3A_80] : memref<320000xi32, #tpu.memory_space<hbm>> -> memref<128xi32, #tpu.memory_space<hbm>>
          tpu.enqueue_dma source(%dma_start3A_151 : memref<128xi32, #tpu.memory_space<hbm>>) target(%dma_start3A_150 : memref<128xi32, #tpu.memory_space<vmem>>) target_semaphore(%run_scoped3A_143 : memref<!tpu.dma_semaphore, #tpu.memory_space<semaphore_mem>>)
          %dma_wait3A_152 = arith.constant 0 : i32
          %dma_wait3A_153 = tpu.memref_slice %arg10[%run_scoped3A_81, %dma_wait3A_152] : memref<1x128xi32, #tpu.memory_space<vmem>> -> memref<1x128xi32, #tpu.memory_space<vmem>>
          %dma_wait3A_154 = tpu.memref_squeeze %dma_wait3A_153 : memref<1x128xi32, #tpu.memory_space<vmem>> -> memref<128xi32, #tpu.memory_space<vmem>>
          %dma_wait3A_155 = tpu.memref_slice %arg3[%add3A_80] : memref<320000xi32, #tpu.memory_space<hbm>> -> memref<128xi32, #tpu.memory_space<hbm>>
          %dma_wait3A_156 = arith.constant 0 : i32
          %dma_wait3A_157 = tpu.memref_slice %arg10[%run_scoped3A_81, %dma_wait3A_156] : memref<1x128xi32, #tpu.memory_space<vmem>> -> memref<1x128xi32, #tpu.memory_space<vmem>>
          %dma_wait3A_158 = tpu.memref_squeeze %dma_wait3A_157 : memref<1x128xi32, #tpu.memory_space<vmem>> -> memref<128xi32, #tpu.memory_space<vmem>>
          %dma_wait3A_159 = tpu.memref_slice %arg3[%add3A_80] : memref<320000xi32, #tpu.memory_space<hbm>> -> memref<128xi32, #tpu.memory_space<hbm>>
          tpu.wait_dma2 semaphore(%run_scoped3A_143 : memref<!tpu.dma_semaphore, #tpu.memory_space<semaphore_mem>>) src(%dma_wait3A_159 : memref<128xi32, #tpu.memory_space<hbm>>) dst(%dma_wait3A_158 : memref<128xi32, #tpu.memory_space<vmem>>)
          tpu.yield
        }) : () -> ()
        %dma_wait3A_82 = arith.constant 0 : i32
        %dma_wait3A_83 = arith.constant 0 : i32
        %dma_wait3A_84 = tpu.memref_slice %arg7[%dma_wait3A_82, %dma_wait3A_83] : memref<1x128xi32, #tpu.memory_space<vmem>> -> memref<1x128xi32, #tpu.memory_space<vmem>>
        %dma_wait3A_85 = tpu.memref_squeeze %dma_wait3A_84 : memref<1x128xi32, #tpu.memory_space<vmem>> -> memref<128xi32, #tpu.memory_space<vmem>>
        %dma_wait3A_86 = arith.constant 0 : i32
        %dma_wait3A_87 = arith.constant 0 : i32
        %dma_wait3A_88 = tpu.memref_slice %arg4[%scan3A_53, %dma_wait3A_86, %dma_wait3A_87] : memref<2x10000x128xf32, #tpu.memory_space<hbm>> -> memref<1x10000x128xf32, #tpu.memory_space<hbm>>
        %dma_wait3A_89 = tpu.memref_squeeze %dma_wait3A_88 : memref<1x10000x128xf32, #tpu.memory_space<hbm>> -> memref<10000x128xf32, #tpu.memory_space<hbm>>
        %dma_wait3A_90 = arith.constant 0 : i32
        %dma_wait3A_91 = arith.constant 0 : i32
        %dma_wait3A_92 = tpu.memref_slice %dma_wait3A_89[%dma_wait3A_90, %dma_wait3A_91] : memref<10000x128xf32, #tpu.memory_space<hbm>> -> memref<10000x128xf32, #tpu.memory_space<hbm>>
        tpu.wait_indirect_dma semaphore(%arg17 : memref<!tpu.dma_semaphore, #tpu.memory_space<semaphore_mem>>) src(%dma_wait3A_92 : memref<10000x128xf32, #tpu.memory_space<hbm>>) dst(%arg11 : memref<128x128xf32, #tpu.memory_space<vmem>>)
        %dma_start3A_93 = arith.constant 0 : i32
        %dma_start3A_94 = arith.constant 0 : i32
        %dma_start3A_95 = tpu.memref_slice %arg8[%dma_start3A_93, %dma_start3A_94] : memref<1x128xi32, #tpu.memory_space<vmem>> -> memref<1x128xi32, #tpu.memory_space<vmem>>
        %dma_start3A_96 = tpu.memref_squeeze %dma_start3A_95 : memref<1x128xi32, #tpu.memory_space<vmem>> -> memref<128xi32, #tpu.memory_space<vmem>>
        %dma_start3A_97 = arith.constant 0 : i32
        %dma_start3A_98 = arith.constant 0 : i32
        %dma_start3A_99 = tpu.memref_slice %arg16[%dma_start3A_97, %dma_start3A_98] : memref<10000x128xf32, #tpu.memory_space<vmem_shared>> -> memref<10000x128xf32, #tpu.memory_space<vmem_shared>>
        tpu.enqueue_indirect_dma source(%arg11 : memref<128x128xf32, #tpu.memory_space<vmem>>) target(%dma_start3A_99 : memref<10000x128xf32, #tpu.memory_space<vmem_shared>>) offsets(%dma_start3A_96 : memref<128xi32, #tpu.memory_space<vmem>>) semaphore(%arg19 : memref<!tpu.dma_semaphore, #tpu.memory_space<semaphore_mem>>) {add = true}
        %dma_start3A_100 = arith.constant 0 : i32
        %dma_start3A_101 = arith.constant 0 : i32
        %dma_start3A_102 = tpu.memref_slice %arg9[%dma_start3A_100, %dma_start3A_101] : memref<1x128xi32, #tpu.memory_space<vmem>> -> memref<1x128xi32, #tpu.memory_space<vmem>>
        %dma_start3A_103 = tpu.memref_squeeze %dma_start3A_102 : memref<1x128xi32, #tpu.memory_space<vmem>> -> memref<128xi32, #tpu.memory_space<vmem>>
        %dma_start3A_104 = arith.constant 0 : i32
        %dma_start3A_105 = arith.constant 0 : i32
        %dma_start3A_106 = tpu.memref_slice %arg4[%scan3A_53, %dma_start3A_104, %dma_start3A_105] : memref<2x10000x128xf32, #tpu.memory_space<hbm>> -> memref<1x10000x128xf32, #tpu.memory_space<hbm>>
        %dma_start3A_107 = tpu.memref_squeeze %dma_start3A_106 : memref<1x10000x128xf32, #tpu.memory_space<hbm>> -> memref<10000x128xf32, #tpu.memory_space<hbm>>
        %dma_start3A_108 = arith.constant 0 : i32
        %dma_start3A_109 = arith.constant 0 : i32
        %dma_start3A_110 = tpu.memref_slice %dma_start3A_107[%dma_start3A_108, %dma_start3A_109] : memref<10000x128xf32, #tpu.memory_space<hbm>> -> memref<10000x128xf32, #tpu.memory_space<hbm>>
        tpu.enqueue_indirect_dma source(%dma_start3A_110 : memref<10000x128xf32, #tpu.memory_space<hbm>>) target(%arg12 : memref<128x128xf32, #tpu.memory_space<vmem>>) offsets(%dma_start3A_103 : memref<128xi32, #tpu.memory_space<vmem>>) semaphore(%arg18 : memref<!tpu.dma_semaphore, #tpu.memory_space<semaphore_mem>>)
        %dma_wait3A_111 = arith.constant 0 : i32
        %dma_wait3A_112 = arith.constant 0 : i32
        %dma_wait3A_113 = tpu.memref_slice %arg9[%dma_wait3A_111, %dma_wait3A_112] : memref<1x128xi32, #tpu.memory_space<vmem>> -> memref<1x128xi32, #tpu.memory_space<vmem>>
        %dma_wait3A_114 = tpu.memref_squeeze %dma_wait3A_113 : memref<1x128xi32, #tpu.memory_space<vmem>> -> memref<128xi32, #tpu.memory_space<vmem>>
        %dma_wait3A_115 = arith.constant 0 : i32
        %dma_wait3A_116 = arith.constant 0 : i32
        %dma_wait3A_117 = tpu.memref_slice %arg4[%scan3A_53, %dma_wait3A_115, %dma_wait3A_116] : memref<2x10000x128xf32, #tpu.memory_space<hbm>> -> memref<1x10000x128xf32, #tpu.memory_space<hbm>>
        %dma_wait3A_118 = tpu.memref_squeeze %dma_wait3A_117 : memref<1x10000x128xf32, #tpu.memory_space<hbm>> -> memref<10000x128xf32, #tpu.memory_space<hbm>>
        %dma_wait3A_119 = arith.constant 0 : i32
        %dma_wait3A_120 = arith.constant 0 : i32
        %dma_wait3A_121 = tpu.memref_slice %dma_wait3A_118[%dma_wait3A_119, %dma_wait3A_120] : memref<10000x128xf32, #tpu.memory_space<hbm>> -> memref<10000x128xf32, #tpu.memory_space<hbm>>
        tpu.wait_indirect_dma semaphore(%arg18 : memref<!tpu.dma_semaphore, #tpu.memory_space<semaphore_mem>>) src(%dma_wait3A_121 : memref<10000x128xf32, #tpu.memory_space<hbm>>) dst(%arg12 : memref<128x128xf32, #tpu.memory_space<vmem>>)
        %dma_start3A_122 = arith.constant 0 : i32
        %dma_start3A_123 = arith.constant 0 : i32
        %dma_start3A_124 = tpu.memref_slice %arg10[%dma_start3A_122, %dma_start3A_123] : memref<1x128xi32, #tpu.memory_space<vmem>> -> memref<1x128xi32, #tpu.memory_space<vmem>>
        %dma_start3A_125 = tpu.memref_squeeze %dma_start3A_124 : memref<1x128xi32, #tpu.memory_space<vmem>> -> memref<128xi32, #tpu.memory_space<vmem>>
        %dma_start3A_126 = arith.constant 0 : i32
        %dma_start3A_127 = arith.constant 0 : i32
        %dma_start3A_128 = tpu.memref_slice %arg16[%dma_start3A_126, %dma_start3A_127] : memref<10000x128xf32, #tpu.memory_space<vmem_shared>> -> memref<10000x128xf32, #tpu.memory_space<vmem_shared>>
        tpu.enqueue_indirect_dma source(%arg12 : memref<128x128xf32, #tpu.memory_space<vmem>>) target(%dma_start3A_128 : memref<10000x128xf32, #tpu.memory_space<vmem_shared>>) offsets(%dma_start3A_125 : memref<128xi32, #tpu.memory_space<vmem>>) semaphore(%arg20 : memref<!tpu.dma_semaphore, #tpu.memory_space<semaphore_mem>>) {add = true}
        %dma_wait3A_129 = arith.constant 0 : i32
        %dma_wait3A_130 = arith.constant 0 : i32
        %dma_wait3A_131 = tpu.memref_slice %arg8[%dma_wait3A_129, %dma_wait3A_130] : memref<1x128xi32, #tpu.memory_space<vmem>> -> memref<1x128xi32, #tpu.memory_space<vmem>>
        %dma_wait3A_132 = tpu.memref_squeeze %dma_wait3A_131 : memref<1x128xi32, #tpu.memory_space<vmem>> -> memref<128xi32, #tpu.memory_space<vmem>>
        %dma_wait3A_133 = arith.constant 0 : i32
        %dma_wait3A_134 = arith.constant 0 : i32
        %dma_wait3A_135 = tpu.memref_slice %arg16[%dma_wait3A_133, %dma_wait3A_134] : memref<10000x128xf32, #tpu.memory_space<vmem_shared>> -> memref<10000x128xf32, #tpu.memory_space<vmem_shared>>
        tpu.wait_indirect_dma semaphore(%arg19 : memref<!tpu.dma_semaphore, #tpu.memory_space<semaphore_mem>>) src(%arg11 : memref<128x128xf32, #tpu.memory_space<vmem>>) dst(%dma_wait3A_135 : memref<10000x128xf32, #tpu.memory_space<vmem_shared>>)
        %add3A_136 = arith.constant 2 : i32
        %add3A_137 = arith.addi %mul3A_67, %add3A_136 : i32
        %lt3A_138 = arith.constant 156 : i32
        %lt3A_139 = arith.cmpi slt, %add3A_137, %lt3A_138 : i32
        %convert_element_type3A_140 = arith.extui %lt3A_139 : i1 to i32
        %cond3A_141 = arith.constant 0 : i32
        %cond3A_142 = arith.cmpi ne, %convert_element_type3A_140, %cond3A_141 : i32
        scf.if %cond3A_142 {
          %add3A_143 = arith.constant 2 : i32
          %add3A_144 = arith.addi %mul3A_67, %add3A_143 : i32
          %mul3A_145 = arith.constant 128 : i32
          %mul3A_146 = arith.muli %add3A_144, %mul3A_145 : i32
          %add3A_147 = arith.addi %mul3A_37, %mul3A_146 : i32
          %run_scoped3A_148 = arith.constant 0 : i32
          "tpu.region"() ({
            %run_scoped3A_164 = tpu.sem_alloc : memref<!tpu.dma_semaphore, #tpu.memory_space<semaphore_mem>>
            %dma_start3A_165 = arith.constant 0 : i32
            %dma_start3A_166 = tpu.memref_slice %arg7[%run_scoped3A_148, %dma_start3A_165] : memref<1x128xi32, #tpu.memory_space<vmem>> -> memref<1x128xi32, #tpu.memory_space<vmem>>
            %dma_start3A_167 = tpu.memref_squeeze %dma_start3A_166 : memref<1x128xi32, #tpu.memory_space<vmem>> -> memref<128xi32, #tpu.memory_space<vmem>>
            %dma_start3A_168 = tpu.memref_slice %arg2[%add3A_147] : memref<320000xi32, #tpu.memory_space<hbm>> -> memref<128xi32, #tpu.memory_space<hbm>>
            %dma_start3A_169 = arith.constant 0 : i32
            %dma_start3A_170 = tpu.memref_slice %arg7[%run_scoped3A_148, %dma_start3A_169] : memref<1x128xi32, #tpu.memory_space<vmem>> -> memref<1x128xi32, #tpu.memory_space<vmem>>
            %dma_start3A_171 = tpu.memref_squeeze %dma_start3A_170 : memref<1x128xi32, #tpu.memory_space<vmem>> -> memref<128xi32, #tpu.memory_space<vmem>>
            %dma_start3A_172 = tpu.memref_slice %arg2[%add3A_147] : memref<320000xi32, #tpu.memory_space<hbm>> -> memref<128xi32, #tpu.memory_space<hbm>>
            tpu.enqueue_dma source(%dma_start3A_172 : memref<128xi32, #tpu.memory_space<hbm>>) target(%dma_start3A_171 : memref<128xi32, #tpu.memory_space<vmem>>) target_semaphore(%run_scoped3A_164 : memref<!tpu.dma_semaphore, #tpu.memory_space<semaphore_mem>>)
            %dma_wait3A_173 = arith.constant 0 : i32
            %dma_wait3A_174 = tpu.memref_slice %arg7[%run_scoped3A_148, %dma_wait3A_173] : memref<1x128xi32, #tpu.memory_space<vmem>> -> memref<1x128xi32, #tpu.memory_space<vmem>>
            %dma_wait3A_175 = tpu.memref_squeeze %dma_wait3A_174 : memref<1x128xi32, #tpu.memory_space<vmem>> -> memref<128xi32, #tpu.memory_space<vmem>>
            %dma_wait3A_176 = tpu.memref_slice %arg2[%add3A_147] : memref<320000xi32, #tpu.memory_space<hbm>> -> memref<128xi32, #tpu.memory_space<hbm>>
            %dma_wait3A_177 = arith.constant 0 : i32
            %dma_wait3A_178 = tpu.memref_slice %arg7[%run_scoped3A_148, %dma_wait3A_177] : memref<1x128xi32, #tpu.memory_space<vmem>> -> memref<1x128xi32, #tpu.memory_space<vmem>>
            %dma_wait3A_179 = tpu.memref_squeeze %dma_wait3A_178 : memref<1x128xi32, #tpu.memory_space<vmem>> -> memref<128xi32, #tpu.memory_space<vmem>>
            %dma_wait3A_180 = tpu.memref_slice %arg2[%add3A_147] : memref<320000xi32, #tpu.memory_space<hbm>> -> memref<128xi32, #tpu.memory_space<hbm>>
            tpu.wait_dma2 semaphore(%run_scoped3A_164 : memref<!tpu.dma_semaphore, #tpu.memory_space<semaphore_mem>>) src(%dma_wait3A_180 : memref<128xi32, #tpu.memory_space<hbm>>) dst(%dma_wait3A_179 : memref<128xi32, #tpu.memory_space<vmem>>)
            tpu.yield
          }) : () -> ()
          %mul3A_149 = arith.constant 128 : i32
          %mul3A_150 = arith.muli %add3A_144, %mul3A_149 : i32
          %add3A_151 = arith.addi %mul3A_37, %mul3A_150 : i32
          %run_scoped3A_152 = arith.constant 0 : i32
          "tpu.region"() ({
            %run_scoped3A_164 = tpu.sem_alloc : memref<!tpu.dma_semaphore, #tpu.memory_space<semaphore_mem>>
            %dma_start3A_165 = arith.constant 0 : i32
            %dma_start3A_166 = tpu.memref_slice %arg8[%run_scoped3A_152, %dma_start3A_165] : memref<1x128xi32, #tpu.memory_space<vmem>> -> memref<1x128xi32, #tpu.memory_space<vmem>>
            %dma_start3A_167 = tpu.memref_squeeze %dma_start3A_166 : memref<1x128xi32, #tpu.memory_space<vmem>> -> memref<128xi32, #tpu.memory_space<vmem>>
            %dma_start3A_168 = tpu.memref_slice %arg3[%add3A_151] : memref<320000xi32, #tpu.memory_space<hbm>> -> memref<128xi32, #tpu.memory_space<hbm>>
            %dma_start3A_169 = arith.constant 0 : i32
            %dma_start3A_170 = tpu.memref_slice %arg8[%run_scoped3A_152, %dma_start3A_169] : memref<1x128xi32, #tpu.memory_space<vmem>> -> memref<1x128xi32, #tpu.memory_space<vmem>>
            %dma_start3A_171 = tpu.memref_squeeze %dma_start3A_170 : memref<1x128xi32, #tpu.memory_space<vmem>> -> memref<128xi32, #tpu.memory_space<vmem>>
            %dma_start3A_172 = tpu.memref_slice %arg3[%add3A_151] : memref<320000xi32, #tpu.memory_space<hbm>> -> memref<128xi32, #tpu.memory_space<hbm>>
            tpu.enqueue_dma source(%dma_start3A_172 : memref<128xi32, #tpu.memory_space<hbm>>) target(%dma_start3A_171 : memref<128xi32, #tpu.memory_space<vmem>>) target_semaphore(%run_scoped3A_164 : memref<!tpu.dma_semaphore, #tpu.memory_space<semaphore_mem>>)
            %dma_wait3A_173 = arith.constant 0 : i32
            %dma_wait3A_174 = tpu.memref_slice %arg8[%run_scoped3A_152, %dma_wait3A_173] : memref<1x128xi32, #tpu.memory_space<vmem>> -> memref<1x128xi32, #tpu.memory_space<vmem>>
            %dma_wait3A_175 = tpu.memref_squeeze %dma_wait3A_174 : memref<1x128xi32, #tpu.memory_space<vmem>> -> memref<128xi32, #tpu.memory_space<vmem>>
            %dma_wait3A_176 = tpu.memref_slice %arg3[%add3A_151] : memref<320000xi32, #tpu.memory_space<hbm>> -> memref<128xi32, #tpu.memory_space<hbm>>
            %dma_wait3A_177 = arith.constant 0 : i32
            %dma_wait3A_178 = tpu.memref_slice %arg8[%run_scoped3A_152, %dma_wait3A_177] : memref<1x128xi32, #tpu.memory_space<vmem>> -> memref<1x128xi32, #tpu.memory_space<vmem>>
            %dma_wait3A_179 = tpu.memref_squeeze %dma_wait3A_178 : memref<1x128xi32, #tpu.memory_space<vmem>> -> memref<128xi32, #tpu.memory_space<vmem>>
            %dma_wait3A_180 = tpu.memref_slice %arg3[%add3A_151] : memref<320000xi32, #tpu.memory_space<hbm>> -> memref<128xi32, #tpu.memory_space<hbm>>
            tpu.wait_dma2 semaphore(%run_scoped3A_164 : memref<!tpu.dma_semaphore, #tpu.memory_space<semaphore_mem>>) src(%dma_wait3A_180 : memref<128xi32, #tpu.memory_space<hbm>>) dst(%dma_wait3A_179 : memref<128xi32, #tpu.memory_space<vmem>>)
            tpu.yield
          }) : () -> ()
          %dma_start3A_153 = arith.constant 0 : i32
          %dma_start3A_154 = arith.constant 0 : i32
          %dma_start3A_155 = tpu.memref_slice %arg7[%dma_start3A_153, %dma_start3A_154] : memref<1x128xi32, #tpu.memory_space<vmem>> -> memref<1x128xi32, #tpu.memory_space<vmem>>
          %dma_start3A_156 = tpu.memref_squeeze %dma_start3A_155 : memref<1x128xi32, #tpu.memory_space<vmem>> -> memref<128xi32, #tpu.memory_space<vmem>>
          %dma_start3A_157 = arith.constant 0 : i32
          %dma_start3A_158 = arith.constant 0 : i32
          %dma_start3A_159 = tpu.memref_slice %arg4[%scan3A_53, %dma_start3A_157, %dma_start3A_158] : memref<2x10000x128xf32, #tpu.memory_space<hbm>> -> memref<1x10000x128xf32, #tpu.memory_space<hbm>>
          %dma_start3A_160 = tpu.memref_squeeze %dma_start3A_159 : memref<1x10000x128xf32, #tpu.memory_space<hbm>> -> memref<10000x128xf32, #tpu.memory_space<hbm>>
          %dma_start3A_161 = arith.constant 0 : i32
          %dma_start3A_162 = arith.constant 0 : i32
          %dma_start3A_163 = tpu.memref_slice %dma_start3A_160[%dma_start3A_161, %dma_start3A_162] : memref<10000x128xf32, #tpu.memory_space<hbm>> -> memref<10000x128xf32, #tpu.memory_space<hbm>>
          tpu.enqueue_indirect_dma source(%dma_start3A_163 : memref<10000x128xf32, #tpu.memory_space<hbm>>) target(%arg11 : memref<128x128xf32, #tpu.memory_space<vmem>>) offsets(%dma_start3A_156 : memref<128xi32, #tpu.memory_space<vmem>>) semaphore(%arg17 : memref<!tpu.dma_semaphore, #tpu.memory_space<semaphore_mem>>)
        } else {
        }
      }
      %scan3A_58 = arith.constant 78 : i32
      %dma_wait3A = arith.constant 0 : i32
      %dma_wait3A_59 = arith.constant 0 : i32
      %dma_wait3A_60 = tpu.memref_slice %arg10[%dma_wait3A, %dma_wait3A_59] : memref<1x128xi32, #tpu.memory_space<vmem>> -> memref<1x128xi32, #tpu.memory_space<vmem>>
      %dma_wait3A_61 = tpu.memref_squeeze %dma_wait3A_60 : memref<1x128xi32, #tpu.memory_space<vmem>> -> memref<128xi32, #tpu.memory_space<vmem>>
      %dma_wait3A_62 = arith.constant 0 : i32
      %dma_wait3A_63 = arith.constant 0 : i32
      %dma_wait3A_64 = tpu.memref_slice %arg16[%dma_wait3A_62, %dma_wait3A_63] : memref<10000x128xf32, #tpu.memory_space<vmem_shared>> -> memref<10000x128xf32, #tpu.memory_space<vmem_shared>>
      tpu.wait_indirect_dma semaphore(%arg20 : memref<!tpu.dma_semaphore, #tpu.memory_space<semaphore_mem>>) src(%arg12 : memref<128x128xf32, #tpu.memory_space<vmem>>) dst(%dma_wait3A_64 : memref<10000x128xf32, #tpu.memory_space<vmem_shared>>)
    } else {
    }
    %eq3A_11 = arith.constant 1 : i32
    %eq3A_12 = arith.cmpi eq, %arg0, %eq3A_11 : i32
    %convert_element_type3A_13 = arith.extui %eq3A_12 : i1 to i32
    %cond3A_14 = arith.constant 0 : i32
    %cond3A_15 = arith.cmpi ne, %convert_element_type3A_13, %cond3A_14 : i32
    scf.if %cond3A_15 {
      %mul3A = arith.constant 20000 : i32
      %mul3A_37 = arith.muli %arg1, %mul3A : i32
      %add3A = arith.constant 0 : i32
      %add3A_38 = arith.addi %mul3A_37, %add3A : i32
      %run_scoped3A = arith.constant 0 : i32
      "tpu.region"() ({
        %run_scoped3A_65 = tpu.sem_alloc : memref<!tpu.dma_semaphore, #tpu.memory_space<semaphore_mem>>
        %dma_start3A_66 = arith.constant 0 : i32
        %dma_start3A_67 = tpu.memref_slice %arg7[%run_scoped3A, %dma_start3A_66] : memref<1x128xi32, #tpu.memory_space<vmem>> -> memref<1x128xi32, #tpu.memory_space<vmem>>
        %dma_start3A_68 = tpu.memref_squeeze %dma_start3A_67 : memref<1x128xi32, #tpu.memory_space<vmem>> -> memref<128xi32, #tpu.memory_space<vmem>>
        %dma_start3A_69 = tpu.memref_slice %arg2[%add3A_38] : memref<320000xi32, #tpu.memory_space<hbm>> -> memref<128xi32, #tpu.memory_space<hbm>>
        %dma_start3A_70 = arith.constant 0 : i32
        %dma_start3A_71 = tpu.memref_slice %arg7[%run_scoped3A, %dma_start3A_70] : memref<1x128xi32, #tpu.memory_space<vmem>> -> memref<1x128xi32, #tpu.memory_space<vmem>>
        %dma_start3A_72 = tpu.memref_squeeze %dma_start3A_71 : memref<1x128xi32, #tpu.memory_space<vmem>> -> memref<128xi32, #tpu.memory_space<vmem>>
        %dma_start3A_73 = tpu.memref_slice %arg2[%add3A_38] : memref<320000xi32, #tpu.memory_space<hbm>> -> memref<128xi32, #tpu.memory_space<hbm>>
        tpu.enqueue_dma source(%dma_start3A_73 : memref<128xi32, #tpu.memory_space<hbm>>) target(%dma_start3A_72 : memref<128xi32, #tpu.memory_space<vmem>>) target_semaphore(%run_scoped3A_65 : memref<!tpu.dma_semaphore, #tpu.memory_space<semaphore_mem>>)
        %dma_wait3A_74 = arith.constant 0 : i32
        %dma_wait3A_75 = tpu.memref_slice %arg7[%run_scoped3A, %dma_wait3A_74] : memref<1x128xi32, #tpu.memory_space<vmem>> -> memref<1x128xi32, #tpu.memory_space<vmem>>
        %dma_wait3A_76 = tpu.memref_squeeze %dma_wait3A_75 : memref<1x128xi32, #tpu.memory_space<vmem>> -> memref<128xi32, #tpu.memory_space<vmem>>
        %dma_wait3A_77 = tpu.memref_slice %arg2[%add3A_38] : memref<320000xi32, #tpu.memory_space<hbm>> -> memref<128xi32, #tpu.memory_space<hbm>>
        %dma_wait3A_78 = arith.constant 0 : i32
        %dma_wait3A_79 = tpu.memref_slice %arg7[%run_scoped3A, %dma_wait3A_78] : memref<1x128xi32, #tpu.memory_space<vmem>> -> memref<1x128xi32, #tpu.memory_space<vmem>>
        %dma_wait3A_80 = tpu.memref_squeeze %dma_wait3A_79 : memref<1x128xi32, #tpu.memory_space<vmem>> -> memref<128xi32, #tpu.memory_space<vmem>>
        %dma_wait3A_81 = tpu.memref_slice %arg2[%add3A_38] : memref<320000xi32, #tpu.memory_space<hbm>> -> memref<128xi32, #tpu.memory_space<hbm>>
        tpu.wait_dma2 semaphore(%run_scoped3A_65 : memref<!tpu.dma_semaphore, #tpu.memory_space<semaphore_mem>>) src(%dma_wait3A_81 : memref<128xi32, #tpu.memory_space<hbm>>) dst(%dma_wait3A_80 : memref<128xi32, #tpu.memory_space<vmem>>)
        tpu.yield
      }) : () -> ()
      %add3A_39 = arith.constant 0 : i32
      %add3A_40 = arith.addi %mul3A_37, %add3A_39 : i32
      %run_scoped3A_41 = arith.constant 0 : i32
      "tpu.region"() ({
        %run_scoped3A_65 = tpu.sem_alloc : memref<!tpu.dma_semaphore, #tpu.memory_space<semaphore_mem>>
        %dma_start3A_66 = arith.constant 0 : i32
        %dma_start3A_67 = tpu.memref_slice %arg8[%run_scoped3A_41, %dma_start3A_66] : memref<1x128xi32, #tpu.memory_space<vmem>> -> memref<1x128xi32, #tpu.memory_space<vmem>>
        %dma_start3A_68 = tpu.memref_squeeze %dma_start3A_67 : memref<1x128xi32, #tpu.memory_space<vmem>> -> memref<128xi32, #tpu.memory_space<vmem>>
        %dma_start3A_69 = tpu.memref_slice %arg3[%add3A_40] : memref<320000xi32, #tpu.memory_space<hbm>> -> memref<128xi32, #tpu.memory_space<hbm>>
        %dma_start3A_70 = arith.constant 0 : i32
        %dma_start3A_71 = tpu.memref_slice %arg8[%run_scoped3A_41, %dma_start3A_70] : memref<1x128xi32, #tpu.memory_space<vmem>> -> memref<1x128xi32, #tpu.memory_space<vmem>>
        %dma_start3A_72 = tpu.memref_squeeze %dma_start3A_71 : memref<1x128xi32, #tpu.memory_space<vmem>> -> memref<128xi32, #tpu.memory_space<vmem>>
        %dma_start3A_73 = tpu.memref_slice %arg3[%add3A_40] : memref<320000xi32, #tpu.memory_space<hbm>> -> memref<128xi32, #tpu.memory_space<hbm>>
        tpu.enqueue_dma source(%dma_start3A_73 : memref<128xi32, #tpu.memory_space<hbm>>) target(%dma_start3A_72 : memref<128xi32, #tpu.memory_space<vmem>>) target_semaphore(%run_scoped3A_65 : memref<!tpu.dma_semaphore, #tpu.memory_space<semaphore_mem>>)
        %dma_wait3A_74 = arith.constant 0 : i32
        %dma_wait3A_75 = tpu.memref_slice %arg8[%run_scoped3A_41, %dma_wait3A_74] : memref<1x128xi32, #tpu.memory_space<vmem>> -> memref<1x128xi32, #tpu.memory_space<vmem>>
        %dma_wait3A_76 = tpu.memref_squeeze %dma_wait3A_75 : memref<1x128xi32, #tpu.memory_space<vmem>> -> memref<128xi32, #tpu.memory_space<vmem>>
        %dma_wait3A_77 = tpu.memref_slice %arg3[%add3A_40] : memref<320000xi32, #tpu.memory_space<hbm>> -> memref<128xi32, #tpu.memory_space<hbm>>
        %dma_wait3A_78 = arith.constant 0 : i32
        %dma_wait3A_79 = tpu.memref_slice %arg8[%run_scoped3A_41, %dma_wait3A_78] : memref<1x128xi32, #tpu.memory_space<vmem>> -> memref<1x128xi32, #tpu.memory_space<vmem>>
        %dma_wait3A_80 = tpu.memref_squeeze %dma_wait3A_79 : memref<1x128xi32, #tpu.memory_space<vmem>> -> memref<128xi32, #tpu.memory_space<vmem>>
        %dma_wait3A_81 = tpu.memref_slice %arg3[%add3A_40] : memref<320000xi32, #tpu.memory_space<hbm>> -> memref<128xi32, #tpu.memory_space<hbm>>
        tpu.wait_dma2 semaphore(%run_scoped3A_65 : memref<!tpu.dma_semaphore, #tpu.memory_space<semaphore_mem>>) src(%dma_wait3A_81 : memref<128xi32, #tpu.memory_space<hbm>>) dst(%dma_wait3A_80 : memref<128xi32, #tpu.memory_space<vmem>>)
        tpu.yield
      }) : () -> ()
      %dma_start3A = arith.constant 1 : i32
      %dma_start3A_42 = arith.constant 0 : i32
      %dma_start3A_43 = arith.constant 0 : i32
      %dma_start3A_44 = tpu.memref_slice %arg7[%dma_start3A_42, %dma_start3A_43] : memref<1x128xi32, #tpu.memory_space<vmem>> -> memref<1x128xi32, #tpu.memory_space<vmem>>
      %dma_start3A_45 = tpu.memref_squeeze %dma_start3A_44 : memref<1x128xi32, #tpu.memory_space<vmem>> -> memref<128xi32, #tpu.memory_space<vmem>>
      %dma_start3A_46 = arith.constant 0 : i32
      %dma_start3A_47 = arith.constant 0 : i32
      %dma_start3A_48 = tpu.memref_slice %arg4[%dma_start3A, %dma_start3A_46, %dma_start3A_47] : memref<2x10000x128xf32, #tpu.memory_space<hbm>> -> memref<1x10000x128xf32, #tpu.memory_space<hbm>>
      %dma_start3A_49 = tpu.memref_squeeze %dma_start3A_48 : memref<1x10000x128xf32, #tpu.memory_space<hbm>> -> memref<10000x128xf32, #tpu.memory_space<hbm>>
      %dma_start3A_50 = arith.constant 0 : i32
      %dma_start3A_51 = arith.constant 0 : i32
      %dma_start3A_52 = tpu.memref_slice %dma_start3A_49[%dma_start3A_50, %dma_start3A_51] : memref<10000x128xf32, #tpu.memory_space<hbm>> -> memref<10000x128xf32, #tpu.memory_space<hbm>>
      tpu.enqueue_indirect_dma source(%dma_start3A_52 : memref<10000x128xf32, #tpu.memory_space<hbm>>) target(%arg11 : memref<128x128xf32, #tpu.memory_space<vmem>>) offsets(%dma_start3A_45 : memref<128xi32, #tpu.memory_space<vmem>>) semaphore(%arg17 : memref<!tpu.dma_semaphore, #tpu.memory_space<semaphore_mem>>)
      %scan3A = arith.constant 0 : i32
      %scan3A_53 = arith.constant 1 : i32
      %scan3A_54 = arith.constant 0 : i32
      %scan3A_55 = arith.constant 78 : i32
      %scan3A_56 = arith.addi %scan3A_54, %scan3A_55 : i32
      %scan3A_57 = arith.constant 1 : i32
      scf.for %scan3A_65 = %scan3A_54 to %scan3A_56 step %scan3A_57  : i32 {
        %mul3A_66 = arith.constant 2 : i32
        %mul3A_67 = arith.muli %mul3A_66, %scan3A_65 : i32
        %gt3A = arith.constant 0 : i32
        %gt3A_68 = arith.cmpi sgt, %scan3A_65, %gt3A : i32
        %convert_element_type3A_69 = arith.extui %gt3A_68 : i1 to i32
        %cond3A_70 = arith.constant 0 : i32
        %cond3A_71 = arith.cmpi ne, %convert_element_type3A_69, %cond3A_70 : i32
        scf.if %cond3A_71 {
          %dma_wait3A_143 = arith.constant 0 : i32
          %dma_wait3A_144 = arith.constant 0 : i32
          %dma_wait3A_145 = tpu.memref_slice %arg10[%dma_wait3A_143, %dma_wait3A_144] : memref<1x128xi32, #tpu.memory_space<vmem>> -> memref<1x128xi32, #tpu.memory_space<vmem>>
          %dma_wait3A_146 = tpu.memref_squeeze %dma_wait3A_145 : memref<1x128xi32, #tpu.memory_space<vmem>> -> memref<128xi32, #tpu.memory_space<vmem>>
          %dma_wait3A_147 = arith.constant 0 : i32
          %dma_wait3A_148 = arith.constant 0 : i32
          %dma_wait3A_149 = tpu.memref_slice %arg16[%dma_wait3A_147, %dma_wait3A_148] : memref<10000x128xf32, #tpu.memory_space<vmem_shared>> -> memref<10000x128xf32, #tpu.memory_space<vmem_shared>>
          tpu.wait_indirect_dma semaphore(%arg20 : memref<!tpu.dma_semaphore, #tpu.memory_space<semaphore_mem>>) src(%arg12 : memref<128x128xf32, #tpu.memory_space<vmem>>) dst(%dma_wait3A_149 : memref<10000x128xf32, #tpu.memory_space<vmem_shared>>)
        } else {
        }
        %add3A_72 = arith.constant 1 : i32
        %add3A_73 = arith.addi %mul3A_67, %add3A_72 : i32
        %mul3A_74 = arith.constant 128 : i32
        %mul3A_75 = arith.muli %add3A_73, %mul3A_74 : i32
        %add3A_76 = arith.addi %mul3A_37, %mul3A_75 : i32
        %run_scoped3A_77 = arith.constant 0 : i32
        "tpu.region"() ({
          %run_scoped3A_143 = tpu.sem_alloc : memref<!tpu.dma_semaphore, #tpu.memory_space<semaphore_mem>>
          %dma_start3A_144 = arith.constant 0 : i32
          %dma_start3A_145 = tpu.memref_slice %arg9[%run_scoped3A_77, %dma_start3A_144] : memref<1x128xi32, #tpu.memory_space<vmem>> -> memref<1x128xi32, #tpu.memory_space<vmem>>
          %dma_start3A_146 = tpu.memref_squeeze %dma_start3A_145 : memref<1x128xi32, #tpu.memory_space<vmem>> -> memref<128xi32, #tpu.memory_space<vmem>>
          %dma_start3A_147 = tpu.memref_slice %arg2[%add3A_76] : memref<320000xi32, #tpu.memory_space<hbm>> -> memref<128xi32, #tpu.memory_space<hbm>>
          %dma_start3A_148 = arith.constant 0 : i32
          %dma_start3A_149 = tpu.memref_slice %arg9[%run_scoped3A_77, %dma_start3A_148] : memref<1x128xi32, #tpu.memory_space<vmem>> -> memref<1x128xi32, #tpu.memory_space<vmem>>
          %dma_start3A_150 = tpu.memref_squeeze %dma_start3A_149 : memref<1x128xi32, #tpu.memory_space<vmem>> -> memref<128xi32, #tpu.memory_space<vmem>>
          %dma_start3A_151 = tpu.memref_slice %arg2[%add3A_76] : memref<320000xi32, #tpu.memory_space<hbm>> -> memref<128xi32, #tpu.memory_space<hbm>>
          tpu.enqueue_dma source(%dma_start3A_151 : memref<128xi32, #tpu.memory_space<hbm>>) target(%dma_start3A_150 : memref<128xi32, #tpu.memory_space<vmem>>) target_semaphore(%run_scoped3A_143 : memref<!tpu.dma_semaphore, #tpu.memory_space<semaphore_mem>>)
          %dma_wait3A_152 = arith.constant 0 : i32
          %dma_wait3A_153 = tpu.memref_slice %arg9[%run_scoped3A_77, %dma_wait3A_152] : memref<1x128xi32, #tpu.memory_space<vmem>> -> memref<1x128xi32, #tpu.memory_space<vmem>>
          %dma_wait3A_154 = tpu.memref_squeeze %dma_wait3A_153 : memref<1x128xi32, #tpu.memory_space<vmem>> -> memref<128xi32, #tpu.memory_space<vmem>>
          %dma_wait3A_155 = tpu.memref_slice %arg2[%add3A_76] : memref<320000xi32, #tpu.memory_space<hbm>> -> memref<128xi32, #tpu.memory_space<hbm>>
          %dma_wait3A_156 = arith.constant 0 : i32
          %dma_wait3A_157 = tpu.memref_slice %arg9[%run_scoped3A_77, %dma_wait3A_156] : memref<1x128xi32, #tpu.memory_space<vmem>> -> memref<1x128xi32, #tpu.memory_space<vmem>>
          %dma_wait3A_158 = tpu.memref_squeeze %dma_wait3A_157 : memref<1x128xi32, #tpu.memory_space<vmem>> -> memref<128xi32, #tpu.memory_space<vmem>>
          %dma_wait3A_159 = tpu.memref_slice %arg2[%add3A_76] : memref<320000xi32, #tpu.memory_space<hbm>> -> memref<128xi32, #tpu.memory_space<hbm>>
          tpu.wait_dma2 semaphore(%run_scoped3A_143 : memref<!tpu.dma_semaphore, #tpu.memory_space<semaphore_mem>>) src(%dma_wait3A_159 : memref<128xi32, #tpu.memory_space<hbm>>) dst(%dma_wait3A_158 : memref<128xi32, #tpu.memory_space<vmem>>)
          tpu.yield
        }) : () -> ()
        %mul3A_78 = arith.constant 128 : i32
        %mul3A_79 = arith.muli %add3A_73, %mul3A_78 : i32
        %add3A_80 = arith.addi %mul3A_37, %mul3A_79 : i32
        %run_scoped3A_81 = arith.constant 0 : i32
        "tpu.region"() ({
          %run_scoped3A_143 = tpu.sem_alloc : memref<!tpu.dma_semaphore, #tpu.memory_space<semaphore_mem>>
          %dma_start3A_144 = arith.constant 0 : i32
          %dma_start3A_145 = tpu.memref_slice %arg10[%run_scoped3A_81, %dma_start3A_144] : memref<1x128xi32, #tpu.memory_space<vmem>> -> memref<1x128xi32, #tpu.memory_space<vmem>>
          %dma_start3A_146 = tpu.memref_squeeze %dma_start3A_145 : memref<1x128xi32, #tpu.memory_space<vmem>> -> memref<128xi32, #tpu.memory_space<vmem>>
          %dma_start3A_147 = tpu.memref_slice %arg3[%add3A_80] : memref<320000xi32, #tpu.memory_space<hbm>> -> memref<128xi32, #tpu.memory_space<hbm>>
          %dma_start3A_148 = arith.constant 0 : i32
          %dma_start3A_149 = tpu.memref_slice %arg10[%run_scoped3A_81, %dma_start3A_148] : memref<1x128xi32, #tpu.memory_space<vmem>> -> memref<1x128xi32, #tpu.memory_space<vmem>>
          %dma_start3A_150 = tpu.memref_squeeze %dma_start3A_149 : memref<1x128xi32, #tpu.memory_space<vmem>> -> memref<128xi32, #tpu.memory_space<vmem>>
          %dma_start3A_151 = tpu.memref_slice %arg3[%add3A_80] : memref<320000xi32, #tpu.memory_space<hbm>> -> memref<128xi32, #tpu.memory_space<hbm>>
          tpu.enqueue_dma source(%dma_start3A_151 : memref<128xi32, #tpu.memory_space<hbm>>) target(%dma_start3A_150 : memref<128xi32, #tpu.memory_space<vmem>>) target_semaphore(%run_scoped3A_143 : memref<!tpu.dma_semaphore, #tpu.memory_space<semaphore_mem>>)
          %dma_wait3A_152 = arith.constant 0 : i32
          %dma_wait3A_153 = tpu.memref_slice %arg10[%run_scoped3A_81, %dma_wait3A_152] : memref<1x128xi32, #tpu.memory_space<vmem>> -> memref<1x128xi32, #tpu.memory_space<vmem>>
          %dma_wait3A_154 = tpu.memref_squeeze %dma_wait3A_153 : memref<1x128xi32, #tpu.memory_space<vmem>> -> memref<128xi32, #tpu.memory_space<vmem>>
          %dma_wait3A_155 = tpu.memref_slice %arg3[%add3A_80] : memref<320000xi32, #tpu.memory_space<hbm>> -> memref<128xi32, #tpu.memory_space<hbm>>
          %dma_wait3A_156 = arith.constant 0 : i32
          %dma_wait3A_157 = tpu.memref_slice %arg10[%run_scoped3A_81, %dma_wait3A_156] : memref<1x128xi32, #tpu.memory_space<vmem>> -> memref<1x128xi32, #tpu.memory_space<vmem>>
          %dma_wait3A_158 = tpu.memref_squeeze %dma_wait3A_157 : memref<1x128xi32, #tpu.memory_space<vmem>> -> memref<128xi32, #tpu.memory_space<vmem>>
          %dma_wait3A_159 = tpu.memref_slice %arg3[%add3A_80] : memref<320000xi32, #tpu.memory_space<hbm>> -> memref<128xi32, #tpu.memory_space<hbm>>
          tpu.wait_dma2 semaphore(%run_scoped3A_143 : memref<!tpu.dma_semaphore, #tpu.memory_space<semaphore_mem>>) src(%dma_wait3A_159 : memref<128xi32, #tpu.memory_space<hbm>>) dst(%dma_wait3A_158 : memref<128xi32, #tpu.memory_space<vmem>>)
          tpu.yield
        }) : () -> ()
        %dma_wait3A_82 = arith.constant 0 : i32
        %dma_wait3A_83 = arith.constant 0 : i32
        %dma_wait3A_84 = tpu.memref_slice %arg7[%dma_wait3A_82, %dma_wait3A_83] : memref<1x128xi32, #tpu.memory_space<vmem>> -> memref<1x128xi32, #tpu.memory_space<vmem>>
        %dma_wait3A_85 = tpu.memref_squeeze %dma_wait3A_84 : memref<1x128xi32, #tpu.memory_space<vmem>> -> memref<128xi32, #tpu.memory_space<vmem>>
        %dma_wait3A_86 = arith.constant 0 : i32
        %dma_wait3A_87 = arith.constant 0 : i32
        %dma_wait3A_88 = tpu.memref_slice %arg4[%scan3A_53, %dma_wait3A_86, %dma_wait3A_87] : memref<2x10000x128xf32, #tpu.memory_space<hbm>> -> memref<1x10000x128xf32, #tpu.memory_space<hbm>>
        %dma_wait3A_89 = tpu.memref_squeeze %dma_wait3A_88 : memref<1x10000x128xf32, #tpu.memory_space<hbm>> -> memref<10000x128xf32, #tpu.memory_space<hbm>>
        %dma_wait3A_90 = arith.constant 0 : i32
        %dma_wait3A_91 = arith.constant 0 : i32
        %dma_wait3A_92 = tpu.memref_slice %dma_wait3A_89[%dma_wait3A_90, %dma_wait3A_91] : memref<10000x128xf32, #tpu.memory_space<hbm>> -> memref<10000x128xf32, #tpu.memory_space<hbm>>
        tpu.wait_indirect_dma semaphore(%arg17 : memref<!tpu.dma_semaphore, #tpu.memory_space<semaphore_mem>>) src(%dma_wait3A_92 : memref<10000x128xf32, #tpu.memory_space<hbm>>) dst(%arg11 : memref<128x128xf32, #tpu.memory_space<vmem>>)
        %dma_start3A_93 = arith.constant 0 : i32
        %dma_start3A_94 = arith.constant 0 : i32
        %dma_start3A_95 = tpu.memref_slice %arg8[%dma_start3A_93, %dma_start3A_94] : memref<1x128xi32, #tpu.memory_space<vmem>> -> memref<1x128xi32, #tpu.memory_space<vmem>>
        %dma_start3A_96 = tpu.memref_squeeze %dma_start3A_95 : memref<1x128xi32, #tpu.memory_space<vmem>> -> memref<128xi32, #tpu.memory_space<vmem>>
        %dma_start3A_97 = arith.constant 0 : i32
        %dma_start3A_98 = arith.constant 0 : i32
        %dma_start3A_99 = tpu.memref_slice %arg16[%dma_start3A_97, %dma_start3A_98] : memref<10000x128xf32, #tpu.memory_space<vmem_shared>> -> memref<10000x128xf32, #tpu.memory_space<vmem_shared>>
        tpu.enqueue_indirect_dma source(%arg11 : memref<128x128xf32, #tpu.memory_space<vmem>>) target(%dma_start3A_99 : memref<10000x128xf32, #tpu.memory_space<vmem_shared>>) offsets(%dma_start3A_96 : memref<128xi32, #tpu.memory_space<vmem>>) semaphore(%arg19 : memref<!tpu.dma_semaphore, #tpu.memory_space<semaphore_mem>>) {add = true}
        %dma_start3A_100 = arith.constant 0 : i32
        %dma_start3A_101 = arith.constant 0 : i32
        %dma_start3A_102 = tpu.memref_slice %arg9[%dma_start3A_100, %dma_start3A_101] : memref<1x128xi32, #tpu.memory_space<vmem>> -> memref<1x128xi32, #tpu.memory_space<vmem>>
        %dma_start3A_103 = tpu.memref_squeeze %dma_start3A_102 : memref<1x128xi32, #tpu.memory_space<vmem>> -> memref<128xi32, #tpu.memory_space<vmem>>
        %dma_start3A_104 = arith.constant 0 : i32
        %dma_start3A_105 = arith.constant 0 : i32
        %dma_start3A_106 = tpu.memref_slice %arg4[%scan3A_53, %dma_start3A_104, %dma_start3A_105] : memref<2x10000x128xf32, #tpu.memory_space<hbm>> -> memref<1x10000x128xf32, #tpu.memory_space<hbm>>
        %dma_start3A_107 = tpu.memref_squeeze %dma_start3A_106 : memref<1x10000x128xf32, #tpu.memory_space<hbm>> -> memref<10000x128xf32, #tpu.memory_space<hbm>>
        %dma_start3A_108 = arith.constant 0 : i32
        %dma_start3A_109 = arith.constant 0 : i32
        %dma_start3A_110 = tpu.memref_slice %dma_start3A_107[%dma_start3A_108, %dma_start3A_109] : memref<10000x128xf32, #tpu.memory_space<hbm>> -> memref<10000x128xf32, #tpu.memory_space<hbm>>
        tpu.enqueue_indirect_dma source(%dma_start3A_110 : memref<10000x128xf32, #tpu.memory_space<hbm>>) target(%arg12 : memref<128x128xf32, #tpu.memory_space<vmem>>) offsets(%dma_start3A_103 : memref<128xi32, #tpu.memory_space<vmem>>) semaphore(%arg18 : memref<!tpu.dma_semaphore, #tpu.memory_space<semaphore_mem>>)
        %dma_wait3A_111 = arith.constant 0 : i32
        %dma_wait3A_112 = arith.constant 0 : i32
        %dma_wait3A_113 = tpu.memref_slice %arg9[%dma_wait3A_111, %dma_wait3A_112] : memref<1x128xi32, #tpu.memory_space<vmem>> -> memref<1x128xi32, #tpu.memory_space<vmem>>
        %dma_wait3A_114 = tpu.memref_squeeze %dma_wait3A_113 : memref<1x128xi32, #tpu.memory_space<vmem>> -> memref<128xi32, #tpu.memory_space<vmem>>
        %dma_wait3A_115 = arith.constant 0 : i32
        %dma_wait3A_116 = arith.constant 0 : i32
        %dma_wait3A_117 = tpu.memref_slice %arg4[%scan3A_53, %dma_wait3A_115, %dma_wait3A_116] : memref<2x10000x128xf32, #tpu.memory_space<hbm>> -> memref<1x10000x128xf32, #tpu.memory_space<hbm>>
        %dma_wait3A_118 = tpu.memref_squeeze %dma_wait3A_117 : memref<1x10000x128xf32, #tpu.memory_space<hbm>> -> memref<10000x128xf32, #tpu.memory_space<hbm>>
        %dma_wait3A_119 = arith.constant 0 : i32
        %dma_wait3A_120 = arith.constant 0 : i32
        %dma_wait3A_121 = tpu.memref_slice %dma_wait3A_118[%dma_wait3A_119, %dma_wait3A_120] : memref<10000x128xf32, #tpu.memory_space<hbm>> -> memref<10000x128xf32, #tpu.memory_space<hbm>>
        tpu.wait_indirect_dma semaphore(%arg18 : memref<!tpu.dma_semaphore, #tpu.memory_space<semaphore_mem>>) src(%dma_wait3A_121 : memref<10000x128xf32, #tpu.memory_space<hbm>>) dst(%arg12 : memref<128x128xf32, #tpu.memory_space<vmem>>)
        %dma_start3A_122 = arith.constant 0 : i32
        %dma_start3A_123 = arith.constant 0 : i32
        %dma_start3A_124 = tpu.memref_slice %arg10[%dma_start3A_122, %dma_start3A_123] : memref<1x128xi32, #tpu.memory_space<vmem>> -> memref<1x128xi32, #tpu.memory_space<vmem>>
        %dma_start3A_125 = tpu.memref_squeeze %dma_start3A_124 : memref<1x128xi32, #tpu.memory_space<vmem>> -> memref<128xi32, #tpu.memory_space<vmem>>
        %dma_start3A_126 = arith.constant 0 : i32
        %dma_start3A_127 = arith.constant 0 : i32
        %dma_start3A_128 = tpu.memref_slice %arg16[%dma_start3A_126, %dma_start3A_127] : memref<10000x128xf32, #tpu.memory_space<vmem_shared>> -> memref<10000x128xf32, #tpu.memory_space<vmem_shared>>
        tpu.enqueue_indirect_dma source(%arg12 : memref<128x128xf32, #tpu.memory_space<vmem>>) target(%dma_start3A_128 : memref<10000x128xf32, #tpu.memory_space<vmem_shared>>) offsets(%dma_start3A_125 : memref<128xi32, #tpu.memory_space<vmem>>) semaphore(%arg20 : memref<!tpu.dma_semaphore, #tpu.memory_space<semaphore_mem>>) {add = true}
        %dma_wait3A_129 = arith.constant 0 : i32
        %dma_wait3A_130 = arith.constant 0 : i32
        %dma_wait3A_131 = tpu.memref_slice %arg8[%dma_wait3A_129, %dma_wait3A_130] : memref<1x128xi32, #tpu.memory_space<vmem>> -> memref<1x128xi32, #tpu.memory_space<vmem>>
        %dma_wait3A_132 = tpu.memref_squeeze %dma_wait3A_131 : memref<1x128xi32, #tpu.memory_space<vmem>> -> memref<128xi32, #tpu.memory_space<vmem>>
        %dma_wait3A_133 = arith.constant 0 : i32
        %dma_wait3A_134 = arith.constant 0 : i32
        %dma_wait3A_135 = tpu.memref_slice %arg16[%dma_wait3A_133, %dma_wait3A_134] : memref<10000x128xf32, #tpu.memory_space<vmem_shared>> -> memref<10000x128xf32, #tpu.memory_space<vmem_shared>>
        tpu.wait_indirect_dma semaphore(%arg19 : memref<!tpu.dma_semaphore, #tpu.memory_space<semaphore_mem>>) src(%arg11 : memref<128x128xf32, #tpu.memory_space<vmem>>) dst(%dma_wait3A_135 : memref<10000x128xf32, #tpu.memory_space<vmem_shared>>)
        %add3A_136 = arith.constant 2 : i32
        %add3A_137 = arith.addi %mul3A_67, %add3A_136 : i32
        %lt3A_138 = arith.constant 156 : i32
        %lt3A_139 = arith.cmpi slt, %add3A_137, %lt3A_138 : i32
        %convert_element_type3A_140 = arith.extui %lt3A_139 : i1 to i32
        %cond3A_141 = arith.constant 0 : i32
        %cond3A_142 = arith.cmpi ne, %convert_element_type3A_140, %cond3A_141 : i32
        scf.if %cond3A_142 {
          %add3A_143 = arith.constant 2 : i32
          %add3A_144 = arith.addi %mul3A_67, %add3A_143 : i32
          %mul3A_145 = arith.constant 128 : i32
          %mul3A_146 = arith.muli %add3A_144, %mul3A_145 : i32
          %add3A_147 = arith.addi %mul3A_37, %mul3A_146 : i32
          %run_scoped3A_148 = arith.constant 0 : i32
          "tpu.region"() ({
            %run_scoped3A_164 = tpu.sem_alloc : memref<!tpu.dma_semaphore, #tpu.memory_space<semaphore_mem>>
            %dma_start3A_165 = arith.constant 0 : i32
            %dma_start3A_166 = tpu.memref_slice %arg7[%run_scoped3A_148, %dma_start3A_165] : memref<1x128xi32, #tpu.memory_space<vmem>> -> memref<1x128xi32, #tpu.memory_space<vmem>>
            %dma_start3A_167 = tpu.memref_squeeze %dma_start3A_166 : memref<1x128xi32, #tpu.memory_space<vmem>> -> memref<128xi32, #tpu.memory_space<vmem>>
            %dma_start3A_168 = tpu.memref_slice %arg2[%add3A_147] : memref<320000xi32, #tpu.memory_space<hbm>> -> memref<128xi32, #tpu.memory_space<hbm>>
            %dma_start3A_169 = arith.constant 0 : i32
            %dma_start3A_170 = tpu.memref_slice %arg7[%run_scoped3A_148, %dma_start3A_169] : memref<1x128xi32, #tpu.memory_space<vmem>> -> memref<1x128xi32, #tpu.memory_space<vmem>>
            %dma_start3A_171 = tpu.memref_squeeze %dma_start3A_170 : memref<1x128xi32, #tpu.memory_space<vmem>> -> memref<128xi32, #tpu.memory_space<vmem>>
            %dma_start3A_172 = tpu.memref_slice %arg2[%add3A_147] : memref<320000xi32, #tpu.memory_space<hbm>> -> memref<128xi32, #tpu.memory_space<hbm>>
            tpu.enqueue_dma source(%dma_start3A_172 : memref<128xi32, #tpu.memory_space<hbm>>) target(%dma_start3A_171 : memref<128xi32, #tpu.memory_space<vmem>>) target_semaphore(%run_scoped3A_164 : memref<!tpu.dma_semaphore, #tpu.memory_space<semaphore_mem>>)
            %dma_wait3A_173 = arith.constant 0 : i32
            %dma_wait3A_174 = tpu.memref_slice %arg7[%run_scoped3A_148, %dma_wait3A_173] : memref<1x128xi32, #tpu.memory_space<vmem>> -> memref<1x128xi32, #tpu.memory_space<vmem>>
            %dma_wait3A_175 = tpu.memref_squeeze %dma_wait3A_174 : memref<1x128xi32, #tpu.memory_space<vmem>> -> memref<128xi32, #tpu.memory_space<vmem>>
            %dma_wait3A_176 = tpu.memref_slice %arg2[%add3A_147] : memref<320000xi32, #tpu.memory_space<hbm>> -> memref<128xi32, #tpu.memory_space<hbm>>
            %dma_wait3A_177 = arith.constant 0 : i32
            %dma_wait3A_178 = tpu.memref_slice %arg7[%run_scoped3A_148, %dma_wait3A_177] : memref<1x128xi32, #tpu.memory_space<vmem>> -> memref<1x128xi32, #tpu.memory_space<vmem>>
            %dma_wait3A_179 = tpu.memref_squeeze %dma_wait3A_178 : memref<1x128xi32, #tpu.memory_space<vmem>> -> memref<128xi32, #tpu.memory_space<vmem>>
            %dma_wait3A_180 = tpu.memref_slice %arg2[%add3A_147] : memref<320000xi32, #tpu.memory_space<hbm>> -> memref<128xi32, #tpu.memory_space<hbm>>
            tpu.wait_dma2 semaphore(%run_scoped3A_164 : memref<!tpu.dma_semaphore, #tpu.memory_space<semaphore_mem>>) src(%dma_wait3A_180 : memref<128xi32, #tpu.memory_space<hbm>>) dst(%dma_wait3A_179 : memref<128xi32, #tpu.memory_space<vmem>>)
            tpu.yield
          }) : () -> ()
          %mul3A_149 = arith.constant 128 : i32
          %mul3A_150 = arith.muli %add3A_144, %mul3A_149 : i32
          %add3A_151 = arith.addi %mul3A_37, %mul3A_150 : i32
          %run_scoped3A_152 = arith.constant 0 : i32
          "tpu.region"() ({
            %run_scoped3A_164 = tpu.sem_alloc : memref<!tpu.dma_semaphore, #tpu.memory_space<semaphore_mem>>
            %dma_start3A_165 = arith.constant 0 : i32
            %dma_start3A_166 = tpu.memref_slice %arg8[%run_scoped3A_152, %dma_start3A_165] : memref<1x128xi32, #tpu.memory_space<vmem>> -> memref<1x128xi32, #tpu.memory_space<vmem>>
            %dma_start3A_167 = tpu.memref_squeeze %dma_start3A_166 : memref<1x128xi32, #tpu.memory_space<vmem>> -> memref<128xi32, #tpu.memory_space<vmem>>
            %dma_start3A_168 = tpu.memref_slice %arg3[%add3A_151] : memref<320000xi32, #tpu.memory_space<hbm>> -> memref<128xi32, #tpu.memory_space<hbm>>
            %dma_start3A_169 = arith.constant 0 : i32
            %dma_start3A_170 = tpu.memref_slice %arg8[%run_scoped3A_152, %dma_start3A_169] : memref<1x128xi32, #tpu.memory_space<vmem>> -> memref<1x128xi32, #tpu.memory_space<vmem>>
            %dma_start3A_171 = tpu.memref_squeeze %dma_start3A_170 : memref<1x128xi32, #tpu.memory_space<vmem>> -> memref<128xi32, #tpu.memory_space<vmem>>
            %dma_start3A_172 = tpu.memref_slice %arg3[%add3A_151] : memref<320000xi32, #tpu.memory_space<hbm>> -> memref<128xi32, #tpu.memory_space<hbm>>
            tpu.enqueue_dma source(%dma_start3A_172 : memref<128xi32, #tpu.memory_space<hbm>>) target(%dma_start3A_171 : memref<128xi32, #tpu.memory_space<vmem>>) target_semaphore(%run_scoped3A_164 : memref<!tpu.dma_semaphore, #tpu.memory_space<semaphore_mem>>)
            %dma_wait3A_173 = arith.constant 0 : i32
            %dma_wait3A_174 = tpu.memref_slice %arg8[%run_scoped3A_152, %dma_wait3A_173] : memref<1x128xi32, #tpu.memory_space<vmem>> -> memref<1x128xi32, #tpu.memory_space<vmem>>
            %dma_wait3A_175 = tpu.memref_squeeze %dma_wait3A_174 : memref<1x128xi32, #tpu.memory_space<vmem>> -> memref<128xi32, #tpu.memory_space<vmem>>
            %dma_wait3A_176 = tpu.memref_slice %arg3[%add3A_151] : memref<320000xi32, #tpu.memory_space<hbm>> -> memref<128xi32, #tpu.memory_space<hbm>>
            %dma_wait3A_177 = arith.constant 0 : i32
            %dma_wait3A_178 = tpu.memref_slice %arg8[%run_scoped3A_152, %dma_wait3A_177] : memref<1x128xi32, #tpu.memory_space<vmem>> -> memref<1x128xi32, #tpu.memory_space<vmem>>
            %dma_wait3A_179 = tpu.memref_squeeze %dma_wait3A_178 : memref<1x128xi32, #tpu.memory_space<vmem>> -> memref<128xi32, #tpu.memory_space<vmem>>
            %dma_wait3A_180 = tpu.memref_slice %arg3[%add3A_151] : memref<320000xi32, #tpu.memory_space<hbm>> -> memref<128xi32, #tpu.memory_space<hbm>>
            tpu.wait_dma2 semaphore(%run_scoped3A_164 : memref<!tpu.dma_semaphore, #tpu.memory_space<semaphore_mem>>) src(%dma_wait3A_180 : memref<128xi32, #tpu.memory_space<hbm>>) dst(%dma_wait3A_179 : memref<128xi32, #tpu.memory_space<vmem>>)
            tpu.yield
          }) : () -> ()
          %dma_start3A_153 = arith.constant 0 : i32
          %dma_start3A_154 = arith.constant 0 : i32
          %dma_start3A_155 = tpu.memref_slice %arg7[%dma_start3A_153, %dma_start3A_154] : memref<1x128xi32, #tpu.memory_space<vmem>> -> memref<1x128xi32, #tpu.memory_space<vmem>>
          %dma_start3A_156 = tpu.memref_squeeze %dma_start3A_155 : memref<1x128xi32, #tpu.memory_space<vmem>> -> memref<128xi32, #tpu.memory_space<vmem>>
          %dma_start3A_157 = arith.constant 0 : i32
          %dma_start3A_158 = arith.constant 0 : i32
          %dma_start3A_159 = tpu.memref_slice %arg4[%scan3A_53, %dma_start3A_157, %dma_start3A_158] : memref<2x10000x128xf32, #tpu.memory_space<hbm>> -> memref<1x10000x128xf32, #tpu.memory_space<hbm>>
          %dma_start3A_160 = tpu.memref_squeeze %dma_start3A_159 : memref<1x10000x128xf32, #tpu.memory_space<hbm>> -> memref<10000x128xf32, #tpu.memory_space<hbm>>
          %dma_start3A_161 = arith.constant 0 : i32
          %dma_start3A_162 = arith.constant 0 : i32
          %dma_start3A_163 = tpu.memref_slice %dma_start3A_160[%dma_start3A_161, %dma_start3A_162] : memref<10000x128xf32, #tpu.memory_space<hbm>> -> memref<10000x128xf32, #tpu.memory_space<hbm>>
          tpu.enqueue_indirect_dma source(%dma_start3A_163 : memref<10000x128xf32, #tpu.memory_space<hbm>>) target(%arg11 : memref<128x128xf32, #tpu.memory_space<vmem>>) offsets(%dma_start3A_156 : memref<128xi32, #tpu.memory_space<vmem>>) semaphore(%arg17 : memref<!tpu.dma_semaphore, #tpu.memory_space<semaphore_mem>>)
        } else {
        }
      }
      %scan3A_58 = arith.constant 78 : i32
      %dma_wait3A = arith.constant 0 : i32
      %dma_wait3A_59 = arith.constant 0 : i32
      %dma_wait3A_60 = tpu.memref_slice %arg10[%dma_wait3A, %dma_wait3A_59] : memref<1x128xi32, #tpu.memory_space<vmem>> -> memref<1x128xi32, #tpu.memory_space<vmem>>
      %dma_wait3A_61 = tpu.memref_squeeze %dma_wait3A_60 : memref<1x128xi32, #tpu.memory_space<vmem>> -> memref<128xi32, #tpu.memory_space<vmem>>
      %dma_wait3A_62 = arith.constant 0 : i32
      %dma_wait3A_63 = arith.constant 0 : i32
      %dma_wait3A_64 = tpu.memref_slice %arg16[%dma_wait3A_62, %dma_wait3A_63] : memref<10000x128xf32, #tpu.memory_space<vmem_shared>> -> memref<10000x128xf32, #tpu.memory_space<vmem_shared>>
      tpu.wait_indirect_dma semaphore(%arg20 : memref<!tpu.dma_semaphore, #tpu.memory_space<semaphore_mem>>) src(%arg12 : memref<128x128xf32, #tpu.memory_space<vmem>>) dst(%dma_wait3A_64 : memref<10000x128xf32, #tpu.memory_space<vmem_shared>>)
    } else {
    }
    %eq3A_16 = arith.constant 0 : i32
    %eq3A_17 = arith.cmpi eq, %arg0, %eq3A_16 : i32
    %convert_element_type3A_18 = arith.extui %eq3A_17 : i1 to i32
    %cond3A_19 = arith.constant 0 : i32
    %cond3A_20 = arith.cmpi ne, %convert_element_type3A_18, %cond3A_19 : i32
    scf.if %cond3A_20 {
      %mul3A = arith.constant 20000 : i32
      %mul3A_37 = arith.muli %arg1, %mul3A : i32
      %add3A = arith.constant 19968 : i32
      %add3A_38 = arith.addi %mul3A_37, %add3A : i32
      %run_scoped3A = arith.constant 0 : i32
      "tpu.region"() ({
        %run_scoped3A_63 = tpu.sem_alloc : memref<!tpu.dma_semaphore, #tpu.memory_space<semaphore_mem>>
        %dma_start3A_64 = arith.constant 0 : i32
        %dma_start3A_65 = tpu.memref_slice %arg13[%run_scoped3A, %dma_start3A_64] : memref<1x32xi32, #tpu.memory_space<vmem>> -> memref<1x32xi32, #tpu.memory_space<vmem>>
        %dma_start3A_66 = tpu.memref_squeeze %dma_start3A_65 : memref<1x32xi32, #tpu.memory_space<vmem>> -> memref<32xi32, #tpu.memory_space<vmem>>
        %dma_start3A_67 = tpu.memref_slice %arg2[%add3A_38] : memref<320000xi32, #tpu.memory_space<hbm>> -> memref<32xi32, #tpu.memory_space<hbm>>
        %dma_start3A_68 = arith.constant 0 : i32
        %dma_start3A_69 = tpu.memref_slice %arg13[%run_scoped3A, %dma_start3A_68] : memref<1x32xi32, #tpu.memory_space<vmem>> -> memref<1x32xi32, #tpu.memory_space<vmem>>
        %dma_start3A_70 = tpu.memref_squeeze %dma_start3A_69 : memref<1x32xi32, #tpu.memory_space<vmem>> -> memref<32xi32, #tpu.memory_space<vmem>>
        %dma_start3A_71 = tpu.memref_slice %arg2[%add3A_38] : memref<320000xi32, #tpu.memory_space<hbm>> -> memref<32xi32, #tpu.memory_space<hbm>>
        tpu.enqueue_dma source(%dma_start3A_71 : memref<32xi32, #tpu.memory_space<hbm>>) target(%dma_start3A_70 : memref<32xi32, #tpu.memory_space<vmem>>) target_semaphore(%run_scoped3A_63 : memref<!tpu.dma_semaphore, #tpu.memory_space<semaphore_mem>>)
        %dma_wait3A_72 = arith.constant 0 : i32
        %dma_wait3A_73 = tpu.memref_slice %arg13[%run_scoped3A, %dma_wait3A_72] : memref<1x32xi32, #tpu.memory_space<vmem>> -> memref<1x32xi32, #tpu.memory_space<vmem>>
        %dma_wait3A_74 = tpu.memref_squeeze %dma_wait3A_73 : memref<1x32xi32, #tpu.memory_space<vmem>> -> memref<32xi32, #tpu.memory_space<vmem>>
        %dma_wait3A_75 = tpu.memref_slice %arg2[%add3A_38] : memref<320000xi32, #tpu.memory_space<hbm>> -> memref<32xi32, #tpu.memory_space<hbm>>
        %dma_wait3A_76 = arith.constant 0 : i32
        %dma_wait3A_77 = tpu.memref_slice %arg13[%run_scoped3A, %dma_wait3A_76] : memref<1x32xi32, #tpu.memory_space<vmem>> -> memref<1x32xi32, #tpu.memory_space<vmem>>
        %dma_wait3A_78 = tpu.memref_squeeze %dma_wait3A_77 : memref<1x32xi32, #tpu.memory_space<vmem>> -> memref<32xi32, #tpu.memory_space<vmem>>
        %dma_wait3A_79 = tpu.memref_slice %arg2[%add3A_38] : memref<320000xi32, #tpu.memory_space<hbm>> -> memref<32xi32, #tpu.memory_space<hbm>>
        tpu.wait_dma2 semaphore(%run_scoped3A_63 : memref<!tpu.dma_semaphore, #tpu.memory_space<semaphore_mem>>) src(%dma_wait3A_79 : memref<32xi32, #tpu.memory_space<hbm>>) dst(%dma_wait3A_78 : memref<32xi32, #tpu.memory_space<vmem>>)
        tpu.yield
      }) : () -> ()
      %run_scoped3A_39 = arith.constant 0 : i32
      "tpu.region"() ({
        %run_scoped3A_63 = tpu.sem_alloc : memref<!tpu.dma_semaphore, #tpu.memory_space<semaphore_mem>>
        %dma_start3A_64 = arith.constant 0 : i32
        %dma_start3A_65 = tpu.memref_slice %arg14[%run_scoped3A_39, %dma_start3A_64] : memref<1x32xi32, #tpu.memory_space<vmem>> -> memref<1x32xi32, #tpu.memory_space<vmem>>
        %dma_start3A_66 = tpu.memref_squeeze %dma_start3A_65 : memref<1x32xi32, #tpu.memory_space<vmem>> -> memref<32xi32, #tpu.memory_space<vmem>>
        %dma_start3A_67 = tpu.memref_slice %arg3[%add3A_38] : memref<320000xi32, #tpu.memory_space<hbm>> -> memref<32xi32, #tpu.memory_space<hbm>>
        %dma_start3A_68 = arith.constant 0 : i32
        %dma_start3A_69 = tpu.memref_slice %arg14[%run_scoped3A_39, %dma_start3A_68] : memref<1x32xi32, #tpu.memory_space<vmem>> -> memref<1x32xi32, #tpu.memory_space<vmem>>
        %dma_start3A_70 = tpu.memref_squeeze %dma_start3A_69 : memref<1x32xi32, #tpu.memory_space<vmem>> -> memref<32xi32, #tpu.memory_space<vmem>>
        %dma_start3A_71 = tpu.memref_slice %arg3[%add3A_38] : memref<320000xi32, #tpu.memory_space<hbm>> -> memref<32xi32, #tpu.memory_space<hbm>>
        tpu.enqueue_dma source(%dma_start3A_71 : memref<32xi32, #tpu.memory_space<hbm>>) target(%dma_start3A_70 : memref<32xi32, #tpu.memory_space<vmem>>) target_semaphore(%run_scoped3A_63 : memref<!tpu.dma_semaphore, #tpu.memory_space<semaphore_mem>>)
        %dma_wait3A_72 = arith.constant 0 : i32
        %dma_wait3A_73 = tpu.memref_slice %arg14[%run_scoped3A_39, %dma_wait3A_72] : memref<1x32xi32, #tpu.memory_space<vmem>> -> memref<1x32xi32, #tpu.memory_space<vmem>>
        %dma_wait3A_74 = tpu.memref_squeeze %dma_wait3A_73 : memref<1x32xi32, #tpu.memory_space<vmem>> -> memref<32xi32, #tpu.memory_space<vmem>>
        %dma_wait3A_75 = tpu.memref_slice %arg3[%add3A_38] : memref<320000xi32, #tpu.memory_space<hbm>> -> memref<32xi32, #tpu.memory_space<hbm>>
        %dma_wait3A_76 = arith.constant 0 : i32
        %dma_wait3A_77 = tpu.memref_slice %arg14[%run_scoped3A_39, %dma_wait3A_76] : memref<1x32xi32, #tpu.memory_space<vmem>> -> memref<1x32xi32, #tpu.memory_space<vmem>>
        %dma_wait3A_78 = tpu.memref_squeeze %dma_wait3A_77 : memref<1x32xi32, #tpu.memory_space<vmem>> -> memref<32xi32, #tpu.memory_space<vmem>>
        %dma_wait3A_79 = tpu.memref_slice %arg3[%add3A_38] : memref<320000xi32, #tpu.memory_space<hbm>> -> memref<32xi32, #tpu.memory_space<hbm>>
        tpu.wait_dma2 semaphore(%run_scoped3A_63 : memref<!tpu.dma_semaphore, #tpu.memory_space<semaphore_mem>>) src(%dma_wait3A_79 : memref<32xi32, #tpu.memory_space<hbm>>) dst(%dma_wait3A_78 : memref<32xi32, #tpu.memory_space<vmem>>)
        tpu.yield
      }) : () -> ()
      %dma_start3A = arith.constant 0 : i32
      %dma_start3A_40 = arith.constant 0 : i32
      %dma_start3A_41 = arith.constant 0 : i32
      %dma_start3A_42 = tpu.memref_slice %arg13[%dma_start3A_40, %dma_start3A_41] : memref<1x32xi32, #tpu.memory_space<vmem>> -> memref<1x32xi32, #tpu.memory_space<vmem>>
      %dma_start3A_43 = tpu.memref_squeeze %dma_start3A_42 : memref<1x32xi32, #tpu.memory_space<vmem>> -> memref<32xi32, #tpu.memory_space<vmem>>
      %dma_start3A_44 = arith.constant 0 : i32
      %dma_start3A_45 = arith.constant 0 : i32
      %dma_start3A_46 = tpu.memref_slice %arg4[%dma_start3A, %dma_start3A_44, %dma_start3A_45] : memref<2x10000x128xf32, #tpu.memory_space<hbm>> -> memref<1x10000x128xf32, #tpu.memory_space<hbm>>
      %dma_start3A_47 = tpu.memref_squeeze %dma_start3A_46 : memref<1x10000x128xf32, #tpu.memory_space<hbm>> -> memref<10000x128xf32, #tpu.memory_space<hbm>>
      %dma_start3A_48 = arith.constant 0 : i32
      %dma_start3A_49 = arith.constant 0 : i32
      %dma_start3A_50 = tpu.memref_slice %dma_start3A_47[%dma_start3A_48, %dma_start3A_49] : memref<10000x128xf32, #tpu.memory_space<hbm>> -> memref<10000x128xf32, #tpu.memory_space<hbm>>
      tpu.enqueue_indirect_dma source(%dma_start3A_50 : memref<10000x128xf32, #tpu.memory_space<hbm>>) target(%arg15 : memref<32x128xf32, #tpu.memory_space<vmem>>) offsets(%dma_start3A_43 : memref<32xi32, #tpu.memory_space<vmem>>) semaphore(%arg17 : memref<!tpu.dma_semaphore, #tpu.memory_space<semaphore_mem>>)
      %dma_wait3A = arith.constant 0 : i32
      %dma_wait3A_51 = arith.constant 0 : i32
      %dma_wait3A_52 = arith.constant 0 : i32
      %dma_wait3A_53 = tpu.memref_slice %arg13[%dma_wait3A_51, %dma_wait3A_52] : memref<1x32xi32, #tpu.memory_space<vmem>> -> memref<1x32xi32, #tpu.memory_space<vmem>>
      %dma_wait3A_54 = tpu.memref_squeeze %dma_wait3A_53 : memref<1x32xi32, #tpu.memory_space<vmem>> -> memref<32xi32, #tpu.memory_space<vmem>>
      %dma_wait3A_55 = arith.constant 0 : i32
      %dma_wait3A_56 = arith.constant 0 : i32
      %dma_wait3A_57 = tpu.memref_slice %arg4[%dma_wait3A, %dma_wait3A_55, %dma_wait3A_56] : memref<2x10000x128xf32, #tpu.memory_space<hbm>> -> memref<1x10000x128xf32, #tpu.memory_space<hbm>>
      %dma_wait3A_58 = tpu.memref_squeeze %dma_wait3A_57 : memref<1x10000x128xf32, #tpu.memory_space<hbm>> -> memref<10000x128xf32, #tpu.memory_space<hbm>>
      %dma_wait3A_59 = arith.constant 0 : i32
      %dma_wait3A_60 = arith.constant 0 : i32
      %dma_wait3A_61 = tpu.memref_slice %dma_wait3A_58[%dma_wait3A_59, %dma_wait3A_60] : memref<10000x128xf32, #tpu.memory_space<hbm>> -> memref<10000x128xf32, #tpu.memory_space<hbm>>
      tpu.wait_indirect_dma semaphore(%arg17 : memref<!tpu.dma_semaphore, #tpu.memory_space<semaphore_mem>>) src(%dma_wait3A_61 : memref<10000x128xf32, #tpu.memory_space<hbm>>) dst(%arg15 : memref<32x128xf32, #tpu.memory_space<vmem>>)
      %run_scoped3A_62 = arith.constant 0 : i32
      "tpu.region"() ({
        %run_scoped3A_63 = tpu.sem_alloc : memref<!tpu.dma_semaphore, #tpu.memory_space<semaphore_mem>>
        %dma_start3A_64 = arith.constant 0 : i32
        %dma_start3A_65 = tpu.memref_slice %arg14[%run_scoped3A_62, %dma_start3A_64] : memref<1x32xi32, #tpu.memory_space<vmem>> -> memref<1x32xi32, #tpu.memory_space<vmem>>
        %dma_start3A_66 = tpu.memref_squeeze %dma_start3A_65 : memref<1x32xi32, #tpu.memory_space<vmem>> -> memref<32xi32, #tpu.memory_space<vmem>>
        %dma_start3A_67 = arith.constant 0 : i32
        %dma_start3A_68 = arith.constant 0 : i32
        %dma_start3A_69 = tpu.memref_slice %arg16[%dma_start3A_67, %dma_start3A_68] : memref<10000x128xf32, #tpu.memory_space<vmem_shared>> -> memref<10000x128xf32, #tpu.memory_space<vmem_shared>>
        tpu.enqueue_indirect_dma source(%arg15 : memref<32x128xf32, #tpu.memory_space<vmem>>) target(%dma_start3A_69 : memref<10000x128xf32, #tpu.memory_space<vmem_shared>>) offsets(%dma_start3A_66 : memref<32xi32, #tpu.memory_space<vmem>>) semaphore(%run_scoped3A_63 : memref<!tpu.dma_semaphore, #tpu.memory_space<semaphore_mem>>) {add = true}
        %dma_wait3A_70 = arith.constant 0 : i32
        %dma_wait3A_71 = tpu.memref_slice %arg14[%run_scoped3A_62, %dma_wait3A_70] : memref<1x32xi32, #tpu.memory_space<vmem>> -> memref<1x32xi32, #tpu.memory_space<vmem>>
        %dma_wait3A_72 = tpu.memref_squeeze %dma_wait3A_71 : memref<1x32xi32, #tpu.memory_space<vmem>> -> memref<32xi32, #tpu.memory_space<vmem>>
        %dma_wait3A_73 = arith.constant 0 : i32
        %dma_wait3A_74 = arith.constant 0 : i32
        %dma_wait3A_75 = tpu.memref_slice %arg16[%dma_wait3A_73, %dma_wait3A_74] : memref<10000x128xf32, #tpu.memory_space<vmem_shared>> -> memref<10000x128xf32, #tpu.memory_space<vmem_shared>>
        tpu.wait_indirect_dma semaphore(%run_scoped3A_63 : memref<!tpu.dma_semaphore, #tpu.memory_space<semaphore_mem>>) src(%arg15 : memref<32x128xf32, #tpu.memory_space<vmem>>) dst(%dma_wait3A_75 : memref<10000x128xf32, #tpu.memory_space<vmem_shared>>)
        tpu.yield
      }) : () -> ()
    } else {
    }
    %eq3A_21 = arith.constant 1 : i32
    %eq3A_22 = arith.cmpi eq, %arg0, %eq3A_21 : i32
    %convert_element_type3A_23 = arith.extui %eq3A_22 : i1 to i32
    %cond3A_24 = arith.constant 0 : i32
    %cond3A_25 = arith.cmpi ne, %convert_element_type3A_23, %cond3A_24 : i32
    scf.if %cond3A_25 {
      %mul3A = arith.constant 20000 : i32
      %mul3A_37 = arith.muli %arg1, %mul3A : i32
      %add3A = arith.constant 19968 : i32
      %add3A_38 = arith.addi %mul3A_37, %add3A : i32
      %run_scoped3A = arith.constant 0 : i32
      "tpu.region"() ({
        %run_scoped3A_63 = tpu.sem_alloc : memref<!tpu.dma_semaphore, #tpu.memory_space<semaphore_mem>>
        %dma_start3A_64 = arith.constant 0 : i32
        %dma_start3A_65 = tpu.memref_slice %arg13[%run_scoped3A, %dma_start3A_64] : memref<1x32xi32, #tpu.memory_space<vmem>> -> memref<1x32xi32, #tpu.memory_space<vmem>>
        %dma_start3A_66 = tpu.memref_squeeze %dma_start3A_65 : memref<1x32xi32, #tpu.memory_space<vmem>> -> memref<32xi32, #tpu.memory_space<vmem>>
        %dma_start3A_67 = tpu.memref_slice %arg2[%add3A_38] : memref<320000xi32, #tpu.memory_space<hbm>> -> memref<32xi32, #tpu.memory_space<hbm>>
        %dma_start3A_68 = arith.constant 0 : i32
        %dma_start3A_69 = tpu.memref_slice %arg13[%run_scoped3A, %dma_start3A_68] : memref<1x32xi32, #tpu.memory_space<vmem>> -> memref<1x32xi32, #tpu.memory_space<vmem>>
        %dma_start3A_70 = tpu.memref_squeeze %dma_start3A_69 : memref<1x32xi32, #tpu.memory_space<vmem>> -> memref<32xi32, #tpu.memory_space<vmem>>
        %dma_start3A_71 = tpu.memref_slice %arg2[%add3A_38] : memref<320000xi32, #tpu.memory_space<hbm>> -> memref<32xi32, #tpu.memory_space<hbm>>
        tpu.enqueue_dma source(%dma_start3A_71 : memref<32xi32, #tpu.memory_space<hbm>>) target(%dma_start3A_70 : memref<32xi32, #tpu.memory_space<vmem>>) target_semaphore(%run_scoped3A_63 : memref<!tpu.dma_semaphore, #tpu.memory_space<semaphore_mem>>)
        %dma_wait3A_72 = arith.constant 0 : i32
        %dma_wait3A_73 = tpu.memref_slice %arg13[%run_scoped3A, %dma_wait3A_72] : memref<1x32xi32, #tpu.memory_space<vmem>> -> memref<1x32xi32, #tpu.memory_space<vmem>>
        %dma_wait3A_74 = tpu.memref_squeeze %dma_wait3A_73 : memref<1x32xi32, #tpu.memory_space<vmem>> -> memref<32xi32, #tpu.memory_space<vmem>>
        %dma_wait3A_75 = tpu.memref_slice %arg2[%add3A_38] : memref<320000xi32, #tpu.memory_space<hbm>> -> memref<32xi32, #tpu.memory_space<hbm>>
        %dma_wait3A_76 = arith.constant 0 : i32
        %dma_wait3A_77 = tpu.memref_slice %arg13[%run_scoped3A, %dma_wait3A_76] : memref<1x32xi32, #tpu.memory_space<vmem>> -> memref<1x32xi32, #tpu.memory_space<vmem>>
        %dma_wait3A_78 = tpu.memref_squeeze %dma_wait3A_77 : memref<1x32xi32, #tpu.memory_space<vmem>> -> memref<32xi32, #tpu.memory_space<vmem>>
        %dma_wait3A_79 = tpu.memref_slice %arg2[%add3A_38] : memref<320000xi32, #tpu.memory_space<hbm>> -> memref<32xi32, #tpu.memory_space<hbm>>
        tpu.wait_dma2 semaphore(%run_scoped3A_63 : memref<!tpu.dma_semaphore, #tpu.memory_space<semaphore_mem>>) src(%dma_wait3A_79 : memref<32xi32, #tpu.memory_space<hbm>>) dst(%dma_wait3A_78 : memref<32xi32, #tpu.memory_space<vmem>>)
        tpu.yield
      }) : () -> ()
      %run_scoped3A_39 = arith.constant 0 : i32
      "tpu.region"() ({
        %run_scoped3A_63 = tpu.sem_alloc : memref<!tpu.dma_semaphore, #tpu.memory_space<semaphore_mem>>
        %dma_start3A_64 = arith.constant 0 : i32
        %dma_start3A_65 = tpu.memref_slice %arg14[%run_scoped3A_39, %dma_start3A_64] : memref<1x32xi32, #tpu.memory_space<vmem>> -> memref<1x32xi32, #tpu.memory_space<vmem>>
        %dma_start3A_66 = tpu.memref_squeeze %dma_start3A_65 : memref<1x32xi32, #tpu.memory_space<vmem>> -> memref<32xi32, #tpu.memory_space<vmem>>
        %dma_start3A_67 = tpu.memref_slice %arg3[%add3A_38] : memref<320000xi32, #tpu.memory_space<hbm>> -> memref<32xi32, #tpu.memory_space<hbm>>
        %dma_start3A_68 = arith.constant 0 : i32
        %dma_start3A_69 = tpu.memref_slice %arg14[%run_scoped3A_39, %dma_start3A_68] : memref<1x32xi32, #tpu.memory_space<vmem>> -> memref<1x32xi32, #tpu.memory_space<vmem>>
        %dma_start3A_70 = tpu.memref_squeeze %dma_start3A_69 : memref<1x32xi32, #tpu.memory_space<vmem>> -> memref<32xi32, #tpu.memory_space<vmem>>
        %dma_start3A_71 = tpu.memref_slice %arg3[%add3A_38] : memref<320000xi32, #tpu.memory_space<hbm>> -> memref<32xi32, #tpu.memory_space<hbm>>
        tpu.enqueue_dma source(%dma_start3A_71 : memref<32xi32, #tpu.memory_space<hbm>>) target(%dma_start3A_70 : memref<32xi32, #tpu.memory_space<vmem>>) target_semaphore(%run_scoped3A_63 : memref<!tpu.dma_semaphore, #tpu.memory_space<semaphore_mem>>)
        %dma_wait3A_72 = arith.constant 0 : i32
        %dma_wait3A_73 = tpu.memref_slice %arg14[%run_scoped3A_39, %dma_wait3A_72] : memref<1x32xi32, #tpu.memory_space<vmem>> -> memref<1x32xi32, #tpu.memory_space<vmem>>
        %dma_wait3A_74 = tpu.memref_squeeze %dma_wait3A_73 : memref<1x32xi32, #tpu.memory_space<vmem>> -> memref<32xi32, #tpu.memory_space<vmem>>
        %dma_wait3A_75 = tpu.memref_slice %arg3[%add3A_38] : memref<320000xi32, #tpu.memory_space<hbm>> -> memref<32xi32, #tpu.memory_space<hbm>>
        %dma_wait3A_76 = arith.constant 0 : i32
        %dma_wait3A_77 = tpu.memref_slice %arg14[%run_scoped3A_39, %dma_wait3A_76] : memref<1x32xi32, #tpu.memory_space<vmem>> -> memref<1x32xi32, #tpu.memory_space<vmem>>
        %dma_wait3A_78 = tpu.memref_squeeze %dma_wait3A_77 : memref<1x32xi32, #tpu.memory_space<vmem>> -> memref<32xi32, #tpu.memory_space<vmem>>
        %dma_wait3A_79 = tpu.memref_slice %arg3[%add3A_38] : memref<320000xi32, #tpu.memory_space<hbm>> -> memref<32xi32, #tpu.memory_space<hbm>>
        tpu.wait_dma2 semaphore(%run_scoped3A_63 : memref<!tpu.dma_semaphore, #tpu.memory_space<semaphore_mem>>) src(%dma_wait3A_79 : memref<32xi32, #tpu.memory_space<hbm>>) dst(%dma_wait3A_78 : memref<32xi32, #tpu.memory_space<vmem>>)
        tpu.yield
      }) : () -> ()
      %dma_start3A = arith.constant 1 : i32
      %dma_start3A_40 = arith.constant 0 : i32
      %dma_start3A_41 = arith.constant 0 : i32
      %dma_start3A_42 = tpu.memref_slice %arg13[%dma_start3A_40, %dma_start3A_41] : memref<1x32xi32, #tpu.memory_space<vmem>> -> memref<1x32xi32, #tpu.memory_space<vmem>>
      %dma_start3A_43 = tpu.memref_squeeze %dma_start3A_42 : memref<1x32xi32, #tpu.memory_space<vmem>> -> memref<32xi32, #tpu.memory_space<vmem>>
      %dma_start3A_44 = arith.constant 0 : i32
      %dma_start3A_45 = arith.constant 0 : i32
      %dma_start3A_46 = tpu.memref_slice %arg4[%dma_start3A, %dma_start3A_44, %dma_start3A_45] : memref<2x10000x128xf32, #tpu.memory_space<hbm>> -> memref<1x10000x128xf32, #tpu.memory_space<hbm>>
      %dma_start3A_47 = tpu.memref_squeeze %dma_start3A_46 : memref<1x10000x128xf32, #tpu.memory_space<hbm>> -> memref<10000x128xf32, #tpu.memory_space<hbm>>
      %dma_start3A_48 = arith.constant 0 : i32
      %dma_start3A_49 = arith.constant 0 : i32
      %dma_start3A_50 = tpu.memref_slice %dma_start3A_47[%dma_start3A_48, %dma_start3A_49] : memref<10000x128xf32, #tpu.memory_space<hbm>> -> memref<10000x128xf32, #tpu.memory_space<hbm>>
      tpu.enqueue_indirect_dma source(%dma_start3A_50 : memref<10000x128xf32, #tpu.memory_space<hbm>>) target(%arg15 : memref<32x128xf32, #tpu.memory_space<vmem>>) offsets(%dma_start3A_43 : memref<32xi32, #tpu.memory_space<vmem>>) semaphore(%arg17 : memref<!tpu.dma_semaphore, #tpu.memory_space<semaphore_mem>>)
      %dma_wait3A = arith.constant 1 : i32
      %dma_wait3A_51 = arith.constant 0 : i32
      %dma_wait3A_52 = arith.constant 0 : i32
      %dma_wait3A_53 = tpu.memref_slice %arg13[%dma_wait3A_51, %dma_wait3A_52] : memref<1x32xi32, #tpu.memory_space<vmem>> -> memref<1x32xi32, #tpu.memory_space<vmem>>
      %dma_wait3A_54 = tpu.memref_squeeze %dma_wait3A_53 : memref<1x32xi32, #tpu.memory_space<vmem>> -> memref<32xi32, #tpu.memory_space<vmem>>
      %dma_wait3A_55 = arith.constant 0 : i32
      %dma_wait3A_56 = arith.constant 0 : i32
      %dma_wait3A_57 = tpu.memref_slice %arg4[%dma_wait3A, %dma_wait3A_55, %dma_wait3A_56] : memref<2x10000x128xf32, #tpu.memory_space<hbm>> -> memref<1x10000x128xf32, #tpu.memory_space<hbm>>
      %dma_wait3A_58 = tpu.memref_squeeze %dma_wait3A_57 : memref<1x10000x128xf32, #tpu.memory_space<hbm>> -> memref<10000x128xf32, #tpu.memory_space<hbm>>
      %dma_wait3A_59 = arith.constant 0 : i32
      %dma_wait3A_60 = arith.constant 0 : i32
      %dma_wait3A_61 = tpu.memref_slice %dma_wait3A_58[%dma_wait3A_59, %dma_wait3A_60] : memref<10000x128xf32, #tpu.memory_space<hbm>> -> memref<10000x128xf32, #tpu.memory_space<hbm>>
      tpu.wait_indirect_dma semaphore(%arg17 : memref<!tpu.dma_semaphore, #tpu.memory_space<semaphore_mem>>) src(%dma_wait3A_61 : memref<10000x128xf32, #tpu.memory_space<hbm>>) dst(%arg15 : memref<32x128xf32, #tpu.memory_space<vmem>>)
      %run_scoped3A_62 = arith.constant 0 : i32
      "tpu.region"() ({
        %run_scoped3A_63 = tpu.sem_alloc : memref<!tpu.dma_semaphore, #tpu.memory_space<semaphore_mem>>
        %dma_start3A_64 = arith.constant 0 : i32
        %dma_start3A_65 = tpu.memref_slice %arg14[%run_scoped3A_62, %dma_start3A_64] : memref<1x32xi32, #tpu.memory_space<vmem>> -> memref<1x32xi32, #tpu.memory_space<vmem>>
        %dma_start3A_66 = tpu.memref_squeeze %dma_start3A_65 : memref<1x32xi32, #tpu.memory_space<vmem>> -> memref<32xi32, #tpu.memory_space<vmem>>
        %dma_start3A_67 = arith.constant 0 : i32
        %dma_start3A_68 = arith.constant 0 : i32
        %dma_start3A_69 = tpu.memref_slice %arg16[%dma_start3A_67, %dma_start3A_68] : memref<10000x128xf32, #tpu.memory_space<vmem_shared>> -> memref<10000x128xf32, #tpu.memory_space<vmem_shared>>
        tpu.enqueue_indirect_dma source(%arg15 : memref<32x128xf32, #tpu.memory_space<vmem>>) target(%dma_start3A_69 : memref<10000x128xf32, #tpu.memory_space<vmem_shared>>) offsets(%dma_start3A_66 : memref<32xi32, #tpu.memory_space<vmem>>) semaphore(%run_scoped3A_63 : memref<!tpu.dma_semaphore, #tpu.memory_space<semaphore_mem>>) {add = true}
        %dma_wait3A_70 = arith.constant 0 : i32
        %dma_wait3A_71 = tpu.memref_slice %arg14[%run_scoped3A_62, %dma_wait3A_70] : memref<1x32xi32, #tpu.memory_space<vmem>> -> memref<1x32xi32, #tpu.memory_space<vmem>>
        %dma_wait3A_72 = tpu.memref_squeeze %dma_wait3A_71 : memref<1x32xi32, #tpu.memory_space<vmem>> -> memref<32xi32, #tpu.memory_space<vmem>>
        %dma_wait3A_73 = arith.constant 0 : i32
        %dma_wait3A_74 = arith.constant 0 : i32
        %dma_wait3A_75 = tpu.memref_slice %arg16[%dma_wait3A_73, %dma_wait3A_74] : memref<10000x128xf32, #tpu.memory_space<vmem_shared>> -> memref<10000x128xf32, #tpu.memory_space<vmem_shared>>
        tpu.wait_indirect_dma semaphore(%run_scoped3A_63 : memref<!tpu.dma_semaphore, #tpu.memory_space<semaphore_mem>>) src(%arg15 : memref<32x128xf32, #tpu.memory_space<vmem>>) dst(%dma_wait3A_75 : memref<10000x128xf32, #tpu.memory_space<vmem_shared>>)
        tpu.yield
      }) : () -> ()
    } else {
    }
    %barrier3A_26 = arith.constant 0 : index
    tpu.barrier barrier_id(%barrier3A_26)
    %eq3A_27 = arith.constant 0 : i32
    %eq3A_28 = arith.cmpi eq, %arg0, %eq3A_27 : i32
    %convert_element_type3A_29 = arith.extui %eq3A_28 : i1 to i32
    %cond3A_30 = arith.constant 0 : i32
    %cond3A_31 = arith.cmpi ne, %convert_element_type3A_29, %cond3A_30 : i32
    scf.if %cond3A_31 {
      %lt3A_37 = arith.constant 15 : i32
      %lt3A_38 = arith.cmpi slt, %arg1, %lt3A_37 : i32
      %convert_element_type3A_39 = arith.extui %lt3A_38 : i1 to i32
      %cond3A_40 = arith.constant 0 : i32
      %cond3A_41 = arith.cmpi ne, %convert_element_type3A_39, %cond3A_40 : i32
      scf.if %cond3A_41 {
        %mul3A = arith.constant 640 : i32
        %mul3A_47 = arith.muli %arg1, %mul3A : i32
        %multiple_of3A = tpu.assume_multiple %mul3A_47, 8 : i32
        %run_scoped3A = arith.constant 0 : i32
        "tpu.region"() ({
          %run_scoped3A_48 = tpu.sem_alloc : memref<!tpu.dma_semaphore, #tpu.memory_space<semaphore_mem>>
          %dma_start3A = arith.constant 0 : i32
          %dma_start3A_49 = tpu.memref_slice %arg6[%run_scoped3A, %multiple_of3A, %dma_start3A] : memref<2x10000x128xf32, #tpu.memory_space<hbm>> -> memref<1x640x128xf32, #tpu.memory_space<hbm>>
          %dma_start3A_50 = tpu.memref_squeeze %dma_start3A_49 : memref<1x640x128xf32, #tpu.memory_space<hbm>> -> memref<640x128xf32, #tpu.memory_space<hbm>>
          %dma_start3A_51 = arith.constant 0 : i32
          %dma_start3A_52 = tpu.memref_slice %arg16[%multiple_of3A, %dma_start3A_51] : memref<10000x128xf32, #tpu.memory_space<vmem_shared>> -> memref<640x128xf32, #tpu.memory_space<vmem_shared>>
          tpu.enqueue_dma source(%dma_start3A_52 : memref<640x128xf32, #tpu.memory_space<vmem_shared>>) target(%dma_start3A_50 : memref<640x128xf32, #tpu.memory_space<hbm>>) target_semaphore(%run_scoped3A_48 : memref<!tpu.dma_semaphore, #tpu.memory_space<semaphore_mem>>)
          %dma_wait3A = arith.constant 0 : i32
          %dma_wait3A_53 = tpu.memref_slice %arg6[%run_scoped3A, %multiple_of3A, %dma_wait3A] : memref<2x10000x128xf32, #tpu.memory_space<hbm>> -> memref<1x640x128xf32, #tpu.memory_space<hbm>>
          %dma_wait3A_54 = tpu.memref_squeeze %dma_wait3A_53 : memref<1x640x128xf32, #tpu.memory_space<hbm>> -> memref<640x128xf32, #tpu.memory_space<hbm>>
          %dma_wait3A_55 = arith.constant 0 : i32
          %dma_wait3A_56 = tpu.memref_slice %arg16[%multiple_of3A, %dma_wait3A_55] : memref<10000x128xf32, #tpu.memory_space<vmem_shared>> -> memref<640x128xf32, #tpu.memory_space<vmem_shared>>
          tpu.wait_dma2 semaphore(%run_scoped3A_48 : memref<!tpu.dma_semaphore, #tpu.memory_space<semaphore_mem>>) src(%dma_wait3A_56 : memref<640x128xf32, #tpu.memory_space<vmem_shared>>) dst(%dma_wait3A_54 : memref<640x128xf32, #tpu.memory_space<hbm>>)
          tpu.yield
        }) : () -> ()
      } else {
      }
      %eq3A_42 = arith.constant 15 : i32
      %eq3A_43 = arith.cmpi eq, %arg1, %eq3A_42 : i32
      %convert_element_type3A_44 = arith.extui %eq3A_43 : i1 to i32
      %cond3A_45 = arith.constant 0 : i32
      %cond3A_46 = arith.cmpi ne, %convert_element_type3A_44, %cond3A_45 : i32
      scf.if %cond3A_46 {
        %run_scoped3A = arith.constant 0 : i32
        "tpu.region"() ({
          %run_scoped3A_47 = tpu.sem_alloc : memref<!tpu.dma_semaphore, #tpu.memory_space<semaphore_mem>>
          %dma_start3A = arith.constant 9600 : i32
          %dma_start3A_48 = arith.constant 0 : i32
          %dma_start3A_49 = tpu.memref_slice %arg6[%run_scoped3A, %dma_start3A, %dma_start3A_48] : memref<2x10000x128xf32, #tpu.memory_space<hbm>> -> memref<1x400x128xf32, #tpu.memory_space<hbm>>
          %dma_start3A_50 = tpu.memref_squeeze %dma_start3A_49 : memref<1x400x128xf32, #tpu.memory_space<hbm>> -> memref<400x128xf32, #tpu.memory_space<hbm>>
          %dma_start3A_51 = arith.constant 9600 : i32
          %dma_start3A_52 = arith.constant 0 : i32
          %dma_start3A_53 = tpu.memref_slice %arg16[%dma_start3A_51, %dma_start3A_52] : memref<10000x128xf32, #tpu.memory_space<vmem_shared>> -> memref<400x128xf32, #tpu.memory_space<vmem_shared>>
          tpu.enqueue_dma source(%dma_start3A_53 : memref<400x128xf32, #tpu.memory_space<vmem_shared>>) target(%dma_start3A_50 : memref<400x128xf32, #tpu.memory_space<hbm>>) target_semaphore(%run_scoped3A_47 : memref<!tpu.dma_semaphore, #tpu.memory_space<semaphore_mem>>)
          %dma_wait3A = arith.constant 9600 : i32
          %dma_wait3A_54 = arith.constant 0 : i32
          %dma_wait3A_55 = tpu.memref_slice %arg6[%run_scoped3A, %dma_wait3A, %dma_wait3A_54] : memref<2x10000x128xf32, #tpu.memory_space<hbm>> -> memref<1x400x128xf32, #tpu.memory_space<hbm>>
          %dma_wait3A_56 = tpu.memref_squeeze %dma_wait3A_55 : memref<1x400x128xf32, #tpu.memory_space<hbm>> -> memref<400x128xf32, #tpu.memory_space<hbm>>
          %dma_wait3A_57 = arith.constant 9600 : i32
          %dma_wait3A_58 = arith.constant 0 : i32
          %dma_wait3A_59 = tpu.memref_slice %arg16[%dma_wait3A_57, %dma_wait3A_58] : memref<10000x128xf32, #tpu.memory_space<vmem_shared>> -> memref<400x128xf32, #tpu.memory_space<vmem_shared>>
          tpu.wait_dma2 semaphore(%run_scoped3A_47 : memref<!tpu.dma_semaphore, #tpu.memory_space<semaphore_mem>>) src(%dma_wait3A_59 : memref<400x128xf32, #tpu.memory_space<vmem_shared>>) dst(%dma_wait3A_56 : memref<400x128xf32, #tpu.memory_space<hbm>>)
          tpu.yield
        }) : () -> ()
      } else {
      }
    } else {
    }
    %eq3A_32 = arith.constant 1 : i32
    %eq3A_33 = arith.cmpi eq, %arg0, %eq3A_32 : i32
    %convert_element_type3A_34 = arith.extui %eq3A_33 : i1 to i32
    %cond3A_35 = arith.constant 0 : i32
    %cond3A_36 = arith.cmpi ne, %convert_element_type3A_34, %cond3A_35 : i32
    scf.if %cond3A_36 {
      %lt3A_37 = arith.constant 15 : i32
      %lt3A_38 = arith.cmpi slt, %arg1, %lt3A_37 : i32
      %convert_element_type3A_39 = arith.extui %lt3A_38 : i1 to i32
      %cond3A_40 = arith.constant 0 : i32
      %cond3A_41 = arith.cmpi ne, %convert_element_type3A_39, %cond3A_40 : i32
      scf.if %cond3A_41 {
        %mul3A = arith.constant 640 : i32
        %mul3A_47 = arith.muli %arg1, %mul3A : i32
        %multiple_of3A = tpu.assume_multiple %mul3A_47, 8 : i32
        %run_scoped3A = arith.constant 1 : i32
        "tpu.region"() ({
          %run_scoped3A_48 = tpu.sem_alloc : memref<!tpu.dma_semaphore, #tpu.memory_space<semaphore_mem>>
          %dma_start3A = arith.constant 0 : i32
          %dma_start3A_49 = tpu.memref_slice %arg6[%run_scoped3A, %multiple_of3A, %dma_start3A] : memref<2x10000x128xf32, #tpu.memory_space<hbm>> -> memref<1x640x128xf32, #tpu.memory_space<hbm>>
          %dma_start3A_50 = tpu.memref_squeeze %dma_start3A_49 : memref<1x640x128xf32, #tpu.memory_space<hbm>> -> memref<640x128xf32, #tpu.memory_space<hbm>>
          %dma_start3A_51 = arith.constant 0 : i32
          %dma_start3A_52 = tpu.memref_slice %arg16[%multiple_of3A, %dma_start3A_51] : memref<10000x128xf32, #tpu.memory_space<vmem_shared>> -> memref<640x128xf32, #tpu.memory_space<vmem_shared>>
          tpu.enqueue_dma source(%dma_start3A_52 : memref<640x128xf32, #tpu.memory_space<vmem_shared>>) target(%dma_start3A_50 : memref<640x128xf32, #tpu.memory_space<hbm>>) target_semaphore(%run_scoped3A_48 : memref<!tpu.dma_semaphore, #tpu.memory_space<semaphore_mem>>)
          %dma_wait3A = arith.constant 0 : i32
          %dma_wait3A_53 = tpu.memref_slice %arg6[%run_scoped3A, %multiple_of3A, %dma_wait3A] : memref<2x10000x128xf32, #tpu.memory_space<hbm>> -> memref<1x640x128xf32, #tpu.memory_space<hbm>>
          %dma_wait3A_54 = tpu.memref_squeeze %dma_wait3A_53 : memref<1x640x128xf32, #tpu.memory_space<hbm>> -> memref<640x128xf32, #tpu.memory_space<hbm>>
          %dma_wait3A_55 = arith.constant 0 : i32
          %dma_wait3A_56 = tpu.memref_slice %arg16[%multiple_of3A, %dma_wait3A_55] : memref<10000x128xf32, #tpu.memory_space<vmem_shared>> -> memref<640x128xf32, #tpu.memory_space<vmem_shared>>
          tpu.wait_dma2 semaphore(%run_scoped3A_48 : memref<!tpu.dma_semaphore, #tpu.memory_space<semaphore_mem>>) src(%dma_wait3A_56 : memref<640x128xf32, #tpu.memory_space<vmem_shared>>) dst(%dma_wait3A_54 : memref<640x128xf32, #tpu.memory_space<hbm>>)
          tpu.yield
        }) : () -> ()
      } else {
      }
      %eq3A_42 = arith.constant 15 : i32
      %eq3A_43 = arith.cmpi eq, %arg1, %eq3A_42 : i32
      %convert_element_type3A_44 = arith.extui %eq3A_43 : i1 to i32
      %cond3A_45 = arith.constant 0 : i32
      %cond3A_46 = arith.cmpi ne, %convert_element_type3A_44, %cond3A_45 : i32
      scf.if %cond3A_46 {
        %run_scoped3A = arith.constant 1 : i32
        "tpu.region"() ({
          %run_scoped3A_47 = tpu.sem_alloc : memref<!tpu.dma_semaphore, #tpu.memory_space<semaphore_mem>>
          %dma_start3A = arith.constant 9600 : i32
          %dma_start3A_48 = arith.constant 0 : i32
          %dma_start3A_49 = tpu.memref_slice %arg6[%run_scoped3A, %dma_start3A, %dma_start3A_48] : memref<2x10000x128xf32, #tpu.memory_space<hbm>> -> memref<1x400x128xf32, #tpu.memory_space<hbm>>
          %dma_start3A_50 = tpu.memref_squeeze %dma_start3A_49 : memref<1x400x128xf32, #tpu.memory_space<hbm>> -> memref<400x128xf32, #tpu.memory_space<hbm>>
          %dma_start3A_51 = arith.constant 9600 : i32
          %dma_start3A_52 = arith.constant 0 : i32
          %dma_start3A_53 = tpu.memref_slice %arg16[%dma_start3A_51, %dma_start3A_52] : memref<10000x128xf32, #tpu.memory_space<vmem_shared>> -> memref<400x128xf32, #tpu.memory_space<vmem_shared>>
          tpu.enqueue_dma source(%dma_start3A_53 : memref<400x128xf32, #tpu.memory_space<vmem_shared>>) target(%dma_start3A_50 : memref<400x128xf32, #tpu.memory_space<hbm>>) target_semaphore(%run_scoped3A_47 : memref<!tpu.dma_semaphore, #tpu.memory_space<semaphore_mem>>)
          %dma_wait3A = arith.constant 9600 : i32
          %dma_wait3A_54 = arith.constant 0 : i32
          %dma_wait3A_55 = tpu.memref_slice %arg6[%run_scoped3A, %dma_wait3A, %dma_wait3A_54] : memref<2x10000x128xf32, #tpu.memory_space<hbm>> -> memref<1x400x128xf32, #tpu.memory_space<hbm>>
          %dma_wait3A_56 = tpu.memref_squeeze %dma_wait3A_55 : memref<1x400x128xf32, #tpu.memory_space<hbm>> -> memref<400x128xf32, #tpu.memory_space<hbm>>
          %dma_wait3A_57 = arith.constant 9600 : i32
          %dma_wait3A_58 = arith.constant 0 : i32
          %dma_wait3A_59 = tpu.memref_slice %arg16[%dma_wait3A_57, %dma_wait3A_58] : memref<10000x128xf32, #tpu.memory_space<vmem_shared>> -> memref<400x128xf32, #tpu.memory_space<vmem_shared>>
          tpu.wait_dma2 semaphore(%run_scoped3A_47 : memref<!tpu.dma_semaphore, #tpu.memory_space<semaphore_mem>>) src(%dma_wait3A_59 : memref<400x128xf32, #tpu.memory_space<vmem_shared>>) dst(%dma_wait3A_56 : memref<400x128xf32, #tpu.memory_space<hbm>>)
          tpu.yield
        }) : () -> ()
      } else {
      }
    } else {
    }
    return
  }
}

module attributes {stable_mosaic.version = 14 : i64} {
  func.func @_mm1_body(%arg0: i32, %arg1: i32, %arg2: memref<1000x128xf32, #tpu.memory_space<vmem>>, %arg3: memref<2x1000x128xf32, #tpu.memory_space<vmem>>, %arg4: memref<128x128xf32, #tpu.memory_space<vmem>>, %arg5: memref<1x1000x128xf32, #tpu.memory_space<vmem>>) attributes {dimension_semantics = [#tpu.dimension_semantics<arbitrary>, #tpu.dimension_semantics<arbitrary>], iteration_bounds = array<i64: 10, 2>, scalar_prefetch = 0 : i64, scratch_operands = 0 : i64, tpu.core_type = #tpu.core_type<tc>, window_params = [{transform_indices = @transform_0, window_bounds = array<i64: 1000, 128>}, {transform_indices = @transform_1, window_bounds = array<i64: 2, 1000, 128>}, {transform_indices = @transform_2, window_bounds = array<i64: 128, 128>}, {transform_indices = @transform_3, window_bounds = array<i64: 1, 1000, 128>}]} {
    %get3A = arith.constant 0 : index
    %get3A_0 = arith.constant 0 : index
    %get3A_1 = arith.constant 0 : index
    %get3A_2 = vector.load %arg3[%get3A, %get3A_0, %get3A_1] : memref<2x1000x128xf32, #tpu.memory_space<vmem>>, vector<1x1000x128xf32>
    %get3A_3 = vector.shape_cast %get3A_2 : vector<1x1000x128xf32> to vector<1000x128xf32>
    %slice3A = vector.extract_strided_slice %get3A_3 {offsets = [0, 0], sizes = [1000, 1], strides = [1, 1]} : vector<1000x128xf32> to vector<1000x1xf32>
    %get3A_4 = arith.constant 1 : index
    %get3A_5 = arith.constant 0 : index
    %get3A_6 = arith.constant 0 : index
    %get3A_7 = vector.load %arg3[%get3A_4, %get3A_5, %get3A_6] : memref<2x1000x128xf32, #tpu.memory_space<vmem>>, vector<1x1000x128xf32>
    %get3A_8 = vector.shape_cast %get3A_7 : vector<1x1000x128xf32> to vector<1000x128xf32>
    %slice3A_9 = vector.extract_strided_slice %get3A_8 {offsets = [0, 0], sizes = [1000, 1], strides = [1, 1]} : vector<1000x128xf32> to vector<1000x1xf32>
    %add3A = arith.addf %slice3A, %slice3A_9 : vector<1000x1xf32>
    %add3A_10 = arith.constant 1.000000e+00 : f32
    %add3A_11 = vector.broadcast %add3A_10 : f32 to vector<1000x1xf32>
    %add3A_12 = arith.addf %add3A, %add3A_11 : vector<1000x1xf32>
    %rsqrt3A = math.rsqrt %add3A_12 : vector<1000x1xf32>
    %get3A_13 = arith.constant 0 : index
    %get3A_14 = arith.constant 0 : index
    %get3A_15 = vector.load %arg2[%get3A_13, %get3A_14] : memref<1000x128xf32, #tpu.memory_space<vmem>>, vector<1000x128xf32>
    %mul3A = vector.broadcast %rsqrt3A : vector<1000x1xf32> to vector<1000x128xf32>
    %mul3A_16 = arith.mulf %get3A_15, %mul3A : vector<1000x128xf32>
    %get3A_17 = arith.constant 0 : index
    %get3A_18 = arith.constant 0 : index
    %get3A_19 = vector.load %arg4[%get3A_17, %get3A_18] : memref<128x128xf32, #tpu.memory_space<vmem>>, vector<128x128xf32>
    %dot_general3A = arith.constant dense<0.000000e+00> : vector<1000x128xf32>
    %dot_general3A_20 = tpu.matmul %mul3A_16, %get3A_19, %dot_general3A {dimension_numbers = #tpu.dot_dimension_numbers<[1], [0], [0], [1], [0, 0, 1, 1], [], []>, transpose_lhs_hint = false} : vector<1000x128xf32>, vector<128x128xf32>, vector<1000x128xf32> -> vector<1000x128xf32>
    %swap3A = arith.constant 0 : index
    %swap3A_21 = arith.constant 0 : index
    %swap3A_22 = arith.constant 0 : index
    %swap3A_23 = vector.load %arg5[%swap3A, %swap3A_21, %swap3A_22] : memref<1x1000x128xf32, #tpu.memory_space<vmem>>, vector<1x1000x128xf32>
    %swap3A_24 = vector.shape_cast %swap3A_23 : vector<1x1000x128xf32> to vector<1000x128xf32>
    %swap3A_25 = vector.shape_cast %dot_general3A_20 : vector<1000x128xf32> to vector<1x1000x128xf32>
    tpu.vector_store %arg5[%swap3A, %swap3A_21, %swap3A_22], %swap3A_25 {strides = array<i32>} : memref<1x1000x128xf32, #tpu.memory_space<vmem>>, vector<1x1000x128xf32>,
    return
  }
  func.func @transform_0(%arg0: i32, %arg1: i32) -> (i32, i32) {
    %c0_i32 = arith.constant 0 : i32
    %c0_i32_0 = arith.constant 0 : i32
    return %arg0, %c0_i32 : i32, i32
  }
  func.func @transform_1(%arg0: i32, %arg1: i32) -> (i32, i32, i32) {
    %c0_i32 = arith.constant 0 : i32
    %c0_i32_0 = arith.constant 0 : i32
    %c0_i32_1 = arith.constant 0 : i32
    return %c0_i32, %arg0, %c0_i32_0 : i32, i32, i32
  }
  func.func @transform_2(%arg0: i32, %arg1: i32) -> (i32, i32) {
    %c0_i32 = arith.constant 0 : i32
    %c0_i32_0 = arith.constant 0 : i32
    return %c0_i32, %arg1 : i32, i32
  }
  func.func @transform_3(%arg0: i32, %arg1: i32) -> (i32, i32, i32) {
    %c0_i32 = arith.constant 0 : i32
    %c0_i32_0 = arith.constant 0 : i32
    return %arg1, %arg0, %c0_i32 : i32, i32, i32
  }
}

module attributes {stable_mosaic.version = 14 : i64} {
  func.func @_gates_body(%arg0: memref<1x131xf32, #tpu.memory_space<vmem>>, %arg1: memref<131x256xf32, #tpu.memory_space<vmem>>, %arg2: memref<1x256xf32, #tpu.memory_space<vmem>>, %arg3: memref<131x256xf32, #tpu.memory_space<vmem>>, %arg4: memref<131x128xf32, #tpu.memory_space<vmem>>, %arg5: memref<1x128xf32, #tpu.memory_space<vmem>>, %arg6: memref<131x128xf32, #tpu.memory_space<vmem>>, %arg7: memref<1x256xf32, #tpu.memory_space<vmem>>, %arg8: memref<1x256xf32, #tpu.memory_space<vmem>>, %arg9: memref<1x128xf32, #tpu.memory_space<vmem>>, %arg10: memref<1x128xf32, #tpu.memory_space<vmem>>) attributes {dimension_semantics = [], scalar_prefetch = 0 : i64, scratch_operands = 0 : i64, tpu.core_type = #tpu.core_type<tc>} {
    %get3A = arith.constant 0 : index
    %get3A_0 = arith.constant 0 : index
    %get3A_1 = vector.load %arg0[%get3A, %get3A_0] : memref<1x131xf32, #tpu.memory_space<vmem>>, vector<1x131xf32>
    %get3A_2 = arith.constant 0 : index
    %get3A_3 = arith.constant 0 : index
    %get3A_4 = vector.load %arg1[%get3A_2, %get3A_3] : memref<131x256xf32, #tpu.memory_space<vmem>>, vector<131x256xf32>
    %dot_general3A = arith.constant dense<0.000000e+00> : vector<1x256xf32>
    %dot_general3A_5 = tpu.matmul %get3A_1, %get3A_4, %dot_general3A {dimension_numbers = #tpu.dot_dimension_numbers<[1], [0], [0], [1], [0, 0, 1, 1], [], []>, transpose_lhs_hint = false} : vector<1x131xf32>, vector<131x256xf32>, vector<1x256xf32> -> vector<1x256xf32>
    %get3A_6 = arith.constant 0 : index
    %get3A_7 = arith.constant 0 : index
    %get3A_8 = vector.load %arg2[%get3A_6, %get3A_7] : memref<1x256xf32, #tpu.memory_space<vmem>>, vector<1x256xf32>
    %add3A = arith.addf %dot_general3A_5, %get3A_8 : vector<1x256xf32>
    %logistic3A = arith.negf %add3A : vector<1x256xf32>
    %logistic3A_9 = math.exp %logistic3A : vector<1x256xf32>
    %logistic3A_10 = arith.constant 1.000000e+00 : f32
    %logistic3A_11 = vector.broadcast %logistic3A_10 : f32 to vector<1x256xf32>
    %logistic3A_12 = arith.addf %logistic3A_11, %logistic3A_9 : vector<1x256xf32>
    %logistic3A_13 = arith.divf %logistic3A_11, %logistic3A_12 : vector<1x256xf32>
    %swap3A = arith.constant 0 : index
    %swap3A_14 = arith.constant 0 : index
    %swap3A_15 = vector.load %arg7[%swap3A, %swap3A_14] : memref<1x256xf32, #tpu.memory_space<vmem>>, vector<1x256xf32>
    tpu.vector_store %arg7[%swap3A, %swap3A_14], %logistic3A_13 {strides = array<i32>} : memref<1x256xf32, #tpu.memory_space<vmem>>, vector<1x256xf32>,
    %get3A_16 = arith.constant 0 : index
    %get3A_17 = arith.constant 0 : index
    %get3A_18 = vector.load %arg3[%get3A_16, %get3A_17] : memref<131x256xf32, #tpu.memory_space<vmem>>, vector<131x256xf32>
    %dot_general3A_19 = arith.constant dense<0.000000e+00> : vector<1x256xf32>
    %dot_general3A_20 = tpu.matmul %get3A_1, %get3A_18, %dot_general3A_19 {dimension_numbers = #tpu.dot_dimension_numbers<[1], [0], [0], [1], [0, 0, 1, 1], [], []>, transpose_lhs_hint = false} : vector<1x131xf32>, vector<131x256xf32>, vector<1x256xf32> -> vector<1x256xf32>
    %swap3A_21 = arith.constant 0 : index
    %swap3A_22 = arith.constant 0 : index
    %swap3A_23 = vector.load %arg8[%swap3A_21, %swap3A_22] : memref<1x256xf32, #tpu.memory_space<vmem>>, vector<1x256xf32>
    tpu.vector_store %arg8[%swap3A_21, %swap3A_22], %dot_general3A_20 {strides = array<i32>} : memref<1x256xf32, #tpu.memory_space<vmem>>, vector<1x256xf32>,
    %get3A_24 = arith.constant 0 : index
    %get3A_25 = arith.constant 0 : index
    %get3A_26 = vector.load %arg4[%get3A_24, %get3A_25] : memref<131x128xf32, #tpu.memory_space<vmem>>, vector<131x128xf32>
    %dot_general3A_27 = arith.constant dense<0.000000e+00> : vector<1x128xf32>
    %dot_general3A_28 = tpu.matmul %get3A_1, %get3A_26, %dot_general3A_27 {dimension_numbers = #tpu.dot_dimension_numbers<[1], [0], [0], [1], [0, 0, 1, 1], [], []>, transpose_lhs_hint = false} : vector<1x131xf32>, vector<131x128xf32>, vector<1x128xf32> -> vector<1x128xf32>
    %get3A_29 = arith.constant 0 : index
    %get3A_30 = arith.constant 0 : index
    %get3A_31 = vector.load %arg5[%get3A_29, %get3A_30] : memref<1x128xf32, #tpu.memory_space<vmem>>, vector<1x128xf32>
    %add3A_32 = arith.addf %dot_general3A_28, %get3A_31 : vector<1x128xf32>
    %logistic3A_33 = arith.negf %add3A_32 : vector<1x128xf32>
    %logistic3A_34 = math.exp %logistic3A_33 : vector<1x128xf32>
    %logistic3A_35 = arith.constant 1.000000e+00 : f32
    %logistic3A_36 = vector.broadcast %logistic3A_35 : f32 to vector<1x128xf32>
    %logistic3A_37 = arith.addf %logistic3A_36, %logistic3A_34 : vector<1x128xf32>
    %logistic3A_38 = arith.divf %logistic3A_36, %logistic3A_37 : vector<1x128xf32>
    %swap3A_39 = arith.constant 0 : index
    %swap3A_40 = arith.constant 0 : index
    %swap3A_41 = vector.load %arg9[%swap3A_39, %swap3A_40] : memref<1x128xf32, #tpu.memory_space<vmem>>, vector<1x128xf32>
    tpu.vector_store %arg9[%swap3A_39, %swap3A_40], %logistic3A_38 {strides = array<i32>} : memref<1x128xf32, #tpu.memory_space<vmem>>, vector<1x128xf32>,
    %get3A_42 = arith.constant 0 : index
    %get3A_43 = arith.constant 0 : index
    %get3A_44 = vector.load %arg6[%get3A_42, %get3A_43] : memref<131x128xf32, #tpu.memory_space<vmem>>, vector<131x128xf32>
    %dot_general3A_45 = arith.constant dense<0.000000e+00> : vector<1x128xf32>
    %dot_general3A_46 = tpu.matmul %get3A_1, %get3A_44, %dot_general3A_45 {dimension_numbers = #tpu.dot_dimension_numbers<[1], [0], [0], [1], [0, 0, 1, 1], [], []>, transpose_lhs_hint = false} : vector<1x131xf32>, vector<131x128xf32>, vector<1x128xf32> -> vector<1x128xf32>
    %swap3A_47 = arith.constant 0 : index
    %swap3A_48 = arith.constant 0 : index
    %swap3A_49 = vector.load %arg10[%swap3A_47, %swap3A_48] : memref<1x128xf32, #tpu.memory_space<vmem>>, vector<1x128xf32>
    tpu.vector_store %arg10[%swap3A_47, %swap3A_48], %dot_general3A_46 {strides = array<i32>} : memref<1x128xf32, #tpu.memory_space<vmem>>, vector<1x128xf32>,
    return
  }
}

module attributes {stable_mosaic.version = 14 : i64} {
  func.func @_mm2_body(%arg0: i32, %arg1: i32, %arg2: memref<1x1000x128xf32, #tpu.memory_space<vmem>>, %arg3: memref<1x1000x128xf32, #tpu.memory_space<vmem>>, %arg4: memref<2x1000x128xf32, #tpu.memory_space<vmem>>, %arg5: memref<1x1x128xf32, #tpu.memory_space<vmem>>, %arg6: memref<1x1x128xf32, #tpu.memory_space<vmem>>, %arg7: memref<1x1x128xf32, #tpu.memory_space<vmem>>, %arg8: memref<128x128xf32, #tpu.memory_space<vmem>>, %arg9: memref<1000x128xf32, #tpu.memory_space<vmem>>) attributes {dimension_semantics = [#tpu.dimension_semantics<arbitrary>, #tpu.dimension_semantics<arbitrary>], iteration_bounds = array<i64: 10, 2>, scalar_prefetch = 0 : i64, scratch_operands = 0 : i64, tpu.core_type = #tpu.core_type<tc>, window_params = [{transform_indices = @transform_0, window_bounds = array<i64: 1, 1000, 128>}, {transform_indices = @transform_1, window_bounds = array<i64: 1, 1000, 128>}, {transform_indices = @transform_2, window_bounds = array<i64: 2, 1000, 128>}, {transform_indices = @transform_3, window_bounds = array<i64: 1, 1, 128>}, {transform_indices = @transform_4, window_bounds = array<i64: 1, 1, 128>}, {transform_indices = @transform_5, window_bounds = array<i64: 1, 1, 128>}, {transform_indices = @transform_6, window_bounds = array<i64: 128, 128>}, {transform_indices = @transform_7, window_bounds = array<i64: 1000, 128>}]} {
    %get3A = arith.constant 0 : index
    %get3A_0 = arith.constant 0 : index
    %get3A_1 = arith.constant 0 : index
    %get3A_2 = vector.load %arg4[%get3A, %get3A_0, %get3A_1] : memref<2x1000x128xf32, #tpu.memory_space<vmem>>, vector<1x1000x128xf32>
    %get3A_3 = vector.shape_cast %get3A_2 : vector<1x1000x128xf32> to vector<1000x128xf32>
    %slice3A = vector.extract_strided_slice %get3A_3 {offsets = [0, 0], sizes = [1000, 1], strides = [1, 1]} : vector<1000x128xf32> to vector<1000x1xf32>
    %get3A_4 = arith.constant 1 : index
    %get3A_5 = arith.constant 0 : index
    %get3A_6 = arith.constant 0 : index
    %get3A_7 = vector.load %arg4[%get3A_4, %get3A_5, %get3A_6] : memref<2x1000x128xf32, #tpu.memory_space<vmem>>, vector<1x1000x128xf32>
    %get3A_8 = vector.shape_cast %get3A_7 : vector<1x1000x128xf32> to vector<1000x128xf32>
    %slice3A_9 = vector.extract_strided_slice %get3A_8 {offsets = [0, 0], sizes = [1000, 1], strides = [1, 1]} : vector<1000x128xf32> to vector<1000x1xf32>
    %add3A = arith.addf %slice3A, %slice3A_9 : vector<1000x1xf32>
    %add3A_10 = arith.constant 1.000000e+00 : f32
    %add3A_11 = vector.broadcast %add3A_10 : f32 to vector<1000x1xf32>
    %add3A_12 = arith.addf %add3A, %add3A_11 : vector<1000x1xf32>
    %rsqrt3A = math.rsqrt %add3A_12 : vector<1000x1xf32>
    %get3A_13 = arith.constant 0 : index
    %get3A_14 = arith.constant 0 : index
    %get3A_15 = arith.constant 0 : index
    %get3A_16 = vector.load %arg2[%get3A_13, %get3A_14, %get3A_15] : memref<1x1000x128xf32, #tpu.memory_space<vmem>>, vector<1x1000x128xf32>
    %get3A_17 = vector.shape_cast %get3A_16 : vector<1x1000x128xf32> to vector<1000x128xf32>
    %get3A_18 = arith.constant 0 : index
    %get3A_19 = arith.constant 0 : index
    %get3A_20 = arith.constant 0 : index
    %get3A_21 = vector.load %arg3[%get3A_18, %get3A_19, %get3A_20] : memref<1x1000x128xf32, #tpu.memory_space<vmem>>, vector<1x1000x128xf32>
    %get3A_22 = vector.shape_cast %get3A_21 : vector<1x1000x128xf32> to vector<1000x128xf32>
    %add3A_23 = arith.addf %get3A_17, %get3A_22 : vector<1000x128xf32>
    %mul3A = vector.broadcast %rsqrt3A : vector<1000x1xf32> to vector<1000x128xf32>
    %mul3A_24 = arith.mulf %mul3A, %add3A_23 : vector<1000x128xf32>
    %get3A_25 = arith.constant 0 : index
    %get3A_26 = arith.constant 0 : index
    %get3A_27 = arith.constant 0 : index
    %get3A_28 = vector.load %arg5[%get3A_25, %get3A_26, %get3A_27] : memref<1x1x128xf32, #tpu.memory_space<vmem>>, vector<1x1x128xf32>
    %get3A_29 = vector.shape_cast %get3A_28 : vector<1x1x128xf32> to vector<1x128xf32>
    %add3A_30 = vector.broadcast %get3A_29 : vector<1x128xf32> to vector<1000x128xf32>
    %add3A_31 = arith.addf %mul3A_24, %add3A_30 : vector<1000x128xf32>
    %get3A_32 = arith.constant 0 : index
    %get3A_33 = arith.constant 0 : index
    %get3A_34 = arith.constant 0 : index
    %get3A_35 = vector.load %arg6[%get3A_32, %get3A_33, %get3A_34] : memref<1x1x128xf32, #tpu.memory_space<vmem>>, vector<1x1x128xf32>
    %get3A_36 = vector.shape_cast %get3A_35 : vector<1x1x128xf32> to vector<1x128xf32>
    %mul3A_37 = vector.broadcast %get3A_36 : vector<1x128xf32> to vector<1000x128xf32>
    %mul3A_38 = arith.mulf %add3A_31, %mul3A_37 : vector<1000x128xf32>
    %get3A_39 = arith.constant 0 : index
    %get3A_40 = arith.constant 0 : index
    %get3A_41 = arith.constant 0 : index
    %get3A_42 = vector.load %arg7[%get3A_39, %get3A_40, %get3A_41] : memref<1x1x128xf32, #tpu.memory_space<vmem>>, vector<1x1x128xf32>
    %get3A_43 = vector.shape_cast %get3A_42 : vector<1x1x128xf32> to vector<1x128xf32>
    %add3A_44 = vector.broadcast %get3A_43 : vector<1x128xf32> to vector<1000x128xf32>
    %add3A_45 = arith.addf %mul3A_38, %add3A_44 : vector<1000x128xf32>
    %gt3A = arith.constant 0.000000e+00 : f32
    %gt3A_46 = vector.broadcast %gt3A : f32 to vector<1000x128xf32>
    %gt3A_47 = arith.cmpf ogt, %add3A_45, %gt3A_46 : vector<1000x128xf32>
    %mul3A_48 = arith.constant 0.00999999977 : f32
    %mul3A_49 = vector.broadcast %mul3A_48 : f32 to vector<1000x128xf32>
    %mul3A_50 = arith.mulf %mul3A_49, %add3A_45 : vector<1000x128xf32>
    %select_n3A = arith.select %gt3A_47, %add3A_45, %mul3A_50 : vector<1000x128xi1>, vector<1000x128xf32>
    %mul3A_51 = vector.broadcast %rsqrt3A : vector<1000x1xf32> to vector<1000x128xf32>
    %mul3A_52 = arith.mulf %select_n3A, %mul3A_51 : vector<1000x128xf32>
    %get3A_53 = arith.constant 0 : index
    %get3A_54 = arith.constant 0 : index
    %get3A_55 = vector.load %arg8[%get3A_53, %get3A_54] : memref<128x128xf32, #tpu.memory_space<vmem>>, vector<128x128xf32>
    %dot_general3A = arith.constant dense<0.000000e+00> : vector<1000x128xf32>
    %dot_general3A_56 = tpu.matmul %mul3A_52, %get3A_55, %dot_general3A {dimension_numbers = #tpu.dot_dimension_numbers<[1], [0], [0], [1], [0, 0, 1, 1], [], []>, transpose_lhs_hint = false} : vector<1000x128xf32>, vector<128x128xf32>, vector<1000x128xf32> -> vector<1000x128xf32>
    %eq3A = arith.constant 0 : i32
    %eq3A_57 = arith.cmpi eq, %arg1, %eq3A : i32
    %convert_element_type3A = arith.extui %eq3A_57 : i1 to i32
    %cond3A = arith.constant 0 : i32
    %cond3A_58 = arith.cmpi ne, %convert_element_type3A, %cond3A : i32
    scf.if %cond3A_58 {
      %swap3A = arith.constant 0 : index
      %swap3A_64 = arith.constant 0 : index
      %swap3A_65 = vector.load %arg9[%swap3A, %swap3A_64] : memref<1000x128xf32, #tpu.memory_space<vmem>>, vector<1000x128xf32>
      tpu.vector_store %arg9[%swap3A, %swap3A_64], %dot_general3A_56 {strides = array<i32>} : memref<1000x128xf32, #tpu.memory_space<vmem>>, vector<1000x128xf32>,
    } else {
    }
    %eq3A_59 = arith.constant 1 : i32
    %eq3A_60 = arith.cmpi eq, %arg1, %eq3A_59 : i32
    %convert_element_type3A_61 = arith.extui %eq3A_60 : i1 to i32
    %cond3A_62 = arith.constant 0 : i32
    %cond3A_63 = arith.cmpi ne, %convert_element_type3A_61, %cond3A_62 : i32
    scf.if %cond3A_63 {
      %get3A_64 = arith.constant 0 : index
      %get3A_65 = arith.constant 0 : index
      %get3A_66 = vector.load %arg9[%get3A_64, %get3A_65] : memref<1000x128xf32, #tpu.memory_space<vmem>>, vector<1000x128xf32>
      %add3A_67 = arith.addf %get3A_66, %dot_general3A_56 : vector<1000x128xf32>
      %swap3A = arith.constant 0 : index
      %swap3A_68 = arith.constant 0 : index
      %swap3A_69 = vector.load %arg9[%swap3A, %swap3A_68] : memref<1000x128xf32, #tpu.memory_space<vmem>>, vector<1000x128xf32>
      tpu.vector_store %arg9[%swap3A, %swap3A_68], %add3A_67 {strides = array<i32>} : memref<1000x128xf32, #tpu.memory_space<vmem>>, vector<1000x128xf32>,
    } else {
    }
    return
  }
  func.func @transform_0(%arg0: i32, %arg1: i32) -> (i32, i32, i32) {
    %c0_i32 = arith.constant 0 : i32
    %c0_i32_0 = arith.constant 0 : i32
    return %arg1, %arg0, %c0_i32 : i32, i32, i32
  }
  func.func @transform_1(%arg0: i32, %arg1: i32) -> (i32, i32, i32) {
    %c0_i32 = arith.constant 0 : i32
    %c0_i32_0 = arith.constant 0 : i32
    return %arg1, %arg0, %c0_i32 : i32, i32, i32
  }
  func.func @transform_2(%arg0: i32, %arg1: i32) -> (i32, i32, i32) {
    %c0_i32 = arith.constant 0 : i32
    %c0_i32_0 = arith.constant 0 : i32
    %c0_i32_1 = arith.constant 0 : i32
    return %c0_i32, %arg0, %c0_i32_0 : i32, i32, i32
  }
  func.func @transform_3(%arg0: i32, %arg1: i32) -> (i32, i32, i32) {
    %c0_i32 = arith.constant 0 : i32
    %c0_i32_0 = arith.constant 0 : i32
    %c0_i32_1 = arith.constant 0 : i32
    return %arg1, %c0_i32, %c0_i32_0 : i32, i32, i32
  }
  func.func @transform_4(%arg0: i32, %arg1: i32) -> (i32, i32, i32) {
    %c0_i32 = arith.constant 0 : i32
    %c0_i32_0 = arith.constant 0 : i32
    %c0_i32_1 = arith.constant 0 : i32
    return %arg1, %c0_i32, %c0_i32_0 : i32, i32, i32
  }
  func.func @transform_5(%arg0: i32, %arg1: i32) -> (i32, i32, i32) {
    %c0_i32 = arith.constant 0 : i32
    %c0_i32_0 = arith.constant 0 : i32
    %c0_i32_1 = arith.constant 0 : i32
    return %arg1, %c0_i32, %c0_i32_0 : i32, i32, i32
  }
  func.func @transform_6(%arg0: i32, %arg1: i32) -> (i32, i32) {
    %c0_i32 = arith.constant 0 : i32
    %c0_i32_0 = arith.constant 0 : i32
    return %arg1, %c0_i32 : i32, i32
  }
  func.func @transform_7(%arg0: i32, %arg1: i32) -> (i32, i32) {
    %c0_i32 = arith.constant 0 : i32
    %c0_i32_0 = arith.constant 0 : i32
    return %arg0, %c0_i32 : i32, i32
  }
}

module attributes {stable_mosaic.version = 14 : i64} {
  func.func @_final_body(%arg0: i32, %arg1: memref<2x1000x128xf32, #tpu.memory_space<vmem>>, %arg2: memref<1000x128xf32, #tpu.memory_space<vmem>>, %arg3: memref<1000x128xf32, #tpu.memory_space<vmem>>, %arg4: memref<2x1000x128xf32, #tpu.memory_space<vmem>>, %arg5: memref<1x128xf32, #tpu.memory_space<vmem>>, %arg6: memref<1x128xf32, #tpu.memory_space<vmem>>, %arg7: memref<1x128xf32, #tpu.memory_space<vmem>>, %arg8: memref<1000x128xf32, #tpu.memory_space<vmem>>) attributes {dimension_semantics = [#tpu.dimension_semantics<arbitrary>], iteration_bounds = array<i64: 10>, scalar_prefetch = 0 : i64, scratch_operands = 0 : i64, tpu.core_type = #tpu.core_type<tc>, window_params = [{transform_indices = @transform_0, window_bounds = array<i64: 2, 1000, 128>}, {transform_indices = @transform_1, window_bounds = array<i64: 1000, 128>}, {transform_indices = @transform_2, window_bounds = array<i64: 1000, 128>}, {transform_indices = @transform_3, window_bounds = array<i64: 2, 1000, 128>}, {pipeline_mode = #tpu.pipeline_mode<synchronous>, transform_indices = @transform_4, window_bounds = array<i64: 1, 128>}, {pipeline_mode = #tpu.pipeline_mode<synchronous>, transform_indices = @transform_5, window_bounds = array<i64: 1, 128>}, {pipeline_mode = #tpu.pipeline_mode<synchronous>, transform_indices = @transform_6, window_bounds = array<i64: 1, 128>}, {transform_indices = @transform_7, window_bounds = array<i64: 1000, 128>}]} {
    %get3A = arith.constant 0 : index
    %get3A_0 = arith.constant 0 : index
    %get3A_1 = arith.constant 0 : index
    %get3A_2 = vector.load %arg4[%get3A, %get3A_0, %get3A_1] : memref<2x1000x128xf32, #tpu.memory_space<vmem>>, vector<1x1000x128xf32>
    %get3A_3 = vector.shape_cast %get3A_2 : vector<1x1000x128xf32> to vector<1000x128xf32>
    %slice3A = vector.extract_strided_slice %get3A_3 {offsets = [0, 0], sizes = [1000, 1], strides = [1, 1]} : vector<1000x128xf32> to vector<1000x1xf32>
    %get3A_4 = arith.constant 1 : index
    %get3A_5 = arith.constant 0 : index
    %get3A_6 = arith.constant 0 : index
    %get3A_7 = vector.load %arg4[%get3A_4, %get3A_5, %get3A_6] : memref<2x1000x128xf32, #tpu.memory_space<vmem>>, vector<1x1000x128xf32>
    %get3A_8 = vector.shape_cast %get3A_7 : vector<1x1000x128xf32> to vector<1000x128xf32>
    %slice3A_9 = vector.extract_strided_slice %get3A_8 {offsets = [0, 0], sizes = [1000, 1], strides = [1, 1]} : vector<1000x128xf32> to vector<1000x1xf32>
    %add3A = arith.addf %slice3A, %slice3A_9 : vector<1000x1xf32>
    %add3A_10 = arith.constant 1.000000e+00 : f32
    %add3A_11 = vector.broadcast %add3A_10 : f32 to vector<1000x1xf32>
    %add3A_12 = arith.addf %add3A, %add3A_11 : vector<1000x1xf32>
    %rsqrt3A = math.rsqrt %add3A_12 : vector<1000x1xf32>
    %get3A_13 = arith.constant 0 : index
    %get3A_14 = arith.constant 0 : index
    %get3A_15 = arith.constant 0 : index
    %get3A_16 = vector.load %arg1[%get3A_13, %get3A_14, %get3A_15] : memref<2x1000x128xf32, #tpu.memory_space<vmem>>, vector<1x1000x128xf32>
    %get3A_17 = vector.shape_cast %get3A_16 : vector<1x1000x128xf32> to vector<1000x128xf32>
    %get3A_18 = arith.constant 1 : index
    %get3A_19 = arith.constant 0 : index
    %get3A_20 = arith.constant 0 : index
    %get3A_21 = vector.load %arg1[%get3A_18, %get3A_19, %get3A_20] : memref<2x1000x128xf32, #tpu.memory_space<vmem>>, vector<1x1000x128xf32>
    %get3A_22 = vector.shape_cast %get3A_21 : vector<1x1000x128xf32> to vector<1000x128xf32>
    %add3A_23 = arith.addf %get3A_17, %get3A_22 : vector<1000x128xf32>
    %get3A_24 = arith.constant 0 : index
    %get3A_25 = arith.constant 0 : index
    %get3A_26 = vector.load %arg2[%get3A_24, %get3A_25] : memref<1000x128xf32, #tpu.memory_space<vmem>>, vector<1000x128xf32>
    %add3A_27 = arith.addf %add3A_23, %get3A_26 : vector<1000x128xf32>
    %mul3A = vector.broadcast %rsqrt3A : vector<1000x1xf32> to vector<1000x128xf32>
    %mul3A_28 = arith.mulf %mul3A, %add3A_27 : vector<1000x128xf32>
    %get3A_29 = arith.constant 0 : index
    %get3A_30 = arith.constant 0 : index
    %get3A_31 = vector.load %arg5[%get3A_29, %get3A_30] : memref<1x128xf32, #tpu.memory_space<vmem>>, vector<1x128xf32>
    %add3A_32 = vector.broadcast %get3A_31 : vector<1x128xf32> to vector<1000x128xf32>
    %add3A_33 = arith.addf %mul3A_28, %add3A_32 : vector<1000x128xf32>
    %get3A_34 = arith.constant 0 : index
    %get3A_35 = arith.constant 0 : index
    %get3A_36 = vector.load %arg3[%get3A_34, %get3A_35] : memref<1000x128xf32, #tpu.memory_space<vmem>>, vector<1000x128xf32>
    %get3A_37 = arith.constant 0 : index
    %get3A_38 = arith.constant 0 : index
    %get3A_39 = vector.load %arg6[%get3A_37, %get3A_38] : memref<1x128xf32, #tpu.memory_space<vmem>>, vector<1x128xf32>
    %mul3A_40 = vector.broadcast %get3A_39 : vector<1x128xf32> to vector<1000x128xf32>
    %mul3A_41 = arith.mulf %add3A_33, %mul3A_40 : vector<1000x128xf32>
    %add3A_42 = arith.addf %get3A_36, %mul3A_41 : vector<1000x128xf32>
    %get3A_43 = arith.constant 0 : index
    %get3A_44 = arith.constant 0 : index
    %get3A_45 = vector.load %arg7[%get3A_43, %get3A_44] : memref<1x128xf32, #tpu.memory_space<vmem>>, vector<1x128xf32>
    %add3A_46 = vector.broadcast %get3A_45 : vector<1x128xf32> to vector<1000x128xf32>
    %add3A_47 = arith.addf %add3A_42, %add3A_46 : vector<1000x128xf32>
    %swap3A = arith.constant 0 : index
    %swap3A_48 = arith.constant 0 : index
    %swap3A_49 = vector.load %arg8[%swap3A, %swap3A_48] : memref<1000x128xf32, #tpu.memory_space<vmem>>, vector<1000x128xf32>
    tpu.vector_store %arg8[%swap3A, %swap3A_48], %add3A_47 {strides = array<i32>} : memref<1000x128xf32, #tpu.memory_space<vmem>>, vector<1000x128xf32>,
    return
  }
  func.func @transform_0(%arg0: i32) -> (i32, i32, i32) {
    %c0_i32 = arith.constant 0 : i32
    %c0_i32_0 = arith.constant 0 : i32
    %c0_i32_1 = arith.constant 0 : i32
    return %c0_i32, %arg0, %c0_i32_0 : i32, i32, i32
  }
  func.func @transform_1(%arg0: i32) -> (i32, i32) {
    %c0_i32 = arith.constant 0 : i32
    %c0_i32_0 = arith.constant 0 : i32
    return %arg0, %c0_i32 : i32, i32
  }
  func.func @transform_2(%arg0: i32) -> (i32, i32) {
    %c0_i32 = arith.constant 0 : i32
    %c0_i32_0 = arith.constant 0 : i32
    return %arg0, %c0_i32 : i32, i32
  }
  func.func @transform_3(%arg0: i32) -> (i32, i32, i32) {
    %c0_i32 = arith.constant 0 : i32
    %c0_i32_0 = arith.constant 0 : i32
    %c0_i32_1 = arith.constant 0 : i32
    return %c0_i32, %arg0, %c0_i32_0 : i32, i32, i32
  }
  func.func @transform_4(%arg0: i32) -> (i32, i32) {
    %c0_i32 = arith.constant 0 : i32
    %c0_i32_0 = arith.constant 0 : i32
    %c0_i32_1 = arith.constant 0 : i32
    return %c0_i32, %c0_i32_0 : i32, i32
  }
  func.func @transform_5(%arg0: i32) -> (i32, i32) {
    %c0_i32 = arith.constant 0 : i32
    %c0_i32_0 = arith.constant 0 : i32
    %c0_i32_1 = arith.constant 0 : i32
    return %c0_i32, %c0_i32_0 : i32, i32
  }
  func.func @transform_6(%arg0: i32) -> (i32, i32) {
    %c0_i32 = arith.constant 0 : i32
    %c0_i32_0 = arith.constant 0 : i32
    %c0_i32_1 = arith.constant 0 : i32
    return %c0_i32, %c0_i32_0 : i32, i32
  }
  func.func @transform_7(%arg0: i32) -> (i32, i32) {
    %c0_i32 = arith.constant 0 : i32
    %c0_i32_0 = arith.constant 0 : i32
    return %arg0, %c0_i32 : i32, i32
  }
}

</mosaic_0001>

<sc_bundles>
// kernel: kernel.12.cloned.1.call-start
scs
__scs_entry_jumppad:
0x0: {  	(pc) =	sbr.rel $0x88, $3  }
0x1: {  	(tag) =	ssettag $0x0;
	lr =	simm.s32 $0x1  }
0x2: {  	[smem:$0x3F94] =	sst lr;
	_ =	strace $0xD0000000  }
0x3: {  	_ = 	snop  }
0x4: {  	_ = 	snop  }
0x5: {  	_ = 	snop  }
0x6: {  	_ = 	snop  }
0x7: {  	_ = 	snop  }
__scs_overlays_trampoline_lowered:
0x8: {  	[smem:$0x3FA3] =	sst s0  }
0x9: {  	[smem:$0x3FA4] =	sst s1  }
0xa: {  	[smem:$0x3FA5] =	sst s2  }
0xb: {  	[smem:$0x3FA6] =	sst s3  }
0xc: {  	[smem:$0x3FA7] =	sst s4  }
0xd: {  	[smem:$0x3FA8] =	sst s5  }
0xe: {  	[smem:$0x3FA9] =	sst s6  }
0xf: {  	[smem:$0x3FAA] =	sst s7  }
0x10: {  	[smem:$0x3FAB] =	sst s8  }
0x11: {  	[smem:$0x3FAC] =	sst s9;
	s0 =	simm.s32 @!p0 $0x0  }
0x12: {  	s1 =	sld [smem:$0x3F92];
	s0 =	simm.s32 @p0 $0x1  }
0x13: {  	[smem:$0x3FAD] =	sst s0;
	s0 =	simm.s32 @!p1 $0x0  }
0x14: {  	s2 =	sld [smem:$0x3F91];
	s0 =	simm.s32 @p1 $0x1  }
0x15: {  	[smem:$0x3FAE] =	sst s0;
	s0 =	simm.s32 @!p2 $0x0  }
0x16: {  	s3 =	sld [smem:$0x3FDB];
	s0 =	simm.s32 @p2 $0x1  }
0x17: {  	s4 =	simm.s32 $0x1BF5;
	[smem:$0x3FB0] =	sst s0  }
0x18: {  	s0 =	sld [smem:$0x3F93];
	_ =	swait.ge [sflag:s4], $0x0  }
0x19: {  	s7 =	sld [smem:$0x3F94]  }
0x1a: {  	s8 =	sadd.s32 $0xFFFFE003, lr  }
0x1b: {  	s9 =	sadd.s32 $0xFFFFFEF7, lr;
	s5 =	simm.s32 $0xFFFFFFFF;
	p2 =	slt.u32 s8, $0xFFFFF086  }
0x1c: {  	p1 =	slt.u32 s9, $0xF7A;
	s5 =	simm.s32 @!p2 $0x0  }
0x1d: {  	s5 =	simm.s32 @p1 $0x1;
	p0 =	seq.s32 s7, s2  }
0x1e: {  	s7 =	smul.u32 @!p0 $0xF7A, s2;
	p2 =	seq.s32 @!p0 s5, $0x0  }
0x1f: {  	s9 =	smul.u32 $0xF7A, s1;
	s8 =	simm.s32 @!p0 $0x1BF5;
	p2 =	por !p2, p0  }
0x20: {  	[sflag:s8] =	ssyncset.s32 @!p0 $0xFFFFF086;
	s6 =	sadd.s32 @!p0 s3, s7;
	s7 =	simm.s32 @!p0 $0x108  }
0x21: {  	s3 =	sadd.s32 s3, s9;
	s6 =	sadd.s32 @!p0 $0x88, s6;
	s7 =	simm.s32 @p2 $0x1082  }
0x22: {  	[simem:s7], [sflag:s8] =	dma.local @!p0 [hbm:s6], $0xF7A  }
0x23: {  	s9 =	sor.u32 $0xD0000000, s2;
	s6 =	simm.s32 $0x108;
	_ =	swait.ge @!p0 [sflag:s8], $0x0  }
0x24: {  	s3 =	sadd.s32 $0x88, s3;
	s6 =	simm.s32 @!p1 $0x1082;
	[sflag:s4] =	ssyncset.s32 $0xFFFFF086  }
0x25: {  	[simem:s6], [sflag:s4] =	dma.local [hbm:s3], $0xF7A  }
0x26: {  	[smem:$0x3F94] =	sst s1;
	(tag) =	ssettag s2;
	_ =	strace s9  }
0x27: {  	s1 =	sld [smem:$0x3FA4]  }
0x28: {  	s2 =	sld [smem:$0x3FA5]  }
0x29: {  	s4 =	sld [smem:$0x3FA7]  }
0x2a: {  	p0 =	seq.s32 s5, $0x0;
	s5 =	sld [smem:$0x3FA8]  }
0x2b: {  	s6 =	sld [smem:$0x3FA9]  }
0x2c: {  	s7 =	sld [smem:$0x3FAA]  }
0x2d: {  	s3 =	simm.s32 $0x108;
	s8 =	sld [smem:$0x3FAB]  }
0x2e: {  	s3 =	simm.s32 @!p0 $0x1082;
	s9 =	sld [smem:$0x3FAC]  }
0x2f: {  	lr =	sadd.s32 s0, s3;
	s0 =	sld [smem:$0x3FA3]  }
0x30: {  	s3 =	sld [smem:$0x3FA6]  }
0x31: {  	[smem:$0x3FAF] =	sst s10  }
0x32: {  	s10 =	sld [smem:$0x3FAD];
	_ =	sdelay $0x3  }
0x33: {  	p0 =	seq.s32 s10, $0x1;
	s10 =	sld [smem:$0x3FAF];
	_ =	sdelay $0x3  }
0x34: {  	[smem:$0x3FAF] =	sst s10  }
0x35: {  	s10 =	sld [smem:$0x3FAE];
	_ =	sdelay $0x3  }
0x36: {  	p1 =	seq.s32 s10, $0x1;
	s10 =	sld [smem:$0x3FAF];
	_ =	sdelay $0x3  }
0x37: {  	[smem:$0x3FAF] =	sst s10  }
0x38: {  	s10 =	sld [smem:$0x3FB0]  }
0x39: {  	_ = 	snop;
	(pc) =	sbr.ind lr, $3  }
0x3a: {  	_ = 	snop  }
0x3b: {  	_ = 	snop  }
0x3c: {  	p2 =	seq.s32 s10, $0x1;
	s10 =	sld [smem:$0x3FAF]  }
0x3d: {  	_ =	shalt  }
0x3e: {  	_ =	shalt  }
0x3f: {  	_ =	shalt  }
0x40: {  	_ =	shalt  }
0x41: {  	_ =	shalt  }
0x42: {  	_ =	shalt  }
0x43: {  	_ =	shalt  }
0x44: {  	_ =	shalt  }
0x45: {  	_ =	shalt  }
0x46: {  	_ =	shalt  }
0x47: {  	_ =	shalt  }
0x48: {  	_ =	shalt  }
0x49: {  	_ =	shalt  }
0x4a: {  	_ =	shalt  }
0x4b: {  	_ =	shalt  }
0x4c: {  	_ =	shalt  }
0x4d: {  	_ =	shalt  }
0x4e: {  	_ =	shalt  }
0x4f: {  	_ =	shalt  }
0x50: {  	_ =	shalt  }
0x51: {  	_ =	shalt  }
0x52: {  	_ =	shalt  }
0x53: {  	_ =	shalt  }
0x54: {  	_ =	shalt  }
0x55: {  	_ =	shalt  }
0x56: {  	_ =	shalt  }
0x57: {  	_ =	shalt  }
0x58: {  	_ =	shalt  }
0x59: {  	_ =	shalt  }
0x5a: {  	_ =	shalt  }
0x5b: {  	_ =	shalt  }
0x5c: {  	_ =	shalt  }
0x5d: {  	_ =	shalt  }
0x5e: {  	_ =	shalt  }
0x5f: {  	_ =	shalt  }
0x60: {  	_ =	shalt  }
0x61: {  	_ =	shalt  }
0x62: {  	_ =	shalt  }
0x63: {  	_ =	shalt  }
0x64: {  	_ =	shalt  }
0x65: {  	_ =	shalt  }
0x66: {  	_ =	shalt  }
0x67: {  	_ =	shalt  }
0x68: {  	_ =	shalt  }
0x69: {  	_ =	shalt  }
0x6a: {  	_ =	shalt  }
0x6b: {  	_ =	shalt  }
0x6c: {  	_ =	shalt  }
0x6d: {  	_ =	shalt  }
0x6e: {  	_ =	shalt  }
0x6f: {  	_ =	shalt  }
0x70: {  	_ =	shalt  }
0x71: {  	_ =	shalt  }
0x72: {  	_ =	shalt  }
0x73: {  	_ =	shalt  }
0x74: {  	_ =	shalt  }
0x75: {  	_ =	shalt  }
0x76: {  	_ =	shalt  }
0x77: {  	_ =	shalt  }
0x78: {  	_ =	shalt  }
0x79: {  	_ =	shalt  }
0x7a: {  	_ =	shalt  }
0x7b: {  	_ =	shalt  }
0x7c: {  	_ =	shalt  }
0x7d: {  	_ =	shalt  }
0x7e: {  	_ =	shalt  }
0x7f: {  	_ =	shalt  }
0x80: {  	_ =	shalt  }
0x81: {  	_ =	shalt  }
0x82: {  	_ =	shalt  }
0x83: {  	_ =	shalt  }
0x84: {  	_ =	shalt  }
0x85: {  	_ =	shalt  }
0x86: {  	_ =	shalt  }
0x87: {  	_ =	shalt  }
.Lfunc_end0:
.L_simem_size_0:
called_computation.1_lowered:
.L_overlay_start_0:
0x88: {  	s2 =	sld [smem:$0x3FD9]  }
0x89: {  	s3 =	sld [smem:$0x3FFE];
	_ =	sdelay $0x1  }
0x8a: {  	s1 =	srdreg.scid  }
0x8b: {  	s0 =	sand.u32 $0x1, s1  }
0x8c: {  	s17 =	sshll.u32 s0, $0xA;
	s2 =	sadd.s32 s3, s2  }
0x8d: {  	s2 =	sadd.s32 s2, s17  }
0x8e: {  	[smem:$0x3FBB] =	sst s2  }
0x8f: {  	_ = 	snop  }
0x90: {  	s2 =	sld [smem:$0x3FD0];
	(tm) =	ssettm $0x1  }
0x91: {  	s18 =	sld [smem:$0x3FFB];
	_ =	sdelay $0x3  }
0x92: {  	_ =	strace s18  }
0x93: {  	s3 =	sld [smem:$0x3FFC];
	_ =	sdelay $0x3  }
0x94: {  	_ =	strace s3  }
0x95: {  	s3 =	sld [smem:$0x3FFD];
	_ =	sdelay $0x3  }
0x96: {  	_ =	strace s3  }
0x97: {  	_ =	strace $0x8FFFFFFF  }
0x98: {  	s19 =	sld [smem:$0x3FDB];
	_ =	sdelay $0x1  }
0x99: {  	s4 =	simm.s32 $_scs_section_size  }
0x9a: {  	s5 =	simm.s32 $_size__tile_overlayer_lowered;
	s6 =	simm.s32 $_tile_overlayer_lowered  }
0x9b: {  	s22 =	simm.s32 $0x1BFF;
	s21 =	sshll.u32 s6, $0x1;
	s3 =	sadd.s32 s4, s19  }
0x9c: {  	s7 =	simm.s32 $0x0;
	s20 =	sshll.u32 s5, $0x1;
	s5 =	sadd.s32 s21, s3  }
0x9d: {  	[timem:s7], [sflag:s22] =	dma.local [hbm:s5], s20  }
0x9e: {  	_ =	swait.ge [sflag:s22], s20  }
0x9f: {  	s4 =	ssub.s32 $0x0, s20;
	[sflag:s22] =	ssyncset.done $0x0  }
0xa0: {  	[sflag:s22] =	ssyncadd.s32 s4;
	_ =	sdelay $0x1  }
0xa1: {  	s23 =	simm.s32 $0x1B8B  }
0xa2: {  	_ =	swait.ge [sflag:s23], $0x1  }
0xa3: {  	[sflag:s23] =	ssyncset.done $0x0  }
0xa4: {  	s25 =	simm.s32 $0x1B8E;
	s24 =	sld [smem:$0x3FFE];
	[sflag:s23] =	ssyncadd.s32 $0xFFFFFFFF  }
0xa5: {  	s26 =	simm.s32 $execute0_lowered;
	[smem:$0x3FD2] =	sst s25  }
0xa6: {  	s5 =	sshll.u32 s26, $0x1;
	_ =	strace $0x80000049;
	[dreg:$0x1] =	wrdreg $0xFFFFFFFF  }
0xa7: {  	s28 =	simm.s32 $_size_execute0_lowered;
	s3 =	sadd.s32 s3, s5;
	[dreg:$0x0] =	wrdreg $0x0  }
0xa8: {  	s5 =	sshll.u32 s28, $0x1;
	[dreg:$0x2] =	wrdreg s3  }
0xa9: {  	[dreg:$0x3] =	wrdreg s5  }
0xaa: {  	[dreg:$0x4] =	wrdreg $0xC0  }
0xab: {  	_ =	task [dreg:s7], $0x5FFFF  }
0xac: {  	[dreg:$0x1] =	wrdreg $0xFFFFFFFF  }
0xad: {  	[dreg:$0x0] =	wrdreg $0x60  }
0xae: {  	[dreg:$0x2] =	wrdreg s24  }
0xaf: {  	[dreg:$0x3] =	wrdreg s2  }
0xb0: {  	[dreg:$0x4] =	wrdreg $0x93000  }
0xb1: {  	[dreg:$0x5] =	wrdreg $0x9  }
0xb2: {  	_ =	task.clear_ibuf [dreg:s7], $0x6FFFF;
	_ =	strace $0x90000049  }
0xb3: {  	s29 =	simm.s32 $0x9;
	_ =	strace $0x8000004B  }
0xb4: {  	_ =	swait.ge [sflag:s29], $0x1  }
0xb5: {  	[sflag:s29] =	ssyncadd.s32 $0xFFFFFFFF  }
0xb6: {  	_ =	strace $0x9000004B  }
0xb7: {  	_ =	sfence  }
0xb8: {  	s30 =	sld [smem:$0x0];
	_ =	sdelay $0x2  }
0xb9: {  	s31 =	sshll.u32 s1, $0xD;
	s1 =	sshrl.u32 s1, $0x2  }
0xba: {  	s3 =	sand.u32 $0x4000, s31;
	s1 =	sadd.s32 s1, s30  }
0xbb: {  	s0 =	sor.u32 s3, s0;
	s1 =	sshll.u32 s1, $0x11  }
0xbc: {  	s0 =	sor.u32 s1, s0  }
0xbd: {  	s0 =	sadd.s32 $0x8F2B, s0  }
0xbe: {  	[sflag:s0] =	ssyncadd.remote.s32 $0x1  }
0xbf: {  	_ =	sfence.sel $0xFFFF  }
0xc0: {  	[dreg:$0x0] =	wrdreg $0xFFFFFFFF;
	(pc) =	sbr.abs _section_cstart, $3  }
0xc1: {  	[dreg:$0x1] =	wrdreg $0xFFFFFFFF  }
0xc2: {  	_ =	task.clear_ibuf [dreg:s7], $0x2FFFF;
	_ =	strace $0x9FFFFFFF  }
0xc3: {  	(tm) =	ssettm $0x7FFFFFFF  }
tec
execute0_lowered:
.L_overlay_start_1:
0x0: {  	(tag) =	ssettag $0x1  }
0x1: {  	s0 =	rddreg [dreg:$0x0]  }
0x2: {  	s3 =	rddreg [dreg:$0x1]  }
0x3: {  	s1 =	rddreg [dreg:$0x2];
	s2 =	simm.s32 $0x0;
	s4 =	srdreg.scid  }
0x4: {  	s14 =	stileid.u32;
	s28 =	simm.s32 $0x200;
	s29 =	simm.s32 $0x100  }
0x5: {  	s30 =	simm.s32 $0x180;
	s31 =	simm.s32 $0x1;
	s9 =	smul.u32 $0x50000, s14  }
0x6: {  	[smem:$0x7FF] =	sst s2;
	s5 =	sadd.s32 $0xCC00, s0;
	s12 =	smul.u32 $0x2800, s14  }
0x7: {  	s6 =	sadd.s32 $0x2E00, s0;
	s7 =	sand.u32 $0x1, s4;
	s16 =	smul.u32 $0x4E20, s14  }
0x8: {  	s4 =	sadd.s32 $0x65400, s0;
	s10 =	sadd.s32 $0xB3600, s0;
	s18 =	smul.u32 $0x14000, s14  }
0x9: {  	s13 =	sadd.s32 $0x12C000, s1;
	s24 =	smul.u32 $0x9C4, s14;
	s26 =	sadd.s32 $0xFFF00, s0  }
0xa: {  	p0 =	seq.s32 s14, $0xF;
	_ =	strace $0x8000004A;
	[dreg:$0x6] =	wrdreg s13  }
0xb: {  	s14 =	simm.s32 $0x2;
	s8 =	ssub.s32 $0x2, s7;
	[dreg:$0x10] =	wrdreg s26  }
0xc: {  	p1 =	sne.s32 s7, $0x0;
	s26 =	simm.s32 $0x80;
	s7 =	simm.s32 $0x0  }
0xd: {  	s11 =	sshrl.u32 s8, $0x1;
	s9 =	sshrl.u32 s9, $0x2;
	s17 =	sadd.s32 s3, s12  }
0xe: {  	s3 =	sadd.s32 $0x25800, s3;
	s19 =	sshrl.u32 s16, $0x3;
	[dreg:$0x5] =	wrdreg s17  }
0xf: {  	s22 =	sadd.s32 s10, s12;
	s8 =	ssub.s32 s8, s11;
	[dreg:$0x7] =	wrdreg s3  }
0x10: {  	s9 =	sadd.s32 s9, s1;
	s11 =	sadd.s32 s5, s19;
	[dreg:$0xd] =	wrdreg s22  }
0x11: {  	s20 =	sadd.s32 s6, s19;
	s21 =	sadd.s32 $0x9C0, s19;
	[dreg:$0x4] =	wrdreg s9  }
0x12: {  	s23 =	sadd.s32 $0x10, s19;
	s3 =	sadd.s32 $0x20, s19;
	[dreg:$0x8] =	wrdreg s11  }
0x13: {  	s22 =	simm.s32 $0x4;
	[dreg:$0x9] =	wrdreg s20;
	s9 =	sshrl.u32 s18, $0x3  }
0x14: {  	s11 =	sadd.s32 $0x8C500, s0;
	s15 =	sadd.s32 s5, s21;
	s13 =	sadd.s32 s6, s21  }
0x15: {  	s25 =	sadd.s32 s5, s23;
	s18 =	sadd.s32 s5, s3;
	s19 =	sadd.s32 s6, s3  }
0x16: {  	s20 =	sadd.s32 s24, s6;
	s21 =	sadd.s32 s24, s5;
	[dreg:$0xa] =	wrdreg s15  }
0x17: {  	s0 =	sadd.s32 $0xD8E00, s0;
	s24 =	smax.u32 s8, $0x1;
	[dreg:$0xb] =	wrdreg s13  }
.Ltmp0:
0x18: {  	s3 =	simm.s32 $0x8280;
	[dreg:$0xe] =	wrdreg s25;
	(pc) =	sbr.rel .LBB2_1-.Ltmp0, $4  }
0x19: {  	s5 =	simm.s32 $0x20;
	s9 =	sadd.s32 s10, s9;
	[dreg:$0x11] =	wrdreg s0  }
0x1a: {  	s25 =	simm.s32 $0x5;
	s0 =	simm.s32 $0x4200;
	s9 =	sadd.s32 $0x27100, s9  }
0x1b: {  	s15 =	simm.s32 $0x3;
	[dreg:$0xc] =	wrdreg s9;
	s9 =	sadd.s32 s6, s23  }
0x1c: {  	s23 =	simm.s32 $0x8200;
	s6 =	simm.s32 $0x8300;
	[dreg:$0xf] =	wrdreg s9  }
.LBB2_9:
0x1d: {  	_ =	swait.ge [sflag:s22], $0x4000  }
0x1e: {  	[sflag:s22] =	ssyncset.done $0x0  }
0x1f: {  	s12 =	rddreg [dreg:$0xa];
	[sflag:s22] =	ssyncadd.s32 $0xFFFFC000  }
0x20: {  	[tilespmem:s23], [sflag:$0x5] =	stream.linear.gather [hbm4b:s12+s2], $0x20, $0x38;
	[tilespmem:$0x1CB80] =	vst v63  }
0x21: {  	_ =	swait.ge [sflag:s25], $0x20  }
0x22: {  	[sflag:s25] =	ssyncset.done $0x0  }
0x23: {  	s17 =	rddreg [dreg:$0xb];
	[sflag:s25] =	ssyncadd.s32 $0xFFFFFFE0  }
0x24: {  	[tilespmem:s3], [sflag:$0x5] =	stream.linear.gather [hbm4b:s17+s2], $0x20, $0x38;
	[tilespmem:$0x1CB80] =	vst v63  }
0x25: {  	_ =	swait.ge [sflag:s25], $0x20  }
0x26: {  	[sflag:s25] =	ssyncset.done $0x0  }
0x27: {  	[sflag:s25] =	ssyncadd.s32 $0xFFFFFFE0  }
0x28: {  	[tilespmem:s6], [sflag:$0x1] =	stream.indirect.gather [hbm4b:s11+s5], $0x80, s23, s5, $0xb8;
	[tilespmem:$0x1CB80] =	vst v63  }
0x29: {  	_ =	swait.ge [sflag:s31], $0x1000  }
0x2a: {  	[sflag:s31] =	ssyncset.done $0x0  }
0x2b: {  	[sflag:s31] =	ssyncadd.s32 $0xFFFFF000  }
0x2c: {  	[spmem:s1] =	stream.indirect.scatter.add.f32 [tilespmem:s6], [sflag:$0x5], $0x80, s3, s5, $0xb8;
	[tilespmem:$0x1CB80] =	vst v63  }
0x2d: {  	_ =	swait.ge [sflag:s25], $0x1000  }
0x2e: {  	[sflag:s25] =	ssyncset.done $0x0  }
0x2f: {  	[sflag:s25] =	ssyncadd.s32 $0xFFFFF000  }
0x30: {  	[bflag:$0x0] =	sbarrier.arrive $0xFFFF  }
0x31: {  	s12 =	simm.s32 @p0 $0x1FC5;
	s13 =	rddreg [dreg:$0x10]  }
0x32: {  	[hbm:s13], [sflag:s12] =	dma.local @p0 [spmem:s10], $0x1900  }
0x33: {  	s10 =	simm.s32 @p0 $0x5  }
0x34: {  	_ =	swait.ge @p0 [sflag:s10], $0x1900  }
0x35: {  	[sflag:s10] =	ssyncset.done @p0 $0x0  }
0x36: {  	[sflag:s10] =	ssyncadd.s32 @p0 $0xFFFFE700;
	s10 =	rddreg [dreg:$0xc]  }
0x37: {  	[hbm:s10], [sflag:s8] =	dma.local @!p0 [spmem:s9], $0x2800  }
0x38: {  	s8 =	simm.s32 @!p0 $0x5  }
0x39: {  	_ =	swait.ge @!p0 [sflag:s8], $0x2800  }
0x3a: {  	[sflag:s8] =	ssyncset.done @!p0 $0x0  }
0x3b: {  	[sflag:s8] =	ssyncadd.s32 @!p0 $0xFFFFD800  }
.LBB2_10:
0x3c: {  	s7 =	sadd.s32 $0x1, s7  }
0x3d: {  	p2 =	sne.s32 s7, s24  }
.Ltmp1:
0x3e: {  	_ = 	snop;
	(pc) =	sbr.rel @!p2 .LBB2_11-.Ltmp1, $1  }
0x3f: {  	_ =	sdelay $0x3  }
.LBB2_1:
0x40: {  	s8 =	rddreg [dreg:$0x6]  }
0x41: {  	s9 =	rddreg [dreg:$0x7];
	s10 =	sshrl.u32 @p0 s8, $0x3;
	s8 =	simm.s32 @p0 $0x1FC5  }
0x42: {  	[spmem:s10], [sflag:s8] =	dma.local @p0 [hbm:s9], $0x1900  }
0x43: {  	s8 =	simm.s32 @p0 $0x5  }
0x44: {  	s9 =	stileid.u32;
	_ =	swait.ge @p0 [sflag:s8], $0x1900  }
0x45: {  	s9 =	sshll.u32 @!p0 s9, $0x6;
	[sflag:s8] =	ssyncset.done @p0 $0x0  }
0x46: {  	[sflag:s8] =	ssyncadd.s32 @p0 $0xFFFFE700;
	s8 =	sor.u32 @!p0 $0x1C05, s9;
	s9 =	rddreg [dreg:$0x4]  }
0x47: {  	s12 =	rddreg [dreg:$0x5];
	s9 =	sshrl.u32 @!p0 s9, $0x3  }
0x48: {  	[spmem:s9], [sflag:s8] =	dma.local @!p0 [hbm:s12], $0x2800  }
0x49: {  	s12 =	simm.s32 @!p0 $0x5  }
0x4a: {  	_ =	swait.ge @!p0 [sflag:s12], $0x2800  }
0x4b: {  	[sflag:s12] =	ssyncset.done @!p0 $0x0  }
0x4c: {  	[sflag:s12] =	ssyncadd.s32 @!p0 $0xFFFFD800  }
0x4d: {  	[bflag:$0x0] =	sbarrier.arrive $0xFFFF  }
0x4e: {  	s16 =	rddreg [dreg:$0x8]  }
0x4f: {  	[tilespmem:s2], [sflag:$0x5] =	stream.linear.gather [hbm4b:s16+s2], $0x80, $0x38;
	[tilespmem:$0x1CB80] =	vst v63  }
0x50: {  	_ =	swait.ge [sflag:s25], $0x80  }
0x51: {  	[sflag:s25] =	ssyncset.done $0x0  }
.Ltmp2:
0x52: {  	s17 =	rddreg [dreg:$0x9];
	[sflag:s25] =	ssyncadd.s32 $0xFFFFFF80;
	(pc) =	sbr.rel @p1 .LBB2_6-.Ltmp2, $4  }
0x53: {  	[tilespmem:s26], [sflag:$0x5] =	stream.linear.gather [hbm4b:s17+s2], $0x80, $0x38;
	[tilespmem:$0x1CB80] =	vst v63  }
0x54: {  	_ =	swait.ge [sflag:s25], $0x80  }
0x55: {  	[sflag:s25] =	ssyncset.done $0x0  }
0x56: {  	[sflag:s25] =	ssyncadd.s32 $0xFFFFFF80  }
0x57: {  	[tilespmem:s28], [sflag:$0x1] =	stream.indirect.gather [hbm4b:s4+s26], $0x80, s2, s26, $0xb8;
	[tilespmem:$0x1CB80] =	vst v63  }
0x58: {  	s12 =	rddreg [dreg:$0xe]  }
0x59: {  	[tilespmem:s29], [sflag:$0x5] =	stream.linear.gather [hbm4b:s12+s2], $0x80, $0x38;
	[tilespmem:$0x1CB80] =	vst v63  }
0x5a: {  	_ =	swait.ge [sflag:s25], $0x80  }
0x5b: {  	[sflag:s25] =	ssyncset.done $0x0  }
0x5c: {  	s17 =	rddreg [dreg:$0xf];
	[sflag:s25] =	ssyncadd.s32 $0xFFFFFF80  }
0x5d: {  	[tilespmem:s30], [sflag:$0x5] =	stream.linear.gather [hbm4b:s17+s2], $0x80, $0x38;
	[tilespmem:$0x1CB80] =	vst v63  }
0x5e: {  	_ =	swait.ge [sflag:s25], $0x80  }
0x5f: {  	[sflag:s25] =	ssyncset.done $0x0  }
0x60: {  	[sflag:s25] =	ssyncadd.s32 $0xFFFFFF80  }
0x61: {  	_ =	swait.ge [sflag:s31], $0x4000  }
0x62: {  	[sflag:s31] =	ssyncset.done $0x0  }
0x63: {  	[sflag:s31] =	ssyncadd.s32 $0xFFFFC000  }
0x64: {  	[spmem:s1] =	stream.indirect.scatter.add.f32 [tilespmem:s28], [sflag:$0x3], $0x80, s26, s26, $0xb8;
	[tilespmem:$0x1CB80] =	vst v63  }
0x65: {  	_ = 	snop  }
0x66: {  	[tilespmem:s0], [sflag:$0x2] =	stream.indirect.gather [hbm4b:s4+s26], $0x80, s29, s26, $0xb8;
	[tilespmem:$0x1CB80] =	vst v63  }
0x67: {  	_ =	swait.ge [sflag:s14], $0x4000  }
0x68: {  	[sflag:s14] =	ssyncset.done $0x0  }
0x69: {  	[sflag:s14] =	ssyncadd.s32 $0xFFFFC000  }
0x6a: {  	[spmem:s1] =	stream.indirect.scatter.add.f32 [tilespmem:s0], [sflag:$0x4], $0x80, s30, s26, $0xb8;
	[tilespmem:$0x1CB80] =	vst v63  }
0x6b: {  	_ =	swait.ge [sflag:s15], $0x4000  }
0x6c: {  	[sflag:s15] =	ssyncset.done $0x0  }
0x6d: {  	[sflag:s15] =	ssyncadd.s32 $0xFFFFC000  }
0x6e: {  	[tilespmem:s2], [sflag:$0x5] =	stream.linear.gather [hbm4b:s18+s2], $0x80, $0x38;
	[tilespmem:$0x1CB80] =	vst v63  }
0x6f: {  	_ =	swait.ge [sflag:s25], $0x80  }
0x70: {  	[sflag:s25] =	ssyncset.done $0x0  }
0x71: {  	[sflag:s25] =	ssyncadd.s32 $0xFFFFFF80  }
0x72: {  	[tilespmem:s26], [sflag:$0x5] =	stream.linear.gather [hbm4b:s19+s2], $0x80, $0x38;
	[tilespmem:$0x1CB80] =	vst v63  }
0x73: {  	_ =	swait.ge [sflag:s25], $0x80  }
0x74: {  	[sflag:s25] =	ssyncset.done $0x0  }
0x75: {  	s12 =	simm.s32 $0xFFFFF680;
	[sflag:s25] =	ssyncadd.s32 $0xFFFFFF80  }
0x76: {  	[tilespmem:s28], [sflag:$0x1] =	stream.indirect.gather [hbm4b:s4+s26], $0x80, s2, s26, $0xb8;
	[tilespmem:$0x1CB80] =	vst v63  }
.LBB2_3:
0x77: {  	_ =	swait.ge [sflag:s22], $0x4000  }
0x78: {  	s13 =	sadd.s32 s12, s21;
	[sflag:s22] =	ssyncset.done $0x0  }
0x79: {  	s16 =	sadd.s32 $0x9B0, s13;
	[sflag:s22] =	ssyncadd.s32 $0xFFFFC000  }
0x7a: {  	[tilespmem:s29], [sflag:$0x5] =	stream.linear.gather [hbm4b:s16+s2], $0x80, $0x38;
	[tilespmem:$0x1CB80] =	vst v63  }
0x7b: {  	_ =	swait.ge [sflag:s25], $0x80  }
0x7c: {  	s16 =	sadd.s32 s12, s20;
	[sflag:s25] =	ssyncset.done $0x0  }
0x7d: {  	s17 =	sadd.s32 $0x9B0, s16;
	[sflag:s25] =	ssyncadd.s32 $0xFFFFFF80  }
0x7e: {  	[tilespmem:s30], [sflag:$0x5] =	stream.linear.gather [hbm4b:s17+s2], $0x80, $0x38;
	[tilespmem:$0x1CB80] =	vst v63  }
0x7f: {  	_ =	swait.ge [sflag:s25], $0x80  }
0x80: {  	[sflag:s25] =	ssyncset.done $0x0  }
0x81: {  	[sflag:s25] =	ssyncadd.s32 $0xFFFFFF80  }
0x82: {  	_ =	swait.ge [sflag:s31], $0x4000  }
0x83: {  	[sflag:s31] =	ssyncset.done $0x0  }
0x84: {  	[sflag:s31] =	ssyncadd.s32 $0xFFFFC000  }
0x85: {  	[spmem:s1] =	stream.indirect.scatter.add.f32 [tilespmem:s28], [sflag:$0x3], $0x80, s26, s26, $0xb8;
	[tilespmem:$0x1CB80] =	vst v63  }
0x86: {  	_ = 	snop  }
0x87: {  	[tilespmem:s0], [sflag:$0x2] =	stream.indirect.gather [hbm4b:s4+s26], $0x80, s29, s26, $0xb8;
	[tilespmem:$0x1CB80] =	vst v63  }
0x88: {  	_ =	swait.ge [sflag:s14], $0x4000  }
0x89: {  	p2 =	seq.s32 s12, $0x0;
	[sflag:s14] =	ssyncset.done $0x0  }
.Ltmp3:
0x8a: {  	[sflag:s14] =	ssyncadd.s32 $0xFFFFC000;
	(pc) =	sbr.rel @p2 .LBB2_5-.Ltmp3, $4  }
0x8b: {  	[spmem:s1] =	stream.indirect.scatter.add.f32 [tilespmem:s0], [sflag:$0x4], $0x80, s30, s26, $0xb8;
	[tilespmem:$0x1CB80] =	vst v63  }
0x8c: {  	_ =	swait.ge [sflag:s15], $0x4000  }
0x8d: {  	[sflag:s15] =	ssyncset.done $0x0  }
0x8e: {  	[sflag:s15] =	ssyncadd.s32 $0xFFFFC000  }
0x8f: {  	s13 =	sadd.s32 $0x9C0, s13  }
0x90: {  	[tilespmem:s2], [sflag:$0x5] =	stream.linear.gather [hbm4b:s13+s2], $0x80, $0x38;
	[tilespmem:$0x1CB80] =	vst v63  }
0x91: {  	_ =	swait.ge [sflag:s25], $0x80  }
0x92: {  	[sflag:s25] =	ssyncset.done $0x0  }
0x93: {  	s17 =	sadd.s32 $0x9C0, s16;
	[sflag:s25] =	ssyncadd.s32 $0xFFFFFF80  }
0x94: {  	[tilespmem:s26], [sflag:$0x5] =	stream.linear.gather [hbm4b:s17+s2], $0x80, $0x38;
	[tilespmem:$0x1CB80] =	vst v63  }
.Ltmp4:
0x95: {  	_ = 	snop;
	(pc) =	sbr.rel .LBB2_3-.Ltmp4, $4  }
0x96: {  	_ =	swait.ge [sflag:s25], $0x80  }
0x97: {  	[sflag:s25] =	ssyncset.done $0x0  }
0x98: {  	s12 =	sadd.s32 $0x20, s12;
	[sflag:s25] =	ssyncadd.s32 $0xFFFFFF80  }
0x99: {  	[tilespmem:s28], [sflag:$0x1] =	stream.indirect.gather [hbm4b:s4+s26], $0x80, s2, s26, $0xb8;
	[tilespmem:$0x1CB80] =	vst v63  }
.LBB2_6:
0x9a: {  	[tilespmem:s28], [sflag:$0x1] =	stream.indirect.gather [hbm4b:s11+s26], $0x80, s2, s26, $0xb8;
	[tilespmem:$0x1CB80] =	vst v63  }
0x9b: {  	s12 =	rddreg [dreg:$0xe]  }
0x9c: {  	[tilespmem:s29], [sflag:$0x5] =	stream.linear.gather [hbm4b:s12+s2], $0x80, $0x38;
	[tilespmem:$0x1CB80] =	vst v63  }
0x9d: {  	_ =	swait.ge [sflag:s25], $0x80  }
0x9e: {  	[sflag:s25] =	ssyncset.done $0x0  }
0x9f: {  	s17 =	rddreg [dreg:$0xf];
	[sflag:s25] =	ssyncadd.s32 $0xFFFFFF80  }
0xa0: {  	[tilespmem:s30], [sflag:$0x5] =	stream.linear.gather [hbm4b:s17+s2], $0x80, $0x38;
	[tilespmem:$0x1CB80] =	vst v63  }
0xa1: {  	_ =	swait.ge [sflag:s25], $0x80  }
0xa2: {  	[sflag:s25] =	ssyncset.done $0x0  }
0xa3: {  	[sflag:s25] =	ssyncadd.s32 $0xFFFFFF80  }
0xa4: {  	_ =	swait.ge [sflag:s31], $0x4000  }
0xa5: {  	[sflag:s31] =	ssyncset.done $0x0  }
0xa6: {  	[sflag:s31] =	ssyncadd.s32 $0xFFFFC000  }
0xa7: {  	[spmem:s1] =	stream.indirect.scatter.add.f32 [tilespmem:s28], [sflag:$0x3], $0x80, s26, s26, $0xb8;
	[tilespmem:$0x1CB80] =	vst v63  }
0xa8: {  	_ = 	snop  }
0xa9: {  	[tilespmem:s0], [sflag:$0x2] =	stream.indirect.gather [hbm4b:s11+s26], $0x80, s29, s26, $0xb8;
	[tilespmem:$0x1CB80] =	vst v63  }
0xaa: {  	_ =	swait.ge [sflag:s14], $0x4000  }
0xab: {  	[sflag:s14] =	ssyncset.done $0x0  }
0xac: {  	[sflag:s14] =	ssyncadd.s32 $0xFFFFC000  }
0xad: {  	[spmem:s1] =	stream.indirect.scatter.add.f32 [tilespmem:s0], [sflag:$0x4], $0x80, s30, s26, $0xb8;
	[tilespmem:$0x1CB80] =	vst v63  }
0xae: {  	_ =	swait.ge [sflag:s15], $0x4000  }
0xaf: {  	[sflag:s15] =	ssyncset.done $0x0  }
0xb0: {  	[sflag:s15] =	ssyncadd.s32 $0xFFFFC000  }
0xb1: {  	[tilespmem:s2], [sflag:$0x5] =	stream.linear.gather [hbm4b:s18+s2], $0x80, $0x38;
	[tilespmem:$0x1CB80] =	vst v63  }
0xb2: {  	_ =	swait.ge [sflag:s25], $0x80  }
0xb3: {  	[sflag:s25] =	ssyncset.done $0x0  }
0xb4: {  	[sflag:s25] =	ssyncadd.s32 $0xFFFFFF80  }
0xb5: {  	[tilespmem:s26], [sflag:$0x5] =	stream.linear.gather [hbm4b:s19+s2], $0x80, $0x38;
	[tilespmem:$0x1CB80] =	vst v63  }
0xb6: {  	_ =	swait.ge [sflag:s25], $0x80  }
0xb7: {  	[sflag:s25] =	ssyncset.done $0x0  }
0xb8: {  	s12 =	simm.s32 $0xFFFFF680;
	[sflag:s25] =	ssyncadd.s32 $0xFFFFFF80  }
0xb9: {  	[tilespmem:s28], [sflag:$0x1] =	stream.indirect.gather [hbm4b:s11+s26], $0x80, s2, s26, $0xb8;
	[tilespmem:$0x1CB80] =	vst v63  }
.LBB2_7:
0xba: {  	_ =	swait.ge [sflag:s22], $0x4000  }
0xbb: {  	s13 =	sadd.s32 s12, s21;
	[sflag:s22] =	ssyncset.done $0x0  }
0xbc: {  	s16 =	sadd.s32 $0x9B0, s13;
	[sflag:s22] =	ssyncadd.s32 $0xFFFFC000  }
0xbd: {  	[tilespmem:s29], [sflag:$0x5] =	stream.linear.gather [hbm4b:s16+s2], $0x80, $0x38;
	[tilespmem:$0x1CB80] =	vst v63  }
0xbe: {  	_ =	swait.ge [sflag:s25], $0x80  }
0xbf: {  	s16 =	sadd.s32 s12, s20;
	[sflag:s25] =	ssyncset.done $0x0  }
0xc0: {  	s17 =	sadd.s32 $0x9B0, s16;
	[sflag:s25] =	ssyncadd.s32 $0xFFFFFF80  }
0xc1: {  	[tilespmem:s30], [sflag:$0x5] =	stream.linear.gather [hbm4b:s17+s2], $0x80, $0x38;
	[tilespmem:$0x1CB80] =	vst v63  }
0xc2: {  	_ =	swait.ge [sflag:s25], $0x80  }
0xc3: {  	[sflag:s25] =	ssyncset.done $0x0  }
0xc4: {  	[sflag:s25] =	ssyncadd.s32 $0xFFFFFF80  }
0xc5: {  	_ =	swait.ge [sflag:s31], $0x4000  }
0xc6: {  	[sflag:s31] =	ssyncset.done $0x0  }
0xc7: {  	[sflag:s31] =	ssyncadd.s32 $0xFFFFC000  }
0xc8: {  	[spmem:s1] =	stream.indirect.scatter.add.f32 [tilespmem:s28], [sflag:$0x3], $0x80, s26, s26, $0xb8;
	[tilespmem:$0x1CB80] =	vst v63  }
0xc9: {  	_ = 	snop  }
0xca: {  	[tilespmem:s0], [sflag:$0x2] =	stream.indirect.gather [hbm4b:s11+s26], $0x80, s29, s26, $0xb8;
	[tilespmem:$0x1CB80] =	vst v63  }
0xcb: {  	_ =	swait.ge [sflag:s14], $0x4000  }
0xcc: {  	p2 =	seq.s32 s12, $0x0;
	[sflag:s14] =	ssyncset.done $0x0  }
.Ltmp5:
0xcd: {  	[sflag:s14] =	ssyncadd.s32 $0xFFFFC000;
	(pc) =	sbr.rel @p2 .LBB2_9-.Ltmp5, $4  }
0xce: {  	[spmem:s1] =	stream.indirect.scatter.add.f32 [tilespmem:s0], [sflag:$0x4], $0x80, s30, s26, $0xb8;
	[tilespmem:$0x1CB80] =	vst v63  }
0xcf: {  	_ =	swait.ge [sflag:s15], $0x4000  }
0xd0: {  	[sflag:s15] =	ssyncset.done $0x0  }
0xd1: {  	[sflag:s15] =	ssyncadd.s32 $0xFFFFC000  }
0xd2: {  	s13 =	sadd.s32 $0x9C0, s13  }
0xd3: {  	[tilespmem:s2], [sflag:$0x5] =	stream.linear.gather [hbm4b:s13+s2], $0x80, $0x38;
	[tilespmem:$0x1CB80] =	vst v63  }
0xd4: {  	_ =	swait.ge [sflag:s25], $0x80  }
0xd5: {  	[sflag:s25] =	ssyncset.done $0x0  }
0xd6: {  	s17 =	sadd.s32 $0x9C0, s16;
	[sflag:s25] =	ssyncadd.s32 $0xFFFFFF80  }
0xd7: {  	[tilespmem:s26], [sflag:$0x5] =	stream.linear.gather [hbm4b:s17+s2], $0x80, $0x38;
	[tilespmem:$0x1CB80] =	vst v63  }
.Ltmp6:
0xd8: {  	_ = 	snop;
	(pc) =	sbr.rel .LBB2_7-.Ltmp6, $4  }
0xd9: {  	_ =	swait.ge [sflag:s25], $0x80  }
0xda: {  	[sflag:s25] =	ssyncset.done $0x0  }
0xdb: {  	s12 =	sadd.s32 $0x20, s12;
	[sflag:s25] =	ssyncadd.s32 $0xFFFFFF80  }
0xdc: {  	[tilespmem:s28], [sflag:$0x1] =	stream.indirect.gather [hbm4b:s11+s26], $0x80, s2, s26, $0xb8;
	[tilespmem:$0x1CB80] =	vst v63  }
.LBB2_5:
0xdd: {  	_ =	swait.ge [sflag:s22], $0x4000  }
0xde: {  	[sflag:s22] =	ssyncset.done $0x0  }
0xdf: {  	s12 =	rddreg [dreg:$0xa];
	[sflag:s22] =	ssyncadd.s32 $0xFFFFC000  }
0xe0: {  	[tilespmem:s23], [sflag:$0x5] =	stream.linear.gather [hbm4b:s12+s2], $0x20, $0x38;
	[tilespmem:$0x1CB80] =	vst v63  }
0xe1: {  	_ =	swait.ge [sflag:s25], $0x20  }
0xe2: {  	[sflag:s25] =	ssyncset.done $0x0  }
0xe3: {  	s17 =	rddreg [dreg:$0xb];
	[sflag:s25] =	ssyncadd.s32 $0xFFFFFFE0  }
0xe4: {  	[tilespmem:s3], [sflag:$0x5] =	stream.linear.gather [hbm4b:s17+s2], $0x20, $0x38;
	[tilespmem:$0x1CB80] =	vst v63  }
0xe5: {  	_ =	swait.ge [sflag:s25], $0x20  }
0xe6: {  	[sflag:s25] =	ssyncset.done $0x0  }
0xe7: {  	[sflag:s25] =	ssyncadd.s32 $0xFFFFFFE0  }
0xe8: {  	[tilespmem:s6], [sflag:$0x1] =	stream.indirect.gather [hbm4b:s4+s5], $0x80, s23, s5, $0xb8;
	[tilespmem:$0x1CB80] =	vst v63  }
0xe9: {  	_ =	swait.ge [sflag:s31], $0x1000  }
0xea: {  	[sflag:s31] =	ssyncset.done $0x0  }
0xeb: {  	[sflag:s31] =	ssyncadd.s32 $0xFFFFF000  }
0xec: {  	[spmem:s1] =	stream.indirect.scatter.add.f32 [tilespmem:s6], [sflag:$0x5], $0x80, s3, s5, $0xb8;
	[tilespmem:$0x1CB80] =	vst v63  }
0xed: {  	_ =	swait.ge [sflag:s25], $0x1000  }
0xee: {  	[sflag:s25] =	ssyncset.done $0x0  }
0xef: {  	[sflag:s25] =	ssyncadd.s32 $0xFFFFF000  }
0xf0: {  	[bflag:$0x0] =	sbarrier.arrive $0xFFFF  }
0xf1: {  	s12 =	simm.s32 @p0 $0x1FC5;
	s13 =	rddreg [dreg:$0x11]  }
0xf2: {  	[hbm:s13], [sflag:s12] =	dma.local @p0 [spmem:s10], $0x1900  }
0xf3: {  	s10 =	simm.s32 @p0 $0x5  }
0xf4: {  	_ =	swait.ge @p0 [sflag:s10], $0x1900  }
0xf5: {  	[sflag:s10] =	ssyncset.done @p0 $0x0  }
0xf6: {  	[sflag:s10] =	ssyncadd.s32 @p0 $0xFFFFE700;
	s10 =	rddreg [dreg:$0xd]  }
0xf7: {  	[hbm:s10], [sflag:s8] =	dma.local @!p0 [spmem:s9], $0x2800  }
.Ltmp7:
0xf8: {  	_ = 	snop;
	(pc) =	sbr.rel .LBB2_10-.Ltmp7, $4  }
0xf9: {  	s8 =	simm.s32 @!p0 $0x5  }
0xfa: {  	_ =	swait.ge @!p0 [sflag:s8], $0x2800  }
0xfb: {  	[sflag:s8] =	ssyncset.done @!p0 $0x0  }
0xfc: {  	[sflag:s8] =	ssyncadd.s32 @!p0 $0xFFFFD800  }
.LBB2_11:
0xfd: {  	_ =	sfence.sel $0x180000  }
0xfe: {  	[bflag:$0x0] =	sbarrier.arrive $0xFFFF  }
0xff: {  	_ =	strace $0x9000004A  }
0x100: {  	s0 =	stileid.u32;
	[bflag:$0x2] =	sbarrier.arrive $0xFFFF  }
0x101: {  	p0 =	sne.s32 s0, $0x0;
	s0 =	rddreg [dreg:$0x3]  }
0x102: {  	s0 =	sadd.s32 @!p0 $0x100000, s0  }
0x103: {  	[sflag:s0] =	ssyncadd.tile.s32 @!p0 $0x1;
	_ =	shalt  }
.Lfunc_end2:
_tile_overlayer_lowered:
.L_overlay_start_2:
0x104: {  	(tag) =	ssettag $0x2  }
0x105: {  	s0 =	rddreg [dreg:$0x0];
	s2 =	stileid.u32  }
0x106: {  	s1 =	rddreg [dreg:$0x1];
	p0 =	sne.s32 s2, $0x0  }
0x107: {  	s3 =	rddreg [dreg:$0x2];
	[bflag:$0x3] =	sbarrier.arrive $0xFFFF;
	s2 =	simm.s32 @!p0 $0x1C05  }
0x108: {  	[timem:s3], [sflag:s2] =	dma.local @!p0 [hbm:s0], s1  }
0x109: {  	s0 =	simm.s32 @!p0 $0x5  }
0x10a: {  	_ =	swait.ge @!p0 [sflag:s0], s1  }
0x10b: {  	s1 =	ssub.s32 @!p0 $0x0, s1;
	[sflag:s0] =	ssyncset.done @!p0 $0x0  }
0x10c: {  	[sflag:s0] =	ssyncadd.s32 @!p0 s1  }
0x10d: {  	[bflag:$0x3] =	sbarrier.arrive $0xFFFF  }
0x10e: {  	_ =	shalt  }

// kernel: kernel.15.cloned.1.call-start
scs
__scs_entry_jumppad:
0x0: {  	(pc) =	sbr.rel $0x88, $3  }
0x1: {  	(tag) =	ssettag $0x0;
	lr =	simm.s32 $0x1  }
0x2: {  	[smem:$0x3F94] =	sst lr;
	_ =	strace $0xD0000000  }
0x3: {  	_ = 	snop  }
0x4: {  	_ = 	snop  }
0x5: {  	_ = 	snop  }
0x6: {  	_ = 	snop  }
0x7: {  	_ = 	snop  }
__scs_overlays_trampoline_lowered:
0x8: {  	[smem:$0x3FA3] =	sst s0  }
0x9: {  	[smem:$0x3FA4] =	sst s1  }
0xa: {  	[smem:$0x3FA5] =	sst s2  }
0xb: {  	[smem:$0x3FA6] =	sst s3  }
0xc: {  	[smem:$0x3FA7] =	sst s4  }
0xd: {  	[smem:$0x3FA8] =	sst s5  }
0xe: {  	[smem:$0x3FA9] =	sst s6  }
0xf: {  	[smem:$0x3FAA] =	sst s7  }
0x10: {  	[smem:$0x3FAB] =	sst s8  }
0x11: {  	[smem:$0x3FAC] =	sst s9;
	s0 =	simm.s32 @!p0 $0x0  }
0x12: {  	s1 =	sld [smem:$0x3F92];
	s0 =	simm.s32 @p0 $0x1  }
0x13: {  	[smem:$0x3FAD] =	sst s0;
	s0 =	simm.s32 @!p1 $0x0  }
0x14: {  	s2 =	sld [smem:$0x3F91];
	s0 =	simm.s32 @p1 $0x1  }
0x15: {  	[smem:$0x3FAE] =	sst s0;
	s0 =	simm.s32 @!p2 $0x0  }
0x16: {  	s3 =	sld [smem:$0x3FDB];
	s0 =	simm.s32 @p2 $0x1  }
0x17: {  	s4 =	simm.s32 $0x1BF5;
	[smem:$0x3FB0] =	sst s0  }
0x18: {  	s0 =	sld [smem:$0x3F93];
	_ =	swait.ge [sflag:s4], $0x0  }
0x19: {  	s7 =	sld [smem:$0x3F94]  }
0x1a: {  	s8 =	sadd.s32 $0xFFFFE003, lr  }
0x1b: {  	s9 =	sadd.s32 $0xFFFFFEF7, lr;
	s5 =	simm.s32 $0xFFFFFFFF;
	p2 =	slt.u32 s8, $0xFFFFF086  }
0x1c: {  	p1 =	slt.u32 s9, $0xF7A;
	s5 =	simm.s32 @!p2 $0x0  }
0x1d: {  	s5 =	simm.s32 @p1 $0x1;
	p0 =	seq.s32 s7, s2  }
0x1e: {  	s7 =	smul.u32 @!p0 $0xF7A, s2;
	p2 =	seq.s32 @!p0 s5, $0x0  }
0x1f: {  	s9 =	smul.u32 $0xF7A, s1;
	s8 =	simm.s32 @!p0 $0x1BF5;
	p2 =	por !p2, p0  }
0x20: {  	[sflag:s8] =	ssyncset.s32 @!p0 $0xFFFFF086;
	s6 =	sadd.s32 @!p0 s3, s7;
	s7 =	simm.s32 @!p0 $0x108  }
0x21: {  	s3 =	sadd.s32 s3, s9;
	s6 =	sadd.s32 @!p0 $0x88, s6;
	s7 =	simm.s32 @p2 $0x1082  }
0x22: {  	[simem:s7], [sflag:s8] =	dma.local @!p0 [hbm:s6], $0xF7A  }
0x23: {  	s9 =	sor.u32 $0xD0000000, s2;
	s6 =	simm.s32 $0x108;
	_ =	swait.ge @!p0 [sflag:s8], $0x0  }
0x24: {  	s3 =	sadd.s32 $0x88, s3;
	s6 =	simm.s32 @!p1 $0x1082;
	[sflag:s4] =	ssyncset.s32 $0xFFFFF086  }
0x25: {  	[simem:s6], [sflag:s4] =	dma.local [hbm:s3], $0xF7A  }
0x26: {  	[smem:$0x3F94] =	sst s1;
	(tag) =	ssettag s2;
	_ =	strace s9  }
0x27: {  	s1 =	sld [smem:$0x3FA4]  }
0x28: {  	s2 =	sld [smem:$0x3FA5]  }
0x29: {  	s4 =	sld [smem:$0x3FA7]  }
0x2a: {  	p0 =	seq.s32 s5, $0x0;
	s5 =	sld [smem:$0x3FA8]  }
0x2b: {  	s6 =	sld [smem:$0x3FA9]  }
0x2c: {  	s7 =	sld [smem:$0x3FAA]  }
0x2d: {  	s3 =	simm.s32 $0x108;
	s8 =	sld [smem:$0x3FAB]  }
0x2e: {  	s3 =	simm.s32 @!p0 $0x1082;
	s9 =	sld [smem:$0x3FAC]  }
0x2f: {  	lr =	sadd.s32 s0, s3;
	s0 =	sld [smem:$0x3FA3]  }
0x30: {  	s3 =	sld [smem:$0x3FA6]  }
0x31: {  	[smem:$0x3FAF] =	sst s10  }
0x32: {  	s10 =	sld [smem:$0x3FAD];
	_ =	sdelay $0x3  }
0x33: {  	p0 =	seq.s32 s10, $0x1;
	s10 =	sld [smem:$0x3FAF];
	_ =	sdelay $0x3  }
0x34: {  	[smem:$0x3FAF] =	sst s10  }
0x35: {  	s10 =	sld [smem:$0x3FAE];
	_ =	sdelay $0x3  }
0x36: {  	p1 =	seq.s32 s10, $0x1;
	s10 =	sld [smem:$0x3FAF];
	_ =	sdelay $0x3  }
0x37: {  	[smem:$0x3FAF] =	sst s10  }
0x38: {  	s10 =	sld [smem:$0x3FB0]  }
0x39: {  	_ = 	snop;
	(pc) =	sbr.ind lr, $3  }
0x3a: {  	_ = 	snop  }
0x3b: {  	_ = 	snop  }
0x3c: {  	p2 =	seq.s32 s10, $0x1;
	s10 =	sld [smem:$0x3FAF]  }
0x3d: {  	_ =	shalt  }
0x3e: {  	_ =	shalt  }
0x3f: {  	_ =	shalt  }
0x40: {  	_ =	shalt  }
0x41: {  	_ =	shalt  }
0x42: {  	_ =	shalt  }
0x43: {  	_ =	shalt  }
0x44: {  	_ =	shalt  }
0x45: {  	_ =	shalt  }
0x46: {  	_ =	shalt  }
0x47: {  	_ =	shalt  }
0x48: {  	_ =	shalt  }
0x49: {  	_ =	shalt  }
0x4a: {  	_ =	shalt  }
0x4b: {  	_ =	shalt  }
0x4c: {  	_ =	shalt  }
0x4d: {  	_ =	shalt  }
0x4e: {  	_ =	shalt  }
0x4f: {  	_ =	shalt  }
0x50: {  	_ =	shalt  }
0x51: {  	_ =	shalt  }
0x52: {  	_ =	shalt  }
0x53: {  	_ =	shalt  }
0x54: {  	_ =	shalt  }
0x55: {  	_ =	shalt  }
0x56: {  	_ =	shalt  }
0x57: {  	_ =	shalt  }
0x58: {  	_ =	shalt  }
0x59: {  	_ =	shalt  }
0x5a: {  	_ =	shalt  }
0x5b: {  	_ =	shalt  }
0x5c: {  	_ =	shalt  }
0x5d: {  	_ =	shalt  }
0x5e: {  	_ =	shalt  }
0x5f: {  	_ =	shalt  }
0x60: {  	_ =	shalt  }
0x61: {  	_ =	shalt  }
0x62: {  	_ =	shalt  }
0x63: {  	_ =	shalt  }
0x64: {  	_ =	shalt  }
0x65: {  	_ =	shalt  }
0x66: {  	_ =	shalt  }
0x67: {  	_ =	shalt  }
0x68: {  	_ =	shalt  }
0x69: {  	_ =	shalt  }
0x6a: {  	_ =	shalt  }
0x6b: {  	_ =	shalt  }
0x6c: {  	_ =	shalt  }
0x6d: {  	_ =	shalt  }
0x6e: {  	_ =	shalt  }
0x6f: {  	_ =	shalt  }
0x70: {  	_ =	shalt  }
0x71: {  	_ =	shalt  }
0x72: {  	_ =	shalt  }
0x73: {  	_ =	shalt  }
0x74: {  	_ =	shalt  }
0x75: {  	_ =	shalt  }
0x76: {  	_ =	shalt  }
0x77: {  	_ =	shalt  }
0x78: {  	_ =	shalt  }
0x79: {  	_ =	shalt  }
0x7a: {  	_ =	shalt  }
0x7b: {  	_ =	shalt  }
0x7c: {  	_ =	shalt  }
0x7d: {  	_ =	shalt  }
0x7e: {  	_ =	shalt  }
0x7f: {  	_ =	shalt  }
0x80: {  	_ =	shalt  }
0x81: {  	_ =	shalt  }
0x82: {  	_ =	shalt  }
0x83: {  	_ =	shalt  }
0x84: {  	_ =	shalt  }
0x85: {  	_ =	shalt  }
0x86: {  	_ =	shalt  }
0x87: {  	_ =	shalt  }
.Lfunc_end0:
.L_simem_size_0:
called_computation.2_lowered:
.L_overlay_start_0:
0x88: {  	s2 =	sld [smem:$0x3FD9]  }
0x89: {  	s3 =	sld [smem:$0x3FFE];
	_ =	sdelay $0x1  }
0x8a: {  	s1 =	srdreg.scid  }
0x8b: {  	s0 =	sand.u32 $0x1, s1  }
0x8c: {  	s17 =	sshll.u32 s0, $0xA;
	s2 =	sadd.s32 s3, s2  }
0x8d: {  	s2 =	sadd.s32 s2, s17  }
0x8e: {  	[smem:$0x3FBB] =	sst s2  }
0x8f: {  	_ = 	snop  }
0x90: {  	s2 =	sld [smem:$0x3FD0];
	(tm) =	ssettm $0x1  }
0x91: {  	s18 =	sld [smem:$0x3FFB];
	_ =	sdelay $0x3  }
0x92: {  	_ =	strace s18  }
0x93: {  	s3 =	sld [smem:$0x3FFC];
	_ =	sdelay $0x3  }
0x94: {  	_ =	strace s3  }
0x95: {  	s3 =	sld [smem:$0x3FFD];
	_ =	sdelay $0x3  }
0x96: {  	_ =	strace s3  }
0x97: {  	_ =	strace $0x8FFFFFFF  }
0x98: {  	s19 =	sld [smem:$0x3FDB];
	_ =	sdelay $0x1  }
0x99: {  	s4 =	simm.s32 $_scs_section_size  }
0x9a: {  	s5 =	simm.s32 $_size__tile_overlayer_lowered;
	s6 =	simm.s32 $_tile_overlayer_lowered  }
0x9b: {  	s22 =	simm.s32 $0x1BFF;
	s21 =	sshll.u32 s6, $0x1;
	s3 =	sadd.s32 s4, s19  }
0x9c: {  	s7 =	simm.s32 $0x0;
	s20 =	sshll.u32 s5, $0x1;
	s5 =	sadd.s32 s21, s3  }
0x9d: {  	[timem:s7], [sflag:s22] =	dma.local [hbm:s5], s20  }
0x9e: {  	_ =	swait.ge [sflag:s22], s20  }
0x9f: {  	s4 =	ssub.s32 $0x0, s20;
	[sflag:s22] =	ssyncset.done $0x0  }
0xa0: {  	[sflag:s22] =	ssyncadd.s32 s4;
	_ =	sdelay $0x1  }
0xa1: {  	s23 =	simm.s32 $0x1B8B  }
0xa2: {  	_ =	swait.ge [sflag:s23], $0x1  }
0xa3: {  	[sflag:s23] =	ssyncset.done $0x0  }
0xa4: {  	s25 =	simm.s32 $0x1B8E;
	s24 =	sld [smem:$0x3FFE];
	[sflag:s23] =	ssyncadd.s32 $0xFFFFFFFF  }
0xa5: {  	s26 =	simm.s32 $execute0_lowered;
	[smem:$0x3FD2] =	sst s25  }
0xa6: {  	s5 =	sshll.u32 s26, $0x1;
	_ =	strace $0x8000004C;
	[dreg:$0x1] =	wrdreg $0xFFFFFFFF  }
0xa7: {  	s28 =	simm.s32 $_size_execute0_lowered;
	s3 =	sadd.s32 s3, s5;
	[dreg:$0x0] =	wrdreg $0x0  }
0xa8: {  	s5 =	sshll.u32 s28, $0x1;
	[dreg:$0x2] =	wrdreg s3  }
0xa9: {  	[dreg:$0x3] =	wrdreg s5  }
0xaa: {  	[dreg:$0x4] =	wrdreg $0xC0  }
0xab: {  	_ =	task [dreg:s7], $0x5FFFF  }
0xac: {  	[dreg:$0x1] =	wrdreg $0xFFFFFFFF  }
0xad: {  	[dreg:$0x0] =	wrdreg $0x60  }
0xae: {  	[dreg:$0x2] =	wrdreg s24  }
0xaf: {  	[dreg:$0x3] =	wrdreg s2  }
0xb0: {  	[dreg:$0x4] =	wrdreg $0x8B000  }
0xb1: {  	[dreg:$0x5] =	wrdreg $0x9  }
0xb2: {  	_ =	task.clear_ibuf [dreg:s7], $0x6FFFF;
	_ =	strace $0x9000004C  }
0xb3: {  	s29 =	simm.s32 $0x9;
	_ =	strace $0x8000004E  }
0xb4: {  	_ =	swait.ge [sflag:s29], $0x1  }
0xb5: {  	[sflag:s29] =	ssyncadd.s32 $0xFFFFFFFF  }
0xb6: {  	_ =	strace $0x9000004E  }
0xb7: {  	_ =	sfence  }
0xb8: {  	s30 =	sld [smem:$0x0];
	_ =	sdelay $0x2  }
0xb9: {  	s31 =	sshll.u32 s1, $0xD;
	s1 =	sshrl.u32 s1, $0x2  }
0xba: {  	s3 =	sand.u32 $0x4000, s31;
	s1 =	sadd.s32 s1, s30  }
0xbb: {  	s0 =	sor.u32 s3, s0;
	s1 =	sshll.u32 s1, $0x11  }
0xbc: {  	s0 =	sor.u32 s1, s0  }
0xbd: {  	s0 =	sadd.s32 $0x8F2B, s0  }
0xbe: {  	[sflag:s0] =	ssyncadd.remote.s32 $0x1  }
0xbf: {  	_ =	sfence.sel $0xFFFF  }
0xc0: {  	[dreg:$0x0] =	wrdreg $0xFFFFFFFF;
	(pc) =	sbr.abs _section_cstart, $3  }
0xc1: {  	[dreg:$0x1] =	wrdreg $0xFFFFFFFF  }
0xc2: {  	_ =	task.clear_ibuf [dreg:s7], $0x2FFFF;
	_ =	strace $0x9FFFFFFF  }
0xc3: {  	(tm) =	ssettm $0x7FFFFFFF  }
tec
execute0_lowered:
.L_overlay_start_1:
0x0: {  	(tag) =	ssettag $0x1  }
0x1: {  	s0 =	rddreg [dreg:$0x0]  }
0x2: {  	s3 =	rddreg [dreg:$0x1];
	s11 =	stileid.u32  }
0x3: {  	s1 =	rddreg [dreg:$0x2];
	s5 =	smul.u32 $0x2710, s11  }
0x4: {  	s4 =	srdreg.scid;
	s2 =	simm.s32 $0x0;
	s14 =	smul.u32 $0x4E2, s11  }
0x5: {  	s4 =	sand.u32 $0x1, s4;
	[smem:$0x7FF] =	sst s2;
	s17 =	smul.u32 $0x50000, s11  }
0x6: {  	s6 =	sadd.s32 $0xCC00, s0;
	s8 =	sadd.s32 $0x2E00, s0;
	s18 =	smul.u32 $0x14000, s11  }
0x7: {  	s28 =	sadd.s32 $0x65400, s0;
	p1 =	seq.s32 s11, $0xF;
	s7 =	ssub.s32 $0x2, s4  }
0x8: {  	p0 =	sne.s32 s4, $0x0;
	s9 =	sshrl.u32 s7, $0x1;
	s5 =	sshrl.u32 s5, $0x3  }
0x9: {  	s4 =	simm.s32 $0x80;
	s7 =	ssub.s32 s7, s9;
	s19 =	sadd.s32 $0x4E20, s5  }
0xa: {  	s10 =	sadd.s32 $0x5300, s5;
	s22 =	sadd.s32 s6, s5;
	s23 =	sadd.s32 $0x4E0, s5  }
0xb: {  	s24 =	sadd.s32 s8, s5;
	s26 =	sadd.s32 $0x4E30, s5;
	[dreg:$0x8] =	wrdreg s22  }
0xc: {  	s30 =	sadd.s32 $0x4E40, s5;
	s12 =	sadd.s32 s6, s19;
	[dreg:$0x9] =	wrdreg s24  }
0xd: {  	s13 =	sadd.s32 $0x10, s5;
	s9 =	sadd.s32 s8, s19;
	[dreg:$0x4] =	wrdreg s12  }
0xe: {  	s5 =	sadd.s32 $0x20, s5;
	s20 =	sadd.s32 s6, s10;
	[dreg:$0x5] =	wrdreg s9  }
0xf: {  	s21 =	sadd.s32 s8, s10;
	s25 =	sadd.s32 s6, s23;
	[dreg:$0x6] =	wrdreg s20  }
0x10: {  	s29 =	sadd.s32 s6, s26;
	s10 =	sadd.s32 s8, s26;
	[dreg:$0x7] =	wrdreg s21  }
0x11: {  	s15 =	sadd.s32 s6, s13;
	s16 =	sadd.s32 s6, s5;
	[dreg:$0xa] =	wrdreg s25  }
0x12: {  	s5 =	sadd.s32 s8, s5;
	s19 =	smul.u32 $0x2800, s11;
	[dreg:$0xc] =	wrdreg s29  }
0x13: {  	s22 =	sadd.s32 $0x8C600, s0;
	s31 =	smax.u32 s7, $0x1;
	[dreg:$0xd] =	wrdreg s10  }
0x14: {  	s7 =	simm.s32 $0x180;
	s11 =	simm.s32 $0x3;
	[dreg:$0x10] =	wrdreg s15  }
0x15: {  	s9 =	sadd.s32 s8, s23;
	s12 =	sadd.s32 s6, s30;
	[dreg:$0x12] =	wrdreg s16  }
0x16: {  	[dreg:$0x13] =	wrdreg s5;
	s20 =	sadd.s32 s14, s8;
	s21 =	sadd.s32 s14, s6  }
0x17: {  	s5 =	sshrl.u32 s17, $0x2;
	s6 =	sshrl.u32 s18, $0x3;
	s25 =	sadd.s32 $0x25800, s3  }
0x18: {  	s16 =	sadd.s32 $0x12C000, s1;
	s10 =	simm.s32 $0x2;
	s14 =	simm.s32 $0x8280  }
0x19: {  	s15 =	simm.s32 $0x10;
	s17 =	simm.s32 $0x8300;
	[dreg:$0xb] =	wrdreg s9  }
0x1a: {  	s18 =	simm.s32 $0x0;
	[dreg:$0xe] =	wrdreg s12;
	s9 =	sadd.s32 s8, s30  }
0x1b: {  	s5 =	sadd.s32 s5, s1;
	s23 =	sadd.s32 s22, s6;
	s26 =	sadd.s32 s22, s19  }
0x1c: {  	s24 =	sadd.s32 s3, s19;
	[dreg:$0xf] =	wrdreg s9;
	s9 =	sadd.s32 s8, s13  }
0x1d: {  	s30 =	sadd.s32 $0xD8F00, s0;
	s0 =	sadd.s32 $0xB1E00, s0;
	[dreg:$0x11] =	wrdreg s9  }
.Ltmp0:
0x1e: {  	_ =	strace $0x8000004D;
	[dreg:$0x14] =	wrdreg s5;
	(pc) =	sbr.rel .LBB2_1-.Ltmp0, $4  }
0x1f: {  	s3 =	simm.s32 $0x5;
	s29 =	sadd.s32 $0x27100, s23;
	[dreg:$0x15] =	wrdreg s26  }
0x20: {  	s6 =	simm.s32 $0x100;
	s12 =	simm.s32 $0x4;
	[dreg:$0x16] =	wrdreg s29  }
0x21: {  	s8 =	simm.s32 $0x1;
	s13 =	simm.s32 $0x8200;
	[dreg:$0x17] =	wrdreg s30  }
0x22: {  	s9 =	simm.s32 $0x4200;
	[dreg:$0x18] =	wrdreg s0;
	s5 =	simm.s32 $0x200  }
.LBB2_9:
0x23: {  	_ =	swait.ge [sflag:s12], $0x4000  }
0x24: {  	[sflag:s12] =	ssyncset.done $0x0  }
0x25: {  	s22 =	rddreg [dreg:$0x6];
	[sflag:s12] =	ssyncadd.s32 $0xFFFFC000  }
0x26: {  	[tilespmem:s13], [sflag:$0x5] =	stream.linear.gather [hbm4b:s22+s2], $0x10, $0x38;
	[tilespmem:$0x1C380] =	vst v63  }
0x27: {  	_ =	swait.ge [sflag:s3], $0x10  }
0x28: {  	[sflag:s3] =	ssyncset.done $0x0  }
0x29: {  	s30 =	rddreg [dreg:$0x7];
	[sflag:s3] =	ssyncadd.s32 $0xFFFFFFF0  }
0x2a: {  	[tilespmem:s14], [sflag:$0x5] =	stream.linear.gather [hbm4b:s30+s2], $0x10, $0x38;
	[tilespmem:$0x1C380] =	vst v63  }
0x2b: {  	_ =	swait.ge [sflag:s3], $0x10  }
0x2c: {  	[sflag:s3] =	ssyncset.done $0x0  }
0x2d: {  	[sflag:s3] =	ssyncadd.s32 $0xFFFFFFF0  }
0x2e: {  	[tilespmem:s17], [sflag:$0x1] =	stream.indirect.gather [hbm4b:s28+s15], $0x80, s13, s15, $0xb8;
	[tilespmem:$0x1C380] =	vst v63  }
0x2f: {  	_ =	swait.ge [sflag:s8], $0x800  }
0x30: {  	[sflag:s8] =	ssyncset.done $0x0  }
0x31: {  	[sflag:s8] =	ssyncadd.s32 $0xFFFFF800  }
0x32: {  	[spmem:s1] =	stream.indirect.scatter.add.f32 [tilespmem:s17], [sflag:$0x5], $0x80, s14, s15, $0xb8;
	[tilespmem:$0x1C380] =	vst v63  }
0x33: {  	_ =	swait.ge [sflag:s3], $0x800  }
0x34: {  	[sflag:s3] =	ssyncset.done $0x0  }
0x35: {  	[sflag:s3] =	ssyncadd.s32 $0xFFFFF800  }
0x36: {  	[bflag:$0x0] =	sbarrier.arrive $0xFFFF  }
0x37: {  	s22 =	simm.s32 @p1 $0x1FC5;
	s26 =	rddreg [dreg:$0x17]  }
0x38: {  	[hbm:s26], [sflag:s22] =	dma.local @p1 [spmem:s0], $0x1900  }
0x39: {  	s0 =	simm.s32 @p1 $0x5  }
0x3a: {  	_ =	swait.ge @p1 [sflag:s0], $0x1900  }
0x3b: {  	[sflag:s0] =	ssyncset.done @p1 $0x0  }
0x3c: {  	[sflag:s0] =	ssyncadd.s32 @p1 $0xFFFFE700;
	s0 =	rddreg [dreg:$0x16]  }
0x3d: {  	[hbm:s0], [sflag:s19] =	dma.local @!p1 [spmem:s23], $0x2800  }
0x3e: {  	s0 =	simm.s32 @!p1 $0x5  }
0x3f: {  	_ =	swait.ge @!p1 [sflag:s0], $0x2800  }
0x40: {  	[sflag:s0] =	ssyncset.done @!p1 $0x0  }
0x41: {  	[sflag:s0] =	ssyncadd.s32 @!p1 $0xFFFFD800  }
.LBB2_10:
0x42: {  	s18 =	sadd.s32 $0x1, s18  }
0x43: {  	p2 =	sne.s32 s18, s31  }
.Ltmp1:
0x44: {  	_ = 	snop;
	(pc) =	sbr.rel @!p2 .LBB2_11-.Ltmp1, $1  }
0x45: {  	_ =	sdelay $0x3  }
.LBB2_1:
0x46: {  	s0 =	sshrl.u32 @p1 s16, $0x3;
	s19 =	simm.s32 @p1 $0x1FC5  }
0x47: {  	[spmem:s0], [sflag:s19] =	dma.local @p1 [hbm:s25], $0x1900  }
0x48: {  	s19 =	simm.s32 @p1 $0x5  }
0x49: {  	s22 =	stileid.u32;
	s26 =	simm.s32 @!p1 $0x5;
	_ =	swait.ge @p1 [sflag:s19], $0x1900  }
0x4a: {  	s23 =	sshll.u32 @!p1 s22, $0x6;
	[sflag:s19] =	ssyncset.done @p1 $0x0;
	s22 =	rddreg [dreg:$0x14]  }
0x4b: {  	[sflag:s19] =	ssyncadd.s32 @p1 $0xFFFFE700;
	s19 =	sor.u32 @!p1 $0x1C05, s23;
	s23 =	sshrl.u32 @!p1 s22, $0x3  }
0x4c: {  	[spmem:s23], [sflag:s19] =	dma.local @!p1 [hbm:s24], $0x2800  }
.Ltmp2:
0x4d: {  	_ =	swait.ge @!p1 [sflag:s26], $0x2800;
	(pc) =	sbr.rel @p0 .LBB2_6-.Ltmp2, $3  }
0x4e: {  	[sflag:s26] =	ssyncset.done @!p1 $0x0  }
0x4f: {  	[sflag:s26] =	ssyncadd.s32 @!p1 $0xFFFFD800  }
0x50: {  	[bflag:$0x0] =	sbarrier.arrive $0xFFFF;
	_ =	sdelay $0x1  }
0x51: {  	s22 =	rddreg [dreg:$0x8]  }
0x52: {  	[tilespmem:s2], [sflag:$0x5] =	stream.linear.gather [hbm4b:s22+s2], $0x80, $0x38;
	[tilespmem:$0x1C380] =	vst v63  }
0x53: {  	_ =	swait.ge [sflag:s3], $0x80  }
0x54: {  	[sflag:s3] =	ssyncset.done $0x0  }
0x55: {  	s29 =	rddreg [dreg:$0x9];
	[sflag:s3] =	ssyncadd.s32 $0xFFFFFF80  }
0x56: {  	[tilespmem:s4], [sflag:$0x5] =	stream.linear.gather [hbm4b:s29+s2], $0x80, $0x38;
	[tilespmem:$0x1C380] =	vst v63  }
0x57: {  	_ =	swait.ge [sflag:s3], $0x80  }
0x58: {  	[sflag:s3] =	ssyncset.done $0x0  }
0x59: {  	[sflag:s3] =	ssyncadd.s32 $0xFFFFFF80  }
0x5a: {  	[tilespmem:s5], [sflag:$0x1] =	stream.indirect.gather [hbm4b:s28+s4], $0x80, s2, s4, $0xb8;
	[tilespmem:$0x1C380] =	vst v63  }
0x5b: {  	s30 =	rddreg [dreg:$0x10]  }
0x5c: {  	[tilespmem:s6], [sflag:$0x5] =	stream.linear.gather [hbm4b:s30+s2], $0x80, $0x38;
	[tilespmem:$0x1C380] =	vst v63  }
0x5d: {  	_ =	swait.ge [sflag:s3], $0x80  }
0x5e: {  	[sflag:s3] =	ssyncset.done $0x0  }
0x5f: {  	s26 =	rddreg [dreg:$0x11];
	[sflag:s3] =	ssyncadd.s32 $0xFFFFFF80  }
0x60: {  	[tilespmem:s7], [sflag:$0x5] =	stream.linear.gather [hbm4b:s26+s2], $0x80, $0x38;
	[tilespmem:$0x1C380] =	vst v63  }
0x61: {  	_ =	swait.ge [sflag:s3], $0x80  }
0x62: {  	[sflag:s3] =	ssyncset.done $0x0  }
0x63: {  	[sflag:s3] =	ssyncadd.s32 $0xFFFFFF80  }
0x64: {  	_ =	swait.ge [sflag:s8], $0x4000  }
0x65: {  	[sflag:s8] =	ssyncset.done $0x0  }
0x66: {  	[sflag:s8] =	ssyncadd.s32 $0xFFFFC000  }
0x67: {  	[spmem:s1] =	stream.indirect.scatter.add.f32 [tilespmem:s5], [sflag:$0x3], $0x80, s4, s4, $0xb8;
	[tilespmem:$0x1C380] =	vst v63  }
0x68: {  	_ = 	snop  }
0x69: {  	[tilespmem:s9], [sflag:$0x2] =	stream.indirect.gather [hbm4b:s28+s4], $0x80, s6, s4, $0xb8;
	[tilespmem:$0x1C380] =	vst v63  }
0x6a: {  	_ =	swait.ge [sflag:s10], $0x4000  }
0x6b: {  	[sflag:s10] =	ssyncset.done $0x0  }
0x6c: {  	[sflag:s10] =	ssyncadd.s32 $0xFFFFC000  }
0x6d: {  	[spmem:s1] =	stream.indirect.scatter.add.f32 [tilespmem:s9], [sflag:$0x4], $0x80, s7, s4, $0xb8;
	[tilespmem:$0x1C380] =	vst v63  }
0x6e: {  	_ =	swait.ge [sflag:s11], $0x4000  }
0x6f: {  	[sflag:s11] =	ssyncset.done $0x0  }
0x70: {  	s29 =	rddreg [dreg:$0x12];
	[sflag:s11] =	ssyncadd.s32 $0xFFFFC000  }
0x71: {  	[tilespmem:s2], [sflag:$0x5] =	stream.linear.gather [hbm4b:s29+s2], $0x80, $0x38;
	[tilespmem:$0x1C380] =	vst v63  }
0x72: {  	_ =	swait.ge [sflag:s3], $0x80  }
0x73: {  	[sflag:s3] =	ssyncset.done $0x0  }
0x74: {  	s30 =	rddreg [dreg:$0x13];
	[sflag:s3] =	ssyncadd.s32 $0xFFFFFF80  }
0x75: {  	[tilespmem:s4], [sflag:$0x5] =	stream.linear.gather [hbm4b:s30+s2], $0x80, $0x38;
	[tilespmem:$0x1C380] =	vst v63  }
0x76: {  	_ =	swait.ge [sflag:s3], $0x80  }
0x77: {  	[sflag:s3] =	ssyncset.done $0x0  }
0x78: {  	s26 =	simm.s32 $0xFFFFFB60;
	[sflag:s3] =	ssyncadd.s32 $0xFFFFFF80  }
0x79: {  	[tilespmem:s5], [sflag:$0x1] =	stream.indirect.gather [hbm4b:s28+s4], $0x80, s2, s4, $0xb8;
	[tilespmem:$0x1C380] =	vst v63  }
.LBB2_3:
0x7a: {  	_ =	swait.ge [sflag:s12], $0x4000  }
0x7b: {  	s29 =	sadd.s32 s26, s21;
	[sflag:s12] =	ssyncset.done $0x0  }
0x7c: {  	s30 =	sadd.s32 $0x4D0, s29;
	[sflag:s12] =	ssyncadd.s32 $0xFFFFC000  }
0x7d: {  	[tilespmem:s6], [sflag:$0x5] =	stream.linear.gather [hbm4b:s30+s2], $0x80, $0x38;
	[tilespmem:$0x1C380] =	vst v63  }
0x7e: {  	_ =	swait.ge [sflag:s3], $0x80  }
0x7f: {  	s30 =	sadd.s32 s26, s20;
	[sflag:s3] =	ssyncset.done $0x0  }
0x80: {  	s22 =	sadd.s32 $0x4D0, s30;
	[sflag:s3] =	ssyncadd.s32 $0xFFFFFF80  }
0x81: {  	[tilespmem:s7], [sflag:$0x5] =	stream.linear.gather [hbm4b:s22+s2], $0x80, $0x38;
	[tilespmem:$0x1C380] =	vst v63  }
0x82: {  	_ =	swait.ge [sflag:s3], $0x80  }
0x83: {  	[sflag:s3] =	ssyncset.done $0x0  }
0x84: {  	[sflag:s3] =	ssyncadd.s32 $0xFFFFFF80  }
0x85: {  	_ =	swait.ge [sflag:s8], $0x4000  }
0x86: {  	[sflag:s8] =	ssyncset.done $0x0  }
0x87: {  	[sflag:s8] =	ssyncadd.s32 $0xFFFFC000  }
0x88: {  	[spmem:s1] =	stream.indirect.scatter.add.f32 [tilespmem:s5], [sflag:$0x3], $0x80, s4, s4, $0xb8;
	[tilespmem:$0x1C380] =	vst v63  }
0x89: {  	_ = 	snop  }
0x8a: {  	[tilespmem:s9], [sflag:$0x2] =	stream.indirect.gather [hbm4b:s28+s4], $0x80, s6, s4, $0xb8;
	[tilespmem:$0x1C380] =	vst v63  }
0x8b: {  	_ =	swait.ge [sflag:s10], $0x4000  }
0x8c: {  	p2 =	seq.s32 s26, $0x0;
	[sflag:s10] =	ssyncset.done $0x0  }
.Ltmp3:
0x8d: {  	[sflag:s10] =	ssyncadd.s32 $0xFFFFC000;
	(pc) =	sbr.rel @p2 .LBB2_5-.Ltmp3, $4  }
0x8e: {  	[spmem:s1] =	stream.indirect.scatter.add.f32 [tilespmem:s9], [sflag:$0x4], $0x80, s7, s4, $0xb8;
	[tilespmem:$0x1C380] =	vst v63  }
0x8f: {  	_ =	swait.ge [sflag:s11], $0x4000  }
0x90: {  	[sflag:s11] =	ssyncset.done $0x0  }
0x91: {  	[sflag:s11] =	ssyncadd.s32 $0xFFFFC000  }
0x92: {  	s22 =	sadd.s32 $0x4E0, s29  }
0x93: {  	[tilespmem:s2], [sflag:$0x5] =	stream.linear.gather [hbm4b:s22+s2], $0x80, $0x38;
	[tilespmem:$0x1C380] =	vst v63  }
0x94: {  	_ =	swait.ge [sflag:s3], $0x80  }
0x95: {  	[sflag:s3] =	ssyncset.done $0x0  }
0x96: {  	s30 =	sadd.s32 $0x4E0, s30;
	[sflag:s3] =	ssyncadd.s32 $0xFFFFFF80  }
0x97: {  	[tilespmem:s4], [sflag:$0x5] =	stream.linear.gather [hbm4b:s30+s2], $0x80, $0x38;
	[tilespmem:$0x1C380] =	vst v63  }
.Ltmp4:
0x98: {  	_ = 	snop;
	(pc) =	sbr.rel .LBB2_3-.Ltmp4, $4  }
0x99: {  	_ =	swait.ge [sflag:s3], $0x80  }
0x9a: {  	[sflag:s3] =	ssyncset.done $0x0  }
0x9b: {  	s26 =	sadd.s32 $0x20, s26;
	[sflag:s3] =	ssyncadd.s32 $0xFFFFFF80  }
0x9c: {  	[tilespmem:s5], [sflag:$0x1] =	stream.indirect.gather [hbm4b:s28+s4], $0x80, s2, s4, $0xb8;
	[tilespmem:$0x1C380] =	vst v63  }
.LBB2_6:
0x9d: {  	s22 =	rddreg [dreg:$0x4]  }
0x9e: {  	[tilespmem:s2], [sflag:$0x5] =	stream.linear.gather [hbm4b:s22+s2], $0x80, $0x38;
	[tilespmem:$0x1C380] =	vst v63  }
0x9f: {  	_ =	swait.ge [sflag:s3], $0x80  }
0xa0: {  	[sflag:s3] =	ssyncset.done $0x0  }
0xa1: {  	s29 =	rddreg [dreg:$0x5];
	[sflag:s3] =	ssyncadd.s32 $0xFFFFFF80  }
0xa2: {  	[tilespmem:s4], [sflag:$0x5] =	stream.linear.gather [hbm4b:s29+s2], $0x80, $0x38;
	[tilespmem:$0x1C380] =	vst v63  }
0xa3: {  	_ =	swait.ge [sflag:s3], $0x80  }
0xa4: {  	[sflag:s3] =	ssyncset.done $0x0  }
0xa5: {  	[sflag:s3] =	ssyncadd.s32 $0xFFFFFF80  }
0xa6: {  	[tilespmem:s5], [sflag:$0x1] =	stream.indirect.gather [hbm4b:s28+s4], $0x80, s2, s4, $0xb8;
	[tilespmem:$0x1C380] =	vst v63  }
0xa7: {  	s30 =	rddreg [dreg:$0xc]  }
0xa8: {  	[tilespmem:s6], [sflag:$0x5] =	stream.linear.gather [hbm4b:s30+s2], $0x80, $0x38;
	[tilespmem:$0x1C380] =	vst v63  }
0xa9: {  	_ =	swait.ge [sflag:s3], $0x80  }
0xaa: {  	[sflag:s3] =	ssyncset.done $0x0  }
0xab: {  	s26 =	rddreg [dreg:$0xd];
	[sflag:s3] =	ssyncadd.s32 $0xFFFFFF80  }
0xac: {  	[tilespmem:s7], [sflag:$0x5] =	stream.linear.gather [hbm4b:s26+s2], $0x80, $0x38;
	[tilespmem:$0x1C380] =	vst v63  }
0xad: {  	_ =	swait.ge [sflag:s3], $0x80  }
0xae: {  	[sflag:s3] =	ssyncset.done $0x0  }
0xaf: {  	[sflag:s3] =	ssyncadd.s32 $0xFFFFFF80  }
0xb0: {  	_ =	swait.ge [sflag:s8], $0x4000  }
0xb1: {  	[sflag:s8] =	ssyncset.done $0x0  }
0xb2: {  	[sflag:s8] =	ssyncadd.s32 $0xFFFFC000  }
0xb3: {  	[spmem:s1] =	stream.indirect.scatter.add.f32 [tilespmem:s5], [sflag:$0x3], $0x80, s4, s4, $0xb8;
	[tilespmem:$0x1C380] =	vst v63  }
0xb4: {  	_ = 	snop  }
0xb5: {  	[tilespmem:s9], [sflag:$0x2] =	stream.indirect.gather [hbm4b:s28+s4], $0x80, s6, s4, $0xb8;
	[tilespmem:$0x1C380] =	vst v63  }
0xb6: {  	_ =	swait.ge [sflag:s10], $0x4000  }
0xb7: {  	[sflag:s10] =	ssyncset.done $0x0  }
0xb8: {  	[sflag:s10] =	ssyncadd.s32 $0xFFFFC000  }
0xb9: {  	[spmem:s1] =	stream.indirect.scatter.add.f32 [tilespmem:s9], [sflag:$0x4], $0x80, s7, s4, $0xb8;
	[tilespmem:$0x1C380] =	vst v63  }
0xba: {  	_ =	swait.ge [sflag:s11], $0x4000  }
0xbb: {  	[sflag:s11] =	ssyncset.done $0x0  }
0xbc: {  	s29 =	rddreg [dreg:$0xe];
	[sflag:s11] =	ssyncadd.s32 $0xFFFFC000  }
0xbd: {  	[tilespmem:s2], [sflag:$0x5] =	stream.linear.gather [hbm4b:s29+s2], $0x80, $0x38;
	[tilespmem:$0x1C380] =	vst v63  }
0xbe: {  	_ =	swait.ge [sflag:s3], $0x80  }
0xbf: {  	[sflag:s3] =	ssyncset.done $0x0  }
0xc0: {  	s30 =	rddreg [dreg:$0xf];
	[sflag:s3] =	ssyncadd.s32 $0xFFFFFF80  }
0xc1: {  	[tilespmem:s4], [sflag:$0x5] =	stream.linear.gather [hbm4b:s30+s2], $0x80, $0x38;
	[tilespmem:$0x1C380] =	vst v63  }
0xc2: {  	_ =	swait.ge [sflag:s3], $0x80  }
0xc3: {  	[sflag:s3] =	ssyncset.done $0x0  }
0xc4: {  	s26 =	simm.s32 $0xFFFFFB60;
	[sflag:s3] =	ssyncadd.s32 $0xFFFFFF80  }
0xc5: {  	[tilespmem:s5], [sflag:$0x1] =	stream.indirect.gather [hbm4b:s28+s4], $0x80, s2, s4, $0xb8;
	[tilespmem:$0x1C380] =	vst v63  }
.LBB2_7:
0xc6: {  	_ =	swait.ge [sflag:s12], $0x4000  }
0xc7: {  	s29 =	sadd.s32 s26, s21;
	[sflag:s12] =	ssyncset.done $0x0  }
0xc8: {  	s22 =	sadd.s32 $0x52F0, s29;
	[sflag:s12] =	ssyncadd.s32 $0xFFFFC000  }
0xc9: {  	[tilespmem:s6], [sflag:$0x5] =	stream.linear.gather [hbm4b:s22+s2], $0x80, $0x38;
	[tilespmem:$0x1C380] =	vst v63  }
0xca: {  	_ =	swait.ge [sflag:s3], $0x80  }
0xcb: {  	s30 =	sadd.s32 s26, s20;
	[sflag:s3] =	ssyncset.done $0x0  }
0xcc: {  	s22 =	sadd.s32 $0x52F0, s30;
	[sflag:s3] =	ssyncadd.s32 $0xFFFFFF80  }
0xcd: {  	[tilespmem:s7], [sflag:$0x5] =	stream.linear.gather [hbm4b:s22+s2], $0x80, $0x38;
	[tilespmem:$0x1C380] =	vst v63  }
0xce: {  	_ =	swait.ge [sflag:s3], $0x80  }
0xcf: {  	[sflag:s3] =	ssyncset.done $0x0  }
0xd0: {  	[sflag:s3] =	ssyncadd.s32 $0xFFFFFF80  }
0xd1: {  	_ =	swait.ge [sflag:s8], $0x4000  }
0xd2: {  	[sflag:s8] =	ssyncset.done $0x0  }
0xd3: {  	[sflag:s8] =	ssyncadd.s32 $0xFFFFC000  }
0xd4: {  	[spmem:s1] =	stream.indirect.scatter.add.f32 [tilespmem:s5], [sflag:$0x3], $0x80, s4, s4, $0xb8;
	[tilespmem:$0x1C380] =	vst v63  }
0xd5: {  	_ = 	snop  }
0xd6: {  	[tilespmem:s9], [sflag:$0x2] =	stream.indirect.gather [hbm4b:s28+s4], $0x80, s6, s4, $0xb8;
	[tilespmem:$0x1C380] =	vst v63  }
0xd7: {  	_ =	swait.ge [sflag:s10], $0x4000  }
0xd8: {  	p2 =	seq.s32 s26, $0x0;
	[sflag:s10] =	ssyncset.done $0x0  }
.Ltmp5:
0xd9: {  	[sflag:s10] =	ssyncadd.s32 $0xFFFFC000;
	(pc) =	sbr.rel @p2 .LBB2_9-.Ltmp5, $4  }
0xda: {  	[spmem:s1] =	stream.indirect.scatter.add.f32 [tilespmem:s9], [sflag:$0x4], $0x80, s7, s4, $0xb8;
	[tilespmem:$0x1C380] =	vst v63  }
0xdb: {  	_ =	swait.ge [sflag:s11], $0x4000  }
0xdc: {  	[sflag:s11] =	ssyncset.done $0x0  }
0xdd: {  	[sflag:s11] =	ssyncadd.s32 $0xFFFFC000  }
0xde: {  	s22 =	sadd.s32 $0x5300, s29  }
0xdf: {  	[tilespmem:s2], [sflag:$0x5] =	stream.linear.gather [hbm4b:s22+s2], $0x80, $0x38;
	[tilespmem:$0x1C380] =	vst v63  }
0xe0: {  	_ =	swait.ge [sflag:s3], $0x80  }
0xe1: {  	[sflag:s3] =	ssyncset.done $0x0  }
0xe2: {  	s30 =	sadd.s32 $0x5300, s30;
	[sflag:s3] =	ssyncadd.s32 $0xFFFFFF80  }
0xe3: {  	[tilespmem:s4], [sflag:$0x5] =	stream.linear.gather [hbm4b:s30+s2], $0x80, $0x38;
	[tilespmem:$0x1C380] =	vst v63  }
.Ltmp6:
0xe4: {  	_ = 	snop;
	(pc) =	sbr.rel .LBB2_7-.Ltmp6, $4  }
0xe5: {  	_ =	swait.ge [sflag:s3], $0x80  }
0xe6: {  	[sflag:s3] =	ssyncset.done $0x0  }
0xe7: {  	s26 =	sadd.s32 $0x20, s26;
	[sflag:s3] =	ssyncadd.s32 $0xFFFFFF80  }
0xe8: {  	[tilespmem:s5], [sflag:$0x1] =	stream.indirect.gather [hbm4b:s28+s4], $0x80, s2, s4, $0xb8;
	[tilespmem:$0x1C380] =	vst v63  }
.LBB2_5:
0xe9: {  	_ =	swait.ge [sflag:s12], $0x4000  }
0xea: {  	[sflag:s12] =	ssyncset.done $0x0  }
0xeb: {  	s22 =	rddreg [dreg:$0xa];
	[sflag:s12] =	ssyncadd.s32 $0xFFFFC000  }
0xec: {  	[tilespmem:s13], [sflag:$0x5] =	stream.linear.gather [hbm4b:s22+s2], $0x10, $0x38;
	[tilespmem:$0x1C380] =	vst v63  }
0xed: {  	_ =	swait.ge [sflag:s3], $0x10  }
0xee: {  	[sflag:s3] =	ssyncset.done $0x0  }
0xef: {  	s30 =	rddreg [dreg:$0xb];
	[sflag:s3] =	ssyncadd.s32 $0xFFFFFFF0  }
0xf0: {  	[tilespmem:s14], [sflag:$0x5] =	stream.linear.gather [hbm4b:s30+s2], $0x10, $0x38;
	[tilespmem:$0x1C380] =	vst v63  }
0xf1: {  	_ =	swait.ge [sflag:s3], $0x10  }
0xf2: {  	[sflag:s3] =	ssyncset.done $0x0  }
0xf3: {  	[sflag:s3] =	ssyncadd.s32 $0xFFFFFFF0  }
0xf4: {  	[tilespmem:s17], [sflag:$0x1] =	stream.indirect.gather [hbm4b:s28+s15], $0x80, s13, s15, $0xb8;
	[tilespmem:$0x1C380] =	vst v63  }
0xf5: {  	_ =	swait.ge [sflag:s8], $0x800  }
0xf6: {  	[sflag:s8] =	ssyncset.done $0x0  }
0xf7: {  	[sflag:s8] =	ssyncadd.s32 $0xFFFFF800  }
0xf8: {  	[spmem:s1] =	stream.indirect.scatter.add.f32 [tilespmem:s17], [sflag:$0x5], $0x80, s14, s15, $0xb8;
	[tilespmem:$0x1C380] =	vst v63  }
0xf9: {  	_ =	swait.ge [sflag:s3], $0x800  }
0xfa: {  	[sflag:s3] =	ssyncset.done $0x0  }
0xfb: {  	[sflag:s3] =	ssyncadd.s32 $0xFFFFF800  }
0xfc: {  	[bflag:$0x0] =	sbarrier.arrive $0xFFFF  }
0xfd: {  	s22 =	simm.s32 @p1 $0x1FC5;
	s26 =	rddreg [dreg:$0x18]  }
0xfe: {  	[hbm:s26], [sflag:s22] =	dma.local @p1 [spmem:s0], $0x1900  }
0xff: {  	s0 =	simm.s32 @p1 $0x5  }
0x100: {  	_ =	swait.ge @p1 [sflag:s0], $0x1900  }
0x101: {  	[sflag:s0] =	ssyncset.done @p1 $0x0  }
0x102: {  	[sflag:s0] =	ssyncadd.s32 @p1 $0xFFFFE700;
	s0 =	rddreg [dreg:$0x15]  }
0x103: {  	[hbm:s0], [sflag:s19] =	dma.local @!p1 [spmem:s23], $0x2800  }
.Ltmp7:
0x104: {  	_ = 	snop;
	(pc) =	sbr.rel .LBB2_10-.Ltmp7, $4  }
0x105: {  	s0 =	simm.s32 @!p1 $0x5  }
0x106: {  	_ =	swait.ge @!p1 [sflag:s0], $0x2800  }
0x107: {  	[sflag:s0] =	ssyncset.done @!p1 $0x0  }
0x108: {  	[sflag:s0] =	ssyncadd.s32 @!p1 $0xFFFFD800  }
.LBB2_11:
0x109: {  	_ =	sfence.sel $0x180000  }
0x10a: {  	[bflag:$0x0] =	sbarrier.arrive $0xFFFF  }
0x10b: {  	_ =	strace $0x9000004D  }
0x10c: {  	s0 =	stileid.u32;
	[bflag:$0x2] =	sbarrier.arrive $0xFFFF  }
0x10d: {  	p0 =	sne.s32 s0, $0x0;
	s0 =	rddreg [dreg:$0x3]  }
0x10e: {  	s0 =	sadd.s32 @!p0 $0x100000, s0  }
0x10f: {  	[sflag:s0] =	ssyncadd.tile.s32 @!p0 $0x1;
	_ =	shalt  }
.Lfunc_end2:
_tile_overlayer_lowered:
.L_overlay_start_2:
0x110: {  	(tag) =	ssettag $0x2  }
0x111: {  	s0 =	rddreg [dreg:$0x0];
	s2 =	stileid.u32  }
0x112: {  	s1 =	rddreg [dreg:$0x1];
	p0 =	sne.s32 s2, $0x0  }
0x113: {  	s3 =	rddreg [dreg:$0x2];
	[bflag:$0x3] =	sbarrier.arrive $0xFFFF;
	s2 =	simm.s32 @!p0 $0x1C05  }
0x114: {  	[timem:s3], [sflag:s2] =	dma.local @!p0 [hbm:s0], s1  }
0x115: {  	s0 =	simm.s32 @!p0 $0x5  }
0x116: {  	_ =	swait.ge @!p0 [sflag:s0], s1  }
0x117: {  	s1 =	ssub.s32 @!p0 $0x0, s1;
	[sflag:s0] =	ssyncset.done @!p0 $0x0  }
0x118: {  	[sflag:s0] =	ssyncadd.s32 @!p0 s1  }
0x119: {  	[bflag:$0x3] =	sbarrier.arrive $0xFFFF  }
0x11a: {  	_ =	shalt  }

// kernel: kernel.9.cloned.1.call-start
scs
__scs_entry_jumppad:
0x0: {  	(pc) =	sbr.rel $0x88, $3  }
0x1: {  	(tag) =	ssettag $0x0;
	lr =	simm.s32 $0x1  }
0x2: {  	[smem:$0x3F94] =	sst lr;
	_ =	strace $0xD0000000  }
0x3: {  	_ = 	snop  }
0x4: {  	_ = 	snop  }
0x5: {  	_ = 	snop  }
0x6: {  	_ = 	snop  }
0x7: {  	_ = 	snop  }
__scs_overlays_trampoline_lowered:
0x8: {  	[smem:$0x3FA3] =	sst s0  }
0x9: {  	[smem:$0x3FA4] =	sst s1  }
0xa: {  	[smem:$0x3FA5] =	sst s2  }
0xb: {  	[smem:$0x3FA6] =	sst s3  }
0xc: {  	[smem:$0x3FA7] =	sst s4  }
0xd: {  	[smem:$0x3FA8] =	sst s5  }
0xe: {  	[smem:$0x3FA9] =	sst s6  }
0xf: {  	[smem:$0x3FAA] =	sst s7  }
0x10: {  	[smem:$0x3FAB] =	sst s8  }
0x11: {  	[smem:$0x3FAC] =	sst s9;
	s0 =	simm.s32 @!p0 $0x0  }
0x12: {  	s1 =	sld [smem:$0x3F92];
	s0 =	simm.s32 @p0 $0x1  }
0x13: {  	[smem:$0x3FAD] =	sst s0;
	s0 =	simm.s32 @!p1 $0x0  }
0x14: {  	s2 =	sld [smem:$0x3F91];
	s0 =	simm.s32 @p1 $0x1  }
0x15: {  	[smem:$0x3FAE] =	sst s0;
	s0 =	simm.s32 @!p2 $0x0  }
0x16: {  	s3 =	sld [smem:$0x3FDB];
	s0 =	simm.s32 @p2 $0x1  }
0x17: {  	s4 =	simm.s32 $0x1BF5;
	[smem:$0x3FB0] =	sst s0  }
0x18: {  	s0 =	sld [smem:$0x3F93];
	_ =	swait.ge [sflag:s4], $0x0  }
0x19: {  	s7 =	sld [smem:$0x3F94]  }
0x1a: {  	s8 =	sadd.s32 $0xFFFFE003, lr  }
0x1b: {  	s9 =	sadd.s32 $0xFFFFFEF7, lr;
	s5 =	simm.s32 $0xFFFFFFFF;
	p2 =	slt.u32 s8, $0xFFFFF086  }
0x1c: {  	p1 =	slt.u32 s9, $0xF7A;
	s5 =	simm.s32 @!p2 $0x0  }
0x1d: {  	s5 =	simm.s32 @p1 $0x1;
	p0 =	seq.s32 s7, s2  }
0x1e: {  	s7 =	smul.u32 @!p0 $0xF7A, s2;
	p2 =	seq.s32 @!p0 s5, $0x0  }
0x1f: {  	s9 =	smul.u32 $0xF7A, s1;
	s8 =	simm.s32 @!p0 $0x1BF5;
	p2 =	por !p2, p0  }
0x20: {  	[sflag:s8] =	ssyncset.s32 @!p0 $0xFFFFF086;
	s6 =	sadd.s32 @!p0 s3, s7;
	s7 =	simm.s32 @!p0 $0x108  }
0x21: {  	s3 =	sadd.s32 s3, s9;
	s6 =	sadd.s32 @!p0 $0x88, s6;
	s7 =	simm.s32 @p2 $0x1082  }
0x22: {  	[simem:s7], [sflag:s8] =	dma.local @!p0 [hbm:s6], $0xF7A  }
0x23: {  	s9 =	sor.u32 $0xD0000000, s2;
	s6 =	simm.s32 $0x108;
	_ =	swait.ge @!p0 [sflag:s8], $0x0  }
0x24: {  	s3 =	sadd.s32 $0x88, s3;
	s6 =	simm.s32 @!p1 $0x1082;
	[sflag:s4] =	ssyncset.s32 $0xFFFFF086  }
0x25: {  	[simem:s6], [sflag:s4] =	dma.local [hbm:s3], $0xF7A  }
0x26: {  	[smem:$0x3F94] =	sst s1;
	(tag) =	ssettag s2;
	_ =	strace s9  }
0x27: {  	s1 =	sld [smem:$0x3FA4]  }
0x28: {  	s2 =	sld [smem:$0x3FA5]  }
0x29: {  	s4 =	sld [smem:$0x3FA7]  }
0x2a: {  	p0 =	seq.s32 s5, $0x0;
	s5 =	sld [smem:$0x3FA8]  }
0x2b: {  	s6 =	sld [smem:$0x3FA9]  }
0x2c: {  	s7 =	sld [smem:$0x3FAA]  }
0x2d: {  	s3 =	simm.s32 $0x108;
	s8 =	sld [smem:$0x3FAB]  }
0x2e: {  	s3 =	simm.s32 @!p0 $0x1082;
	s9 =	sld [smem:$0x3FAC]  }
0x2f: {  	lr =	sadd.s32 s0, s3;
	s0 =	sld [smem:$0x3FA3]  }
0x30: {  	s3 =	sld [smem:$0x3FA6]  }
0x31: {  	[smem:$0x3FAF] =	sst s10  }
0x32: {  	s10 =	sld [smem:$0x3FAD];
	_ =	sdelay $0x3  }
0x33: {  	p0 =	seq.s32 s10, $0x1;
	s10 =	sld [smem:$0x3FAF];
	_ =	sdelay $0x3  }
0x34: {  	[smem:$0x3FAF] =	sst s10  }
0x35: {  	s10 =	sld [smem:$0x3FAE];
	_ =	sdelay $0x3  }
0x36: {  	p1 =	seq.s32 s10, $0x1;
	s10 =	sld [smem:$0x3FAF];
	_ =	sdelay $0x3  }
0x37: {  	[smem:$0x3FAF] =	sst s10  }
0x38: {  	s10 =	sld [smem:$0x3FB0]  }
0x39: {  	_ = 	snop;
	(pc) =	sbr.ind lr, $3  }
0x3a: {  	_ = 	snop  }
0x3b: {  	_ = 	snop  }
0x3c: {  	p2 =	seq.s32 s10, $0x1;
	s10 =	sld [smem:$0x3FAF]  }
0x3d: {  	_ =	shalt  }
0x3e: {  	_ =	shalt  }
0x3f: {  	_ =	shalt  }
0x40: {  	_ =	shalt  }
0x41: {  	_ =	shalt  }
0x42: {  	_ =	shalt  }
0x43: {  	_ =	shalt  }
0x44: {  	_ =	shalt  }
0x45: {  	_ =	shalt  }
0x46: {  	_ =	shalt  }
0x47: {  	_ =	shalt  }
0x48: {  	_ =	shalt  }
0x49: {  	_ =	shalt  }
0x4a: {  	_ =	shalt  }
0x4b: {  	_ =	shalt  }
0x4c: {  	_ =	shalt  }
0x4d: {  	_ =	shalt  }
0x4e: {  	_ =	shalt  }
0x4f: {  	_ =	shalt  }
0x50: {  	_ =	shalt  }
0x51: {  	_ =	shalt  }
0x52: {  	_ =	shalt  }
0x53: {  	_ =	shalt  }
0x54: {  	_ =	shalt  }
0x55: {  	_ =	shalt  }
0x56: {  	_ =	shalt  }
0x57: {  	_ =	shalt  }
0x58: {  	_ =	shalt  }
0x59: {  	_ =	shalt  }
0x5a: {  	_ =	shalt  }
0x5b: {  	_ =	shalt  }
0x5c: {  	_ =	shalt  }
0x5d: {  	_ =	shalt  }
0x5e: {  	_ =	shalt  }
0x5f: {  	_ =	shalt  }
0x60: {  	_ =	shalt  }
0x61: {  	_ =	shalt  }
0x62: {  	_ =	shalt  }
0x63: {  	_ =	shalt  }
0x64: {  	_ =	shalt  }
0x65: {  	_ =	shalt  }
0x66: {  	_ =	shalt  }
0x67: {  	_ =	shalt  }
0x68: {  	_ =	shalt  }
0x69: {  	_ =	shalt  }
0x6a: {  	_ =	shalt  }
0x6b: {  	_ =	shalt  }
0x6c: {  	_ =	shalt  }
0x6d: {  	_ =	shalt  }
0x6e: {  	_ =	shalt  }
0x6f: {  	_ =	shalt  }
0x70: {  	_ =	shalt  }
0x71: {  	_ =	shalt  }
0x72: {  	_ =	shalt  }
0x73: {  	_ =	shalt  }
0x74: {  	_ =	shalt  }
0x75: {  	_ =	shalt  }
0x76: {  	_ =	shalt  }
0x77: {  	_ =	shalt  }
0x78: {  	_ =	shalt  }
0x79: {  	_ =	shalt  }
0x7a: {  	_ =	shalt  }
0x7b: {  	_ =	shalt  }
0x7c: {  	_ =	shalt  }
0x7d: {  	_ =	shalt  }
0x7e: {  	_ =	shalt  }
0x7f: {  	_ =	shalt  }
0x80: {  	_ =	shalt  }
0x81: {  	_ =	shalt  }
0x82: {  	_ =	shalt  }
0x83: {  	_ =	shalt  }
0x84: {  	_ =	shalt  }
0x85: {  	_ =	shalt  }
0x86: {  	_ =	shalt  }
0x87: {  	_ =	shalt  }
.Lfunc_end0:
.L_simem_size_0:
called_computation_lowered:
.L_overlay_start_0:
0x88: {  	s2 =	sld [smem:$0x3FD9]  }
0x89: {  	s3 =	sld [smem:$0x3FFE];
	_ =	sdelay $0x1  }
0x8a: {  	s1 =	srdreg.scid  }
0x8b: {  	s0 =	sand.u32 $0x1, s1  }
0x8c: {  	s17 =	sshll.u32 s0, $0xA;
	s2 =	sadd.s32 s3, s2  }
0x8d: {  	s2 =	sadd.s32 s2, s17  }
0x8e: {  	[smem:$0x3FBB] =	sst s2  }
0x8f: {  	_ = 	snop  }
0x90: {  	s2 =	sld [smem:$0x3FD0];
	(tm) =	ssettm $0x1  }
0x91: {  	s18 =	sld [smem:$0x3FFB];
	_ =	sdelay $0x3  }
0x92: {  	_ =	strace s18  }
0x93: {  	s3 =	sld [smem:$0x3FFC];
	_ =	sdelay $0x3  }
0x94: {  	_ =	strace s3  }
0x95: {  	s3 =	sld [smem:$0x3FFD];
	_ =	sdelay $0x3  }
0x96: {  	_ =	strace s3  }
0x97: {  	_ =	strace $0x8FFFFFFF  }
0x98: {  	s19 =	sld [smem:$0x3FDB];
	_ =	sdelay $0x1  }
0x99: {  	s4 =	simm.s32 $_scs_section_size  }
0x9a: {  	s5 =	simm.s32 $_size__tile_overlayer_lowered;
	s6 =	simm.s32 $_tile_overlayer_lowered  }
0x9b: {  	s22 =	simm.s32 $0x1BFF;
	s21 =	sshll.u32 s6, $0x1;
	s3 =	sadd.s32 s4, s19  }
0x9c: {  	s7 =	simm.s32 $0x0;
	s20 =	sshll.u32 s5, $0x1;
	s5 =	sadd.s32 s21, s3  }
0x9d: {  	[timem:s7], [sflag:s22] =	dma.local [hbm:s5], s20  }
0x9e: {  	_ =	swait.ge [sflag:s22], s20  }
0x9f: {  	s4 =	ssub.s32 $0x0, s20;
	[sflag:s22] =	ssyncset.done $0x0  }
0xa0: {  	[sflag:s22] =	ssyncadd.s32 s4;
	_ =	sdelay $0x1  }
0xa1: {  	s23 =	simm.s32 $0x1B8B  }
0xa2: {  	_ =	swait.ge [sflag:s23], $0x1  }
0xa3: {  	[sflag:s23] =	ssyncset.done $0x0  }
0xa4: {  	s25 =	simm.s32 $0x1B8E;
	s24 =	sld [smem:$0x3FFE];
	[sflag:s23] =	ssyncadd.s32 $0xFFFFFFFF  }
0xa5: {  	s26 =	simm.s32 $execute0_lowered;
	[smem:$0x3FD2] =	sst s25  }
0xa6: {  	s5 =	sshll.u32 s26, $0x1;
	_ =	strace $0x80000046;
	[dreg:$0x1] =	wrdreg $0xFFFFFFFF  }
0xa7: {  	s28 =	simm.s32 $_size_execute0_lowered;
	s3 =	sadd.s32 s3, s5;
	[dreg:$0x0] =	wrdreg $0x0  }
0xa8: {  	s5 =	sshll.u32 s28, $0x1;
	[dreg:$0x2] =	wrdreg s3  }
0xa9: {  	[dreg:$0x3] =	wrdreg s5  }
0xaa: {  	[dreg:$0x4] =	wrdreg $0xC0  }
0xab: {  	_ =	task [dreg:s7], $0x5FFFF  }
0xac: {  	[dreg:$0x1] =	wrdreg $0xFFFFFFFF  }
0xad: {  	[dreg:$0x0] =	wrdreg $0x60  }
0xae: {  	[dreg:$0x2] =	wrdreg s24  }
0xaf: {  	[dreg:$0x3] =	wrdreg s2  }
0xb0: {  	[dreg:$0x4] =	wrdreg $0x68000  }
0xb1: {  	[dreg:$0x5] =	wrdreg $0x9  }
0xb2: {  	_ =	task.clear_ibuf [dreg:s7], $0x6FFFF;
	_ =	strace $0x90000046  }
0xb3: {  	s29 =	simm.s32 $0x9;
	_ =	strace $0x80000048  }
0xb4: {  	_ =	swait.ge [sflag:s29], $0x1  }
0xb5: {  	[sflag:s29] =	ssyncadd.s32 $0xFFFFFFFF  }
0xb6: {  	_ =	strace $0x90000048  }
0xb7: {  	_ =	sfence  }
0xb8: {  	s30 =	sld [smem:$0x0];
	_ =	sdelay $0x2  }
0xb9: {  	s31 =	sshll.u32 s1, $0xD;
	s1 =	sshrl.u32 s1, $0x2  }
0xba: {  	s3 =	sand.u32 $0x4000, s31;
	s1 =	sadd.s32 s1, s30  }
0xbb: {  	s0 =	sor.u32 s3, s0;
	s1 =	sshll.u32 s1, $0x11  }
0xbc: {  	s0 =	sor.u32 s1, s0  }
0xbd: {  	s0 =	sadd.s32 $0x8F2B, s0  }
0xbe: {  	[sflag:s0] =	ssyncadd.remote.s32 $0x1  }
0xbf: {  	_ =	sfence.sel $0xFFFF  }
0xc0: {  	[dreg:$0x0] =	wrdreg $0xFFFFFFFF;
	(pc) =	sbr.abs _section_cstart, $3  }
0xc1: {  	[dreg:$0x1] =	wrdreg $0xFFFFFFFF  }
0xc2: {  	_ =	task.clear_ibuf [dreg:s7], $0x2FFFF;
	_ =	strace $0x9FFFFFFF  }
0xc3: {  	(tm) =	ssettm $0x7FFFFFFF  }
tec
execute0_lowered:
.L_overlay_start_1:
0x0: {  	(tag) =	ssettag $0x1  }
0x1: {  	s0 =	rddreg [dreg:$0x0]  }
0x2: {  	s3 =	rddreg [dreg:$0x1]  }
0x3: {  	s1 =	rddreg [dreg:$0x2];
	s2 =	simm.s32 $0x0;
	s4 =	srdreg.scid  }
0x4: {  	s22 =	simm.s32 $0x3;
	s23 =	simm.s32 $0x80;
	s24 =	simm.s32 $0x1  }
0x5: {  	s25 =	simm.s32 $0x2;
	s26 =	simm.s32 $0x0;
	[smem:$0x7FF] =	sst s2  }
0x6: {  	s2 =	stileid.u32;
	s21 =	sand.u32 $0x1, s4;
	s11 =	sadd.s32 $0x2E00, s0  }
0x7: {  	s30 =	sadd.s32 $0x16A00, s0;
	s16 =	sadd.s32 $0x17200, s0;
	s5 =	smul.u32 $0x50000, s2  }
0x8: {  	s14 =	sadd.s32 $0x63B00, s0;
	_ =	strace $0x80000047;
	s15 =	smul.u32 $0x2800, s2  }
0x9: {  	[dreg:$0x4] =	wrdreg s30;
	s6 =	ssub.s32 $0x2, s21;
	s10 =	smul.u32 $0x14000, s2  }
0xa: {  	s12 =	smul.u32 $0x500, s2;
	p0 =	seq.s32 s2, $0xF;
	p5 =	sne.s32 s21, $0x0  }
0xb: {  	s21 =	simm.s32 $0x2800;
	s7 =	sshrl.u32 s6, $0x1;
	p1 =	seq.s32 @p5 s2, $0xF  }
0xc: {  	s5 =	sshrl.u32 s5, $0x2;
	s17 =	ssub.s32 s6, s7;
	s6 =	sadd.s32 s3, s15  }
0xd: {  	s8 =	sshrl.u32 s15, $0x3;
	s7 =	sadd.s32 $0x12C000, s1;
	s31 =	sshrl.u32 s10, $0x3  }
0xe: {  	s10 =	sadd.s32 $0xC700, s0;
	s15 =	sadd.s32 s16, s15;
	p2 =	por !p1, !p5  }
0xf: {  	p3 =	por p1, !p5;
	p1 =	seq.s32 @!p5 s2, $0xF;
	s5 =	sadd.s32 s5, s1  }
0x10: {  	s9 =	sadd.s32 s11, s8;
	s8 =	sadd.s32 $0x25800, s3;
	s11 =	sadd.s32 s11, s12  }
0x11: {  	s3 =	sadd.s32 s16, s31;
	s12 =	sadd.s32 $0x7900, s0;
	s16 =	sadd.s32 $0x3CA00, s0  }
0x12: {  	s17 =	smax.u32 s17, $0x1;
	s18 =	sshrl.u32 @p0 s7, $0x3;
	s0 =	sshll.u32 @!p0 s2, $0x6  }
0x13: {  	p4 =	por !p1, p5;
	s19 =	sor.u32 @!p0 $0x1C03, s0;
	s0 =	simm.s32 @!p5 $0x0  }
0x14: {  	s9 =	sadd.s32 $0x4E00, s9;
	s13 =	sadd.s32 $0x27100, s3;
	s0 =	simm.s32 @p5 $0x1  }
0x15: {  	s20 =	sshrl.u32 @!p0 s5, $0x3;
	p5 =	por p1, p5;
	[smem:$0x7FD] =	sst s0  }
.LBB2_1:
0x16: {  	s0 =	simm.s32 @p0 $0x1FC3  }
0x17: {  	[spmem:s18], [sflag:s0] =	dma.local @p0 [hbm:s8], $0x1900  }
0x18: {  	s0 =	simm.s32 @p0 $0x3  }
0x19: {  	_ =	swait.ge @p0 [sflag:s0], $0x1900  }
0x1a: {  	[sflag:s0] =	ssyncset.done @p0 $0x0  }
0x1b: {  	[sflag:s0] =	ssyncadd.s32 @p0 $0xFFFFE700;
	s0 =	simm.s32 @!p0 $0x3  }
0x1c: {  	[spmem:s20], [sflag:s19] =	dma.local @!p0 [hbm:s6], $0x2800  }
0x1d: {  	_ =	swait.ge @!p0 [sflag:s0], $0x2800  }
0x1e: {  	[sflag:s0] =	ssyncset.done @!p0 $0x0  }
0x1f: {  	s4 =	simm.s32 $0x0;
	s3 =	rddreg [dreg:$0x4];
	[sflag:s0] =	ssyncadd.s32 @!p0 $0xFFFFD800  }
0x20: {  	[tilespmem:s21], [sflag:$0x3] =	stream.linear.gather [hbm4b:s3+s4], $0x4000, $0x38;
	[tilespmem:$0x1A080] =	vst v63  }
0x21: {  	_ =	swait.ge [sflag:s22], $0x4000  }
0x22: {  	[sflag:s22] =	ssyncset.done $0x0  }
0x23: {  	s31 =	simm.s32 @!p2 $0x3;
	s0 =	simm.s32 @!p2 $0x0;
	[sflag:s22] =	ssyncadd.s32 $0xFFFFC000  }
0x24: {  	[tilespmem:s0], [sflag:$0x3] =	stream.linear.gather @!p2 [hbm4b:s10+s0], $0x1A00, $0x38;
	[tilespmem:$0x1A080] =	vst v63  }
0x25: {  	_ =	swait.ge @!p2 [sflag:s31], $0x1A00  }
0x26: {  	[sflag:s31] =	ssyncset.done @!p2 $0x0  }
0x27: {  	s30 =	simm.s32 @!p3 $0x3;
	s0 =	simm.s32 @!p3 $0x0;
	[sflag:s31] =	ssyncadd.s32 @!p2 $0xFFFFE600  }
0x28: {  	[tilespmem:s0], [sflag:$0x3] =	stream.linear.gather @!p3 [hbm4b:s9+s0], $0x2800, $0x38;
	[tilespmem:$0x1A080] =	vst v63  }
0x29: {  	_ =	swait.ge @!p3 [sflag:s30], $0x2800  }
0x2a: {  	[sflag:s30] =	ssyncset.done @!p3 $0x0  }
0x2b: {  	s29 =	simm.s32 @!p4 $0x3;
	s0 =	simm.s32 @!p4 $0x0;
	[sflag:s30] =	ssyncadd.s32 @!p3 $0xFFFFD800  }
0x2c: {  	[tilespmem:s0], [sflag:$0x3] =	stream.linear.gather @!p4 [hbm4b:s12+s0], $0x1800, $0x38;
	[tilespmem:$0x1A080] =	vst v63  }
0x2d: {  	_ =	swait.ge @!p4 [sflag:s29], $0x1800  }
0x2e: {  	[sflag:s29] =	ssyncset.done @!p4 $0x0  }
0x2f: {  	s28 =	simm.s32 @!p5 $0x3;
	s0 =	simm.s32 @!p5 $0x0;
	[sflag:s29] =	ssyncadd.s32 @!p4 $0xFFFFE800  }
0x30: {  	[tilespmem:s0], [sflag:$0x3] =	stream.linear.gather @!p5 [hbm4b:s11+s0], $0x2800, $0x38;
	[tilespmem:$0x1A080] =	vst v63  }
0x31: {  	_ =	swait.ge @!p5 [sflag:s28], $0x2800  }
0x32: {  	[sflag:s28] =	ssyncset.done @!p5 $0x0  }
0x33: {  	[sflag:s28] =	ssyncadd.s32 @!p5 $0xFFFFD800  }
0x34: {  	[bflag:$0x0] =	sbarrier.arrive $0xFFFF  }
0x35: {  	[spmem:s1] =	stream.indirect.scatter.add.f32 [tilespmem:s21], [sflag:$0x1], $0x80, s4, s23, $0xb8;
	[tilespmem:$0x1A080] =	vst v63  }
0x36: {  	s4 =	sld [smem:$0x7FD];
	_ =	sdelay $0x1  }
0x37: {  	s3 =	simm.s32 @!p4 $0x18;
	s0 =	simm.s32 @!p2 $0x1A  }
0x38: {  	s3 =	simm.s32 @p4 $0x18;
	s0 =	simm.s32 @p2 $0x1A;
	p1 =	seq.s32 s4, $0x1  }
0x39: {  	s3 =	smov.u32 @p1 s0  }
0x3a: {  	s3 =	simm.s32 @!p0 $0x28  }
0x3b: {  	s3 =	sadd.s32 $0xFFFFFFFF, s3  }
0x3c: {  	p1 =	sne.s32 s3, $0x1  }
.Ltmp0:
0x3d: {  	_ = 	snop;
	(pc) =	sbr.rel @!p1 .LBB2_4-.Ltmp0, $4  }
0x3e: {  	[spmem:s1] =	stream.indirect.scatter.add.f32 [tilespmem:s21], [sflag:$0x2], $0x80, s23, s23, $0xb8;
	[tilespmem:$0x1A080] =	vst v63  }
0x3f: {  	_ =	swait.ge [sflag:s24], $0x4000  }
0x40: {  	p6 =	por $0x0, $0x0;
	[sflag:s24] =	ssyncset.done $0x0  }
0x41: {  	s0 =	simm.s32 $0x180;
	[sflag:s24] =	ssyncadd.s32 $0xFFFFC000;
	s3 =	sadd.s32 $0xFFFFFFFF, s3  }
0x42: {  	s4 =	simm.s32 $0x100  }
0x43: {  	[spmem:s1] =	stream.indirect.scatter.add.f32 [tilespmem:s21], [sflag:$0x1], $0x80, s4, s23, $0xb8;
	[tilespmem:$0x1A080] =	vst v63  }
0x44: {  	p1 =	sne.s32 s3, $0x1;
	_ =	swait.ge [sflag:s25], $0x4000  }
.Ltmp1:
0x45: {  	[sflag:s25] =	ssyncset.done $0x0;
	(pc) =	sbr.rel @!p1 .LBB2_4-.Ltmp1, $4  }
0x46: {  	[sflag:s25] =	ssyncadd.s32 $0xFFFFC000  }
0x47: {  	[spmem:s1] =	stream.indirect.scatter.add.f32 [tilespmem:s21], [sflag:$0x2], $0x80, s0, s23, $0xb8;
	[tilespmem:$0x1A080] =	vst v63  }
0x48: {  	s3 =	sadd.s32 $0xFFFFFFFF, s3;
	_ =	swait.ge [sflag:s24], $0x4000  }
0x49: {  	p6 =	por $0x1, $0x1;
	s0 =	simm.s32 $0x280;
	[sflag:s24] =	ssyncset.done $0x0  }
.LBB2_3:
0x4a: {  	p1 =	sne.s32 s3, $0x1;
	s4 =	sadd.s32 $0xFFFFFF80, s0;
	[sflag:s24] =	ssyncadd.s32 $0xFFFFC000  }
0x4b: {  	[spmem:s1] =	stream.indirect.scatter.add.f32 [tilespmem:s21], [sflag:$0x1], $0x80, s4, s23, $0xb8;
	[tilespmem:$0x1A080] =	vst v63  }
0x4c: {  	s3 =	sadd.s32 $0xFFFFFFFF, s3;
	_ =	swait.ge [sflag:s25], $0x4000  }
.Ltmp2:
0x4d: {  	[sflag:s25] =	ssyncset.done $0x0;
	(pc) =	sbr.rel @p1 .LBB2_3-.Ltmp2, $4  }
0x4e: {  	[sflag:s25] =	ssyncadd.s32 $0xFFFFC000  }
0x4f: {  	[spmem:s1] =	stream.indirect.scatter.add.f32 [tilespmem:s21], [sflag:$0x2], $0x80, s0, s23, $0xb8;
	[tilespmem:$0x1A080] =	vst v63  }
0x50: {  	_ =	swait.ge [sflag:s24], $0x4000  }
0x51: {  	s0 =	sadd.s32 $0x100, s0;
	[sflag:s24] =	ssyncset.done $0x0  }
.LBB2_4:
0x52: {  	s3 =	sadd.s32 $0xFFFFFF80, s0;
	[sflag:s24] =	ssyncadd.s32 @p6 $0xFFFFC000  }
0x53: {  	[spmem:s1] =	stream.indirect.scatter.add.f32 [tilespmem:s21], [sflag:$0x1], $0x80, s3, s23, $0xb8;
	[tilespmem:$0x1A080] =	vst v63  }
0x54: {  	_ =	swait.ge [sflag:s25], $0x4000  }
0x55: {  	[sflag:s25] =	ssyncset.done $0x0  }
0x56: {  	[sflag:s25] =	ssyncadd.s32 $0xFFFFC000  }
0x57: {  	[spmem:s1] =	stream.indirect.scatter.add.f32 [tilespmem:s21], [sflag:$0x2], $0x80, s0, s23, $0xb8;
	[tilespmem:$0x1A080] =	vst v63  }
0x58: {  	_ =	swait.ge [sflag:s24], $0x4000  }
0x59: {  	[sflag:s24] =	ssyncset.done $0x0  }
0x5a: {  	[sflag:s24] =	ssyncadd.s32 $0xFFFFC000  }
0x5b: {  	_ =	swait.ge [sflag:s25], $0x4000  }
0x5c: {  	[sflag:s25] =	ssyncset.done $0x0  }
0x5d: {  	[sflag:s25] =	ssyncadd.s32 $0xFFFFC000  }
0x5e: {  	s3 =	simm.s32 @!p2 $0x1FC3;
	s0 =	sshrl.u32 @!p2 s7, $0x3;
	[bflag:$0x0] =	sbarrier.arrive $0xFFFF  }
0x5f: {  	[hbm:s14], [sflag:s3] =	dma.local @!p2 [spmem:s0], $0x1900  }
0x60: {  	_ =	swait.ge @!p2 [sflag:s31], $0x1900  }
0x61: {  	s0 =	sshll.u32 @!p3 s2, $0x6;
	[sflag:s31] =	ssyncset.done @!p2 $0x0  }
0x62: {  	s3 =	sshrl.u32 @!p3 s5, $0x3;
	s0 =	sor.u32 @!p3 $0x1C03, s0;
	[sflag:s31] =	ssyncadd.s32 @!p2 $0xFFFFE700  }
0x63: {  	[hbm:s13], [sflag:s0] =	dma.local @!p3 [spmem:s3], $0x2800  }
0x64: {  	_ =	swait.ge @!p3 [sflag:s30], $0x2800  }
0x65: {  	s26 =	sadd.s32 $0x1, s26;
	[sflag:s30] =	ssyncset.done @!p3 $0x0  }
0x66: {  	s0 =	sshrl.u32 @!p4 s7, $0x3;
	s3 =	simm.s32 @!p4 $0x1FC3;
	[sflag:s30] =	ssyncadd.s32 @!p3 $0xFFFFD800  }
0x67: {  	[hbm:s16], [sflag:s3] =	dma.local @!p4 [spmem:s0], $0x1900  }
0x68: {  	p1 =	sne.s32 s26, s17;
	_ =	swait.ge @!p4 [sflag:s29], $0x1900  }
0x69: {  	s0 =	sshll.u32 @!p5 s2, $0x6;
	s3 =	sshrl.u32 @!p5 s5, $0x3;
	[sflag:s29] =	ssyncset.done @!p4 $0x0  }
.Ltmp3:
0x6a: {  	s0 =	sor.u32 @!p5 $0x1C03, s0;
	[sflag:s29] =	ssyncadd.s32 @!p4 $0xFFFFE700;
	(pc) =	sbr.rel @p1 .LBB2_1-.Ltmp3, $4  }
0x6b: {  	[hbm:s15], [sflag:s0] =	dma.local @!p5 [spmem:s3], $0x2800  }
0x6c: {  	_ =	swait.ge @!p5 [sflag:s28], $0x2800  }
0x6d: {  	[sflag:s28] =	ssyncset.done @!p5 $0x0  }
0x6e: {  	[sflag:s28] =	ssyncadd.s32 @!p5 $0xFFFFD800  }
0x6f: {  	_ =	sfence.sel $0x180000  }
0x70: {  	[bflag:$0x0] =	sbarrier.arrive $0xFFFF  }
0x71: {  	_ =	strace $0x90000047  }
0x72: {  	[bflag:$0x2] =	sbarrier.arrive $0xFFFF  }
0x73: {  	p0 =	sne.s32 s2, $0x0;
	s0 =	rddreg [dreg:$0x3]  }
0x74: {  	s0 =	sadd.s32 @!p0 $0x100000, s0  }
0x75: {  	[sflag:s0] =	ssyncadd.tile.s32 @!p0 $0x1;
	_ =	shalt  }
.Lfunc_end2:
_tile_overlayer_lowered:
.L_overlay_start_2:
0x76: {  	(tag) =	ssettag $0x2  }
0x77: {  	s0 =	rddreg [dreg:$0x0];
	s2 =	stileid.u32  }
0x78: {  	s1 =	rddreg [dreg:$0x1];
	p0 =	sne.s32 s2, $0x0  }
0x79: {  	s3 =	rddreg [dreg:$0x2];
	[bflag:$0x3] =	sbarrier.arrive $0xFFFF;
	s2 =	simm.s32 @!p0 $0x1C03  }
0x7a: {  	[timem:s3], [sflag:s2] =	dma.local @!p0 [hbm:s0], s1  }
0x7b: {  	s0 =	simm.s32 @!p0 $0x3  }
0x7c: {  	_ =	swait.ge @!p0 [sflag:s0], s1  }
0x7d: {  	s1 =	ssub.s32 @!p0 $0x0, s1;
	[sflag:s0] =	ssyncset.done @!p0 $0x0  }
0x7e: {  	[sflag:s0] =	ssyncadd.s32 @!p0 s1  }
0x7f: {  	[bflag:$0x3] =	sbarrier.arrive $0xFFFF  }
0x80: {  	_ =	shalt  }

</sc_bundles>
